<compile_context>
chip_gen: v7x
topology: tpu7x:2x2x1
jax: 0.10.2.dev20260603
libtpu: 0.0.44.dev20260713+nightly
codegen_flags: <defaults>
</compile_context>

<pallas_src>
import jax
import jax.numpy as jnp
from jax import lax
from jax.experimental import pallas as pl
from jax.experimental.pallas import tpu as pltpu
from jax.experimental.pallas import tpu_sc as plsc

N = 10000
E = 320000
D = 128
H = 128
C = 40
CP = 64

NC = 2
NS = 16
NW = NC * NS
EPT = E // NW
K = 80
CPT = E // NS // K
NP = 10240
SPT = NP // NS

_MESH = plsc.VectorSubcoreMesh(core_axis_name="c", subcore_axis_name="s")
_SC_PARAMS = pltpu.CompilerParams(
    needs_layout_passes=False, use_tc_tiling_on_sc=False
)


def _deg_body(dst_hbm, ew_hbm, out_hbm, dstv, ewv, degv):
    cid = lax.axis_index("c")
    sid = lax.axis_index("s")
    wid = cid * NS + sid
    pltpu.sync_copy(dst_hbm.at[wid], dstv)
    pltpu.sync_copy(ew_hbm.at[wid], ewv)

    zero16 = jnp.zeros((16,), jnp.float32)

    def zbody(i, carry):
        degv[pl.ds(i * 16, 16)] = zero16
        return carry

    lax.fori_loop(0, N // 16, zbody, 0)

    def abody(i, carry):
        idx = dstv[pl.ds(i * 16, 16)]
        w = ewv[pl.ds(i * 16, 16)]
        plsc.addupdate_scatter(degv, [idx], w)
        return carry

    lax.fori_loop(0, EPT // 16, abody, 0)
    pltpu.sync_copy(degv, out_hbm.at[wid])


_deg_call = pl.kernel(
    _deg_body,
    out_type=jax.ShapeDtypeStruct((NW, N), jnp.float32),
    mesh=_MESH,
    scratch_types=[
        pltpu.VMEM((EPT,), jnp.int32),
        pltpu.VMEM((EPT,), jnp.float32),
        pltpu.VMEM((N,), jnp.float32),
    ],
    compiler_params=_SC_PARAMS,
)


def _make_agg(width):
    ngrp = width // 16

    def body(h_hbm, src_hbm, dst_hbm, ew_hbm, z_hbm, out_hbm,
             srcv, dstv, ewv, rows_a, rows_b, acc, sem_a, sem_b):
        cid = lax.axis_index("c")
        sid = lax.axis_index("s")
        pltpu.sync_copy(src_hbm.at[sid], srcv)
        pltpu.sync_copy(dst_hbm.at[sid], dstv)
        pltpu.sync_copy(ew_hbm.at[sid], ewv)
        sbase = pl.multiple_of(sid * SPT, 8)
        pltpu.sync_copy(z_hbm, acc.at[pl.ds(sbase, SPT)])
        plsc.subcore_barrier()

        hc = h_hbm.at[cid]

        def process(rows_ref, j):
            def sgrp(eg, carry):
                cfv = ewv[j, pl.ds(eg * 16, 16)]
                for l in range(16):
                    cf = cfv[l]
                    for g in range(ngrp):
                        sl = pl.ds(g * 16, 16)
                        rows_ref[eg * 16 + l, sl] = rows_ref[eg * 16 + l, sl] * cf
                return carry

            lax.fori_loop(0, K // 16, sgrp, 0)
            pltpu.sync_copy(rows_ref, acc.at[dstv.at[j]], add=True)

        def lbody(t, carry):
            j0 = 2 * t
            pltpu.async_copy(hc.at[srcv.at[j0]], rows_a, sem_a)
            pltpu.async_copy(hc.at[srcv.at[j0 + 1]], rows_b, sem_b)
            pltpu.make_async_copy(hc.at[srcv.at[j0]], rows_a, sem_a).wait()
            process(rows_a, j0)
            pltpu.make_async_copy(hc.at[srcv.at[j0 + 1]], rows_b, sem_b).wait()
            process(rows_b, j0 + 1)
            return carry

        lax.fori_loop(0, CPT // 2, lbody, 0)
        plsc.subcore_barrier()
        pltpu.sync_copy(acc.at[pl.ds(sbase, SPT)],
                        out_hbm.at[cid, pl.ds(sbase, SPT)])

    return pl.kernel(
        body,
        out_type=jax.ShapeDtypeStruct((NC, NP, width), jnp.float32),
        mesh=_MESH,
        scratch_types=[
            pltpu.VMEM((CPT, K), jnp.int32),
            pltpu.VMEM((CPT, K), jnp.int32),
            pltpu.VMEM((CPT, K), jnp.float32),
            pltpu.VMEM((K, width), jnp.float32),
            pltpu.VMEM((K, width), jnp.float32),
            pltpu.VMEM_SHARED((NP, width), jnp.float32),
            pltpu.SemaphoreType.DMA,
            pltpu.SemaphoreType.DMA,
        ],
        compiler_params=_SC_PARAMS,
    )


_agg_h = _make_agg(H // NC)
_agg_c = _make_agg(CP // NC)


def _tc_pre_body(degp_ref, x_ref, w1_ref, hs_ref, h1_ref, dinv_ref):
    ones = jnp.ones((NW, 1), jnp.float32)
    deg = lax.dot_general(degp_ref[...], ones, (((0,), (0,)), ((), ()))) + 1.0
    dinv = jnp.where(deg > 0, lax.rsqrt(jnp.maximum(deg, 1e-12)), 0.0)
    h = jnp.dot(x_ref[...], w1_ref[...], preferred_element_type=jnp.float32)
    h = h * dinv
    h1_ref[...] = h
    hs_ref[0] = h[:, : H // NC]
    hs_ref[1] = h[:, H // NC:]
    dinv_ref[...] = dinv


def _tc_mid_body(p_ref, h1_ref, dinv_ref, b1_ref, w2_ref, ys_ref, y_ref):
    agg = jnp.concatenate([p_ref[0, :N], p_ref[1, :N]], axis=1)
    s = (agg + h1_ref[...]) * dinv_ref[...] + b1_ref[...]
    z = jnp.maximum(s, 0.0)
    y = jnp.dot(z, w2_ref[...], preferred_element_type=jnp.float32)
    y = y * dinv_ref[...]
    y_ref[...] = y
    ys_ref[0] = y[:, : CP // NC]
    ys_ref[1] = y[:, CP // NC:]


def _tc_post_body(q_ref, y_ref, dinv_ref, b2_ref, o_ref):
    agg = jnp.concatenate([q_ref[0, :N], q_ref[1, :N]], axis=1)
    s = (agg + y_ref[...]) * dinv_ref[...]
    t = s[:, :C] + b2_ref[...]
    m = jnp.max(t, axis=1, keepdims=True)
    u = t - m
    lse = jnp.log(jnp.sum(jnp.exp(u), axis=1, keepdims=True))
    o_ref[...] = u - lse


_tc_pre = pl.pallas_call(
    _tc_pre_body,
    out_shape=[
        jax.ShapeDtypeStruct((NC, N, H // NC), jnp.float32),
        jax.ShapeDtypeStruct((N, H), jnp.float32),
        jax.ShapeDtypeStruct((N, 1), jnp.float32),
    ],
)

_tc_mid = pl.pallas_call(
    _tc_mid_body,
    out_shape=[
        jax.ShapeDtypeStruct((NC, N, CP // NC), jnp.float32),
        jax.ShapeDtypeStruct((N, CP), jnp.float32),
    ],
)

_tc_post = pl.pallas_call(
    _tc_post_body,
    out_shape=jax.ShapeDtypeStruct((N, C), jnp.float32),
)


@jax.jit
def kernel(x, edge_index, edge_weight, W1, b1, W2, b2):
    src = edge_index[0]
    dst = edge_index[1]
    src3d = src.reshape(NS, CPT, K)
    dst3d = dst.reshape(NS, CPT, K)
    ew3d = edge_weight.reshape(NS, CPT, K)
    dst_t = dst.reshape(NW, EPT)
    ew_t = edge_weight.reshape(NW, EPT)
    w2p = jnp.zeros((H, CP), jnp.float32).at[:, :C].set(W2)
    b1r = b1.reshape(1, H)
    b2r = b2.reshape(1, C)
    zh = jnp.zeros((SPT, H // NC), jnp.float32)
    zc = jnp.zeros((SPT, CP // NC), jnp.float32)

    degp = _deg_call(dst_t, ew_t)
    hs, h1, dinv = _tc_pre(degp, x, W1)
    p = _agg_h(hs, src3d, dst3d, ew3d, zh)
    ys, y = _tc_mid(p, h1, dinv, b1r, w2p)
    q = _agg_c(ys, src3d, dst3d, ew3d, zc)
    return _tc_post(q, y, dinv, b2r)

# --- scband reference (transcript-rebuilt; emitter-appended) ---
"""Pipeline reference for scband-gcn-10136122819080 (READ-ONLY COPY).

The authoritative reference and input builder live on the scoring server;
editing this copy changes nothing except your own understanding.
"""

import jax, jax.numpy as jnp
import numpy as np

N = 10000
E = 320000
D = 128
H = 128
C = 40


def gcn_conv(x, src, dst, ew, W, b):
    n = x.shape[0]
    loop = jnp.arange(n, dtype=src.dtype)
    src2 = jnp.concatenate([src, loop])
    dst2 = jnp.concatenate([dst, loop])
    ew2 = jnp.concatenate([ew, jnp.ones((n,), dtype=x.dtype)])
    deg = jnp.zeros((n,), dtype=x.dtype).at[dst2].add(ew2)
    dinv = jnp.where(deg > 0, jax.lax.rsqrt(jnp.maximum(deg, 1e-12)), 0.0)
    norm = dinv[src2] * ew2 * dinv[dst2]
    h = x @ W
    msg = h[src2] * norm[:, None]
    out = jnp.zeros((n, W.shape[1]), dtype=x.dtype).at[dst2].add(msg)
    return out + b


def setup_inputs(seed: int = 0):
    key = jax.random.key(seed)
    ks = jax.random.split(key, 5)
    x = jax.random.normal(ks[0], (N, D), dtype=jnp.float32)
    edge_index = jax.random.randint(ks[1], (2, E), 0, N, dtype=jnp.int32)
    edge_weight = jax.random.uniform(ks[2], (E,), dtype=jnp.float32)
    W1 = jax.random.normal(ks[3], (D, H), dtype=jnp.float32) * 0.05
    b1 = jnp.zeros((H,), dtype=jnp.float32)
    W2 = jax.random.normal(ks[4], (H, C), dtype=jnp.float32) * 0.05
    b2 = jnp.zeros((C,), dtype=jnp.float32)
    return {"x": x, "edge_index": edge_index, "edge_weight": edge_weight, "W1": W1, "b1": b1, "W2": W2, "b2": b2}


def reference(x, edge_index, edge_weight, W1, b1, W2, b2):
    src, dst = edge_index[0], edge_index[1]
    h = gcn_conv(x, src, dst, edge_weight, W1, b1)
    h = jax.nn.relu(h)
    # dropout is identity in eval mode
    h = gcn_conv(h, src, dst, edge_weight, W2, b2)
    return jax.nn.log_softmax(h, axis=1)

if __name__ == "__main__":
    import jax
    _d = setup_inputs()
    print(jax.jit(kernel)(*tuple(_d.values())))

</pallas_src>

<mosaic_0001>
#map = affine_map<(d0, d1) -> (0, 0)>
module attributes {stable_mosaic.version = 14 : i64} {
  func.func @_deg_body(%arg0: i32, %arg1: i32, %arg2: memref<32x10000xi32, #tpu.memory_space<hbm>>, %arg3: memref<32x10000xf32, #tpu.memory_space<hbm>>, %arg4: memref<32x10000xf32, #tpu.memory_space<hbm>>, %arg5: memref<10000xi32, #tpu.memory_space<vmem>>, %arg6: memref<10000xf32, #tpu.memory_space<vmem>>, %arg7: memref<10000xf32, #tpu.memory_space<vmem>>) attributes {dimension_semantics = [#tpu.dimension_semantics<core_parallel>, #tpu.dimension_semantics<subcore_parallel>], iteration_bounds = array<i64: 2, 16>, scalar_prefetch = 0 : i64, scratch_operands = 3 : i64, tpu.core_type = #tpu.core_type<sc_vector_subcore>, window_params = [{transform_indices = #map}, {transform_indices = #map}, {transform_indices = #map}]} {
    %mul3A = arith.constant 16 : i32
    %mul3A_0 = arith.muli %arg0, %mul3A : i32
    %add3A = arith.addi %mul3A_0, %arg1 : i32
    "tpu.region"() ({
      %run_scoped3A = tpu.sem_alloc : memref<!tpu.dma_semaphore, #tpu.memory_space<semaphore_mem>>
      %dma_start3A = arith.constant 0 : i32
      %dma_start3A_13 = tpu.memref_slice %arg2[%add3A, %dma_start3A] : memref<32x10000xi32, #tpu.memory_space<hbm>> -> memref<1x10000xi32, #tpu.memory_space<hbm>>
      %dma_start3A_14 = tpu.memref_squeeze %dma_start3A_13 : memref<1x10000xi32, #tpu.memory_space<hbm>> -> memref<10000xi32, #tpu.memory_space<hbm>>
      %dma_start3A_15 = arith.constant 0 : i32
      %dma_start3A_16 = tpu.memref_slice %arg2[%add3A, %dma_start3A_15] : memref<32x10000xi32, #tpu.memory_space<hbm>> -> memref<1x10000xi32, #tpu.memory_space<hbm>>
      %dma_start3A_17 = tpu.memref_squeeze %dma_start3A_16 : memref<1x10000xi32, #tpu.memory_space<hbm>> -> memref<10000xi32, #tpu.memory_space<hbm>>
      tpu.enqueue_dma source(%dma_start3A_17 : memref<10000xi32, #tpu.memory_space<hbm>>) target(%arg5 : memref<10000xi32, #tpu.memory_space<vmem>>) target_semaphore(%run_scoped3A : memref<!tpu.dma_semaphore, #tpu.memory_space<semaphore_mem>>)
      %dma_wait3A = arith.constant 0 : i32
      %dma_wait3A_18 = tpu.memref_slice %arg2[%add3A, %dma_wait3A] : memref<32x10000xi32, #tpu.memory_space<hbm>> -> memref<1x10000xi32, #tpu.memory_space<hbm>>
      %dma_wait3A_19 = tpu.memref_squeeze %dma_wait3A_18 : memref<1x10000xi32, #tpu.memory_space<hbm>> -> memref<10000xi32, #tpu.memory_space<hbm>>
      %dma_wait3A_20 = arith.constant 0 : i32
      %dma_wait3A_21 = tpu.memref_slice %arg2[%add3A, %dma_wait3A_20] : memref<32x10000xi32, #tpu.memory_space<hbm>> -> memref<1x10000xi32, #tpu.memory_space<hbm>>
      %dma_wait3A_22 = tpu.memref_squeeze %dma_wait3A_21 : memref<1x10000xi32, #tpu.memory_space<hbm>> -> memref<10000xi32, #tpu.memory_space<hbm>>
      tpu.wait_dma2 semaphore(%run_scoped3A : memref<!tpu.dma_semaphore, #tpu.memory_space<semaphore_mem>>) src(%dma_wait3A_22 : memref<10000xi32, #tpu.memory_space<hbm>>) dst(%arg5 : memref<10000xi32, #tpu.memory_space<vmem>>)
      tpu.yield
    }) : () -> ()
    "tpu.region"() ({
      %run_scoped3A = tpu.sem_alloc : memref<!tpu.dma_semaphore, #tpu.memory_space<semaphore_mem>>
      %dma_start3A = arith.constant 0 : i32
      %dma_start3A_13 = tpu.memref_slice %arg3[%add3A, %dma_start3A] : memref<32x10000xf32, #tpu.memory_space<hbm>> -> memref<1x10000xf32, #tpu.memory_space<hbm>>
      %dma_start3A_14 = tpu.memref_squeeze %dma_start3A_13 : memref<1x10000xf32, #tpu.memory_space<hbm>> -> memref<10000xf32, #tpu.memory_space<hbm>>
      %dma_start3A_15 = arith.constant 0 : i32
      %dma_start3A_16 = tpu.memref_slice %arg3[%add3A, %dma_start3A_15] : memref<32x10000xf32, #tpu.memory_space<hbm>> -> memref<1x10000xf32, #tpu.memory_space<hbm>>
      %dma_start3A_17 = tpu.memref_squeeze %dma_start3A_16 : memref<1x10000xf32, #tpu.memory_space<hbm>> -> memref<10000xf32, #tpu.memory_space<hbm>>
      tpu.enqueue_dma source(%dma_start3A_17 : memref<10000xf32, #tpu.memory_space<hbm>>) target(%arg6 : memref<10000xf32, #tpu.memory_space<vmem>>) target_semaphore(%run_scoped3A : memref<!tpu.dma_semaphore, #tpu.memory_space<semaphore_mem>>)
      %dma_wait3A = arith.constant 0 : i32
      %dma_wait3A_18 = tpu.memref_slice %arg3[%add3A, %dma_wait3A] : memref<32x10000xf32, #tpu.memory_space<hbm>> -> memref<1x10000xf32, #tpu.memory_space<hbm>>
      %dma_wait3A_19 = tpu.memref_squeeze %dma_wait3A_18 : memref<1x10000xf32, #tpu.memory_space<hbm>> -> memref<10000xf32, #tpu.memory_space<hbm>>
      %dma_wait3A_20 = arith.constant 0 : i32
      %dma_wait3A_21 = tpu.memref_slice %arg3[%add3A, %dma_wait3A_20] : memref<32x10000xf32, #tpu.memory_space<hbm>> -> memref<1x10000xf32, #tpu.memory_space<hbm>>
      %dma_wait3A_22 = tpu.memref_squeeze %dma_wait3A_21 : memref<1x10000xf32, #tpu.memory_space<hbm>> -> memref<10000xf32, #tpu.memory_space<hbm>>
      tpu.wait_dma2 semaphore(%run_scoped3A : memref<!tpu.dma_semaphore, #tpu.memory_space<semaphore_mem>>) src(%dma_wait3A_22 : memref<10000xf32, #tpu.memory_space<hbm>>) dst(%arg6 : memref<10000xf32, #tpu.memory_space<vmem>>)
      tpu.yield
    }) : () -> ()
    %broadcast_in_dim3A = arith.constant 0.000000e+00 : f32
    %broadcast_in_dim3A_1 = vector.broadcast %broadcast_in_dim3A : f32 to vector<16xf32>
    %scan3A = arith.constant 0 : i32
    %scan3A_2 = arith.constant 0 : i32
    %scan3A_3 = arith.constant 625 : i32
    %scan3A_4 = arith.addi %scan3A_2, %scan3A_3 : i32
    %scan3A_5 = arith.constant 1 : i32
    scf.for %scan3A_13 = %scan3A_2 to %scan3A_4 step %scan3A_5  : i32 {
      %mul3A_14 = arith.constant 16 : i32
      %mul3A_15 = arith.muli %scan3A_13, %mul3A_14 : i32
      %swap3A = arith.index_cast %mul3A_15 : i32 to index
      %swap3A_16 = tpu.vector_load %arg7[%swap3A] {strides = array<i32>} : memref<10000xf32, #tpu.memory_space<vmem>>, vector<16xf32>,
      tpu.vector_store %arg7[%swap3A], %broadcast_in_dim3A_1 {strides = array<i32>} : memref<10000xf32, #tpu.memory_space<vmem>>, vector<16xf32>,
    }
    %scan3A_6 = arith.constant 625 : i32
    %scan3A_7 = arith.constant 0 : i32
    %scan3A_8 = arith.constant 0 : i32
    %scan3A_9 = arith.constant 625 : i32
    %scan3A_10 = arith.addi %scan3A_8, %scan3A_9 : i32
    %scan3A_11 = arith.constant 1 : i32
    scf.for %scan3A_13 = %scan3A_8 to %scan3A_10 step %scan3A_11  : i32 {
      %mul3A_14 = arith.constant 16 : i32
      %mul3A_15 = arith.muli %scan3A_13, %mul3A_14 : i32
      %get3A = arith.index_cast %mul3A_15 : i32 to index
      %get3A_16 = tpu.vector_load %arg5[%get3A] {strides = array<i32>} : memref<10000xi32, #tpu.memory_space<vmem>>, vector<16xi32>,
      %mul3A_17 = arith.constant 16 : i32
      %mul3A_18 = arith.muli %scan3A_13, %mul3A_17 : i32
      %get3A_19 = arith.index_cast %mul3A_18 : i32 to index
      %get3A_20 = tpu.vector_load %arg6[%get3A_19] {strides = array<i32>} : memref<10000xf32, #tpu.memory_space<vmem>>, vector<16xf32>,
      tpu.vector_store_idx %arg7[%get3A_16], %get3A_20 {add = true} : memref<10000xf32, #tpu.memory_space<vmem>>[vector<16xi32>], vector<16xf32>,
    }
    %scan3A_12 = arith.constant 625 : i32
    "tpu.region"() ({
      %run_scoped3A = tpu.sem_alloc : memref<!tpu.dma_semaphore, #tpu.memory_space<semaphore_mem>>
      %dma_start3A = arith.constant 0 : i32
      %dma_start3A_13 = tpu.memref_slice %arg4[%add3A, %dma_start3A] : memref<32x10000xf32, #tpu.memory_space<hbm>> -> memref<1x10000xf32, #tpu.memory_space<hbm>>
      %dma_start3A_14 = tpu.memref_squeeze %dma_start3A_13 : memref<1x10000xf32, #tpu.memory_space<hbm>> -> memref<10000xf32, #tpu.memory_space<hbm>>
      %dma_start3A_15 = arith.constant 0 : i32
      %dma_start3A_16 = tpu.memref_slice %arg4[%add3A, %dma_start3A_15] : memref<32x10000xf32, #tpu.memory_space<hbm>> -> memref<1x10000xf32, #tpu.memory_space<hbm>>
      %dma_start3A_17 = tpu.memref_squeeze %dma_start3A_16 : memref<1x10000xf32, #tpu.memory_space<hbm>> -> memref<10000xf32, #tpu.memory_space<hbm>>
      tpu.enqueue_dma source(%arg7 : memref<10000xf32, #tpu.memory_space<vmem>>) target(%dma_start3A_17 : memref<10000xf32, #tpu.memory_space<hbm>>) target_semaphore(%run_scoped3A : memref<!tpu.dma_semaphore, #tpu.memory_space<semaphore_mem>>)
      %dma_wait3A = arith.constant 0 : i32
      %dma_wait3A_18 = tpu.memref_slice %arg4[%add3A, %dma_wait3A] : memref<32x10000xf32, #tpu.memory_space<hbm>> -> memref<1x10000xf32, #tpu.memory_space<hbm>>
      %dma_wait3A_19 = tpu.memref_squeeze %dma_wait3A_18 : memref<1x10000xf32, #tpu.memory_space<hbm>> -> memref<10000xf32, #tpu.memory_space<hbm>>
      %dma_wait3A_20 = arith.constant 0 : i32
      %dma_wait3A_21 = tpu.memref_slice %arg4[%add3A, %dma_wait3A_20] : memref<32x10000xf32, #tpu.memory_space<hbm>> -> memref<1x10000xf32, #tpu.memory_space<hbm>>
      %dma_wait3A_22 = tpu.memref_squeeze %dma_wait3A_21 : memref<1x10000xf32, #tpu.memory_space<hbm>> -> memref<10000xf32, #tpu.memory_space<hbm>>
      tpu.wait_dma2 semaphore(%run_scoped3A : memref<!tpu.dma_semaphore, #tpu.memory_space<semaphore_mem>>) src(%arg7 : memref<10000xf32, #tpu.memory_space<vmem>>) dst(%dma_wait3A_22 : memref<10000xf32, #tpu.memory_space<hbm>>)
      tpu.yield
    }) : () -> ()
    return
  }
}

#map = affine_map<(d0, d1) -> (0, 0, 0)>
#map1 = affine_map<(d0, d1) -> (0, 0)>
module attributes {stable_mosaic.version = 14 : i64} {
  func.func @body(%arg0: i32, %arg1: i32, %arg2: memref<2x10000x32xf32, #tpu.memory_space<hbm>>, %arg3: memref<16x250x80xi32, #tpu.memory_space<hbm>>, %arg4: memref<16x250x80xi32, #tpu.memory_space<hbm>>, %arg5: memref<16x250x80xf32, #tpu.memory_space<hbm>>, %arg6: memref<640x32xf32, #tpu.memory_space<hbm>>, %arg7: memref<2x10240x32xf32, #tpu.memory_space<hbm>>, %arg8: memref<250x80xi32, #tpu.memory_space<vmem>>, %arg9: memref<250x80xi32, #tpu.memory_space<vmem>>, %arg10: memref<250x80xf32, #tpu.memory_space<vmem>>, %arg11: memref<80x32xf32, #tpu.memory_space<vmem>>, %arg12: memref<80x32xf32, #tpu.memory_space<vmem>>, %arg13: memref<10240x32xf32, #tpu.memory_space<vmem_shared>>, %arg14: memref<!tpu.dma_semaphore, #tpu.memory_space<semaphore_mem>>, %arg15: memref<!tpu.dma_semaphore, #tpu.memory_space<semaphore_mem>>) attributes {dimension_semantics = [#tpu.dimension_semantics<core_parallel>, #tpu.dimension_semantics<subcore_parallel>], iteration_bounds = array<i64: 2, 16>, scalar_prefetch = 0 : i64, scratch_operands = 8 : i64, tpu.core_type = #tpu.core_type<sc_vector_subcore>, window_params = [{transform_indices = #map}, {transform_indices = #map}, {transform_indices = #map}, {transform_indices = #map}, {transform_indices = #map1}, {transform_indices = #map}]} {
    "tpu.region"() ({
      %run_scoped3A = tpu.sem_alloc : memref<!tpu.dma_semaphore, #tpu.memory_space<semaphore_mem>>
      %dma_start3A = arith.constant 0 : i32
      %dma_start3A_7 = arith.constant 0 : i32
      %dma_start3A_8 = tpu.memref_slice %arg3[%arg1, %dma_start3A, %dma_start3A_7] : memref<16x250x80xi32, #tpu.memory_space<hbm>> -> memref<1x250x80xi32, #tpu.memory_space<hbm>>
      %dma_start3A_9 = tpu.memref_squeeze %dma_start3A_8 : memref<1x250x80xi32, #tpu.memory_space<hbm>> -> memref<250x80xi32, #tpu.memory_space<hbm>>
      %dma_start3A_10 = arith.constant 0 : i32
      %dma_start3A_11 = arith.constant 0 : i32
      %dma_start3A_12 = tpu.memref_slice %arg3[%arg1, %dma_start3A_10, %dma_start3A_11] : memref<16x250x80xi32, #tpu.memory_space<hbm>> -> memref<1x250x80xi32, #tpu.memory_space<hbm>>
      %dma_start3A_13 = tpu.memref_squeeze %dma_start3A_12 : memref<1x250x80xi32, #tpu.memory_space<hbm>> -> memref<250x80xi32, #tpu.memory_space<hbm>>
      tpu.enqueue_dma source(%dma_start3A_13 : memref<250x80xi32, #tpu.memory_space<hbm>>) target(%arg8 : memref<250x80xi32, #tpu.memory_space<vmem>>) target_semaphore(%run_scoped3A : memref<!tpu.dma_semaphore, #tpu.memory_space<semaphore_mem>>)
      %dma_wait3A = arith.constant 0 : i32
      %dma_wait3A_14 = arith.constant 0 : i32
      %dma_wait3A_15 = tpu.memref_slice %arg3[%arg1, %dma_wait3A, %dma_wait3A_14] : memref<16x250x80xi32, #tpu.memory_space<hbm>> -> memref<1x250x80xi32, #tpu.memory_space<hbm>>
      %dma_wait3A_16 = tpu.memref_squeeze %dma_wait3A_15 : memref<1x250x80xi32, #tpu.memory_space<hbm>> -> memref<250x80xi32, #tpu.memory_space<hbm>>
      %dma_wait3A_17 = arith.constant 0 : i32
      %dma_wait3A_18 = arith.constant 0 : i32
      %dma_wait3A_19 = tpu.memref_slice %arg3[%arg1, %dma_wait3A_17, %dma_wait3A_18] : memref<16x250x80xi32, #tpu.memory_space<hbm>> -> memref<1x250x80xi32, #tpu.memory_space<hbm>>
      %dma_wait3A_20 = tpu.memref_squeeze %dma_wait3A_19 : memref<1x250x80xi32, #tpu.memory_space<hbm>> -> memref<250x80xi32, #tpu.memory_space<hbm>>
      tpu.wait_dma2 semaphore(%run_scoped3A : memref<!tpu.dma_semaphore, #tpu.memory_space<semaphore_mem>>) src(%dma_wait3A_20 : memref<250x80xi32, #tpu.memory_space<hbm>>) dst(%arg8 : memref<250x80xi32, #tpu.memory_space<vmem>>)
      tpu.yield
    }) : () -> ()
    "tpu.region"() ({
      %run_scoped3A = tpu.sem_alloc : memref<!tpu.dma_semaphore, #tpu.memory_space<semaphore_mem>>
      %dma_start3A = arith.constant 0 : i32
      %dma_start3A_7 = arith.constant 0 : i32
      %dma_start3A_8 = tpu.memref_slice %arg4[%arg1, %dma_start3A, %dma_start3A_7] : memref<16x250x80xi32, #tpu.memory_space<hbm>> -> memref<1x250x80xi32, #tpu.memory_space<hbm>>
      %dma_start3A_9 = tpu.memref_squeeze %dma_start3A_8 : memref<1x250x80xi32, #tpu.memory_space<hbm>> -> memref<250x80xi32, #tpu.memory_space<hbm>>
      %dma_start3A_10 = arith.constant 0 : i32
      %dma_start3A_11 = arith.constant 0 : i32
      %dma_start3A_12 = tpu.memref_slice %arg4[%arg1, %dma_start3A_10, %dma_start3A_11] : memref<16x250x80xi32, #tpu.memory_space<hbm>> -> memref<1x250x80xi32, #tpu.memory_space<hbm>>
      %dma_start3A_13 = tpu.memref_squeeze %dma_start3A_12 : memref<1x250x80xi32, #tpu.memory_space<hbm>> -> memref<250x80xi32, #tpu.memory_space<hbm>>
      tpu.enqueue_dma source(%dma_start3A_13 : memref<250x80xi32, #tpu.memory_space<hbm>>) target(%arg9 : memref<250x80xi32, #tpu.memory_space<vmem>>) target_semaphore(%run_scoped3A : memref<!tpu.dma_semaphore, #tpu.memory_space<semaphore_mem>>)
      %dma_wait3A = arith.constant 0 : i32
      %dma_wait3A_14 = arith.constant 0 : i32
      %dma_wait3A_15 = tpu.memref_slice %arg4[%arg1, %dma_wait3A, %dma_wait3A_14] : memref<16x250x80xi32, #tpu.memory_space<hbm>> -> memref<1x250x80xi32, #tpu.memory_space<hbm>>
      %dma_wait3A_16 = tpu.memref_squeeze %dma_wait3A_15 : memref<1x250x80xi32, #tpu.memory_space<hbm>> -> memref<250x80xi32, #tpu.memory_space<hbm>>
      %dma_wait3A_17 = arith.constant 0 : i32
      %dma_wait3A_18 = arith.constant 0 : i32
      %dma_wait3A_19 = tpu.memref_slice %arg4[%arg1, %dma_wait3A_17, %dma_wait3A_18] : memref<16x250x80xi32, #tpu.memory_space<hbm>> -> memref<1x250x80xi32, #tpu.memory_space<hbm>>
      %dma_wait3A_20 = tpu.memref_squeeze %dma_wait3A_19 : memref<1x250x80xi32, #tpu.memory_space<hbm>> -> memref<250x80xi32, #tpu.memory_space<hbm>>
      tpu.wait_dma2 semaphore(%run_scoped3A : memref<!tpu.dma_semaphore, #tpu.memory_space<semaphore_mem>>) src(%dma_wait3A_20 : memref<250x80xi32, #tpu.memory_space<hbm>>) dst(%arg9 : memref<250x80xi32, #tpu.memory_space<vmem>>)
      tpu.yield
    }) : () -> ()
    "tpu.region"() ({
      %run_scoped3A = tpu.sem_alloc : memref<!tpu.dma_semaphore, #tpu.memory_space<semaphore_mem>>
      %dma_start3A = arith.constant 0 : i32
      %dma_start3A_7 = arith.constant 0 : i32
      %dma_start3A_8 = tpu.memref_slice %arg5[%arg1, %dma_start3A, %dma_start3A_7] : memref<16x250x80xf32, #tpu.memory_space<hbm>> -> memref<1x250x80xf32, #tpu.memory_space<hbm>>
      %dma_start3A_9 = tpu.memref_squeeze %dma_start3A_8 : memref<1x250x80xf32, #tpu.memory_space<hbm>> -> memref<250x80xf32, #tpu.memory_space<hbm>>
      %dma_start3A_10 = arith.constant 0 : i32
      %dma_start3A_11 = arith.constant 0 : i32
      %dma_start3A_12 = tpu.memref_slice %arg5[%arg1, %dma_start3A_10, %dma_start3A_11] : memref<16x250x80xf32, #tpu.memory_space<hbm>> -> memref<1x250x80xf32, #tpu.memory_space<hbm>>
      %dma_start3A_13 = tpu.memref_squeeze %dma_start3A_12 : memref<1x250x80xf32, #tpu.memory_space<hbm>> -> memref<250x80xf32, #tpu.memory_space<hbm>>
      tpu.enqueue_dma source(%dma_start3A_13 : memref<250x80xf32, #tpu.memory_space<hbm>>) target(%arg10 : memref<250x80xf32, #tpu.memory_space<vmem>>) target_semaphore(%run_scoped3A : memref<!tpu.dma_semaphore, #tpu.memory_space<semaphore_mem>>)
      %dma_wait3A = arith.constant 0 : i32
      %dma_wait3A_14 = arith.constant 0 : i32
      %dma_wait3A_15 = tpu.memref_slice %arg5[%arg1, %dma_wait3A, %dma_wait3A_14] : memref<16x250x80xf32, #tpu.memory_space<hbm>> -> memref<1x250x80xf32, #tpu.memory_space<hbm>>
      %dma_wait3A_16 = tpu.memref_squeeze %dma_wait3A_15 : memref<1x250x80xf32, #tpu.memory_space<hbm>> -> memref<250x80xf32, #tpu.memory_space<hbm>>
      %dma_wait3A_17 = arith.constant 0 : i32
      %dma_wait3A_18 = arith.constant 0 : i32
      %dma_wait3A_19 = tpu.memref_slice %arg5[%arg1, %dma_wait3A_17, %dma_wait3A_18] : memref<16x250x80xf32, #tpu.memory_space<hbm>> -> memref<1x250x80xf32, #tpu.memory_space<hbm>>
      %dma_wait3A_20 = tpu.memref_squeeze %dma_wait3A_19 : memref<1x250x80xf32, #tpu.memory_space<hbm>> -> memref<250x80xf32, #tpu.memory_space<hbm>>
      tpu.wait_dma2 semaphore(%run_scoped3A : memref<!tpu.dma_semaphore, #tpu.memory_space<semaphore_mem>>) src(%dma_wait3A_20 : memref<250x80xf32, #tpu.memory_space<hbm>>) dst(%arg10 : memref<250x80xf32, #tpu.memory_space<vmem>>)
      tpu.yield
    }) : () -> ()
    %mul3A = arith.constant 640 : i32
    %mul3A_0 = arith.muli %arg1, %mul3A : i32
    %multiple_of3A = tpu.assume_multiple %mul3A_0, 8 : i32
    "tpu.region"() ({
      %run_scoped3A = tpu.sem_alloc : memref<!tpu.dma_semaphore, #tpu.memory_space<semaphore_mem>>
      %dma_start3A = arith.constant 0 : i32
      %dma_start3A_7 = tpu.memref_slice %arg13[%multiple_of3A, %dma_start3A] : memref<10240x32xf32, #tpu.memory_space<vmem_shared>> -> memref<640x32xf32, #tpu.memory_space<vmem_shared>>
      tpu.enqueue_dma source(%arg6 : memref<640x32xf32, #tpu.memory_space<hbm>>) target(%dma_start3A_7 : memref<640x32xf32, #tpu.memory_space<vmem_shared>>) target_semaphore(%run_scoped3A : memref<!tpu.dma_semaphore, #tpu.memory_space<semaphore_mem>>)
      %dma_wait3A = arith.constant 0 : i32
      %dma_wait3A_8 = tpu.memref_slice %arg13[%multiple_of3A, %dma_wait3A] : memref<10240x32xf32, #tpu.memory_space<vmem_shared>> -> memref<640x32xf32, #tpu.memory_space<vmem_shared>>
      tpu.wait_dma2 semaphore(%run_scoped3A : memref<!tpu.dma_semaphore, #tpu.memory_space<semaphore_mem>>) src(%arg6 : memref<640x32xf32, #tpu.memory_space<hbm>>) dst(%dma_wait3A_8 : memref<640x32xf32, #tpu.memory_space<vmem_shared>>)
      tpu.yield
    }) : () -> ()
    %barrier3A = arith.constant 0 : index
    tpu.barrier barrier_id(%barrier3A)
    %scan3A = arith.constant 0 : i32
    %scan3A_1 = arith.constant 0 : i32
    %scan3A_2 = arith.constant 125 : i32
    %scan3A_3 = arith.addi %scan3A_1, %scan3A_2 : i32
    %scan3A_4 = arith.constant 1 : i32
    scf.for %scan3A_7 = %scan3A_1 to %scan3A_3 step %scan3A_4  : i32 {
      %mul3A_8 = arith.constant 2 : i32
      %mul3A_9 = arith.muli %mul3A_8, %scan3A_7 : i32
      %dma_start3A = arith.constant 0 : i32
      %dma_start3A_10 = tpu.memref_slice %arg8[%mul3A_9, %dma_start3A] : memref<250x80xi32, #tpu.memory_space<vmem>> -> memref<1x80xi32, #tpu.memory_space<vmem>>
      %dma_start3A_11 = tpu.memref_squeeze %dma_start3A_10 : memref<1x80xi32, #tpu.memory_space<vmem>> -> memref<80xi32, #tpu.memory_space<vmem>>
      %dma_start3A_12 = arith.constant 0 : i32
      %dma_start3A_13 = arith.constant 0 : i32
      %dma_start3A_14 = tpu.memref_slice %arg2[%arg0, %dma_start3A_12, %dma_start3A_13] : memref<2x10000x32xf32, #tpu.memory_space<hbm>> -> memref<1x10000x32xf32, #tpu.memory_space<hbm>>
      %dma_start3A_15 = tpu.memref_squeeze %dma_start3A_14 : memref<1x10000x32xf32, #tpu.memory_space<hbm>> -> memref<10000x32xf32, #tpu.memory_space<hbm>>
      %dma_start3A_16 = arith.constant 0 : i32
      %dma_start3A_17 = arith.constant 0 : i32
      %dma_start3A_18 = tpu.memref_slice %dma_start3A_15[%dma_start3A_16, %dma_start3A_17] : memref<10000x32xf32, #tpu.memory_space<hbm>> -> memref<10000x32xf32, #tpu.memory_space<hbm>>
      tpu.enqueue_indirect_dma source(%dma_start3A_18 : memref<10000x32xf32, #tpu.memory_space<hbm>>) target(%arg11 : memref<80x32xf32, #tpu.memory_space<vmem>>) offsets(%dma_start3A_11 : memref<80xi32, #tpu.memory_space<vmem>>) semaphore(%arg14 : memref<!tpu.dma_semaphore, #tpu.memory_space<semaphore_mem>>)
      %add3A = arith.constant 1 : i32
      %add3A_19 = arith.addi %mul3A_9, %add3A : i32
      %dma_start3A_20 = arith.constant 0 : i32
      %dma_start3A_21 = tpu.memref_slice %arg8[%add3A_19, %dma_start3A_20] : memref<250x80xi32, #tpu.memory_space<vmem>> -> memref<1x80xi32, #tpu.memory_space<vmem>>
      %dma_start3A_22 = tpu.memref_squeeze %dma_start3A_21 : memref<1x80xi32, #tpu.memory_space<vmem>> -> memref<80xi32, #tpu.memory_space<vmem>>
      %dma_start3A_23 = arith.constant 0 : i32
      %dma_start3A_24 = arith.constant 0 : i32
      %dma_start3A_25 = tpu.memref_slice %arg2[%arg0, %dma_start3A_23, %dma_start3A_24] : memref<2x10000x32xf32, #tpu.memory_space<hbm>> -> memref<1x10000x32xf32, #tpu.memory_space<hbm>>
      %dma_start3A_26 = tpu.memref_squeeze %dma_start3A_25 : memref<1x10000x32xf32, #tpu.memory_space<hbm>> -> memref<10000x32xf32, #tpu.memory_space<hbm>>
      %dma_start3A_27 = arith.constant 0 : i32
      %dma_start3A_28 = arith.constant 0 : i32
      %dma_start3A_29 = tpu.memref_slice %dma_start3A_26[%dma_start3A_27, %dma_start3A_28] : memref<10000x32xf32, #tpu.memory_space<hbm>> -> memref<10000x32xf32, #tpu.memory_space<hbm>>
      tpu.enqueue_indirect_dma source(%dma_start3A_29 : memref<10000x32xf32, #tpu.memory_space<hbm>>) target(%arg12 : memref<80x32xf32, #tpu.memory_space<vmem>>) offsets(%dma_start3A_22 : memref<80xi32, #tpu.memory_space<vmem>>) semaphore(%arg15 : memref<!tpu.dma_semaphore, #tpu.memory_space<semaphore_mem>>)
      %dma_wait3A = arith.constant 0 : i32
      %dma_wait3A_30 = tpu.memref_slice %arg8[%mul3A_9, %dma_wait3A] : memref<250x80xi32, #tpu.memory_space<vmem>> -> memref<1x80xi32, #tpu.memory_space<vmem>>
      %dma_wait3A_31 = tpu.memref_squeeze %dma_wait3A_30 : memref<1x80xi32, #tpu.memory_space<vmem>> -> memref<80xi32, #tpu.memory_space<vmem>>
      %dma_wait3A_32 = arith.constant 0 : i32
      %dma_wait3A_33 = arith.constant 0 : i32
      %dma_wait3A_34 = tpu.memref_slice %arg2[%arg0, %dma_wait3A_32, %dma_wait3A_33] : memref<2x10000x32xf32, #tpu.memory_space<hbm>> -> memref<1x10000x32xf32, #tpu.memory_space<hbm>>
      %dma_wait3A_35 = tpu.memref_squeeze %dma_wait3A_34 : memref<1x10000x32xf32, #tpu.memory_space<hbm>> -> memref<10000x32xf32, #tpu.memory_space<hbm>>
      %dma_wait3A_36 = arith.constant 0 : i32
      %dma_wait3A_37 = arith.constant 0 : i32
      %dma_wait3A_38 = tpu.memref_slice %dma_wait3A_35[%dma_wait3A_36, %dma_wait3A_37] : memref<10000x32xf32, #tpu.memory_space<hbm>> -> memref<10000x32xf32, #tpu.memory_space<hbm>>
      tpu.wait_indirect_dma semaphore(%arg14 : memref<!tpu.dma_semaphore, #tpu.memory_space<semaphore_mem>>) src(%dma_wait3A_38 : memref<10000x32xf32, #tpu.memory_space<hbm>>) dst(%arg11 : memref<80x32xf32, #tpu.memory_space<vmem>>)
      %scan3A_39 = arith.constant 0 : i32
      %scan3A_40 = arith.constant 0 : i32
      %scan3A_41 = arith.constant 5 : i32
      %scan3A_42 = arith.addi %scan3A_40, %scan3A_41 : i32
      %scan3A_43 = arith.constant 1 : i32
      scf.for %scan3A_65 = %scan3A_40 to %scan3A_42 step %scan3A_43  : i32 {
        %mul3A_66 = arith.constant 16 : i32
        %mul3A_67 = arith.muli %scan3A_65, %mul3A_66 : i32
        %get3A = arith.index_cast %mul3A_9 : i32 to index
        %get3A_68 = arith.index_cast %mul3A_67 : i32 to index
        %get3A_69 = tpu.vector_load %arg10[%get3A, %get3A_68] {strides = array<i32>} : memref<250x80xf32, #tpu.memory_space<vmem>>, vector<16xf32>,
        %slice3A = vector.extract_strided_slice %get3A_69 {offsets = [0], sizes = [1], strides = [1]} : vector<16xf32> to vector<1xf32>
        %squeeze3A = vector.extract %slice3A[0] : f32 from vector<1xf32>
        %mul3A_70 = arith.constant 16 : i32
        %mul3A_71 = arith.muli %scan3A_65, %mul3A_70 : i32
        %add3A_72 = arith.constant 0 : i32
        %add3A_73 = arith.addi %mul3A_71, %add3A_72 : i32
        %get3A_74 = arith.index_cast %add3A_73 : i32 to index
        %get3A_75 = arith.constant 0 : index
        %get3A_76 = tpu.vector_load %arg11[%get3A_74, %get3A_75] {strides = array<i32>} : memref<80x32xf32, #tpu.memory_space<vmem>>, vector<16xf32>,
        %mul3A_77 = vector.broadcast %squeeze3A : f32 to vector<16xf32>
        %mul3A_78 = arith.mulf %get3A_76, %mul3A_77 : vector<16xf32>
        %mul3A_79 = arith.constant 16 : i32
        %mul3A_80 = arith.muli %scan3A_65, %mul3A_79 : i32
        %add3A_81 = arith.constant 0 : i32
        %add3A_82 = arith.addi %mul3A_80, %add3A_81 : i32
        %swap3A = arith.index_cast %add3A_82 : i32 to index
        %swap3A_83 = arith.constant 0 : index
        %swap3A_84 = tpu.vector_load %arg11[%swap3A, %swap3A_83] {strides = array<i32>} : memref<80x32xf32, #tpu.memory_space<vmem>>, vector<16xf32>,
        tpu.vector_store %arg11[%swap3A, %swap3A_83], %mul3A_78 {strides = array<i32>} : memref<80x32xf32, #tpu.memory_space<vmem>>, vector<16xf32>,
        %mul3A_85 = arith.constant 16 : i32
        %mul3A_86 = arith.muli %scan3A_65, %mul3A_85 : i32
        %add3A_87 = arith.constant 0 : i32
        %add3A_88 = arith.addi %mul3A_86, %add3A_87 : i32
        %get3A_89 = arith.index_cast %add3A_88 : i32 to index
        %get3A_90 = arith.constant 16 : index
        %get3A_91 = tpu.vector_load %arg11[%get3A_89, %get3A_90] {strides = array<i32>} : memref<80x32xf32, #tpu.memory_space<vmem>>, vector<16xf32>,
        %mul3A_92 = vector.broadcast %squeeze3A : f32 to vector<16xf32>
        %mul3A_93 = arith.mulf %get3A_91, %mul3A_92 : vector<16xf32>
        %mul3A_94 = arith.constant 16 : i32
        %mul3A_95 = arith.muli %scan3A_65, %mul3A_94 : i32
        %add3A_96 = arith.constant 0 : i32
        %add3A_97 = arith.addi %mul3A_95, %add3A_96 : i32
        %swap3A_98 = arith.index_cast %add3A_97 : i32 to index
        %swap3A_99 = arith.constant 16 : index
        %swap3A_100 = tpu.vector_load %arg11[%swap3A_98, %swap3A_99] {strides = array<i32>} : memref<80x32xf32, #tpu.memory_space<vmem>>, vector<16xf32>,
        tpu.vector_store %arg11[%swap3A_98, %swap3A_99], %mul3A_93 {strides = array<i32>} : memref<80x32xf32, #tpu.memory_space<vmem>>, vector<16xf32>,
        %slice3A_101 = vector.extract_strided_slice %get3A_69 {offsets = [1], sizes = [1], strides = [1]} : vector<16xf32> to vector<1xf32>
        %squeeze3A_102 = vector.extract %slice3A_101[0] : f32 from vector<1xf32>
        %mul3A_103 = arith.constant 16 : i32
        %mul3A_104 = arith.muli %scan3A_65, %mul3A_103 : i32
        %add3A_105 = arith.constant 1 : i32
        %add3A_106 = arith.addi %mul3A_104, %add3A_105 : i32
        %get3A_107 = arith.index_cast %add3A_106 : i32 to index
        %get3A_108 = arith.constant 0 : index
        %get3A_109 = tpu.vector_load %arg11[%get3A_107, %get3A_108] {strides = array<i32>} : memref<80x32xf32, #tpu.memory_space<vmem>>, vector<16xf32>,
        %mul3A_110 = vector.broadcast %squeeze3A_102 : f32 to vector<16xf32>
        %mul3A_111 = arith.mulf %get3A_109, %mul3A_110 : vector<16xf32>
        %mul3A_112 = arith.constant 16 : i32
        %mul3A_113 = arith.muli %scan3A_65, %mul3A_112 : i32
        %add3A_114 = arith.constant 1 : i32
        %add3A_115 = arith.addi %mul3A_113, %add3A_114 : i32
        %swap3A_116 = arith.index_cast %add3A_115 : i32 to index
        %swap3A_117 = arith.constant 0 : index
        %swap3A_118 = tpu.vector_load %arg11[%swap3A_116, %swap3A_117] {strides = array<i32>} : memref<80x32xf32, #tpu.memory_space<vmem>>, vector<16xf32>,
        tpu.vector_store %arg11[%swap3A_116, %swap3A_117], %mul3A_111 {strides = array<i32>} : memref<80x32xf32, #tpu.memory_space<vmem>>, vector<16xf32>,
        %mul3A_119 = arith.constant 16 : i32
        %mul3A_120 = arith.muli %scan3A_65, %mul3A_119 : i32
        %add3A_121 = arith.constant 1 : i32
        %add3A_122 = arith.addi %mul3A_120, %add3A_121 : i32
        %get3A_123 = arith.index_cast %add3A_122 : i32 to index
        %get3A_124 = arith.constant 16 : index
        %get3A_125 = tpu.vector_load %arg11[%get3A_123, %get3A_124] {strides = array<i32>} : memref<80x32xf32, #tpu.memory_space<vmem>>, vector<16xf32>,
        %mul3A_126 = vector.broadcast %squeeze3A_102 : f32 to vector<16xf32>
        %mul3A_127 = arith.mulf %get3A_125, %mul3A_126 : vector<16xf32>
        %mul3A_128 = arith.constant 16 : i32
        %mul3A_129 = arith.muli %scan3A_65, %mul3A_128 : i32
        %add3A_130 = arith.constant 1 : i32
        %add3A_131 = arith.addi %mul3A_129, %add3A_130 : i32
        %swap3A_132 = arith.index_cast %add3A_131 : i32 to index
        %swap3A_133 = arith.constant 16 : index
        %swap3A_134 = tpu.vector_load %arg11[%swap3A_132, %swap3A_133] {strides = array<i32>} : memref<80x32xf32, #tpu.memory_space<vmem>>, vector<16xf32>,
        tpu.vector_store %arg11[%swap3A_132, %swap3A_133], %mul3A_127 {strides = array<i32>} : memref<80x32xf32, #tpu.memory_space<vmem>>, vector<16xf32>,
        %slice3A_135 = vector.extract_strided_slice %get3A_69 {offsets = [2], sizes = [1], strides = [1]} : vector<16xf32> to vector<1xf32>
        %squeeze3A_136 = vector.extract %slice3A_135[0] : f32 from vector<1xf32>
        %mul3A_137 = arith.constant 16 : i32
        %mul3A_138 = arith.muli %scan3A_65, %mul3A_137 : i32
        %add3A_139 = arith.constant 2 : i32
        %add3A_140 = arith.addi %mul3A_138, %add3A_139 : i32
        %get3A_141 = arith.index_cast %add3A_140 : i32 to index
        %get3A_142 = arith.constant 0 : index
        %get3A_143 = tpu.vector_load %arg11[%get3A_141, %get3A_142] {strides = array<i32>} : memref<80x32xf32, #tpu.memory_space<vmem>>, vector<16xf32>,
        %mul3A_144 = vector.broadcast %squeeze3A_136 : f32 to vector<16xf32>
        %mul3A_145 = arith.mulf %get3A_143, %mul3A_144 : vector<16xf32>
        %mul3A_146 = arith.constant 16 : i32
        %mul3A_147 = arith.muli %scan3A_65, %mul3A_146 : i32
        %add3A_148 = arith.constant 2 : i32
        %add3A_149 = arith.addi %mul3A_147, %add3A_148 : i32
        %swap3A_150 = arith.index_cast %add3A_149 : i32 to index
        %swap3A_151 = arith.constant 0 : index
        %swap3A_152 = tpu.vector_load %arg11[%swap3A_150, %swap3A_151] {strides = array<i32>} : memref<80x32xf32, #tpu.memory_space<vmem>>, vector<16xf32>,
        tpu.vector_store %arg11[%swap3A_150, %swap3A_151], %mul3A_145 {strides = array<i32>} : memref<80x32xf32, #tpu.memory_space<vmem>>, vector<16xf32>,
        %mul3A_153 = arith.constant 16 : i32
        %mul3A_154 = arith.muli %scan3A_65, %mul3A_153 : i32
        %add3A_155 = arith.constant 2 : i32
        %add3A_156 = arith.addi %mul3A_154, %add3A_155 : i32
        %get3A_157 = arith.index_cast %add3A_156 : i32 to index
        %get3A_158 = arith.constant 16 : index
        %get3A_159 = tpu.vector_load %arg11[%get3A_157, %get3A_158] {strides = array<i32>} : memref<80x32xf32, #tpu.memory_space<vmem>>, vector<16xf32>,
        %mul3A_160 = vector.broadcast %squeeze3A_136 : f32 to vector<16xf32>
        %mul3A_161 = arith.mulf %get3A_159, %mul3A_160 : vector<16xf32>
        %mul3A_162 = arith.constant 16 : i32
        %mul3A_163 = arith.muli %scan3A_65, %mul3A_162 : i32
        %add3A_164 = arith.constant 2 : i32
        %add3A_165 = arith.addi %mul3A_163, %add3A_164 : i32
        %swap3A_166 = arith.index_cast %add3A_165 : i32 to index
        %swap3A_167 = arith.constant 16 : index
        %swap3A_168 = tpu.vector_load %arg11[%swap3A_166, %swap3A_167] {strides = array<i32>} : memref<80x32xf32, #tpu.memory_space<vmem>>, vector<16xf32>,
        tpu.vector_store %arg11[%swap3A_166, %swap3A_167], %mul3A_161 {strides = array<i32>} : memref<80x32xf32, #tpu.memory_space<vmem>>, vector<16xf32>,
        %slice3A_169 = vector.extract_strided_slice %get3A_69 {offsets = [3], sizes = [1], strides = [1]} : vector<16xf32> to vector<1xf32>
        %squeeze3A_170 = vector.extract %slice3A_169[0] : f32 from vector<1xf32>
        %mul3A_171 = arith.constant 16 : i32
        %mul3A_172 = arith.muli %scan3A_65, %mul3A_171 : i32
        %add3A_173 = arith.constant 3 : i32
        %add3A_174 = arith.addi %mul3A_172, %add3A_173 : i32
        %get3A_175 = arith.index_cast %add3A_174 : i32 to index
        %get3A_176 = arith.constant 0 : index
        %get3A_177 = tpu.vector_load %arg11[%get3A_175, %get3A_176] {strides = array<i32>} : memref<80x32xf32, #tpu.memory_space<vmem>>, vector<16xf32>,
        %mul3A_178 = vector.broadcast %squeeze3A_170 : f32 to vector<16xf32>
        %mul3A_179 = arith.mulf %get3A_177, %mul3A_178 : vector<16xf32>
        %mul3A_180 = arith.constant 16 : i32
        %mul3A_181 = arith.muli %scan3A_65, %mul3A_180 : i32
        %add3A_182 = arith.constant 3 : i32
        %add3A_183 = arith.addi %mul3A_181, %add3A_182 : i32
        %swap3A_184 = arith.index_cast %add3A_183 : i32 to index
        %swap3A_185 = arith.constant 0 : index
        %swap3A_186 = tpu.vector_load %arg11[%swap3A_184, %swap3A_185] {strides = array<i32>} : memref<80x32xf32, #tpu.memory_space<vmem>>, vector<16xf32>,
        tpu.vector_store %arg11[%swap3A_184, %swap3A_185], %mul3A_179 {strides = array<i32>} : memref<80x32xf32, #tpu.memory_space<vmem>>, vector<16xf32>,
        %mul3A_187 = arith.constant 16 : i32
        %mul3A_188 = arith.muli %scan3A_65, %mul3A_187 : i32
        %add3A_189 = arith.constant 3 : i32
        %add3A_190 = arith.addi %mul3A_188, %add3A_189 : i32
        %get3A_191 = arith.index_cast %add3A_190 : i32 to index
        %get3A_192 = arith.constant 16 : index
        %get3A_193 = tpu.vector_load %arg11[%get3A_191, %get3A_192] {strides = array<i32>} : memref<80x32xf32, #tpu.memory_space<vmem>>, vector<16xf32>,
        %mul3A_194 = vector.broadcast %squeeze3A_170 : f32 to vector<16xf32>
        %mul3A_195 = arith.mulf %get3A_193, %mul3A_194 : vector<16xf32>
        %mul3A_196 = arith.constant 16 : i32
        %mul3A_197 = arith.muli %scan3A_65, %mul3A_196 : i32
        %add3A_198 = arith.constant 3 : i32
        %add3A_199 = arith.addi %mul3A_197, %add3A_198 : i32
        %swap3A_200 = arith.index_cast %add3A_199 : i32 to index
        %swap3A_201 = arith.constant 16 : index
        %swap3A_202 = tpu.vector_load %arg11[%swap3A_200, %swap3A_201] {strides = array<i32>} : memref<80x32xf32, #tpu.memory_space<vmem>>, vector<16xf32>,
        tpu.vector_store %arg11[%swap3A_200, %swap3A_201], %mul3A_195 {strides = array<i32>} : memref<80x32xf32, #tpu.memory_space<vmem>>, vector<16xf32>,
        %slice3A_203 = vector.extract_strided_slice %get3A_69 {offsets = [4], sizes = [1], strides = [1]} : vector<16xf32> to vector<1xf32>
        %squeeze3A_204 = vector.extract %slice3A_203[0] : f32 from vector<1xf32>
        %mul3A_205 = arith.constant 16 : i32
        %mul3A_206 = arith.muli %scan3A_65, %mul3A_205 : i32
        %add3A_207 = arith.constant 4 : i32
        %add3A_208 = arith.addi %mul3A_206, %add3A_207 : i32
        %get3A_209 = arith.index_cast %add3A_208 : i32 to index
        %get3A_210 = arith.constant 0 : index
        %get3A_211 = tpu.vector_load %arg11[%get3A_209, %get3A_210] {strides = array<i32>} : memref<80x32xf32, #tpu.memory_space<vmem>>, vector<16xf32>,
        %mul3A_212 = vector.broadcast %squeeze3A_204 : f32 to vector<16xf32>
        %mul3A_213 = arith.mulf %get3A_211, %mul3A_212 : vector<16xf32>
        %mul3A_214 = arith.constant 16 : i32
        %mul3A_215 = arith.muli %scan3A_65, %mul3A_214 : i32
        %add3A_216 = arith.constant 4 : i32
        %add3A_217 = arith.addi %mul3A_215, %add3A_216 : i32
        %swap3A_218 = arith.index_cast %add3A_217 : i32 to index
        %swap3A_219 = arith.constant 0 : index
        %swap3A_220 = tpu.vector_load %arg11[%swap3A_218, %swap3A_219] {strides = array<i32>} : memref<80x32xf32, #tpu.memory_space<vmem>>, vector<16xf32>,
        tpu.vector_store %arg11[%swap3A_218, %swap3A_219], %mul3A_213 {strides = array<i32>} : memref<80x32xf32, #tpu.memory_space<vmem>>, vector<16xf32>,
        %mul3A_221 = arith.constant 16 : i32
        %mul3A_222 = arith.muli %scan3A_65, %mul3A_221 : i32
        %add3A_223 = arith.constant 4 : i32
        %add3A_224 = arith.addi %mul3A_222, %add3A_223 : i32
        %get3A_225 = arith.index_cast %add3A_224 : i32 to index
        %get3A_226 = arith.constant 16 : index
        %get3A_227 = tpu.vector_load %arg11[%get3A_225, %get3A_226] {strides = array<i32>} : memref<80x32xf32, #tpu.memory_space<vmem>>, vector<16xf32>,
        %mul3A_228 = vector.broadcast %squeeze3A_204 : f32 to vector<16xf32>
        %mul3A_229 = arith.mulf %get3A_227, %mul3A_228 : vector<16xf32>
        %mul3A_230 = arith.constant 16 : i32
        %mul3A_231 = arith.muli %scan3A_65, %mul3A_230 : i32
        %add3A_232 = arith.constant 4 : i32
        %add3A_233 = arith.addi %mul3A_231, %add3A_232 : i32
        %swap3A_234 = arith.index_cast %add3A_233 : i32 to index
        %swap3A_235 = arith.constant 16 : index
        %swap3A_236 = tpu.vector_load %arg11[%swap3A_234, %swap3A_235] {strides = array<i32>} : memref<80x32xf32, #tpu.memory_space<vmem>>, vector<16xf32>,
        tpu.vector_store %arg11[%swap3A_234, %swap3A_235], %mul3A_229 {strides = array<i32>} : memref<80x32xf32, #tpu.memory_space<vmem>>, vector<16xf32>,
        %slice3A_237 = vector.extract_strided_slice %get3A_69 {offsets = [5], sizes = [1], strides = [1]} : vector<16xf32> to vector<1xf32>
        %squeeze3A_238 = vector.extract %slice3A_237[0] : f32 from vector<1xf32>
        %mul3A_239 = arith.constant 16 : i32
        %mul3A_240 = arith.muli %scan3A_65, %mul3A_239 : i32
        %add3A_241 = arith.constant 5 : i32
        %add3A_242 = arith.addi %mul3A_240, %add3A_241 : i32
        %get3A_243 = arith.index_cast %add3A_242 : i32 to index
        %get3A_244 = arith.constant 0 : index
        %get3A_245 = tpu.vector_load %arg11[%get3A_243, %get3A_244] {strides = array<i32>} : memref<80x32xf32, #tpu.memory_space<vmem>>, vector<16xf32>,
        %mul3A_246 = vector.broadcast %squeeze3A_238 : f32 to vector<16xf32>
        %mul3A_247 = arith.mulf %get3A_245, %mul3A_246 : vector<16xf32>
        %mul3A_248 = arith.constant 16 : i32
        %mul3A_249 = arith.muli %scan3A_65, %mul3A_248 : i32
        %add3A_250 = arith.constant 5 : i32
        %add3A_251 = arith.addi %mul3A_249, %add3A_250 : i32
        %swap3A_252 = arith.index_cast %add3A_251 : i32 to index
        %swap3A_253 = arith.constant 0 : index
        %swap3A_254 = tpu.vector_load %arg11[%swap3A_252, %swap3A_253] {strides = array<i32>} : memref<80x32xf32, #tpu.memory_space<vmem>>, vector<16xf32>,
        tpu.vector_store %arg11[%swap3A_252, %swap3A_253], %mul3A_247 {strides = array<i32>} : memref<80x32xf32, #tpu.memory_space<vmem>>, vector<16xf32>,
        %mul3A_255 = arith.constant 16 : i32
        %mul3A_256 = arith.muli %scan3A_65, %mul3A_255 : i32
        %add3A_257 = arith.constant 5 : i32
        %add3A_258 = arith.addi %mul3A_256, %add3A_257 : i32
        %get3A_259 = arith.index_cast %add3A_258 : i32 to index
        %get3A_260 = arith.constant 16 : index
        %get3A_261 = tpu.vector_load %arg11[%get3A_259, %get3A_260] {strides = array<i32>} : memref<80x32xf32, #tpu.memory_space<vmem>>, vector<16xf32>,
        %mul3A_262 = vector.broadcast %squeeze3A_238 : f32 to vector<16xf32>
        %mul3A_263 = arith.mulf %get3A_261, %mul3A_262 : vector<16xf32>
        %mul3A_264 = arith.constant 16 : i32
        %mul3A_265 = arith.muli %scan3A_65, %mul3A_264 : i32
        %add3A_266 = arith.constant 5 : i32
        %add3A_267 = arith.addi %mul3A_265, %add3A_266 : i32
        %swap3A_268 = arith.index_cast %add3A_267 : i32 to index
        %swap3A_269 = arith.constant 16 : index
        %swap3A_270 = tpu.vector_load %arg11[%swap3A_268, %swap3A_269] {strides = array<i32>} : memref<80x32xf32, #tpu.memory_space<vmem>>, vector<16xf32>,
        tpu.vector_store %arg11[%swap3A_268, %swap3A_269], %mul3A_263 {strides = array<i32>} : memref<80x32xf32, #tpu.memory_space<vmem>>, vector<16xf32>,
        %slice3A_271 = vector.extract_strided_slice %get3A_69 {offsets = [6], sizes = [1], strides = [1]} : vector<16xf32> to vector<1xf32>
        %squeeze3A_272 = vector.extract %slice3A_271[0] : f32 from vector<1xf32>
        %mul3A_273 = arith.constant 16 : i32
        %mul3A_274 = arith.muli %scan3A_65, %mul3A_273 : i32
        %add3A_275 = arith.constant 6 : i32
        %add3A_276 = arith.addi %mul3A_274, %add3A_275 : i32
        %get3A_277 = arith.index_cast %add3A_276 : i32 to index
        %get3A_278 = arith.constant 0 : index
        %get3A_279 = tpu.vector_load %arg11[%get3A_277, %get3A_278] {strides = array<i32>} : memref<80x32xf32, #tpu.memory_space<vmem>>, vector<16xf32>,
        %mul3A_280 = vector.broadcast %squeeze3A_272 : f32 to vector<16xf32>
        %mul3A_281 = arith.mulf %get3A_279, %mul3A_280 : vector<16xf32>
        %mul3A_282 = arith.constant 16 : i32
        %mul3A_283 = arith.muli %scan3A_65, %mul3A_282 : i32
        %add3A_284 = arith.constant 6 : i32
        %add3A_285 = arith.addi %mul3A_283, %add3A_284 : i32
        %swap3A_286 = arith.index_cast %add3A_285 : i32 to index
        %swap3A_287 = arith.constant 0 : index
        %swap3A_288 = tpu.vector_load %arg11[%swap3A_286, %swap3A_287] {strides = array<i32>} : memref<80x32xf32, #tpu.memory_space<vmem>>, vector<16xf32>,
        tpu.vector_store %arg11[%swap3A_286, %swap3A_287], %mul3A_281 {strides = array<i32>} : memref<80x32xf32, #tpu.memory_space<vmem>>, vector<16xf32>,
        %mul3A_289 = arith.constant 16 : i32
        %mul3A_290 = arith.muli %scan3A_65, %mul3A_289 : i32
        %add3A_291 = arith.constant 6 : i32
        %add3A_292 = arith.addi %mul3A_290, %add3A_291 : i32
        %get3A_293 = arith.index_cast %add3A_292 : i32 to index
        %get3A_294 = arith.constant 16 : index
        %get3A_295 = tpu.vector_load %arg11[%get3A_293, %get3A_294] {strides = array<i32>} : memref<80x32xf32, #tpu.memory_space<vmem>>, vector<16xf32>,
        %mul3A_296 = vector.broadcast %squeeze3A_272 : f32 to vector<16xf32>
        %mul3A_297 = arith.mulf %get3A_295, %mul3A_296 : vector<16xf32>
        %mul3A_298 = arith.constant 16 : i32
        %mul3A_299 = arith.muli %scan3A_65, %mul3A_298 : i32
        %add3A_300 = arith.constant 6 : i32
        %add3A_301 = arith.addi %mul3A_299, %add3A_300 : i32
        %swap3A_302 = arith.index_cast %add3A_301 : i32 to index
        %swap3A_303 = arith.constant 16 : index
        %swap3A_304 = tpu.vector_load %arg11[%swap3A_302, %swap3A_303] {strides = array<i32>} : memref<80x32xf32, #tpu.memory_space<vmem>>, vector<16xf32>,
        tpu.vector_store %arg11[%swap3A_302, %swap3A_303], %mul3A_297 {strides = array<i32>} : memref<80x32xf32, #tpu.memory_space<vmem>>, vector<16xf32>,
        %slice3A_305 = vector.extract_strided_slice %get3A_69 {offsets = [7], sizes = [1], strides = [1]} : vector<16xf32> to vector<1xf32>
        %squeeze3A_306 = vector.extract %slice3A_305[0] : f32 from vector<1xf32>
        %mul3A_307 = arith.constant 16 : i32
        %mul3A_308 = arith.muli %scan3A_65, %mul3A_307 : i32
        %add3A_309 = arith.constant 7 : i32
        %add3A_310 = arith.addi %mul3A_308, %add3A_309 : i32
        %get3A_311 = arith.index_cast %add3A_310 : i32 to index
        %get3A_312 = arith.constant 0 : index
        %get3A_313 = tpu.vector_load %arg11[%get3A_311, %get3A_312] {strides = array<i32>} : memref<80x32xf32, #tpu.memory_space<vmem>>, vector<16xf32>,
        %mul3A_314 = vector.broadcast %squeeze3A_306 : f32 to vector<16xf32>
        %mul3A_315 = arith.mulf %get3A_313, %mul3A_314 : vector<16xf32>
        %mul3A_316 = arith.constant 16 : i32
        %mul3A_317 = arith.muli %scan3A_65, %mul3A_316 : i32
        %add3A_318 = arith.constant 7 : i32
        %add3A_319 = arith.addi %mul3A_317, %add3A_318 : i32
        %swap3A_320 = arith.index_cast %add3A_319 : i32 to index
        %swap3A_321 = arith.constant 0 : index
        %swap3A_322 = tpu.vector_load %arg11[%swap3A_320, %swap3A_321] {strides = array<i32>} : memref<80x32xf32, #tpu.memory_space<vmem>>, vector<16xf32>,
        tpu.vector_store %arg11[%swap3A_320, %swap3A_321], %mul3A_315 {strides = array<i32>} : memref<80x32xf32, #tpu.memory_space<vmem>>, vector<16xf32>,
        %mul3A_323 = arith.constant 16 : i32
        %mul3A_324 = arith.muli %scan3A_65, %mul3A_323 : i32
        %add3A_325 = arith.constant 7 : i32
        %add3A_326 = arith.addi %mul3A_324, %add3A_325 : i32
        %get3A_327 = arith.index_cast %add3A_326 : i32 to index
        %get3A_328 = arith.constant 16 : index
        %get3A_329 = tpu.vector_load %arg11[%get3A_327, %get3A_328] {strides = array<i32>} : memref<80x32xf32, #tpu.memory_space<vmem>>, vector<16xf32>,
        %mul3A_330 = vector.broadcast %squeeze3A_306 : f32 to vector<16xf32>
        %mul3A_331 = arith.mulf %get3A_329, %mul3A_330 : vector<16xf32>
        %mul3A_332 = arith.constant 16 : i32
        %mul3A_333 = arith.muli %scan3A_65, %mul3A_332 : i32
        %add3A_334 = arith.constant 7 : i32
        %add3A_335 = arith.addi %mul3A_333, %add3A_334 : i32
        %swap3A_336 = arith.index_cast %add3A_335 : i32 to index
        %swap3A_337 = arith.constant 16 : index
        %swap3A_338 = tpu.vector_load %arg11[%swap3A_336, %swap3A_337] {strides = array<i32>} : memref<80x32xf32, #tpu.memory_space<vmem>>, vector<16xf32>,
        tpu.vector_store %arg11[%swap3A_336, %swap3A_337], %mul3A_331 {strides = array<i32>} : memref<80x32xf32, #tpu.memory_space<vmem>>, vector<16xf32>,
        %slice3A_339 = vector.extract_strided_slice %get3A_69 {offsets = [8], sizes = [1], strides = [1]} : vector<16xf32> to vector<1xf32>
        %squeeze3A_340 = vector.extract %slice3A_339[0] : f32 from vector<1xf32>
        %mul3A_341 = arith.constant 16 : i32
        %mul3A_342 = arith.muli %scan3A_65, %mul3A_341 : i32
        %add3A_343 = arith.constant 8 : i32
        %add3A_344 = arith.addi %mul3A_342, %add3A_343 : i32
        %get3A_345 = arith.index_cast %add3A_344 : i32 to index
        %get3A_346 = arith.constant 0 : index
        %get3A_347 = tpu.vector_load %arg11[%get3A_345, %get3A_346] {strides = array<i32>} : memref<80x32xf32, #tpu.memory_space<vmem>>, vector<16xf32>,
        %mul3A_348 = vector.broadcast %squeeze3A_340 : f32 to vector<16xf32>
        %mul3A_349 = arith.mulf %get3A_347, %mul3A_348 : vector<16xf32>
        %mul3A_350 = arith.constant 16 : i32
        %mul3A_351 = arith.muli %scan3A_65, %mul3A_350 : i32
        %add3A_352 = arith.constant 8 : i32
        %add3A_353 = arith.addi %mul3A_351, %add3A_352 : i32
        %swap3A_354 = arith.index_cast %add3A_353 : i32 to index
        %swap3A_355 = arith.constant 0 : index
        %swap3A_356 = tpu.vector_load %arg11[%swap3A_354, %swap3A_355] {strides = array<i32>} : memref<80x32xf32, #tpu.memory_space<vmem>>, vector<16xf32>,
        tpu.vector_store %arg11[%swap3A_354, %swap3A_355], %mul3A_349 {strides = array<i32>} : memref<80x32xf32, #tpu.memory_space<vmem>>, vector<16xf32>,
        %mul3A_357 = arith.constant 16 : i32
        %mul3A_358 = arith.muli %scan3A_65, %mul3A_357 : i32
        %add3A_359 = arith.constant 8 : i32
        %add3A_360 = arith.addi %mul3A_358, %add3A_359 : i32
        %get3A_361 = arith.index_cast %add3A_360 : i32 to index
        %get3A_362 = arith.constant 16 : index
        %get3A_363 = tpu.vector_load %arg11[%get3A_361, %get3A_362] {strides = array<i32>} : memref<80x32xf32, #tpu.memory_space<vmem>>, vector<16xf32>,
        %mul3A_364 = vector.broadcast %squeeze3A_340 : f32 to vector<16xf32>
        %mul3A_365 = arith.mulf %get3A_363, %mul3A_364 : vector<16xf32>
        %mul3A_366 = arith.constant 16 : i32
        %mul3A_367 = arith.muli %scan3A_65, %mul3A_366 : i32
        %add3A_368 = arith.constant 8 : i32
        %add3A_369 = arith.addi %mul3A_367, %add3A_368 : i32
        %swap3A_370 = arith.index_cast %add3A_369 : i32 to index
        %swap3A_371 = arith.constant 16 : index
        %swap3A_372 = tpu.vector_load %arg11[%swap3A_370, %swap3A_371] {strides = array<i32>} : memref<80x32xf32, #tpu.memory_space<vmem>>, vector<16xf32>,
        tpu.vector_store %arg11[%swap3A_370, %swap3A_371], %mul3A_365 {strides = array<i32>} : memref<80x32xf32, #tpu.memory_space<vmem>>, vector<16xf32>,
        %slice3A_373 = vector.extract_strided_slice %get3A_69 {offsets = [9], sizes = [1], strides = [1]} : vector<16xf32> to vector<1xf32>
        %squeeze3A_374 = vector.extract %slice3A_373[0] : f32 from vector<1xf32>
        %mul3A_375 = arith.constant 16 : i32
        %mul3A_376 = arith.muli %scan3A_65, %mul3A_375 : i32
        %add3A_377 = arith.constant 9 : i32
        %add3A_378 = arith.addi %mul3A_376, %add3A_377 : i32
        %get3A_379 = arith.index_cast %add3A_378 : i32 to index
        %get3A_380 = arith.constant 0 : index
        %get3A_381 = tpu.vector_load %arg11[%get3A_379, %get3A_380] {strides = array<i32>} : memref<80x32xf32, #tpu.memory_space<vmem>>, vector<16xf32>,
        %mul3A_382 = vector.broadcast %squeeze3A_374 : f32 to vector<16xf32>
        %mul3A_383 = arith.mulf %get3A_381, %mul3A_382 : vector<16xf32>
        %mul3A_384 = arith.constant 16 : i32
        %mul3A_385 = arith.muli %scan3A_65, %mul3A_384 : i32
        %add3A_386 = arith.constant 9 : i32
        %add3A_387 = arith.addi %mul3A_385, %add3A_386 : i32
        %swap3A_388 = arith.index_cast %add3A_387 : i32 to index
        %swap3A_389 = arith.constant 0 : index
        %swap3A_390 = tpu.vector_load %arg11[%swap3A_388, %swap3A_389] {strides = array<i32>} : memref<80x32xf32, #tpu.memory_space<vmem>>, vector<16xf32>,
        tpu.vector_store %arg11[%swap3A_388, %swap3A_389], %mul3A_383 {strides = array<i32>} : memref<80x32xf32, #tpu.memory_space<vmem>>, vector<16xf32>,
        %mul3A_391 = arith.constant 16 : i32
        %mul3A_392 = arith.muli %scan3A_65, %mul3A_391 : i32
        %add3A_393 = arith.constant 9 : i32
        %add3A_394 = arith.addi %mul3A_392, %add3A_393 : i32
        %get3A_395 = arith.index_cast %add3A_394 : i32 to index
        %get3A_396 = arith.constant 16 : index
        %get3A_397 = tpu.vector_load %arg11[%get3A_395, %get3A_396] {strides = array<i32>} : memref<80x32xf32, #tpu.memory_space<vmem>>, vector<16xf32>,
        %mul3A_398 = vector.broadcast %squeeze3A_374 : f32 to vector<16xf32>
        %mul3A_399 = arith.mulf %get3A_397, %mul3A_398 : vector<16xf32>
        %mul3A_400 = arith.constant 16 : i32
        %mul3A_401 = arith.muli %scan3A_65, %mul3A_400 : i32
        %add3A_402 = arith.constant 9 : i32
        %add3A_403 = arith.addi %mul3A_401, %add3A_402 : i32
        %swap3A_404 = arith.index_cast %add3A_403 : i32 to index
        %swap3A_405 = arith.constant 16 : index
        %swap3A_406 = tpu.vector_load %arg11[%swap3A_404, %swap3A_405] {strides = array<i32>} : memref<80x32xf32, #tpu.memory_space<vmem>>, vector<16xf32>,
        tpu.vector_store %arg11[%swap3A_404, %swap3A_405], %mul3A_399 {strides = array<i32>} : memref<80x32xf32, #tpu.memory_space<vmem>>, vector<16xf32>,
        %slice3A_407 = vector.extract_strided_slice %get3A_69 {offsets = [10], sizes = [1], strides = [1]} : vector<16xf32> to vector<1xf32>
        %squeeze3A_408 = vector.extract %slice3A_407[0] : f32 from vector<1xf32>
        %mul3A_409 = arith.constant 16 : i32
        %mul3A_410 = arith.muli %scan3A_65, %mul3A_409 : i32
        %add3A_411 = arith.constant 10 : i32
        %add3A_412 = arith.addi %mul3A_410, %add3A_411 : i32
        %get3A_413 = arith.index_cast %add3A_412 : i32 to index
        %get3A_414 = arith.constant 0 : index
        %get3A_415 = tpu.vector_load %arg11[%get3A_413, %get3A_414] {strides = array<i32>} : memref<80x32xf32, #tpu.memory_space<vmem>>, vector<16xf32>,
        %mul3A_416 = vector.broadcast %squeeze3A_408 : f32 to vector<16xf32>
        %mul3A_417 = arith.mulf %get3A_415, %mul3A_416 : vector<16xf32>
        %mul3A_418 = arith.constant 16 : i32
        %mul3A_419 = arith.muli %scan3A_65, %mul3A_418 : i32
        %add3A_420 = arith.constant 10 : i32
        %add3A_421 = arith.addi %mul3A_419, %add3A_420 : i32
        %swap3A_422 = arith.index_cast %add3A_421 : i32 to index
        %swap3A_423 = arith.constant 0 : index
        %swap3A_424 = tpu.vector_load %arg11[%swap3A_422, %swap3A_423] {strides = array<i32>} : memref<80x32xf32, #tpu.memory_space<vmem>>, vector<16xf32>,
        tpu.vector_store %arg11[%swap3A_422, %swap3A_423], %mul3A_417 {strides = array<i32>} : memref<80x32xf32, #tpu.memory_space<vmem>>, vector<16xf32>,
        %mul3A_425 = arith.constant 16 : i32
        %mul3A_426 = arith.muli %scan3A_65, %mul3A_425 : i32
        %add3A_427 = arith.constant 10 : i32
        %add3A_428 = arith.addi %mul3A_426, %add3A_427 : i32
        %get3A_429 = arith.index_cast %add3A_428 : i32 to index
        %get3A_430 = arith.constant 16 : index
        %get3A_431 = tpu.vector_load %arg11[%get3A_429, %get3A_430] {strides = array<i32>} : memref<80x32xf32, #tpu.memory_space<vmem>>, vector<16xf32>,
        %mul3A_432 = vector.broadcast %squeeze3A_408 : f32 to vector<16xf32>
        %mul3A_433 = arith.mulf %get3A_431, %mul3A_432 : vector<16xf32>
        %mul3A_434 = arith.constant 16 : i32
        %mul3A_435 = arith.muli %scan3A_65, %mul3A_434 : i32
        %add3A_436 = arith.constant 10 : i32
        %add3A_437 = arith.addi %mul3A_435, %add3A_436 : i32
        %swap3A_438 = arith.index_cast %add3A_437 : i32 to index
        %swap3A_439 = arith.constant 16 : index
        %swap3A_440 = tpu.vector_load %arg11[%swap3A_438, %swap3A_439] {strides = array<i32>} : memref<80x32xf32, #tpu.memory_space<vmem>>, vector<16xf32>,
        tpu.vector_store %arg11[%swap3A_438, %swap3A_439], %mul3A_433 {strides = array<i32>} : memref<80x32xf32, #tpu.memory_space<vmem>>, vector<16xf32>,
        %slice3A_441 = vector.extract_strided_slice %get3A_69 {offsets = [11], sizes = [1], strides = [1]} : vector<16xf32> to vector<1xf32>
        %squeeze3A_442 = vector.extract %slice3A_441[0] : f32 from vector<1xf32>
        %mul3A_443 = arith.constant 16 : i32
        %mul3A_444 = arith.muli %scan3A_65, %mul3A_443 : i32
        %add3A_445 = arith.constant 11 : i32
        %add3A_446 = arith.addi %mul3A_444, %add3A_445 : i32
        %get3A_447 = arith.index_cast %add3A_446 : i32 to index
        %get3A_448 = arith.constant 0 : index
        %get3A_449 = tpu.vector_load %arg11[%get3A_447, %get3A_448] {strides = array<i32>} : memref<80x32xf32, #tpu.memory_space<vmem>>, vector<16xf32>,
        %mul3A_450 = vector.broadcast %squeeze3A_442 : f32 to vector<16xf32>
        %mul3A_451 = arith.mulf %get3A_449, %mul3A_450 : vector<16xf32>
        %mul3A_452 = arith.constant 16 : i32
        %mul3A_453 = arith.muli %scan3A_65, %mul3A_452 : i32
        %add3A_454 = arith.constant 11 : i32
        %add3A_455 = arith.addi %mul3A_453, %add3A_454 : i32
        %swap3A_456 = arith.index_cast %add3A_455 : i32 to index
        %swap3A_457 = arith.constant 0 : index
        %swap3A_458 = tpu.vector_load %arg11[%swap3A_456, %swap3A_457] {strides = array<i32>} : memref<80x32xf32, #tpu.memory_space<vmem>>, vector<16xf32>,
        tpu.vector_store %arg11[%swap3A_456, %swap3A_457], %mul3A_451 {strides = array<i32>} : memref<80x32xf32, #tpu.memory_space<vmem>>, vector<16xf32>,
        %mul3A_459 = arith.constant 16 : i32
        %mul3A_460 = arith.muli %scan3A_65, %mul3A_459 : i32
        %add3A_461 = arith.constant 11 : i32
        %add3A_462 = arith.addi %mul3A_460, %add3A_461 : i32
        %get3A_463 = arith.index_cast %add3A_462 : i32 to index
        %get3A_464 = arith.constant 16 : index
        %get3A_465 = tpu.vector_load %arg11[%get3A_463, %get3A_464] {strides = array<i32>} : memref<80x32xf32, #tpu.memory_space<vmem>>, vector<16xf32>,
        %mul3A_466 = vector.broadcast %squeeze3A_442 : f32 to vector<16xf32>
        %mul3A_467 = arith.mulf %get3A_465, %mul3A_466 : vector<16xf32>
        %mul3A_468 = arith.constant 16 : i32
        %mul3A_469 = arith.muli %scan3A_65, %mul3A_468 : i32
        %add3A_470 = arith.constant 11 : i32
        %add3A_471 = arith.addi %mul3A_469, %add3A_470 : i32
        %swap3A_472 = arith.index_cast %add3A_471 : i32 to index
        %swap3A_473 = arith.constant 16 : index
        %swap3A_474 = tpu.vector_load %arg11[%swap3A_472, %swap3A_473] {strides = array<i32>} : memref<80x32xf32, #tpu.memory_space<vmem>>, vector<16xf32>,
        tpu.vector_store %arg11[%swap3A_472, %swap3A_473], %mul3A_467 {strides = array<i32>} : memref<80x32xf32, #tpu.memory_space<vmem>>, vector<16xf32>,
        %slice3A_475 = vector.extract_strided_slice %get3A_69 {offsets = [12], sizes = [1], strides = [1]} : vector<16xf32> to vector<1xf32>
        %squeeze3A_476 = vector.extract %slice3A_475[0] : f32 from vector<1xf32>
        %mul3A_477 = arith.constant 16 : i32
        %mul3A_478 = arith.muli %scan3A_65, %mul3A_477 : i32
        %add3A_479 = arith.constant 12 : i32
        %add3A_480 = arith.addi %mul3A_478, %add3A_479 : i32
        %get3A_481 = arith.index_cast %add3A_480 : i32 to index
        %get3A_482 = arith.constant 0 : index
        %get3A_483 = tpu.vector_load %arg11[%get3A_481, %get3A_482] {strides = array<i32>} : memref<80x32xf32, #tpu.memory_space<vmem>>, vector<16xf32>,
        %mul3A_484 = vector.broadcast %squeeze3A_476 : f32 to vector<16xf32>
        %mul3A_485 = arith.mulf %get3A_483, %mul3A_484 : vector<16xf32>
        %mul3A_486 = arith.constant 16 : i32
        %mul3A_487 = arith.muli %scan3A_65, %mul3A_486 : i32
        %add3A_488 = arith.constant 12 : i32
        %add3A_489 = arith.addi %mul3A_487, %add3A_488 : i32
        %swap3A_490 = arith.index_cast %add3A_489 : i32 to index
        %swap3A_491 = arith.constant 0 : index
        %swap3A_492 = tpu.vector_load %arg11[%swap3A_490, %swap3A_491] {strides = array<i32>} : memref<80x32xf32, #tpu.memory_space<vmem>>, vector<16xf32>,
        tpu.vector_store %arg11[%swap3A_490, %swap3A_491], %mul3A_485 {strides = array<i32>} : memref<80x32xf32, #tpu.memory_space<vmem>>, vector<16xf32>,
        %mul3A_493 = arith.constant 16 : i32
        %mul3A_494 = arith.muli %scan3A_65, %mul3A_493 : i32
        %add3A_495 = arith.constant 12 : i32
        %add3A_496 = arith.addi %mul3A_494, %add3A_495 : i32
        %get3A_497 = arith.index_cast %add3A_496 : i32 to index
        %get3A_498 = arith.constant 16 : index
        %get3A_499 = tpu.vector_load %arg11[%get3A_497, %get3A_498] {strides = array<i32>} : memref<80x32xf32, #tpu.memory_space<vmem>>, vector<16xf32>,
        %mul3A_500 = vector.broadcast %squeeze3A_476 : f32 to vector<16xf32>
        %mul3A_501 = arith.mulf %get3A_499, %mul3A_500 : vector<16xf32>
        %mul3A_502 = arith.constant 16 : i32
        %mul3A_503 = arith.muli %scan3A_65, %mul3A_502 : i32
        %add3A_504 = arith.constant 12 : i32
        %add3A_505 = arith.addi %mul3A_503, %add3A_504 : i32
        %swap3A_506 = arith.index_cast %add3A_505 : i32 to index
        %swap3A_507 = arith.constant 16 : index
        %swap3A_508 = tpu.vector_load %arg11[%swap3A_506, %swap3A_507] {strides = array<i32>} : memref<80x32xf32, #tpu.memory_space<vmem>>, vector<16xf32>,
        tpu.vector_store %arg11[%swap3A_506, %swap3A_507], %mul3A_501 {strides = array<i32>} : memref<80x32xf32, #tpu.memory_space<vmem>>, vector<16xf32>,
        %slice3A_509 = vector.extract_strided_slice %get3A_69 {offsets = [13], sizes = [1], strides = [1]} : vector<16xf32> to vector<1xf32>
        %squeeze3A_510 = vector.extract %slice3A_509[0] : f32 from vector<1xf32>
        %mul3A_511 = arith.constant 16 : i32
        %mul3A_512 = arith.muli %scan3A_65, %mul3A_511 : i32
        %add3A_513 = arith.constant 13 : i32
        %add3A_514 = arith.addi %mul3A_512, %add3A_513 : i32
        %get3A_515 = arith.index_cast %add3A_514 : i32 to index
        %get3A_516 = arith.constant 0 : index
        %get3A_517 = tpu.vector_load %arg11[%get3A_515, %get3A_516] {strides = array<i32>} : memref<80x32xf32, #tpu.memory_space<vmem>>, vector<16xf32>,
        %mul3A_518 = vector.broadcast %squeeze3A_510 : f32 to vector<16xf32>
        %mul3A_519 = arith.mulf %get3A_517, %mul3A_518 : vector<16xf32>
        %mul3A_520 = arith.constant 16 : i32
        %mul3A_521 = arith.muli %scan3A_65, %mul3A_520 : i32
        %add3A_522 = arith.constant 13 : i32
        %add3A_523 = arith.addi %mul3A_521, %add3A_522 : i32
        %swap3A_524 = arith.index_cast %add3A_523 : i32 to index
        %swap3A_525 = arith.constant 0 : index
        %swap3A_526 = tpu.vector_load %arg11[%swap3A_524, %swap3A_525] {strides = array<i32>} : memref<80x32xf32, #tpu.memory_space<vmem>>, vector<16xf32>,
        tpu.vector_store %arg11[%swap3A_524, %swap3A_525], %mul3A_519 {strides = array<i32>} : memref<80x32xf32, #tpu.memory_space<vmem>>, vector<16xf32>,
        %mul3A_527 = arith.constant 16 : i32
        %mul3A_528 = arith.muli %scan3A_65, %mul3A_527 : i32
        %add3A_529 = arith.constant 13 : i32
        %add3A_530 = arith.addi %mul3A_528, %add3A_529 : i32
        %get3A_531 = arith.index_cast %add3A_530 : i32 to index
        %get3A_532 = arith.constant 16 : index
        %get3A_533 = tpu.vector_load %arg11[%get3A_531, %get3A_532] {strides = array<i32>} : memref<80x32xf32, #tpu.memory_space<vmem>>, vector<16xf32>,
        %mul3A_534 = vector.broadcast %squeeze3A_510 : f32 to vector<16xf32>
        %mul3A_535 = arith.mulf %get3A_533, %mul3A_534 : vector<16xf32>
        %mul3A_536 = arith.constant 16 : i32
        %mul3A_537 = arith.muli %scan3A_65, %mul3A_536 : i32
        %add3A_538 = arith.constant 13 : i32
        %add3A_539 = arith.addi %mul3A_537, %add3A_538 : i32
        %swap3A_540 = arith.index_cast %add3A_539 : i32 to index
        %swap3A_541 = arith.constant 16 : index
        %swap3A_542 = tpu.vector_load %arg11[%swap3A_540, %swap3A_541] {strides = array<i32>} : memref<80x32xf32, #tpu.memory_space<vmem>>, vector<16xf32>,
        tpu.vector_store %arg11[%swap3A_540, %swap3A_541], %mul3A_535 {strides = array<i32>} : memref<80x32xf32, #tpu.memory_space<vmem>>, vector<16xf32>,
        %slice3A_543 = vector.extract_strided_slice %get3A_69 {offsets = [14], sizes = [1], strides = [1]} : vector<16xf32> to vector<1xf32>
        %squeeze3A_544 = vector.extract %slice3A_543[0] : f32 from vector<1xf32>
        %mul3A_545 = arith.constant 16 : i32
        %mul3A_546 = arith.muli %scan3A_65, %mul3A_545 : i32
        %add3A_547 = arith.constant 14 : i32
        %add3A_548 = arith.addi %mul3A_546, %add3A_547 : i32
        %get3A_549 = arith.index_cast %add3A_548 : i32 to index
        %get3A_550 = arith.constant 0 : index
        %get3A_551 = tpu.vector_load %arg11[%get3A_549, %get3A_550] {strides = array<i32>} : memref<80x32xf32, #tpu.memory_space<vmem>>, vector<16xf32>,
        %mul3A_552 = vector.broadcast %squeeze3A_544 : f32 to vector<16xf32>
        %mul3A_553 = arith.mulf %get3A_551, %mul3A_552 : vector<16xf32>
        %mul3A_554 = arith.constant 16 : i32
        %mul3A_555 = arith.muli %scan3A_65, %mul3A_554 : i32
        %add3A_556 = arith.constant 14 : i32
        %add3A_557 = arith.addi %mul3A_555, %add3A_556 : i32
        %swap3A_558 = arith.index_cast %add3A_557 : i32 to index
        %swap3A_559 = arith.constant 0 : index
        %swap3A_560 = tpu.vector_load %arg11[%swap3A_558, %swap3A_559] {strides = array<i32>} : memref<80x32xf32, #tpu.memory_space<vmem>>, vector<16xf32>,
        tpu.vector_store %arg11[%swap3A_558, %swap3A_559], %mul3A_553 {strides = array<i32>} : memref<80x32xf32, #tpu.memory_space<vmem>>, vector<16xf32>,
        %mul3A_561 = arith.constant 16 : i32
        %mul3A_562 = arith.muli %scan3A_65, %mul3A_561 : i32
        %add3A_563 = arith.constant 14 : i32
        %add3A_564 = arith.addi %mul3A_562, %add3A_563 : i32
        %get3A_565 = arith.index_cast %add3A_564 : i32 to index
        %get3A_566 = arith.constant 16 : index
        %get3A_567 = tpu.vector_load %arg11[%get3A_565, %get3A_566] {strides = array<i32>} : memref<80x32xf32, #tpu.memory_space<vmem>>, vector<16xf32>,
        %mul3A_568 = vector.broadcast %squeeze3A_544 : f32 to vector<16xf32>
        %mul3A_569 = arith.mulf %get3A_567, %mul3A_568 : vector<16xf32>
        %mul3A_570 = arith.constant 16 : i32
        %mul3A_571 = arith.muli %scan3A_65, %mul3A_570 : i32
        %add3A_572 = arith.constant 14 : i32
        %add3A_573 = arith.addi %mul3A_571, %add3A_572 : i32
        %swap3A_574 = arith.index_cast %add3A_573 : i32 to index
        %swap3A_575 = arith.constant 16 : index
        %swap3A_576 = tpu.vector_load %arg11[%swap3A_574, %swap3A_575] {strides = array<i32>} : memref<80x32xf32, #tpu.memory_space<vmem>>, vector<16xf32>,
        tpu.vector_store %arg11[%swap3A_574, %swap3A_575], %mul3A_569 {strides = array<i32>} : memref<80x32xf32, #tpu.memory_space<vmem>>, vector<16xf32>,
        %slice3A_577 = vector.extract_strided_slice %get3A_69 {offsets = [15], sizes = [1], strides = [1]} : vector<16xf32> to vector<1xf32>
        %squeeze3A_578 = vector.extract %slice3A_577[0] : f32 from vector<1xf32>
        %mul3A_579 = arith.constant 16 : i32
        %mul3A_580 = arith.muli %scan3A_65, %mul3A_579 : i32
        %add3A_581 = arith.constant 15 : i32
        %add3A_582 = arith.addi %mul3A_580, %add3A_581 : i32
        %get3A_583 = arith.index_cast %add3A_582 : i32 to index
        %get3A_584 = arith.constant 0 : index
        %get3A_585 = tpu.vector_load %arg11[%get3A_583, %get3A_584] {strides = array<i32>} : memref<80x32xf32, #tpu.memory_space<vmem>>, vector<16xf32>,
        %mul3A_586 = vector.broadcast %squeeze3A_578 : f32 to vector<16xf32>
        %mul3A_587 = arith.mulf %get3A_585, %mul3A_586 : vector<16xf32>
        %mul3A_588 = arith.constant 16 : i32
        %mul3A_589 = arith.muli %scan3A_65, %mul3A_588 : i32
        %add3A_590 = arith.constant 15 : i32
        %add3A_591 = arith.addi %mul3A_589, %add3A_590 : i32
        %swap3A_592 = arith.index_cast %add3A_591 : i32 to index
        %swap3A_593 = arith.constant 0 : index
        %swap3A_594 = tpu.vector_load %arg11[%swap3A_592, %swap3A_593] {strides = array<i32>} : memref<80x32xf32, #tpu.memory_space<vmem>>, vector<16xf32>,
        tpu.vector_store %arg11[%swap3A_592, %swap3A_593], %mul3A_587 {strides = array<i32>} : memref<80x32xf32, #tpu.memory_space<vmem>>, vector<16xf32>,
        %mul3A_595 = arith.constant 16 : i32
        %mul3A_596 = arith.muli %scan3A_65, %mul3A_595 : i32
        %add3A_597 = arith.constant 15 : i32
        %add3A_598 = arith.addi %mul3A_596, %add3A_597 : i32
        %get3A_599 = arith.index_cast %add3A_598 : i32 to index
        %get3A_600 = arith.constant 16 : index
        %get3A_601 = tpu.vector_load %arg11[%get3A_599, %get3A_600] {strides = array<i32>} : memref<80x32xf32, #tpu.memory_space<vmem>>, vector<16xf32>,
        %mul3A_602 = vector.broadcast %squeeze3A_578 : f32 to vector<16xf32>
        %mul3A_603 = arith.mulf %get3A_601, %mul3A_602 : vector<16xf32>
        %mul3A_604 = arith.constant 16 : i32
        %mul3A_605 = arith.muli %scan3A_65, %mul3A_604 : i32
        %add3A_606 = arith.constant 15 : i32
        %add3A_607 = arith.addi %mul3A_605, %add3A_606 : i32
        %swap3A_608 = arith.index_cast %add3A_607 : i32 to index
        %swap3A_609 = arith.constant 16 : index
        %swap3A_610 = tpu.vector_load %arg11[%swap3A_608, %swap3A_609] {strides = array<i32>} : memref<80x32xf32, #tpu.memory_space<vmem>>, vector<16xf32>,
        tpu.vector_store %arg11[%swap3A_608, %swap3A_609], %mul3A_603 {strides = array<i32>} : memref<80x32xf32, #tpu.memory_space<vmem>>, vector<16xf32>,
      }
      %scan3A_44 = arith.constant 5 : i32
      "tpu.region"() ({
        %run_scoped3A = tpu.sem_alloc : memref<!tpu.dma_semaphore, #tpu.memory_space<semaphore_mem>>
        %dma_start3A_65 = arith.constant 0 : i32
        %dma_start3A_66 = tpu.memref_slice %arg9[%mul3A_9, %dma_start3A_65] : memref<250x80xi32, #tpu.memory_space<vmem>> -> memref<1x80xi32, #tpu.memory_space<vmem>>
        %dma_start3A_67 = tpu.memref_squeeze %dma_start3A_66 : memref<1x80xi32, #tpu.memory_space<vmem>> -> memref<80xi32, #tpu.memory_space<vmem>>
        %dma_start3A_68 = arith.constant 0 : i32
        %dma_start3A_69 = arith.constant 0 : i32
        %dma_start3A_70 = tpu.memref_slice %arg13[%dma_start3A_68, %dma_start3A_69] : memref<10240x32xf32, #tpu.memory_space<vmem_shared>> -> memref<10240x32xf32, #tpu.memory_space<vmem_shared>>
        tpu.enqueue_indirect_dma source(%arg11 : memref<80x32xf32, #tpu.memory_space<vmem>>) target(%dma_start3A_70 : memref<10240x32xf32, #tpu.memory_space<vmem_shared>>) offsets(%dma_start3A_67 : memref<80xi32, #tpu.memory_space<vmem>>) semaphore(%run_scoped3A : memref<!tpu.dma_semaphore, #tpu.memory_space<semaphore_mem>>) {add = true}
        %dma_wait3A_71 = arith.constant 0 : i32
        %dma_wait3A_72 = tpu.memref_slice %arg9[%mul3A_9, %dma_wait3A_71] : memref<250x80xi32, #tpu.memory_space<vmem>> -> memref<1x80xi32, #tpu.memory_space<vmem>>
        %dma_wait3A_73 = tpu.memref_squeeze %dma_wait3A_72 : memref<1x80xi32, #tpu.memory_space<vmem>> -> memref<80xi32, #tpu.memory_space<vmem>>
        %dma_wait3A_74 = arith.constant 0 : i32
        %dma_wait3A_75 = arith.constant 0 : i32
        %dma_wait3A_76 = tpu.memref_slice %arg13[%dma_wait3A_74, %dma_wait3A_75] : memref<10240x32xf32, #tpu.memory_space<vmem_shared>> -> memref<10240x32xf32, #tpu.memory_space<vmem_shared>>
        tpu.wait_indirect_dma semaphore(%run_scoped3A : memref<!tpu.dma_semaphore, #tpu.memory_space<semaphore_mem>>) src(%arg11 : memref<80x32xf32, #tpu.memory_space<vmem>>) dst(%dma_wait3A_76 : memref<10240x32xf32, #tpu.memory_space<vmem_shared>>)
        tpu.yield
      }) : () -> ()
      %add3A_45 = arith.constant 1 : i32
      %add3A_46 = arith.addi %mul3A_9, %add3A_45 : i32
      %dma_wait3A_47 = arith.constant 0 : i32
      %dma_wait3A_48 = tpu.memref_slice %arg8[%add3A_46, %dma_wait3A_47] : memref<250x80xi32, #tpu.memory_space<vmem>> -> memref<1x80xi32, #tpu.memory_space<vmem>>
      %dma_wait3A_49 = tpu.memref_squeeze %dma_wait3A_48 : memref<1x80xi32, #tpu.memory_space<vmem>> -> memref<80xi32, #tpu.memory_space<vmem>>
      %dma_wait3A_50 = arith.constant 0 : i32
      %dma_wait3A_51 = arith.constant 0 : i32
      %dma_wait3A_52 = tpu.memref_slice %arg2[%arg0, %dma_wait3A_50, %dma_wait3A_51] : memref<2x10000x32xf32, #tpu.memory_space<hbm>> -> memref<1x10000x32xf32, #tpu.memory_space<hbm>>
      %dma_wait3A_53 = tpu.memref_squeeze %dma_wait3A_52 : memref<1x10000x32xf32, #tpu.memory_space<hbm>> -> memref<10000x32xf32, #tpu.memory_space<hbm>>
      %dma_wait3A_54 = arith.constant 0 : i32
      %dma_wait3A_55 = arith.constant 0 : i32
      %dma_wait3A_56 = tpu.memref_slice %dma_wait3A_53[%dma_wait3A_54, %dma_wait3A_55] : memref<10000x32xf32, #tpu.memory_space<hbm>> -> memref<10000x32xf32, #tpu.memory_space<hbm>>
      tpu.wait_indirect_dma semaphore(%arg15 : memref<!tpu.dma_semaphore, #tpu.memory_space<semaphore_mem>>) src(%dma_wait3A_56 : memref<10000x32xf32, #tpu.memory_space<hbm>>) dst(%arg12 : memref<80x32xf32, #tpu.memory_space<vmem>>)
      %add3A_57 = arith.constant 1 : i32
      %add3A_58 = arith.addi %mul3A_9, %add3A_57 : i32
      %scan3A_59 = arith.constant 0 : i32
      %scan3A_60 = arith.constant 0 : i32
      %scan3A_61 = arith.constant 5 : i32
      %scan3A_62 = arith.addi %scan3A_60, %scan3A_61 : i32
      %scan3A_63 = arith.constant 1 : i32
      scf.for %scan3A_65 = %scan3A_60 to %scan3A_62 step %scan3A_63  : i32 {
        %mul3A_66 = arith.constant 16 : i32
        %mul3A_67 = arith.muli %scan3A_65, %mul3A_66 : i32
        %get3A = arith.index_cast %add3A_58 : i32 to index
        %get3A_68 = arith.index_cast %mul3A_67 : i32 to index
        %get3A_69 = tpu.vector_load %arg10[%get3A, %get3A_68] {strides = array<i32>} : memref<250x80xf32, #tpu.memory_space<vmem>>, vector<16xf32>,
        %slice3A = vector.extract_strided_slice %get3A_69 {offsets = [0], sizes = [1], strides = [1]} : vector<16xf32> to vector<1xf32>
        %squeeze3A = vector.extract %slice3A[0] : f32 from vector<1xf32>
        %mul3A_70 = arith.constant 16 : i32
        %mul3A_71 = arith.muli %scan3A_65, %mul3A_70 : i32
        %add3A_72 = arith.constant 0 : i32
        %add3A_73 = arith.addi %mul3A_71, %add3A_72 : i32
        %get3A_74 = arith.index_cast %add3A_73 : i32 to index
        %get3A_75 = arith.constant 0 : index
        %get3A_76 = tpu.vector_load %arg12[%get3A_74, %get3A_75] {strides = array<i32>} : memref<80x32xf32, #tpu.memory_space<vmem>>, vector<16xf32>,
        %mul3A_77 = vector.broadcast %squeeze3A : f32 to vector<16xf32>
        %mul3A_78 = arith.mulf %get3A_76, %mul3A_77 : vector<16xf32>
        %mul3A_79 = arith.constant 16 : i32
        %mul3A_80 = arith.muli %scan3A_65, %mul3A_79 : i32
        %add3A_81 = arith.constant 0 : i32
        %add3A_82 = arith.addi %mul3A_80, %add3A_81 : i32
        %swap3A = arith.index_cast %add3A_82 : i32 to index
        %swap3A_83 = arith.constant 0 : index
        %swap3A_84 = tpu.vector_load %arg12[%swap3A, %swap3A_83] {strides = array<i32>} : memref<80x32xf32, #tpu.memory_space<vmem>>, vector<16xf32>,
        tpu.vector_store %arg12[%swap3A, %swap3A_83], %mul3A_78 {strides = array<i32>} : memref<80x32xf32, #tpu.memory_space<vmem>>, vector<16xf32>,
        %mul3A_85 = arith.constant 16 : i32
        %mul3A_86 = arith.muli %scan3A_65, %mul3A_85 : i32
        %add3A_87 = arith.constant 0 : i32
        %add3A_88 = arith.addi %mul3A_86, %add3A_87 : i32
        %get3A_89 = arith.index_cast %add3A_88 : i32 to index
        %get3A_90 = arith.constant 16 : index
        %get3A_91 = tpu.vector_load %arg12[%get3A_89, %get3A_90] {strides = array<i32>} : memref<80x32xf32, #tpu.memory_space<vmem>>, vector<16xf32>,
        %mul3A_92 = vector.broadcast %squeeze3A : f32 to vector<16xf32>
        %mul3A_93 = arith.mulf %get3A_91, %mul3A_92 : vector<16xf32>
        %mul3A_94 = arith.constant 16 : i32
        %mul3A_95 = arith.muli %scan3A_65, %mul3A_94 : i32
        %add3A_96 = arith.constant 0 : i32
        %add3A_97 = arith.addi %mul3A_95, %add3A_96 : i32
        %swap3A_98 = arith.index_cast %add3A_97 : i32 to index
        %swap3A_99 = arith.constant 16 : index
        %swap3A_100 = tpu.vector_load %arg12[%swap3A_98, %swap3A_99] {strides = array<i32>} : memref<80x32xf32, #tpu.memory_space<vmem>>, vector<16xf32>,
        tpu.vector_store %arg12[%swap3A_98, %swap3A_99], %mul3A_93 {strides = array<i32>} : memref<80x32xf32, #tpu.memory_space<vmem>>, vector<16xf32>,
        %slice3A_101 = vector.extract_strided_slice %get3A_69 {offsets = [1], sizes = [1], strides = [1]} : vector<16xf32> to vector<1xf32>
        %squeeze3A_102 = vector.extract %slice3A_101[0] : f32 from vector<1xf32>
        %mul3A_103 = arith.constant 16 : i32
        %mul3A_104 = arith.muli %scan3A_65, %mul3A_103 : i32
        %add3A_105 = arith.constant 1 : i32
        %add3A_106 = arith.addi %mul3A_104, %add3A_105 : i32
        %get3A_107 = arith.index_cast %add3A_106 : i32 to index
        %get3A_108 = arith.constant 0 : index
        %get3A_109 = tpu.vector_load %arg12[%get3A_107, %get3A_108] {strides = array<i32>} : memref<80x32xf32, #tpu.memory_space<vmem>>, vector<16xf32>,
        %mul3A_110 = vector.broadcast %squeeze3A_102 : f32 to vector<16xf32>
        %mul3A_111 = arith.mulf %get3A_109, %mul3A_110 : vector<16xf32>
        %mul3A_112 = arith.constant 16 : i32
        %mul3A_113 = arith.muli %scan3A_65, %mul3A_112 : i32
        %add3A_114 = arith.constant 1 : i32
        %add3A_115 = arith.addi %mul3A_113, %add3A_114 : i32
        %swap3A_116 = arith.index_cast %add3A_115 : i32 to index
        %swap3A_117 = arith.constant 0 : index
        %swap3A_118 = tpu.vector_load %arg12[%swap3A_116, %swap3A_117] {strides = array<i32>} : memref<80x32xf32, #tpu.memory_space<vmem>>, vector<16xf32>,
        tpu.vector_store %arg12[%swap3A_116, %swap3A_117], %mul3A_111 {strides = array<i32>} : memref<80x32xf32, #tpu.memory_space<vmem>>, vector<16xf32>,
        %mul3A_119 = arith.constant 16 : i32
        %mul3A_120 = arith.muli %scan3A_65, %mul3A_119 : i32
        %add3A_121 = arith.constant 1 : i32
        %add3A_122 = arith.addi %mul3A_120, %add3A_121 : i32
        %get3A_123 = arith.index_cast %add3A_122 : i32 to index
        %get3A_124 = arith.constant 16 : index
        %get3A_125 = tpu.vector_load %arg12[%get3A_123, %get3A_124] {strides = array<i32>} : memref<80x32xf32, #tpu.memory_space<vmem>>, vector<16xf32>,
        %mul3A_126 = vector.broadcast %squeeze3A_102 : f32 to vector<16xf32>
        %mul3A_127 = arith.mulf %get3A_125, %mul3A_126 : vector<16xf32>
        %mul3A_128 = arith.constant 16 : i32
        %mul3A_129 = arith.muli %scan3A_65, %mul3A_128 : i32
        %add3A_130 = arith.constant 1 : i32
        %add3A_131 = arith.addi %mul3A_129, %add3A_130 : i32
        %swap3A_132 = arith.index_cast %add3A_131 : i32 to index
        %swap3A_133 = arith.constant 16 : index
        %swap3A_134 = tpu.vector_load %arg12[%swap3A_132, %swap3A_133] {strides = array<i32>} : memref<80x32xf32, #tpu.memory_space<vmem>>, vector<16xf32>,
        tpu.vector_store %arg12[%swap3A_132, %swap3A_133], %mul3A_127 {strides = array<i32>} : memref<80x32xf32, #tpu.memory_space<vmem>>, vector<16xf32>,
        %slice3A_135 = vector.extract_strided_slice %get3A_69 {offsets = [2], sizes = [1], strides = [1]} : vector<16xf32> to vector<1xf32>
        %squeeze3A_136 = vector.extract %slice3A_135[0] : f32 from vector<1xf32>
        %mul3A_137 = arith.constant 16 : i32
        %mul3A_138 = arith.muli %scan3A_65, %mul3A_137 : i32
        %add3A_139 = arith.constant 2 : i32
        %add3A_140 = arith.addi %mul3A_138, %add3A_139 : i32
        %get3A_141 = arith.index_cast %add3A_140 : i32 to index
        %get3A_142 = arith.constant 0 : index
        %get3A_143 = tpu.vector_load %arg12[%get3A_141, %get3A_142] {strides = array<i32>} : memref<80x32xf32, #tpu.memory_space<vmem>>, vector<16xf32>,
        %mul3A_144 = vector.broadcast %squeeze3A_136 : f32 to vector<16xf32>
        %mul3A_145 = arith.mulf %get3A_143, %mul3A_144 : vector<16xf32>
        %mul3A_146 = arith.constant 16 : i32
        %mul3A_147 = arith.muli %scan3A_65, %mul3A_146 : i32
        %add3A_148 = arith.constant 2 : i32
        %add3A_149 = arith.addi %mul3A_147, %add3A_148 : i32
        %swap3A_150 = arith.index_cast %add3A_149 : i32 to index
        %swap3A_151 = arith.constant 0 : index
        %swap3A_152 = tpu.vector_load %arg12[%swap3A_150, %swap3A_151] {strides = array<i32>} : memref<80x32xf32, #tpu.memory_space<vmem>>, vector<16xf32>,
        tpu.vector_store %arg12[%swap3A_150, %swap3A_151], %mul3A_145 {strides = array<i32>} : memref<80x32xf32, #tpu.memory_space<vmem>>, vector<16xf32>,
        %mul3A_153 = arith.constant 16 : i32
        %mul3A_154 = arith.muli %scan3A_65, %mul3A_153 : i32
        %add3A_155 = arith.constant 2 : i32
        %add3A_156 = arith.addi %mul3A_154, %add3A_155 : i32
        %get3A_157 = arith.index_cast %add3A_156 : i32 to index
        %get3A_158 = arith.constant 16 : index
        %get3A_159 = tpu.vector_load %arg12[%get3A_157, %get3A_158] {strides = array<i32>} : memref<80x32xf32, #tpu.memory_space<vmem>>, vector<16xf32>,
        %mul3A_160 = vector.broadcast %squeeze3A_136 : f32 to vector<16xf32>
        %mul3A_161 = arith.mulf %get3A_159, %mul3A_160 : vector<16xf32>
        %mul3A_162 = arith.constant 16 : i32
        %mul3A_163 = arith.muli %scan3A_65, %mul3A_162 : i32
        %add3A_164 = arith.constant 2 : i32
        %add3A_165 = arith.addi %mul3A_163, %add3A_164 : i32
        %swap3A_166 = arith.index_cast %add3A_165 : i32 to index
        %swap3A_167 = arith.constant 16 : index
        %swap3A_168 = tpu.vector_load %arg12[%swap3A_166, %swap3A_167] {strides = array<i32>} : memref<80x32xf32, #tpu.memory_space<vmem>>, vector<16xf32>,
        tpu.vector_store %arg12[%swap3A_166, %swap3A_167], %mul3A_161 {strides = array<i32>} : memref<80x32xf32, #tpu.memory_space<vmem>>, vector<16xf32>,
        %slice3A_169 = vector.extract_strided_slice %get3A_69 {offsets = [3], sizes = [1], strides = [1]} : vector<16xf32> to vector<1xf32>
        %squeeze3A_170 = vector.extract %slice3A_169[0] : f32 from vector<1xf32>
        %mul3A_171 = arith.constant 16 : i32
        %mul3A_172 = arith.muli %scan3A_65, %mul3A_171 : i32
        %add3A_173 = arith.constant 3 : i32
        %add3A_174 = arith.addi %mul3A_172, %add3A_173 : i32
        %get3A_175 = arith.index_cast %add3A_174 : i32 to index
        %get3A_176 = arith.constant 0 : index
        %get3A_177 = tpu.vector_load %arg12[%get3A_175, %get3A_176] {strides = array<i32>} : memref<80x32xf32, #tpu.memory_space<vmem>>, vector<16xf32>,
        %mul3A_178 = vector.broadcast %squeeze3A_170 : f32 to vector<16xf32>
        %mul3A_179 = arith.mulf %get3A_177, %mul3A_178 : vector<16xf32>
        %mul3A_180 = arith.constant 16 : i32
        %mul3A_181 = arith.muli %scan3A_65, %mul3A_180 : i32
        %add3A_182 = arith.constant 3 : i32
        %add3A_183 = arith.addi %mul3A_181, %add3A_182 : i32
        %swap3A_184 = arith.index_cast %add3A_183 : i32 to index
        %swap3A_185 = arith.constant 0 : index
        %swap3A_186 = tpu.vector_load %arg12[%swap3A_184, %swap3A_185] {strides = array<i32>} : memref<80x32xf32, #tpu.memory_space<vmem>>, vector<16xf32>,
        tpu.vector_store %arg12[%swap3A_184, %swap3A_185], %mul3A_179 {strides = array<i32>} : memref<80x32xf32, #tpu.memory_space<vmem>>, vector<16xf32>,
        %mul3A_187 = arith.constant 16 : i32
        %mul3A_188 = arith.muli %scan3A_65, %mul3A_187 : i32
        %add3A_189 = arith.constant 3 : i32
        %add3A_190 = arith.addi %mul3A_188, %add3A_189 : i32
        %get3A_191 = arith.index_cast %add3A_190 : i32 to index
        %get3A_192 = arith.constant 16 : index
        %get3A_193 = tpu.vector_load %arg12[%get3A_191, %get3A_192] {strides = array<i32>} : memref<80x32xf32, #tpu.memory_space<vmem>>, vector<16xf32>,
        %mul3A_194 = vector.broadcast %squeeze3A_170 : f32 to vector<16xf32>
        %mul3A_195 = arith.mulf %get3A_193, %mul3A_194 : vector<16xf32>
        %mul3A_196 = arith.constant 16 : i32
        %mul3A_197 = arith.muli %scan3A_65, %mul3A_196 : i32
        %add3A_198 = arith.constant 3 : i32
        %add3A_199 = arith.addi %mul3A_197, %add3A_198 : i32
        %swap3A_200 = arith.index_cast %add3A_199 : i32 to index
        %swap3A_201 = arith.constant 16 : index
        %swap3A_202 = tpu.vector_load %arg12[%swap3A_200, %swap3A_201] {strides = array<i32>} : memref<80x32xf32, #tpu.memory_space<vmem>>, vector<16xf32>,
        tpu.vector_store %arg12[%swap3A_200, %swap3A_201], %mul3A_195 {strides = array<i32>} : memref<80x32xf32, #tpu.memory_space<vmem>>, vector<16xf32>,
        %slice3A_203 = vector.extract_strided_slice %get3A_69 {offsets = [4], sizes = [1], strides = [1]} : vector<16xf32> to vector<1xf32>
        %squeeze3A_204 = vector.extract %slice3A_203[0] : f32 from vector<1xf32>
        %mul3A_205 = arith.constant 16 : i32
        %mul3A_206 = arith.muli %scan3A_65, %mul3A_205 : i32
        %add3A_207 = arith.constant 4 : i32
        %add3A_208 = arith.addi %mul3A_206, %add3A_207 : i32
        %get3A_209 = arith.index_cast %add3A_208 : i32 to index
        %get3A_210 = arith.constant 0 : index
        %get3A_211 = tpu.vector_load %arg12[%get3A_209, %get3A_210] {strides = array<i32>} : memref<80x32xf32, #tpu.memory_space<vmem>>, vector<16xf32>,
        %mul3A_212 = vector.broadcast %squeeze3A_204 : f32 to vector<16xf32>
        %mul3A_213 = arith.mulf %get3A_211, %mul3A_212 : vector<16xf32>
        %mul3A_214 = arith.constant 16 : i32
        %mul3A_215 = arith.muli %scan3A_65, %mul3A_214 : i32
        %add3A_216 = arith.constant 4 : i32
        %add3A_217 = arith.addi %mul3A_215, %add3A_216 : i32
        %swap3A_218 = arith.index_cast %add3A_217 : i32 to index
        %swap3A_219 = arith.constant 0 : index
        %swap3A_220 = tpu.vector_load %arg12[%swap3A_218, %swap3A_219] {strides = array<i32>} : memref<80x32xf32, #tpu.memory_space<vmem>>, vector<16xf32>,
        tpu.vector_store %arg12[%swap3A_218, %swap3A_219], %mul3A_213 {strides = array<i32>} : memref<80x32xf32, #tpu.memory_space<vmem>>, vector<16xf32>,
        %mul3A_221 = arith.constant 16 : i32
        %mul3A_222 = arith.muli %scan3A_65, %mul3A_221 : i32
        %add3A_223 = arith.constant 4 : i32
        %add3A_224 = arith.addi %mul3A_222, %add3A_223 : i32
        %get3A_225 = arith.index_cast %add3A_224 : i32 to index
        %get3A_226 = arith.constant 16 : index
        %get3A_227 = tpu.vector_load %arg12[%get3A_225, %get3A_226] {strides = array<i32>} : memref<80x32xf32, #tpu.memory_space<vmem>>, vector<16xf32>,
        %mul3A_228 = vector.broadcast %squeeze3A_204 : f32 to vector<16xf32>
        %mul3A_229 = arith.mulf %get3A_227, %mul3A_228 : vector<16xf32>
        %mul3A_230 = arith.constant 16 : i32
        %mul3A_231 = arith.muli %scan3A_65, %mul3A_230 : i32
        %add3A_232 = arith.constant 4 : i32
        %add3A_233 = arith.addi %mul3A_231, %add3A_232 : i32
        %swap3A_234 = arith.index_cast %add3A_233 : i32 to index
        %swap3A_235 = arith.constant 16 : index
        %swap3A_236 = tpu.vector_load %arg12[%swap3A_234, %swap3A_235] {strides = array<i32>} : memref<80x32xf32, #tpu.memory_space<vmem>>, vector<16xf32>,
        tpu.vector_store %arg12[%swap3A_234, %swap3A_235], %mul3A_229 {strides = array<i32>} : memref<80x32xf32, #tpu.memory_space<vmem>>, vector<16xf32>,
        %slice3A_237 = vector.extract_strided_slice %get3A_69 {offsets = [5], sizes = [1], strides = [1]} : vector<16xf32> to vector<1xf32>
        %squeeze3A_238 = vector.extract %slice3A_237[0] : f32 from vector<1xf32>
        %mul3A_239 = arith.constant 16 : i32
        %mul3A_240 = arith.muli %scan3A_65, %mul3A_239 : i32
        %add3A_241 = arith.constant 5 : i32
        %add3A_242 = arith.addi %mul3A_240, %add3A_241 : i32
        %get3A_243 = arith.index_cast %add3A_242 : i32 to index
        %get3A_244 = arith.constant 0 : index
        %get3A_245 = tpu.vector_load %arg12[%get3A_243, %get3A_244] {strides = array<i32>} : memref<80x32xf32, #tpu.memory_space<vmem>>, vector<16xf32>,
        %mul3A_246 = vector.broadcast %squeeze3A_238 : f32 to vector<16xf32>
        %mul3A_247 = arith.mulf %get3A_245, %mul3A_246 : vector<16xf32>
        %mul3A_248 = arith.constant 16 : i32
        %mul3A_249 = arith.muli %scan3A_65, %mul3A_248 : i32
        %add3A_250 = arith.constant 5 : i32
        %add3A_251 = arith.addi %mul3A_249, %add3A_250 : i32
        %swap3A_252 = arith.index_cast %add3A_251 : i32 to index
        %swap3A_253 = arith.constant 0 : index
        %swap3A_254 = tpu.vector_load %arg12[%swap3A_252, %swap3A_253] {strides = array<i32>} : memref<80x32xf32, #tpu.memory_space<vmem>>, vector<16xf32>,
        tpu.vector_store %arg12[%swap3A_252, %swap3A_253], %mul3A_247 {strides = array<i32>} : memref<80x32xf32, #tpu.memory_space<vmem>>, vector<16xf32>,
        %mul3A_255 = arith.constant 16 : i32
        %mul3A_256 = arith.muli %scan3A_65, %mul3A_255 : i32
        %add3A_257 = arith.constant 5 : i32
        %add3A_258 = arith.addi %mul3A_256, %add3A_257 : i32
        %get3A_259 = arith.index_cast %add3A_258 : i32 to index
        %get3A_260 = arith.constant 16 : index
        %get3A_261 = tpu.vector_load %arg12[%get3A_259, %get3A_260] {strides = array<i32>} : memref<80x32xf32, #tpu.memory_space<vmem>>, vector<16xf32>,
        %mul3A_262 = vector.broadcast %squeeze3A_238 : f32 to vector<16xf32>
        %mul3A_263 = arith.mulf %get3A_261, %mul3A_262 : vector<16xf32>
        %mul3A_264 = arith.constant 16 : i32
        %mul3A_265 = arith.muli %scan3A_65, %mul3A_264 : i32
        %add3A_266 = arith.constant 5 : i32
        %add3A_267 = arith.addi %mul3A_265, %add3A_266 : i32
        %swap3A_268 = arith.index_cast %add3A_267 : i32 to index
        %swap3A_269 = arith.constant 16 : index
        %swap3A_270 = tpu.vector_load %arg12[%swap3A_268, %swap3A_269] {strides = array<i32>} : memref<80x32xf32, #tpu.memory_space<vmem>>, vector<16xf32>,
        tpu.vector_store %arg12[%swap3A_268, %swap3A_269], %mul3A_263 {strides = array<i32>} : memref<80x32xf32, #tpu.memory_space<vmem>>, vector<16xf32>,
        %slice3A_271 = vector.extract_strided_slice %get3A_69 {offsets = [6], sizes = [1], strides = [1]} : vector<16xf32> to vector<1xf32>
        %squeeze3A_272 = vector.extract %slice3A_271[0] : f32 from vector<1xf32>
        %mul3A_273 = arith.constant 16 : i32
        %mul3A_274 = arith.muli %scan3A_65, %mul3A_273 : i32
        %add3A_275 = arith.constant 6 : i32
        %add3A_276 = arith.addi %mul3A_274, %add3A_275 : i32
        %get3A_277 = arith.index_cast %add3A_276 : i32 to index
        %get3A_278 = arith.constant 0 : index
        %get3A_279 = tpu.vector_load %arg12[%get3A_277, %get3A_278] {strides = array<i32>} : memref<80x32xf32, #tpu.memory_space<vmem>>, vector<16xf32>,
        %mul3A_280 = vector.broadcast %squeeze3A_272 : f32 to vector<16xf32>
        %mul3A_281 = arith.mulf %get3A_279, %mul3A_280 : vector<16xf32>
        %mul3A_282 = arith.constant 16 : i32
        %mul3A_283 = arith.muli %scan3A_65, %mul3A_282 : i32
        %add3A_284 = arith.constant 6 : i32
        %add3A_285 = arith.addi %mul3A_283, %add3A_284 : i32
        %swap3A_286 = arith.index_cast %add3A_285 : i32 to index
        %swap3A_287 = arith.constant 0 : index
        %swap3A_288 = tpu.vector_load %arg12[%swap3A_286, %swap3A_287] {strides = array<i32>} : memref<80x32xf32, #tpu.memory_space<vmem>>, vector<16xf32>,
        tpu.vector_store %arg12[%swap3A_286, %swap3A_287], %mul3A_281 {strides = array<i32>} : memref<80x32xf32, #tpu.memory_space<vmem>>, vector<16xf32>,
        %mul3A_289 = arith.constant 16 : i32
        %mul3A_290 = arith.muli %scan3A_65, %mul3A_289 : i32
        %add3A_291 = arith.constant 6 : i32
        %add3A_292 = arith.addi %mul3A_290, %add3A_291 : i32
        %get3A_293 = arith.index_cast %add3A_292 : i32 to index
        %get3A_294 = arith.constant 16 : index
        %get3A_295 = tpu.vector_load %arg12[%get3A_293, %get3A_294] {strides = array<i32>} : memref<80x32xf32, #tpu.memory_space<vmem>>, vector<16xf32>,
        %mul3A_296 = vector.broadcast %squeeze3A_272 : f32 to vector<16xf32>
        %mul3A_297 = arith.mulf %get3A_295, %mul3A_296 : vector<16xf32>
        %mul3A_298 = arith.constant 16 : i32
        %mul3A_299 = arith.muli %scan3A_65, %mul3A_298 : i32
        %add3A_300 = arith.constant 6 : i32
        %add3A_301 = arith.addi %mul3A_299, %add3A_300 : i32
        %swap3A_302 = arith.index_cast %add3A_301 : i32 to index
        %swap3A_303 = arith.constant 16 : index
        %swap3A_304 = tpu.vector_load %arg12[%swap3A_302, %swap3A_303] {strides = array<i32>} : memref<80x32xf32, #tpu.memory_space<vmem>>, vector<16xf32>,
        tpu.vector_store %arg12[%swap3A_302, %swap3A_303], %mul3A_297 {strides = array<i32>} : memref<80x32xf32, #tpu.memory_space<vmem>>, vector<16xf32>,
        %slice3A_305 = vector.extract_strided_slice %get3A_69 {offsets = [7], sizes = [1], strides = [1]} : vector<16xf32> to vector<1xf32>
        %squeeze3A_306 = vector.extract %slice3A_305[0] : f32 from vector<1xf32>
        %mul3A_307 = arith.constant 16 : i32
        %mul3A_308 = arith.muli %scan3A_65, %mul3A_307 : i32
        %add3A_309 = arith.constant 7 : i32
        %add3A_310 = arith.addi %mul3A_308, %add3A_309 : i32
        %get3A_311 = arith.index_cast %add3A_310 : i32 to index
        %get3A_312 = arith.constant 0 : index
        %get3A_313 = tpu.vector_load %arg12[%get3A_311, %get3A_312] {strides = array<i32>} : memref<80x32xf32, #tpu.memory_space<vmem>>, vector<16xf32>,
        %mul3A_314 = vector.broadcast %squeeze3A_306 : f32 to vector<16xf32>
        %mul3A_315 = arith.mulf %get3A_313, %mul3A_314 : vector<16xf32>
        %mul3A_316 = arith.constant 16 : i32
        %mul3A_317 = arith.muli %scan3A_65, %mul3A_316 : i32
        %add3A_318 = arith.constant 7 : i32
        %add3A_319 = arith.addi %mul3A_317, %add3A_318 : i32
        %swap3A_320 = arith.index_cast %add3A_319 : i32 to index
        %swap3A_321 = arith.constant 0 : index
        %swap3A_322 = tpu.vector_load %arg12[%swap3A_320, %swap3A_321] {strides = array<i32>} : memref<80x32xf32, #tpu.memory_space<vmem>>, vector<16xf32>,
        tpu.vector_store %arg12[%swap3A_320, %swap3A_321], %mul3A_315 {strides = array<i32>} : memref<80x32xf32, #tpu.memory_space<vmem>>, vector<16xf32>,
        %mul3A_323 = arith.constant 16 : i32
        %mul3A_324 = arith.muli %scan3A_65, %mul3A_323 : i32
        %add3A_325 = arith.constant 7 : i32
        %add3A_326 = arith.addi %mul3A_324, %add3A_325 : i32
        %get3A_327 = arith.index_cast %add3A_326 : i32 to index
        %get3A_328 = arith.constant 16 : index
        %get3A_329 = tpu.vector_load %arg12[%get3A_327, %get3A_328] {strides = array<i32>} : memref<80x32xf32, #tpu.memory_space<vmem>>, vector<16xf32>,
        %mul3A_330 = vector.broadcast %squeeze3A_306 : f32 to vector<16xf32>
        %mul3A_331 = arith.mulf %get3A_329, %mul3A_330 : vector<16xf32>
        %mul3A_332 = arith.constant 16 : i32
        %mul3A_333 = arith.muli %scan3A_65, %mul3A_332 : i32
        %add3A_334 = arith.constant 7 : i32
        %add3A_335 = arith.addi %mul3A_333, %add3A_334 : i32
        %swap3A_336 = arith.index_cast %add3A_335 : i32 to index
        %swap3A_337 = arith.constant 16 : index
        %swap3A_338 = tpu.vector_load %arg12[%swap3A_336, %swap3A_337] {strides = array<i32>} : memref<80x32xf32, #tpu.memory_space<vmem>>, vector<16xf32>,
        tpu.vector_store %arg12[%swap3A_336, %swap3A_337], %mul3A_331 {strides = array<i32>} : memref<80x32xf32, #tpu.memory_space<vmem>>, vector<16xf32>,
        %slice3A_339 = vector.extract_strided_slice %get3A_69 {offsets = [8], sizes = [1], strides = [1]} : vector<16xf32> to vector<1xf32>
        %squeeze3A_340 = vector.extract %slice3A_339[0] : f32 from vector<1xf32>
        %mul3A_341 = arith.constant 16 : i32
        %mul3A_342 = arith.muli %scan3A_65, %mul3A_341 : i32
        %add3A_343 = arith.constant 8 : i32
        %add3A_344 = arith.addi %mul3A_342, %add3A_343 : i32
        %get3A_345 = arith.index_cast %add3A_344 : i32 to index
        %get3A_346 = arith.constant 0 : index
        %get3A_347 = tpu.vector_load %arg12[%get3A_345, %get3A_346] {strides = array<i32>} : memref<80x32xf32, #tpu.memory_space<vmem>>, vector<16xf32>,
        %mul3A_348 = vector.broadcast %squeeze3A_340 : f32 to vector<16xf32>
        %mul3A_349 = arith.mulf %get3A_347, %mul3A_348 : vector<16xf32>
        %mul3A_350 = arith.constant 16 : i32
        %mul3A_351 = arith.muli %scan3A_65, %mul3A_350 : i32
        %add3A_352 = arith.constant 8 : i32
        %add3A_353 = arith.addi %mul3A_351, %add3A_352 : i32
        %swap3A_354 = arith.index_cast %add3A_353 : i32 to index
        %swap3A_355 = arith.constant 0 : index
        %swap3A_356 = tpu.vector_load %arg12[%swap3A_354, %swap3A_355] {strides = array<i32>} : memref<80x32xf32, #tpu.memory_space<vmem>>, vector<16xf32>,
        tpu.vector_store %arg12[%swap3A_354, %swap3A_355], %mul3A_349 {strides = array<i32>} : memref<80x32xf32, #tpu.memory_space<vmem>>, vector<16xf32>,
        %mul3A_357 = arith.constant 16 : i32
        %mul3A_358 = arith.muli %scan3A_65, %mul3A_357 : i32
        %add3A_359 = arith.constant 8 : i32
        %add3A_360 = arith.addi %mul3A_358, %add3A_359 : i32
        %get3A_361 = arith.index_cast %add3A_360 : i32 to index
        %get3A_362 = arith.constant 16 : index
        %get3A_363 = tpu.vector_load %arg12[%get3A_361, %get3A_362] {strides = array<i32>} : memref<80x32xf32, #tpu.memory_space<vmem>>, vector<16xf32>,
        %mul3A_364 = vector.broadcast %squeeze3A_340 : f32 to vector<16xf32>
        %mul3A_365 = arith.mulf %get3A_363, %mul3A_364 : vector<16xf32>
        %mul3A_366 = arith.constant 16 : i32
        %mul3A_367 = arith.muli %scan3A_65, %mul3A_366 : i32
        %add3A_368 = arith.constant 8 : i32
        %add3A_369 = arith.addi %mul3A_367, %add3A_368 : i32
        %swap3A_370 = arith.index_cast %add3A_369 : i32 to index
        %swap3A_371 = arith.constant 16 : index
        %swap3A_372 = tpu.vector_load %arg12[%swap3A_370, %swap3A_371] {strides = array<i32>} : memref<80x32xf32, #tpu.memory_space<vmem>>, vector<16xf32>,
        tpu.vector_store %arg12[%swap3A_370, %swap3A_371], %mul3A_365 {strides = array<i32>} : memref<80x32xf32, #tpu.memory_space<vmem>>, vector<16xf32>,
        %slice3A_373 = vector.extract_strided_slice %get3A_69 {offsets = [9], sizes = [1], strides = [1]} : vector<16xf32> to vector<1xf32>
        %squeeze3A_374 = vector.extract %slice3A_373[0] : f32 from vector<1xf32>
        %mul3A_375 = arith.constant 16 : i32
        %mul3A_376 = arith.muli %scan3A_65, %mul3A_375 : i32
        %add3A_377 = arith.constant 9 : i32
        %add3A_378 = arith.addi %mul3A_376, %add3A_377 : i32
        %get3A_379 = arith.index_cast %add3A_378 : i32 to index
        %get3A_380 = arith.constant 0 : index
        %get3A_381 = tpu.vector_load %arg12[%get3A_379, %get3A_380] {strides = array<i32>} : memref<80x32xf32, #tpu.memory_space<vmem>>, vector<16xf32>,
        %mul3A_382 = vector.broadcast %squeeze3A_374 : f32 to vector<16xf32>
        %mul3A_383 = arith.mulf %get3A_381, %mul3A_382 : vector<16xf32>
        %mul3A_384 = arith.constant 16 : i32
        %mul3A_385 = arith.muli %scan3A_65, %mul3A_384 : i32
        %add3A_386 = arith.constant 9 : i32
        %add3A_387 = arith.addi %mul3A_385, %add3A_386 : i32
        %swap3A_388 = arith.index_cast %add3A_387 : i32 to index
        %swap3A_389 = arith.constant 0 : index
        %swap3A_390 = tpu.vector_load %arg12[%swap3A_388, %swap3A_389] {strides = array<i32>} : memref<80x32xf32, #tpu.memory_space<vmem>>, vector<16xf32>,
        tpu.vector_store %arg12[%swap3A_388, %swap3A_389], %mul3A_383 {strides = array<i32>} : memref<80x32xf32, #tpu.memory_space<vmem>>, vector<16xf32>,
        %mul3A_391 = arith.constant 16 : i32
        %mul3A_392 = arith.muli %scan3A_65, %mul3A_391 : i32
        %add3A_393 = arith.constant 9 : i32
        %add3A_394 = arith.addi %mul3A_392, %add3A_393 : i32
        %get3A_395 = arith.index_cast %add3A_394 : i32 to index
        %get3A_396 = arith.constant 16 : index
        %get3A_397 = tpu.vector_load %arg12[%get3A_395, %get3A_396] {strides = array<i32>} : memref<80x32xf32, #tpu.memory_space<vmem>>, vector<16xf32>,
        %mul3A_398 = vector.broadcast %squeeze3A_374 : f32 to vector<16xf32>
        %mul3A_399 = arith.mulf %get3A_397, %mul3A_398 : vector<16xf32>
        %mul3A_400 = arith.constant 16 : i32
        %mul3A_401 = arith.muli %scan3A_65, %mul3A_400 : i32
        %add3A_402 = arith.constant 9 : i32
        %add3A_403 = arith.addi %mul3A_401, %add3A_402 : i32
        %swap3A_404 = arith.index_cast %add3A_403 : i32 to index
        %swap3A_405 = arith.constant 16 : index
        %swap3A_406 = tpu.vector_load %arg12[%swap3A_404, %swap3A_405] {strides = array<i32>} : memref<80x32xf32, #tpu.memory_space<vmem>>, vector<16xf32>,
        tpu.vector_store %arg12[%swap3A_404, %swap3A_405], %mul3A_399 {strides = array<i32>} : memref<80x32xf32, #tpu.memory_space<vmem>>, vector<16xf32>,
        %slice3A_407 = vector.extract_strided_slice %get3A_69 {offsets = [10], sizes = [1], strides = [1]} : vector<16xf32> to vector<1xf32>
        %squeeze3A_408 = vector.extract %slice3A_407[0] : f32 from vector<1xf32>
        %mul3A_409 = arith.constant 16 : i32
        %mul3A_410 = arith.muli %scan3A_65, %mul3A_409 : i32
        %add3A_411 = arith.constant 10 : i32
        %add3A_412 = arith.addi %mul3A_410, %add3A_411 : i32
        %get3A_413 = arith.index_cast %add3A_412 : i32 to index
        %get3A_414 = arith.constant 0 : index
        %get3A_415 = tpu.vector_load %arg12[%get3A_413, %get3A_414] {strides = array<i32>} : memref<80x32xf32, #tpu.memory_space<vmem>>, vector<16xf32>,
        %mul3A_416 = vector.broadcast %squeeze3A_408 : f32 to vector<16xf32>
        %mul3A_417 = arith.mulf %get3A_415, %mul3A_416 : vector<16xf32>
        %mul3A_418 = arith.constant 16 : i32
        %mul3A_419 = arith.muli %scan3A_65, %mul3A_418 : i32
        %add3A_420 = arith.constant 10 : i32
        %add3A_421 = arith.addi %mul3A_419, %add3A_420 : i32
        %swap3A_422 = arith.index_cast %add3A_421 : i32 to index
        %swap3A_423 = arith.constant 0 : index
        %swap3A_424 = tpu.vector_load %arg12[%swap3A_422, %swap3A_423] {strides = array<i32>} : memref<80x32xf32, #tpu.memory_space<vmem>>, vector<16xf32>,
        tpu.vector_store %arg12[%swap3A_422, %swap3A_423], %mul3A_417 {strides = array<i32>} : memref<80x32xf32, #tpu.memory_space<vmem>>, vector<16xf32>,
        %mul3A_425 = arith.constant 16 : i32
        %mul3A_426 = arith.muli %scan3A_65, %mul3A_425 : i32
        %add3A_427 = arith.constant 10 : i32
        %add3A_428 = arith.addi %mul3A_426, %add3A_427 : i32
        %get3A_429 = arith.index_cast %add3A_428 : i32 to index
        %get3A_430 = arith.constant 16 : index
        %get3A_431 = tpu.vector_load %arg12[%get3A_429, %get3A_430] {strides = array<i32>} : memref<80x32xf32, #tpu.memory_space<vmem>>, vector<16xf32>,
        %mul3A_432 = vector.broadcast %squeeze3A_408 : f32 to vector<16xf32>
        %mul3A_433 = arith.mulf %get3A_431, %mul3A_432 : vector<16xf32>
        %mul3A_434 = arith.constant 16 : i32
        %mul3A_435 = arith.muli %scan3A_65, %mul3A_434 : i32
        %add3A_436 = arith.constant 10 : i32
        %add3A_437 = arith.addi %mul3A_435, %add3A_436 : i32
        %swap3A_438 = arith.index_cast %add3A_437 : i32 to index
        %swap3A_439 = arith.constant 16 : index
        %swap3A_440 = tpu.vector_load %arg12[%swap3A_438, %swap3A_439] {strides = array<i32>} : memref<80x32xf32, #tpu.memory_space<vmem>>, vector<16xf32>,
        tpu.vector_store %arg12[%swap3A_438, %swap3A_439], %mul3A_433 {strides = array<i32>} : memref<80x32xf32, #tpu.memory_space<vmem>>, vector<16xf32>,
        %slice3A_441 = vector.extract_strided_slice %get3A_69 {offsets = [11], sizes = [1], strides = [1]} : vector<16xf32> to vector<1xf32>
        %squeeze3A_442 = vector.extract %slice3A_441[0] : f32 from vector<1xf32>
        %mul3A_443 = arith.constant 16 : i32
        %mul3A_444 = arith.muli %scan3A_65, %mul3A_443 : i32
        %add3A_445 = arith.constant 11 : i32
        %add3A_446 = arith.addi %mul3A_444, %add3A_445 : i32
        %get3A_447 = arith.index_cast %add3A_446 : i32 to index
        %get3A_448 = arith.constant 0 : index
        %get3A_449 = tpu.vector_load %arg12[%get3A_447, %get3A_448] {strides = array<i32>} : memref<80x32xf32, #tpu.memory_space<vmem>>, vector<16xf32>,
        %mul3A_450 = vector.broadcast %squeeze3A_442 : f32 to vector<16xf32>
        %mul3A_451 = arith.mulf %get3A_449, %mul3A_450 : vector<16xf32>
        %mul3A_452 = arith.constant 16 : i32
        %mul3A_453 = arith.muli %scan3A_65, %mul3A_452 : i32
        %add3A_454 = arith.constant 11 : i32
        %add3A_455 = arith.addi %mul3A_453, %add3A_454 : i32
        %swap3A_456 = arith.index_cast %add3A_455 : i32 to index
        %swap3A_457 = arith.constant 0 : index
        %swap3A_458 = tpu.vector_load %arg12[%swap3A_456, %swap3A_457] {strides = array<i32>} : memref<80x32xf32, #tpu.memory_space<vmem>>, vector<16xf32>,
        tpu.vector_store %arg12[%swap3A_456, %swap3A_457], %mul3A_451 {strides = array<i32>} : memref<80x32xf32, #tpu.memory_space<vmem>>, vector<16xf32>,
        %mul3A_459 = arith.constant 16 : i32
        %mul3A_460 = arith.muli %scan3A_65, %mul3A_459 : i32
        %add3A_461 = arith.constant 11 : i32
        %add3A_462 = arith.addi %mul3A_460, %add3A_461 : i32
        %get3A_463 = arith.index_cast %add3A_462 : i32 to index
        %get3A_464 = arith.constant 16 : index
        %get3A_465 = tpu.vector_load %arg12[%get3A_463, %get3A_464] {strides = array<i32>} : memref<80x32xf32, #tpu.memory_space<vmem>>, vector<16xf32>,
        %mul3A_466 = vector.broadcast %squeeze3A_442 : f32 to vector<16xf32>
        %mul3A_467 = arith.mulf %get3A_465, %mul3A_466 : vector<16xf32>
        %mul3A_468 = arith.constant 16 : i32
        %mul3A_469 = arith.muli %scan3A_65, %mul3A_468 : i32
        %add3A_470 = arith.constant 11 : i32
        %add3A_471 = arith.addi %mul3A_469, %add3A_470 : i32
        %swap3A_472 = arith.index_cast %add3A_471 : i32 to index
        %swap3A_473 = arith.constant 16 : index
        %swap3A_474 = tpu.vector_load %arg12[%swap3A_472, %swap3A_473] {strides = array<i32>} : memref<80x32xf32, #tpu.memory_space<vmem>>, vector<16xf32>,
        tpu.vector_store %arg12[%swap3A_472, %swap3A_473], %mul3A_467 {strides = array<i32>} : memref<80x32xf32, #tpu.memory_space<vmem>>, vector<16xf32>,
        %slice3A_475 = vector.extract_strided_slice %get3A_69 {offsets = [12], sizes = [1], strides = [1]} : vector<16xf32> to vector<1xf32>
        %squeeze3A_476 = vector.extract %slice3A_475[0] : f32 from vector<1xf32>
        %mul3A_477 = arith.constant 16 : i32
        %mul3A_478 = arith.muli %scan3A_65, %mul3A_477 : i32
        %add3A_479 = arith.constant 12 : i32
        %add3A_480 = arith.addi %mul3A_478, %add3A_479 : i32
        %get3A_481 = arith.index_cast %add3A_480 : i32 to index
        %get3A_482 = arith.constant 0 : index
        %get3A_483 = tpu.vector_load %arg12[%get3A_481, %get3A_482] {strides = array<i32>} : memref<80x32xf32, #tpu.memory_space<vmem>>, vector<16xf32>,
        %mul3A_484 = vector.broadcast %squeeze3A_476 : f32 to vector<16xf32>
        %mul3A_485 = arith.mulf %get3A_483, %mul3A_484 : vector<16xf32>
        %mul3A_486 = arith.constant 16 : i32
        %mul3A_487 = arith.muli %scan3A_65, %mul3A_486 : i32
        %add3A_488 = arith.constant 12 : i32
        %add3A_489 = arith.addi %mul3A_487, %add3A_488 : i32
        %swap3A_490 = arith.index_cast %add3A_489 : i32 to index
        %swap3A_491 = arith.constant 0 : index
        %swap3A_492 = tpu.vector_load %arg12[%swap3A_490, %swap3A_491] {strides = array<i32>} : memref<80x32xf32, #tpu.memory_space<vmem>>, vector<16xf32>,
        tpu.vector_store %arg12[%swap3A_490, %swap3A_491], %mul3A_485 {strides = array<i32>} : memref<80x32xf32, #tpu.memory_space<vmem>>, vector<16xf32>,
        %mul3A_493 = arith.constant 16 : i32
        %mul3A_494 = arith.muli %scan3A_65, %mul3A_493 : i32
        %add3A_495 = arith.constant 12 : i32
        %add3A_496 = arith.addi %mul3A_494, %add3A_495 : i32
        %get3A_497 = arith.index_cast %add3A_496 : i32 to index
        %get3A_498 = arith.constant 16 : index
        %get3A_499 = tpu.vector_load %arg12[%get3A_497, %get3A_498] {strides = array<i32>} : memref<80x32xf32, #tpu.memory_space<vmem>>, vector<16xf32>,
        %mul3A_500 = vector.broadcast %squeeze3A_476 : f32 to vector<16xf32>
        %mul3A_501 = arith.mulf %get3A_499, %mul3A_500 : vector<16xf32>
        %mul3A_502 = arith.constant 16 : i32
        %mul3A_503 = arith.muli %scan3A_65, %mul3A_502 : i32
        %add3A_504 = arith.constant 12 : i32
        %add3A_505 = arith.addi %mul3A_503, %add3A_504 : i32
        %swap3A_506 = arith.index_cast %add3A_505 : i32 to index
        %swap3A_507 = arith.constant 16 : index
        %swap3A_508 = tpu.vector_load %arg12[%swap3A_506, %swap3A_507] {strides = array<i32>} : memref<80x32xf32, #tpu.memory_space<vmem>>, vector<16xf32>,
        tpu.vector_store %arg12[%swap3A_506, %swap3A_507], %mul3A_501 {strides = array<i32>} : memref<80x32xf32, #tpu.memory_space<vmem>>, vector<16xf32>,
        %slice3A_509 = vector.extract_strided_slice %get3A_69 {offsets = [13], sizes = [1], strides = [1]} : vector<16xf32> to vector<1xf32>
        %squeeze3A_510 = vector.extract %slice3A_509[0] : f32 from vector<1xf32>
        %mul3A_511 = arith.constant 16 : i32
        %mul3A_512 = arith.muli %scan3A_65, %mul3A_511 : i32
        %add3A_513 = arith.constant 13 : i32
        %add3A_514 = arith.addi %mul3A_512, %add3A_513 : i32
        %get3A_515 = arith.index_cast %add3A_514 : i32 to index
        %get3A_516 = arith.constant 0 : index
        %get3A_517 = tpu.vector_load %arg12[%get3A_515, %get3A_516] {strides = array<i32>} : memref<80x32xf32, #tpu.memory_space<vmem>>, vector<16xf32>,
        %mul3A_518 = vector.broadcast %squeeze3A_510 : f32 to vector<16xf32>
        %mul3A_519 = arith.mulf %get3A_517, %mul3A_518 : vector<16xf32>
        %mul3A_520 = arith.constant 16 : i32
        %mul3A_521 = arith.muli %scan3A_65, %mul3A_520 : i32
        %add3A_522 = arith.constant 13 : i32
        %add3A_523 = arith.addi %mul3A_521, %add3A_522 : i32
        %swap3A_524 = arith.index_cast %add3A_523 : i32 to index
        %swap3A_525 = arith.constant 0 : index
        %swap3A_526 = tpu.vector_load %arg12[%swap3A_524, %swap3A_525] {strides = array<i32>} : memref<80x32xf32, #tpu.memory_space<vmem>>, vector<16xf32>,
        tpu.vector_store %arg12[%swap3A_524, %swap3A_525], %mul3A_519 {strides = array<i32>} : memref<80x32xf32, #tpu.memory_space<vmem>>, vector<16xf32>,
        %mul3A_527 = arith.constant 16 : i32
        %mul3A_528 = arith.muli %scan3A_65, %mul3A_527 : i32
        %add3A_529 = arith.constant 13 : i32
        %add3A_530 = arith.addi %mul3A_528, %add3A_529 : i32
        %get3A_531 = arith.index_cast %add3A_530 : i32 to index
        %get3A_532 = arith.constant 16 : index
        %get3A_533 = tpu.vector_load %arg12[%get3A_531, %get3A_532] {strides = array<i32>} : memref<80x32xf32, #tpu.memory_space<vmem>>, vector<16xf32>,
        %mul3A_534 = vector.broadcast %squeeze3A_510 : f32 to vector<16xf32>
        %mul3A_535 = arith.mulf %get3A_533, %mul3A_534 : vector<16xf32>
        %mul3A_536 = arith.constant 16 : i32
        %mul3A_537 = arith.muli %scan3A_65, %mul3A_536 : i32
        %add3A_538 = arith.constant 13 : i32
        %add3A_539 = arith.addi %mul3A_537, %add3A_538 : i32
        %swap3A_540 = arith.index_cast %add3A_539 : i32 to index
        %swap3A_541 = arith.constant 16 : index
        %swap3A_542 = tpu.vector_load %arg12[%swap3A_540, %swap3A_541] {strides = array<i32>} : memref<80x32xf32, #tpu.memory_space<vmem>>, vector<16xf32>,
        tpu.vector_store %arg12[%swap3A_540, %swap3A_541], %mul3A_535 {strides = array<i32>} : memref<80x32xf32, #tpu.memory_space<vmem>>, vector<16xf32>,
        %slice3A_543 = vector.extract_strided_slice %get3A_69 {offsets = [14], sizes = [1], strides = [1]} : vector<16xf32> to vector<1xf32>
        %squeeze3A_544 = vector.extract %slice3A_543[0] : f32 from vector<1xf32>
        %mul3A_545 = arith.constant 16 : i32
        %mul3A_546 = arith.muli %scan3A_65, %mul3A_545 : i32
        %add3A_547 = arith.constant 14 : i32
        %add3A_548 = arith.addi %mul3A_546, %add3A_547 : i32
        %get3A_549 = arith.index_cast %add3A_548 : i32 to index
        %get3A_550 = arith.constant 0 : index
        %get3A_551 = tpu.vector_load %arg12[%get3A_549, %get3A_550] {strides = array<i32>} : memref<80x32xf32, #tpu.memory_space<vmem>>, vector<16xf32>,
        %mul3A_552 = vector.broadcast %squeeze3A_544 : f32 to vector<16xf32>
        %mul3A_553 = arith.mulf %get3A_551, %mul3A_552 : vector<16xf32>
        %mul3A_554 = arith.constant 16 : i32
        %mul3A_555 = arith.muli %scan3A_65, %mul3A_554 : i32
        %add3A_556 = arith.constant 14 : i32
        %add3A_557 = arith.addi %mul3A_555, %add3A_556 : i32
        %swap3A_558 = arith.index_cast %add3A_557 : i32 to index
        %swap3A_559 = arith.constant 0 : index
        %swap3A_560 = tpu.vector_load %arg12[%swap3A_558, %swap3A_559] {strides = array<i32>} : memref<80x32xf32, #tpu.memory_space<vmem>>, vector<16xf32>,
        tpu.vector_store %arg12[%swap3A_558, %swap3A_559], %mul3A_553 {strides = array<i32>} : memref<80x32xf32, #tpu.memory_space<vmem>>, vector<16xf32>,
        %mul3A_561 = arith.constant 16 : i32
        %mul3A_562 = arith.muli %scan3A_65, %mul3A_561 : i32
        %add3A_563 = arith.constant 14 : i32
        %add3A_564 = arith.addi %mul3A_562, %add3A_563 : i32
        %get3A_565 = arith.index_cast %add3A_564 : i32 to index
        %get3A_566 = arith.constant 16 : index
        %get3A_567 = tpu.vector_load %arg12[%get3A_565, %get3A_566] {strides = array<i32>} : memref<80x32xf32, #tpu.memory_space<vmem>>, vector<16xf32>,
        %mul3A_568 = vector.broadcast %squeeze3A_544 : f32 to vector<16xf32>
        %mul3A_569 = arith.mulf %get3A_567, %mul3A_568 : vector<16xf32>
        %mul3A_570 = arith.constant 16 : i32
        %mul3A_571 = arith.muli %scan3A_65, %mul3A_570 : i32
        %add3A_572 = arith.constant 14 : i32
        %add3A_573 = arith.addi %mul3A_571, %add3A_572 : i32
        %swap3A_574 = arith.index_cast %add3A_573 : i32 to index
        %swap3A_575 = arith.constant 16 : index
        %swap3A_576 = tpu.vector_load %arg12[%swap3A_574, %swap3A_575] {strides = array<i32>} : memref<80x32xf32, #tpu.memory_space<vmem>>, vector<16xf32>,
        tpu.vector_store %arg12[%swap3A_574, %swap3A_575], %mul3A_569 {strides = array<i32>} : memref<80x32xf32, #tpu.memory_space<vmem>>, vector<16xf32>,
        %slice3A_577 = vector.extract_strided_slice %get3A_69 {offsets = [15], sizes = [1], strides = [1]} : vector<16xf32> to vector<1xf32>
        %squeeze3A_578 = vector.extract %slice3A_577[0] : f32 from vector<1xf32>
        %mul3A_579 = arith.constant 16 : i32
        %mul3A_580 = arith.muli %scan3A_65, %mul3A_579 : i32
        %add3A_581 = arith.constant 15 : i32
        %add3A_582 = arith.addi %mul3A_580, %add3A_581 : i32
        %get3A_583 = arith.index_cast %add3A_582 : i32 to index
        %get3A_584 = arith.constant 0 : index
        %get3A_585 = tpu.vector_load %arg12[%get3A_583, %get3A_584] {strides = array<i32>} : memref<80x32xf32, #tpu.memory_space<vmem>>, vector<16xf32>,
        %mul3A_586 = vector.broadcast %squeeze3A_578 : f32 to vector<16xf32>
        %mul3A_587 = arith.mulf %get3A_585, %mul3A_586 : vector<16xf32>
        %mul3A_588 = arith.constant 16 : i32
        %mul3A_589 = arith.muli %scan3A_65, %mul3A_588 : i32
        %add3A_590 = arith.constant 15 : i32
        %add3A_591 = arith.addi %mul3A_589, %add3A_590 : i32
        %swap3A_592 = arith.index_cast %add3A_591 : i32 to index
        %swap3A_593 = arith.constant 0 : index
        %swap3A_594 = tpu.vector_load %arg12[%swap3A_592, %swap3A_593] {strides = array<i32>} : memref<80x32xf32, #tpu.memory_space<vmem>>, vector<16xf32>,
        tpu.vector_store %arg12[%swap3A_592, %swap3A_593], %mul3A_587 {strides = array<i32>} : memref<80x32xf32, #tpu.memory_space<vmem>>, vector<16xf32>,
        %mul3A_595 = arith.constant 16 : i32
        %mul3A_596 = arith.muli %scan3A_65, %mul3A_595 : i32
        %add3A_597 = arith.constant 15 : i32
        %add3A_598 = arith.addi %mul3A_596, %add3A_597 : i32
        %get3A_599 = arith.index_cast %add3A_598 : i32 to index
        %get3A_600 = arith.constant 16 : index
        %get3A_601 = tpu.vector_load %arg12[%get3A_599, %get3A_600] {strides = array<i32>} : memref<80x32xf32, #tpu.memory_space<vmem>>, vector<16xf32>,
        %mul3A_602 = vector.broadcast %squeeze3A_578 : f32 to vector<16xf32>
        %mul3A_603 = arith.mulf %get3A_601, %mul3A_602 : vector<16xf32>
        %mul3A_604 = arith.constant 16 : i32
        %mul3A_605 = arith.muli %scan3A_65, %mul3A_604 : i32
        %add3A_606 = arith.constant 15 : i32
        %add3A_607 = arith.addi %mul3A_605, %add3A_606 : i32
        %swap3A_608 = arith.index_cast %add3A_607 : i32 to index
        %swap3A_609 = arith.constant 16 : index
        %swap3A_610 = tpu.vector_load %arg12[%swap3A_608, %swap3A_609] {strides = array<i32>} : memref<80x32xf32, #tpu.memory_space<vmem>>, vector<16xf32>,
        tpu.vector_store %arg12[%swap3A_608, %swap3A_609], %mul3A_603 {strides = array<i32>} : memref<80x32xf32, #tpu.memory_space<vmem>>, vector<16xf32>,
      }
      %scan3A_64 = arith.constant 5 : i32
      "tpu.region"() ({
        %run_scoped3A = tpu.sem_alloc : memref<!tpu.dma_semaphore, #tpu.memory_space<semaphore_mem>>
        %dma_start3A_65 = arith.constant 0 : i32
        %dma_start3A_66 = tpu.memref_slice %arg9[%add3A_58, %dma_start3A_65] : memref<250x80xi32, #tpu.memory_space<vmem>> -> memref<1x80xi32, #tpu.memory_space<vmem>>
        %dma_start3A_67 = tpu.memref_squeeze %dma_start3A_66 : memref<1x80xi32, #tpu.memory_space<vmem>> -> memref<80xi32, #tpu.memory_space<vmem>>
        %dma_start3A_68 = arith.constant 0 : i32
        %dma_start3A_69 = arith.constant 0 : i32
        %dma_start3A_70 = tpu.memref_slice %arg13[%dma_start3A_68, %dma_start3A_69] : memref<10240x32xf32, #tpu.memory_space<vmem_shared>> -> memref<10240x32xf32, #tpu.memory_space<vmem_shared>>
        tpu.enqueue_indirect_dma source(%arg12 : memref<80x32xf32, #tpu.memory_space<vmem>>) target(%dma_start3A_70 : memref<10240x32xf32, #tpu.memory_space<vmem_shared>>) offsets(%dma_start3A_67 : memref<80xi32, #tpu.memory_space<vmem>>) semaphore(%run_scoped3A : memref<!tpu.dma_semaphore, #tpu.memory_space<semaphore_mem>>) {add = true}
        %dma_wait3A_71 = arith.constant 0 : i32
        %dma_wait3A_72 = tpu.memref_slice %arg9[%add3A_58, %dma_wait3A_71] : memref<250x80xi32, #tpu.memory_space<vmem>> -> memref<1x80xi32, #tpu.memory_space<vmem>>
        %dma_wait3A_73 = tpu.memref_squeeze %dma_wait3A_72 : memref<1x80xi32, #tpu.memory_space<vmem>> -> memref<80xi32, #tpu.memory_space<vmem>>
        %dma_wait3A_74 = arith.constant 0 : i32
        %dma_wait3A_75 = arith.constant 0 : i32
        %dma_wait3A_76 = tpu.memref_slice %arg13[%dma_wait3A_74, %dma_wait3A_75] : memref<10240x32xf32, #tpu.memory_space<vmem_shared>> -> memref<10240x32xf32, #tpu.memory_space<vmem_shared>>
        tpu.wait_indirect_dma semaphore(%run_scoped3A : memref<!tpu.dma_semaphore, #tpu.memory_space<semaphore_mem>>) src(%arg12 : memref<80x32xf32, #tpu.memory_space<vmem>>) dst(%dma_wait3A_76 : memref<10240x32xf32, #tpu.memory_space<vmem_shared>>)
        tpu.yield
      }) : () -> ()
    }
    %scan3A_5 = arith.constant 125 : i32
    %barrier3A_6 = arith.constant 0 : index
    tpu.barrier barrier_id(%barrier3A_6)
    "tpu.region"() ({
      %run_scoped3A = tpu.sem_alloc : memref<!tpu.dma_semaphore, #tpu.memory_space<semaphore_mem>>
      %dma_start3A = arith.constant 0 : i32
      %dma_start3A_7 = tpu.memref_slice %arg7[%arg0, %multiple_of3A, %dma_start3A] : memref<2x10240x32xf32, #tpu.memory_space<hbm>> -> memref<1x640x32xf32, #tpu.memory_space<hbm>>
      %dma_start3A_8 = tpu.memref_squeeze %dma_start3A_7 : memref<1x640x32xf32, #tpu.memory_space<hbm>> -> memref<640x32xf32, #tpu.memory_space<hbm>>
      %dma_start3A_9 = arith.constant 0 : i32
      %dma_start3A_10 = tpu.memref_slice %arg13[%multiple_of3A, %dma_start3A_9] : memref<10240x32xf32, #tpu.memory_space<vmem_shared>> -> memref<640x32xf32, #tpu.memory_space<vmem_shared>>
      tpu.enqueue_dma source(%dma_start3A_10 : memref<640x32xf32, #tpu.memory_space<vmem_shared>>) target(%dma_start3A_8 : memref<640x32xf32, #tpu.memory_space<hbm>>) target_semaphore(%run_scoped3A : memref<!tpu.dma_semaphore, #tpu.memory_space<semaphore_mem>>)
      %dma_wait3A = arith.constant 0 : i32
      %dma_wait3A_11 = tpu.memref_slice %arg7[%arg0, %multiple_of3A, %dma_wait3A] : memref<2x10240x32xf32, #tpu.memory_space<hbm>> -> memref<1x640x32xf32, #tpu.memory_space<hbm>>
      %dma_wait3A_12 = tpu.memref_squeeze %dma_wait3A_11 : memref<1x640x32xf32, #tpu.memory_space<hbm>> -> memref<640x32xf32, #tpu.memory_space<hbm>>
      %dma_wait3A_13 = arith.constant 0 : i32
      %dma_wait3A_14 = tpu.memref_slice %arg13[%multiple_of3A, %dma_wait3A_13] : memref<10240x32xf32, #tpu.memory_space<vmem_shared>> -> memref<640x32xf32, #tpu.memory_space<vmem_shared>>
      tpu.wait_dma2 semaphore(%run_scoped3A : memref<!tpu.dma_semaphore, #tpu.memory_space<semaphore_mem>>) src(%dma_wait3A_14 : memref<640x32xf32, #tpu.memory_space<vmem_shared>>) dst(%dma_wait3A_12 : memref<640x32xf32, #tpu.memory_space<hbm>>)
      tpu.yield
    }) : () -> ()
    return
  }
}

#map = affine_map<(d0, d1) -> (0, 0, 0)>
#map1 = affine_map<(d0, d1) -> (0, 0)>
module attributes {stable_mosaic.version = 14 : i64} {
  func.func @body(%arg0: i32, %arg1: i32, %arg2: memref<2x10000x64xf32, #tpu.memory_space<hbm>>, %arg3: memref<16x250x80xi32, #tpu.memory_space<hbm>>, %arg4: memref<16x250x80xi32, #tpu.memory_space<hbm>>, %arg5: memref<16x250x80xf32, #tpu.memory_space<hbm>>, %arg6: memref<640x64xf32, #tpu.memory_space<hbm>>, %arg7: memref<2x10240x64xf32, #tpu.memory_space<hbm>>, %arg8: memref<250x80xi32, #tpu.memory_space<vmem>>, %arg9: memref<250x80xi32, #tpu.memory_space<vmem>>, %arg10: memref<250x80xf32, #tpu.memory_space<vmem>>, %arg11: memref<80x64xf32, #tpu.memory_space<vmem>>, %arg12: memref<80x64xf32, #tpu.memory_space<vmem>>, %arg13: memref<10240x64xf32, #tpu.memory_space<vmem_shared>>, %arg14: memref<!tpu.dma_semaphore, #tpu.memory_space<semaphore_mem>>, %arg15: memref<!tpu.dma_semaphore, #tpu.memory_space<semaphore_mem>>) attributes {dimension_semantics = [#tpu.dimension_semantics<core_parallel>, #tpu.dimension_semantics<subcore_parallel>], iteration_bounds = array<i64: 2, 16>, scalar_prefetch = 0 : i64, scratch_operands = 8 : i64, tpu.core_type = #tpu.core_type<sc_vector_subcore>, window_params = [{transform_indices = #map}, {transform_indices = #map}, {transform_indices = #map}, {transform_indices = #map}, {transform_indices = #map1}, {transform_indices = #map}]} {
    "tpu.region"() ({
      %run_scoped3A = tpu.sem_alloc : memref<!tpu.dma_semaphore, #tpu.memory_space<semaphore_mem>>
      %dma_start3A = arith.constant 0 : i32
      %dma_start3A_7 = arith.constant 0 : i32
      %dma_start3A_8 = tpu.memref_slice %arg3[%arg1, %dma_start3A, %dma_start3A_7] : memref<16x250x80xi32, #tpu.memory_space<hbm>> -> memref<1x250x80xi32, #tpu.memory_space<hbm>>
      %dma_start3A_9 = tpu.memref_squeeze %dma_start3A_8 : memref<1x250x80xi32, #tpu.memory_space<hbm>> -> memref<250x80xi32, #tpu.memory_space<hbm>>
      %dma_start3A_10 = arith.constant 0 : i32
      %dma_start3A_11 = arith.constant 0 : i32
      %dma_start3A_12 = tpu.memref_slice %arg3[%arg1, %dma_start3A_10, %dma_start3A_11] : memref<16x250x80xi32, #tpu.memory_space<hbm>> -> memref<1x250x80xi32, #tpu.memory_space<hbm>>
      %dma_start3A_13 = tpu.memref_squeeze %dma_start3A_12 : memref<1x250x80xi32, #tpu.memory_space<hbm>> -> memref<250x80xi32, #tpu.memory_space<hbm>>
      tpu.enqueue_dma source(%dma_start3A_13 : memref<250x80xi32, #tpu.memory_space<hbm>>) target(%arg8 : memref<250x80xi32, #tpu.memory_space<vmem>>) target_semaphore(%run_scoped3A : memref<!tpu.dma_semaphore, #tpu.memory_space<semaphore_mem>>)
      %dma_wait3A = arith.constant 0 : i32
      %dma_wait3A_14 = arith.constant 0 : i32
      %dma_wait3A_15 = tpu.memref_slice %arg3[%arg1, %dma_wait3A, %dma_wait3A_14] : memref<16x250x80xi32, #tpu.memory_space<hbm>> -> memref<1x250x80xi32, #tpu.memory_space<hbm>>
      %dma_wait3A_16 = tpu.memref_squeeze %dma_wait3A_15 : memref<1x250x80xi32, #tpu.memory_space<hbm>> -> memref<250x80xi32, #tpu.memory_space<hbm>>
      %dma_wait3A_17 = arith.constant 0 : i32
      %dma_wait3A_18 = arith.constant 0 : i32
      %dma_wait3A_19 = tpu.memref_slice %arg3[%arg1, %dma_wait3A_17, %dma_wait3A_18] : memref<16x250x80xi32, #tpu.memory_space<hbm>> -> memref<1x250x80xi32, #tpu.memory_space<hbm>>
      %dma_wait3A_20 = tpu.memref_squeeze %dma_wait3A_19 : memref<1x250x80xi32, #tpu.memory_space<hbm>> -> memref<250x80xi32, #tpu.memory_space<hbm>>
      tpu.wait_dma2 semaphore(%run_scoped3A : memref<!tpu.dma_semaphore, #tpu.memory_space<semaphore_mem>>) src(%dma_wait3A_20 : memref<250x80xi32, #tpu.memory_space<hbm>>) dst(%arg8 : memref<250x80xi32, #tpu.memory_space<vmem>>)
      tpu.yield
    }) : () -> ()
    "tpu.region"() ({
      %run_scoped3A = tpu.sem_alloc : memref<!tpu.dma_semaphore, #tpu.memory_space<semaphore_mem>>
      %dma_start3A = arith.constant 0 : i32
      %dma_start3A_7 = arith.constant 0 : i32
      %dma_start3A_8 = tpu.memref_slice %arg4[%arg1, %dma_start3A, %dma_start3A_7] : memref<16x250x80xi32, #tpu.memory_space<hbm>> -> memref<1x250x80xi32, #tpu.memory_space<hbm>>
      %dma_start3A_9 = tpu.memref_squeeze %dma_start3A_8 : memref<1x250x80xi32, #tpu.memory_space<hbm>> -> memref<250x80xi32, #tpu.memory_space<hbm>>
      %dma_start3A_10 = arith.constant 0 : i32
      %dma_start3A_11 = arith.constant 0 : i32
      %dma_start3A_12 = tpu.memref_slice %arg4[%arg1, %dma_start3A_10, %dma_start3A_11] : memref<16x250x80xi32, #tpu.memory_space<hbm>> -> memref<1x250x80xi32, #tpu.memory_space<hbm>>
      %dma_start3A_13 = tpu.memref_squeeze %dma_start3A_12 : memref<1x250x80xi32, #tpu.memory_space<hbm>> -> memref<250x80xi32, #tpu.memory_space<hbm>>
      tpu.enqueue_dma source(%dma_start3A_13 : memref<250x80xi32, #tpu.memory_space<hbm>>) target(%arg9 : memref<250x80xi32, #tpu.memory_space<vmem>>) target_semaphore(%run_scoped3A : memref<!tpu.dma_semaphore, #tpu.memory_space<semaphore_mem>>)
      %dma_wait3A = arith.constant 0 : i32
      %dma_wait3A_14 = arith.constant 0 : i32
      %dma_wait3A_15 = tpu.memref_slice %arg4[%arg1, %dma_wait3A, %dma_wait3A_14] : memref<16x250x80xi32, #tpu.memory_space<hbm>> -> memref<1x250x80xi32, #tpu.memory_space<hbm>>
      %dma_wait3A_16 = tpu.memref_squeeze %dma_wait3A_15 : memref<1x250x80xi32, #tpu.memory_space<hbm>> -> memref<250x80xi32, #tpu.memory_space<hbm>>
      %dma_wait3A_17 = arith.constant 0 : i32
      %dma_wait3A_18 = arith.constant 0 : i32
      %dma_wait3A_19 = tpu.memref_slice %arg4[%arg1, %dma_wait3A_17, %dma_wait3A_18] : memref<16x250x80xi32, #tpu.memory_space<hbm>> -> memref<1x250x80xi32, #tpu.memory_space<hbm>>
      %dma_wait3A_20 = tpu.memref_squeeze %dma_wait3A_19 : memref<1x250x80xi32, #tpu.memory_space<hbm>> -> memref<250x80xi32, #tpu.memory_space<hbm>>
      tpu.wait_dma2 semaphore(%run_scoped3A : memref<!tpu.dma_semaphore, #tpu.memory_space<semaphore_mem>>) src(%dma_wait3A_20 : memref<250x80xi32, #tpu.memory_space<hbm>>) dst(%arg9 : memref<250x80xi32, #tpu.memory_space<vmem>>)
      tpu.yield
    }) : () -> ()
    "tpu.region"() ({
      %run_scoped3A = tpu.sem_alloc : memref<!tpu.dma_semaphore, #tpu.memory_space<semaphore_mem>>
      %dma_start3A = arith.constant 0 : i32
      %dma_start3A_7 = arith.constant 0 : i32
      %dma_start3A_8 = tpu.memref_slice %arg5[%arg1, %dma_start3A, %dma_start3A_7] : memref<16x250x80xf32, #tpu.memory_space<hbm>> -> memref<1x250x80xf32, #tpu.memory_space<hbm>>
      %dma_start3A_9 = tpu.memref_squeeze %dma_start3A_8 : memref<1x250x80xf32, #tpu.memory_space<hbm>> -> memref<250x80xf32, #tpu.memory_space<hbm>>
      %dma_start3A_10 = arith.constant 0 : i32
      %dma_start3A_11 = arith.constant 0 : i32
      %dma_start3A_12 = tpu.memref_slice %arg5[%arg1, %dma_start3A_10, %dma_start3A_11] : memref<16x250x80xf32, #tpu.memory_space<hbm>> -> memref<1x250x80xf32, #tpu.memory_space<hbm>>
      %dma_start3A_13 = tpu.memref_squeeze %dma_start3A_12 : memref<1x250x80xf32, #tpu.memory_space<hbm>> -> memref<250x80xf32, #tpu.memory_space<hbm>>
      tpu.enqueue_dma source(%dma_start3A_13 : memref<250x80xf32, #tpu.memory_space<hbm>>) target(%arg10 : memref<250x80xf32, #tpu.memory_space<vmem>>) target_semaphore(%run_scoped3A : memref<!tpu.dma_semaphore, #tpu.memory_space<semaphore_mem>>)
      %dma_wait3A = arith.constant 0 : i32
      %dma_wait3A_14 = arith.constant 0 : i32
      %dma_wait3A_15 = tpu.memref_slice %arg5[%arg1, %dma_wait3A, %dma_wait3A_14] : memref<16x250x80xf32, #tpu.memory_space<hbm>> -> memref<1x250x80xf32, #tpu.memory_space<hbm>>
      %dma_wait3A_16 = tpu.memref_squeeze %dma_wait3A_15 : memref<1x250x80xf32, #tpu.memory_space<hbm>> -> memref<250x80xf32, #tpu.memory_space<hbm>>
      %dma_wait3A_17 = arith.constant 0 : i32
      %dma_wait3A_18 = arith.constant 0 : i32
      %dma_wait3A_19 = tpu.memref_slice %arg5[%arg1, %dma_wait3A_17, %dma_wait3A_18] : memref<16x250x80xf32, #tpu.memory_space<hbm>> -> memref<1x250x80xf32, #tpu.memory_space<hbm>>
      %dma_wait3A_20 = tpu.memref_squeeze %dma_wait3A_19 : memref<1x250x80xf32, #tpu.memory_space<hbm>> -> memref<250x80xf32, #tpu.memory_space<hbm>>
      tpu.wait_dma2 semaphore(%run_scoped3A : memref<!tpu.dma_semaphore, #tpu.memory_space<semaphore_mem>>) src(%dma_wait3A_20 : memref<250x80xf32, #tpu.memory_space<hbm>>) dst(%arg10 : memref<250x80xf32, #tpu.memory_space<vmem>>)
      tpu.yield
    }) : () -> ()
    %mul3A = arith.constant 640 : i32
    %mul3A_0 = arith.muli %arg1, %mul3A : i32
    %multiple_of3A = tpu.assume_multiple %mul3A_0, 8 : i32
    "tpu.region"() ({
      %run_scoped3A = tpu.sem_alloc : memref<!tpu.dma_semaphore, #tpu.memory_space<semaphore_mem>>
      %dma_start3A = arith.constant 0 : i32
      %dma_start3A_7 = tpu.memref_slice %arg13[%multiple_of3A, %dma_start3A] : memref<10240x64xf32, #tpu.memory_space<vmem_shared>> -> memref<640x64xf32, #tpu.memory_space<vmem_shared>>
      tpu.enqueue_dma source(%arg6 : memref<640x64xf32, #tpu.memory_space<hbm>>) target(%dma_start3A_7 : memref<640x64xf32, #tpu.memory_space<vmem_shared>>) target_semaphore(%run_scoped3A : memref<!tpu.dma_semaphore, #tpu.memory_space<semaphore_mem>>)
      %dma_wait3A = arith.constant 0 : i32
      %dma_wait3A_8 = tpu.memref_slice %arg13[%multiple_of3A, %dma_wait3A] : memref<10240x64xf32, #tpu.memory_space<vmem_shared>> -> memref<640x64xf32, #tpu.memory_space<vmem_shared>>
      tpu.wait_dma2 semaphore(%run_scoped3A : memref<!tpu.dma_semaphore, #tpu.memory_space<semaphore_mem>>) src(%arg6 : memref<640x64xf32, #tpu.memory_space<hbm>>) dst(%dma_wait3A_8 : memref<640x64xf32, #tpu.memory_space<vmem_shared>>)
      tpu.yield
    }) : () -> ()
    %barrier3A = arith.constant 0 : index
    tpu.barrier barrier_id(%barrier3A)
    %scan3A = arith.constant 0 : i32
    %scan3A_1 = arith.constant 0 : i32
    %scan3A_2 = arith.constant 125 : i32
    %scan3A_3 = arith.addi %scan3A_1, %scan3A_2 : i32
    %scan3A_4 = arith.constant 1 : i32
    scf.for %scan3A_7 = %scan3A_1 to %scan3A_3 step %scan3A_4  : i32 {
      %mul3A_8 = arith.constant 2 : i32
      %mul3A_9 = arith.muli %mul3A_8, %scan3A_7 : i32
      %dma_start3A = arith.constant 0 : i32
      %dma_start3A_10 = tpu.memref_slice %arg8[%mul3A_9, %dma_start3A] : memref<250x80xi32, #tpu.memory_space<vmem>> -> memref<1x80xi32, #tpu.memory_space<vmem>>
      %dma_start3A_11 = tpu.memref_squeeze %dma_start3A_10 : memref<1x80xi32, #tpu.memory_space<vmem>> -> memref<80xi32, #tpu.memory_space<vmem>>
      %dma_start3A_12 = arith.constant 0 : i32
      %dma_start3A_13 = arith.constant 0 : i32
      %dma_start3A_14 = tpu.memref_slice %arg2[%arg0, %dma_start3A_12, %dma_start3A_13] : memref<2x10000x64xf32, #tpu.memory_space<hbm>> -> memref<1x10000x64xf32, #tpu.memory_space<hbm>>
      %dma_start3A_15 = tpu.memref_squeeze %dma_start3A_14 : memref<1x10000x64xf32, #tpu.memory_space<hbm>> -> memref<10000x64xf32, #tpu.memory_space<hbm>>
      %dma_start3A_16 = arith.constant 0 : i32
      %dma_start3A_17 = arith.constant 0 : i32
      %dma_start3A_18 = tpu.memref_slice %dma_start3A_15[%dma_start3A_16, %dma_start3A_17] : memref<10000x64xf32, #tpu.memory_space<hbm>> -> memref<10000x64xf32, #tpu.memory_space<hbm>>
      tpu.enqueue_indirect_dma source(%dma_start3A_18 : memref<10000x64xf32, #tpu.memory_space<hbm>>) target(%arg11 : memref<80x64xf32, #tpu.memory_space<vmem>>) offsets(%dma_start3A_11 : memref<80xi32, #tpu.memory_space<vmem>>) semaphore(%arg14 : memref<!tpu.dma_semaphore, #tpu.memory_space<semaphore_mem>>)
      %add3A = arith.constant 1 : i32
      %add3A_19 = arith.addi %mul3A_9, %add3A : i32
      %dma_start3A_20 = arith.constant 0 : i32
      %dma_start3A_21 = tpu.memref_slice %arg8[%add3A_19, %dma_start3A_20] : memref<250x80xi32, #tpu.memory_space<vmem>> -> memref<1x80xi32, #tpu.memory_space<vmem>>
      %dma_start3A_22 = tpu.memref_squeeze %dma_start3A_21 : memref<1x80xi32, #tpu.memory_space<vmem>> -> memref<80xi32, #tpu.memory_space<vmem>>
      %dma_start3A_23 = arith.constant 0 : i32
      %dma_start3A_24 = arith.constant 0 : i32
      %dma_start3A_25 = tpu.memref_slice %arg2[%arg0, %dma_start3A_23, %dma_start3A_24] : memref<2x10000x64xf32, #tpu.memory_space<hbm>> -> memref<1x10000x64xf32, #tpu.memory_space<hbm>>
      %dma_start3A_26 = tpu.memref_squeeze %dma_start3A_25 : memref<1x10000x64xf32, #tpu.memory_space<hbm>> -> memref<10000x64xf32, #tpu.memory_space<hbm>>
      %dma_start3A_27 = arith.constant 0 : i32
      %dma_start3A_28 = arith.constant 0 : i32
      %dma_start3A_29 = tpu.memref_slice %dma_start3A_26[%dma_start3A_27, %dma_start3A_28] : memref<10000x64xf32, #tpu.memory_space<hbm>> -> memref<10000x64xf32, #tpu.memory_space<hbm>>
      tpu.enqueue_indirect_dma source(%dma_start3A_29 : memref<10000x64xf32, #tpu.memory_space<hbm>>) target(%arg12 : memref<80x64xf32, #tpu.memory_space<vmem>>) offsets(%dma_start3A_22 : memref<80xi32, #tpu.memory_space<vmem>>) semaphore(%arg15 : memref<!tpu.dma_semaphore, #tpu.memory_space<semaphore_mem>>)
      %dma_wait3A = arith.constant 0 : i32
      %dma_wait3A_30 = tpu.memref_slice %arg8[%mul3A_9, %dma_wait3A] : memref<250x80xi32, #tpu.memory_space<vmem>> -> memref<1x80xi32, #tpu.memory_space<vmem>>
      %dma_wait3A_31 = tpu.memref_squeeze %dma_wait3A_30 : memref<1x80xi32, #tpu.memory_space<vmem>> -> memref<80xi32, #tpu.memory_space<vmem>>
      %dma_wait3A_32 = arith.constant 0 : i32
      %dma_wait3A_33 = arith.constant 0 : i32
      %dma_wait3A_34 = tpu.memref_slice %arg2[%arg0, %dma_wait3A_32, %dma_wait3A_33] : memref<2x10000x64xf32, #tpu.memory_space<hbm>> -> memref<1x10000x64xf32, #tpu.memory_space<hbm>>
      %dma_wait3A_35 = tpu.memref_squeeze %dma_wait3A_34 : memref<1x10000x64xf32, #tpu.memory_space<hbm>> -> memref<10000x64xf32, #tpu.memory_space<hbm>>
      %dma_wait3A_36 = arith.constant 0 : i32
      %dma_wait3A_37 = arith.constant 0 : i32
      %dma_wait3A_38 = tpu.memref_slice %dma_wait3A_35[%dma_wait3A_36, %dma_wait3A_37] : memref<10000x64xf32, #tpu.memory_space<hbm>> -> memref<10000x64xf32, #tpu.memory_space<hbm>>
      tpu.wait_indirect_dma semaphore(%arg14 : memref<!tpu.dma_semaphore, #tpu.memory_space<semaphore_mem>>) src(%dma_wait3A_38 : memref<10000x64xf32, #tpu.memory_space<hbm>>) dst(%arg11 : memref<80x64xf32, #tpu.memory_space<vmem>>)
      %scan3A_39 = arith.constant 0 : i32
      %scan3A_40 = arith.constant 0 : i32
      %scan3A_41 = arith.constant 5 : i32
      %scan3A_42 = arith.addi %scan3A_40, %scan3A_41 : i32
      %scan3A_43 = arith.constant 1 : i32
      scf.for %scan3A_65 = %scan3A_40 to %scan3A_42 step %scan3A_43  : i32 {
        %mul3A_66 = arith.constant 16 : i32
        %mul3A_67 = arith.muli %scan3A_65, %mul3A_66 : i32
        %get3A = arith.index_cast %mul3A_9 : i32 to index
        %get3A_68 = arith.index_cast %mul3A_67 : i32 to index
        %get3A_69 = tpu.vector_load %arg10[%get3A, %get3A_68] {strides = array<i32>} : memref<250x80xf32, #tpu.memory_space<vmem>>, vector<16xf32>,
        %slice3A = vector.extract_strided_slice %get3A_69 {offsets = [0], sizes = [1], strides = [1]} : vector<16xf32> to vector<1xf32>
        %squeeze3A = vector.extract %slice3A[0] : f32 from vector<1xf32>
        %mul3A_70 = arith.constant 16 : i32
        %mul3A_71 = arith.muli %scan3A_65, %mul3A_70 : i32
        %add3A_72 = arith.constant 0 : i32
        %add3A_73 = arith.addi %mul3A_71, %add3A_72 : i32
        %get3A_74 = arith.index_cast %add3A_73 : i32 to index
        %get3A_75 = arith.constant 0 : index
        %get3A_76 = tpu.vector_load %arg11[%get3A_74, %get3A_75] {strides = array<i32>} : memref<80x64xf32, #tpu.memory_space<vmem>>, vector<16xf32>,
        %mul3A_77 = vector.broadcast %squeeze3A : f32 to vector<16xf32>
        %mul3A_78 = arith.mulf %get3A_76, %mul3A_77 : vector<16xf32>
        %mul3A_79 = arith.constant 16 : i32
        %mul3A_80 = arith.muli %scan3A_65, %mul3A_79 : i32
        %add3A_81 = arith.constant 0 : i32
        %add3A_82 = arith.addi %mul3A_80, %add3A_81 : i32
        %swap3A = arith.index_cast %add3A_82 : i32 to index
        %swap3A_83 = arith.constant 0 : index
        %swap3A_84 = tpu.vector_load %arg11[%swap3A, %swap3A_83] {strides = array<i32>} : memref<80x64xf32, #tpu.memory_space<vmem>>, vector<16xf32>,
        tpu.vector_store %arg11[%swap3A, %swap3A_83], %mul3A_78 {strides = array<i32>} : memref<80x64xf32, #tpu.memory_space<vmem>>, vector<16xf32>,
        %mul3A_85 = arith.constant 16 : i32
        %mul3A_86 = arith.muli %scan3A_65, %mul3A_85 : i32
        %add3A_87 = arith.constant 0 : i32
        %add3A_88 = arith.addi %mul3A_86, %add3A_87 : i32
        %get3A_89 = arith.index_cast %add3A_88 : i32 to index
        %get3A_90 = arith.constant 16 : index
        %get3A_91 = tpu.vector_load %arg11[%get3A_89, %get3A_90] {strides = array<i32>} : memref<80x64xf32, #tpu.memory_space<vmem>>, vector<16xf32>,
        %mul3A_92 = vector.broadcast %squeeze3A : f32 to vector<16xf32>
        %mul3A_93 = arith.mulf %get3A_91, %mul3A_92 : vector<16xf32>
        %mul3A_94 = arith.constant 16 : i32
        %mul3A_95 = arith.muli %scan3A_65, %mul3A_94 : i32
        %add3A_96 = arith.constant 0 : i32
        %add3A_97 = arith.addi %mul3A_95, %add3A_96 : i32
        %swap3A_98 = arith.index_cast %add3A_97 : i32 to index
        %swap3A_99 = arith.constant 16 : index
        %swap3A_100 = tpu.vector_load %arg11[%swap3A_98, %swap3A_99] {strides = array<i32>} : memref<80x64xf32, #tpu.memory_space<vmem>>, vector<16xf32>,
        tpu.vector_store %arg11[%swap3A_98, %swap3A_99], %mul3A_93 {strides = array<i32>} : memref<80x64xf32, #tpu.memory_space<vmem>>, vector<16xf32>,
        %mul3A_101 = arith.constant 16 : i32
        %mul3A_102 = arith.muli %scan3A_65, %mul3A_101 : i32
        %add3A_103 = arith.constant 0 : i32
        %add3A_104 = arith.addi %mul3A_102, %add3A_103 : i32
        %get3A_105 = arith.index_cast %add3A_104 : i32 to index
        %get3A_106 = arith.constant 32 : index
        %get3A_107 = tpu.vector_load %arg11[%get3A_105, %get3A_106] {strides = array<i32>} : memref<80x64xf32, #tpu.memory_space<vmem>>, vector<16xf32>,
        %mul3A_108 = vector.broadcast %squeeze3A : f32 to vector<16xf32>
        %mul3A_109 = arith.mulf %get3A_107, %mul3A_108 : vector<16xf32>
        %mul3A_110 = arith.constant 16 : i32
        %mul3A_111 = arith.muli %scan3A_65, %mul3A_110 : i32
        %add3A_112 = arith.constant 0 : i32
        %add3A_113 = arith.addi %mul3A_111, %add3A_112 : i32
        %swap3A_114 = arith.index_cast %add3A_113 : i32 to index
        %swap3A_115 = arith.constant 32 : index
        %swap3A_116 = tpu.vector_load %arg11[%swap3A_114, %swap3A_115] {strides = array<i32>} : memref<80x64xf32, #tpu.memory_space<vmem>>, vector<16xf32>,
        tpu.vector_store %arg11[%swap3A_114, %swap3A_115], %mul3A_109 {strides = array<i32>} : memref<80x64xf32, #tpu.memory_space<vmem>>, vector<16xf32>,
        %mul3A_117 = arith.constant 16 : i32
        %mul3A_118 = arith.muli %scan3A_65, %mul3A_117 : i32
        %add3A_119 = arith.constant 0 : i32
        %add3A_120 = arith.addi %mul3A_118, %add3A_119 : i32
        %get3A_121 = arith.index_cast %add3A_120 : i32 to index
        %get3A_122 = arith.constant 48 : index
        %get3A_123 = tpu.vector_load %arg11[%get3A_121, %get3A_122] {strides = array<i32>} : memref<80x64xf32, #tpu.memory_space<vmem>>, vector<16xf32>,
        %mul3A_124 = vector.broadcast %squeeze3A : f32 to vector<16xf32>
        %mul3A_125 = arith.mulf %get3A_123, %mul3A_124 : vector<16xf32>
        %mul3A_126 = arith.constant 16 : i32
        %mul3A_127 = arith.muli %scan3A_65, %mul3A_126 : i32
        %add3A_128 = arith.constant 0 : i32
        %add3A_129 = arith.addi %mul3A_127, %add3A_128 : i32
        %swap3A_130 = arith.index_cast %add3A_129 : i32 to index
        %swap3A_131 = arith.constant 48 : index
        %swap3A_132 = tpu.vector_load %arg11[%swap3A_130, %swap3A_131] {strides = array<i32>} : memref<80x64xf32, #tpu.memory_space<vmem>>, vector<16xf32>,
        tpu.vector_store %arg11[%swap3A_130, %swap3A_131], %mul3A_125 {strides = array<i32>} : memref<80x64xf32, #tpu.memory_space<vmem>>, vector<16xf32>,
        %slice3A_133 = vector.extract_strided_slice %get3A_69 {offsets = [1], sizes = [1], strides = [1]} : vector<16xf32> to vector<1xf32>
        %squeeze3A_134 = vector.extract %slice3A_133[0] : f32 from vector<1xf32>
        %mul3A_135 = arith.constant 16 : i32
        %mul3A_136 = arith.muli %scan3A_65, %mul3A_135 : i32
        %add3A_137 = arith.constant 1 : i32
        %add3A_138 = arith.addi %mul3A_136, %add3A_137 : i32
        %get3A_139 = arith.index_cast %add3A_138 : i32 to index
        %get3A_140 = arith.constant 0 : index
        %get3A_141 = tpu.vector_load %arg11[%get3A_139, %get3A_140] {strides = array<i32>} : memref<80x64xf32, #tpu.memory_space<vmem>>, vector<16xf32>,
        %mul3A_142 = vector.broadcast %squeeze3A_134 : f32 to vector<16xf32>
        %mul3A_143 = arith.mulf %get3A_141, %mul3A_142 : vector<16xf32>
        %mul3A_144 = arith.constant 16 : i32
        %mul3A_145 = arith.muli %scan3A_65, %mul3A_144 : i32
        %add3A_146 = arith.constant 1 : i32
        %add3A_147 = arith.addi %mul3A_145, %add3A_146 : i32
        %swap3A_148 = arith.index_cast %add3A_147 : i32 to index
        %swap3A_149 = arith.constant 0 : index
        %swap3A_150 = tpu.vector_load %arg11[%swap3A_148, %swap3A_149] {strides = array<i32>} : memref<80x64xf32, #tpu.memory_space<vmem>>, vector<16xf32>,
        tpu.vector_store %arg11[%swap3A_148, %swap3A_149], %mul3A_143 {strides = array<i32>} : memref<80x64xf32, #tpu.memory_space<vmem>>, vector<16xf32>,
        %mul3A_151 = arith.constant 16 : i32
        %mul3A_152 = arith.muli %scan3A_65, %mul3A_151 : i32
        %add3A_153 = arith.constant 1 : i32
        %add3A_154 = arith.addi %mul3A_152, %add3A_153 : i32
        %get3A_155 = arith.index_cast %add3A_154 : i32 to index
        %get3A_156 = arith.constant 16 : index
        %get3A_157 = tpu.vector_load %arg11[%get3A_155, %get3A_156] {strides = array<i32>} : memref<80x64xf32, #tpu.memory_space<vmem>>, vector<16xf32>,
        %mul3A_158 = vector.broadcast %squeeze3A_134 : f32 to vector<16xf32>
        %mul3A_159 = arith.mulf %get3A_157, %mul3A_158 : vector<16xf32>
        %mul3A_160 = arith.constant 16 : i32
        %mul3A_161 = arith.muli %scan3A_65, %mul3A_160 : i32
        %add3A_162 = arith.constant 1 : i32
        %add3A_163 = arith.addi %mul3A_161, %add3A_162 : i32
        %swap3A_164 = arith.index_cast %add3A_163 : i32 to index
        %swap3A_165 = arith.constant 16 : index
        %swap3A_166 = tpu.vector_load %arg11[%swap3A_164, %swap3A_165] {strides = array<i32>} : memref<80x64xf32, #tpu.memory_space<vmem>>, vector<16xf32>,
        tpu.vector_store %arg11[%swap3A_164, %swap3A_165], %mul3A_159 {strides = array<i32>} : memref<80x64xf32, #tpu.memory_space<vmem>>, vector<16xf32>,
        %mul3A_167 = arith.constant 16 : i32
        %mul3A_168 = arith.muli %scan3A_65, %mul3A_167 : i32
        %add3A_169 = arith.constant 1 : i32
        %add3A_170 = arith.addi %mul3A_168, %add3A_169 : i32
        %get3A_171 = arith.index_cast %add3A_170 : i32 to index
        %get3A_172 = arith.constant 32 : index
        %get3A_173 = tpu.vector_load %arg11[%get3A_171, %get3A_172] {strides = array<i32>} : memref<80x64xf32, #tpu.memory_space<vmem>>, vector<16xf32>,
        %mul3A_174 = vector.broadcast %squeeze3A_134 : f32 to vector<16xf32>
        %mul3A_175 = arith.mulf %get3A_173, %mul3A_174 : vector<16xf32>
        %mul3A_176 = arith.constant 16 : i32
        %mul3A_177 = arith.muli %scan3A_65, %mul3A_176 : i32
        %add3A_178 = arith.constant 1 : i32
        %add3A_179 = arith.addi %mul3A_177, %add3A_178 : i32
        %swap3A_180 = arith.index_cast %add3A_179 : i32 to index
        %swap3A_181 = arith.constant 32 : index
        %swap3A_182 = tpu.vector_load %arg11[%swap3A_180, %swap3A_181] {strides = array<i32>} : memref<80x64xf32, #tpu.memory_space<vmem>>, vector<16xf32>,
        tpu.vector_store %arg11[%swap3A_180, %swap3A_181], %mul3A_175 {strides = array<i32>} : memref<80x64xf32, #tpu.memory_space<vmem>>, vector<16xf32>,
        %mul3A_183 = arith.constant 16 : i32
        %mul3A_184 = arith.muli %scan3A_65, %mul3A_183 : i32
        %add3A_185 = arith.constant 1 : i32
        %add3A_186 = arith.addi %mul3A_184, %add3A_185 : i32
        %get3A_187 = arith.index_cast %add3A_186 : i32 to index
        %get3A_188 = arith.constant 48 : index
        %get3A_189 = tpu.vector_load %arg11[%get3A_187, %get3A_188] {strides = array<i32>} : memref<80x64xf32, #tpu.memory_space<vmem>>, vector<16xf32>,
        %mul3A_190 = vector.broadcast %squeeze3A_134 : f32 to vector<16xf32>
        %mul3A_191 = arith.mulf %get3A_189, %mul3A_190 : vector<16xf32>
        %mul3A_192 = arith.constant 16 : i32
        %mul3A_193 = arith.muli %scan3A_65, %mul3A_192 : i32
        %add3A_194 = arith.constant 1 : i32
        %add3A_195 = arith.addi %mul3A_193, %add3A_194 : i32
        %swap3A_196 = arith.index_cast %add3A_195 : i32 to index
        %swap3A_197 = arith.constant 48 : index
        %swap3A_198 = tpu.vector_load %arg11[%swap3A_196, %swap3A_197] {strides = array<i32>} : memref<80x64xf32, #tpu.memory_space<vmem>>, vector<16xf32>,
        tpu.vector_store %arg11[%swap3A_196, %swap3A_197], %mul3A_191 {strides = array<i32>} : memref<80x64xf32, #tpu.memory_space<vmem>>, vector<16xf32>,
        %slice3A_199 = vector.extract_strided_slice %get3A_69 {offsets = [2], sizes = [1], strides = [1]} : vector<16xf32> to vector<1xf32>
        %squeeze3A_200 = vector.extract %slice3A_199[0] : f32 from vector<1xf32>
        %mul3A_201 = arith.constant 16 : i32
        %mul3A_202 = arith.muli %scan3A_65, %mul3A_201 : i32
        %add3A_203 = arith.constant 2 : i32
        %add3A_204 = arith.addi %mul3A_202, %add3A_203 : i32
        %get3A_205 = arith.index_cast %add3A_204 : i32 to index
        %get3A_206 = arith.constant 0 : index
        %get3A_207 = tpu.vector_load %arg11[%get3A_205, %get3A_206] {strides = array<i32>} : memref<80x64xf32, #tpu.memory_space<vmem>>, vector<16xf32>,
        %mul3A_208 = vector.broadcast %squeeze3A_200 : f32 to vector<16xf32>
        %mul3A_209 = arith.mulf %get3A_207, %mul3A_208 : vector<16xf32>
        %mul3A_210 = arith.constant 16 : i32
        %mul3A_211 = arith.muli %scan3A_65, %mul3A_210 : i32
        %add3A_212 = arith.constant 2 : i32
        %add3A_213 = arith.addi %mul3A_211, %add3A_212 : i32
        %swap3A_214 = arith.index_cast %add3A_213 : i32 to index
        %swap3A_215 = arith.constant 0 : index
        %swap3A_216 = tpu.vector_load %arg11[%swap3A_214, %swap3A_215] {strides = array<i32>} : memref<80x64xf32, #tpu.memory_space<vmem>>, vector<16xf32>,
        tpu.vector_store %arg11[%swap3A_214, %swap3A_215], %mul3A_209 {strides = array<i32>} : memref<80x64xf32, #tpu.memory_space<vmem>>, vector<16xf32>,
        %mul3A_217 = arith.constant 16 : i32
        %mul3A_218 = arith.muli %scan3A_65, %mul3A_217 : i32
        %add3A_219 = arith.constant 2 : i32
        %add3A_220 = arith.addi %mul3A_218, %add3A_219 : i32
        %get3A_221 = arith.index_cast %add3A_220 : i32 to index
        %get3A_222 = arith.constant 16 : index
        %get3A_223 = tpu.vector_load %arg11[%get3A_221, %get3A_222] {strides = array<i32>} : memref<80x64xf32, #tpu.memory_space<vmem>>, vector<16xf32>,
        %mul3A_224 = vector.broadcast %squeeze3A_200 : f32 to vector<16xf32>
        %mul3A_225 = arith.mulf %get3A_223, %mul3A_224 : vector<16xf32>
        %mul3A_226 = arith.constant 16 : i32
        %mul3A_227 = arith.muli %scan3A_65, %mul3A_226 : i32
        %add3A_228 = arith.constant 2 : i32
        %add3A_229 = arith.addi %mul3A_227, %add3A_228 : i32
        %swap3A_230 = arith.index_cast %add3A_229 : i32 to index
        %swap3A_231 = arith.constant 16 : index
        %swap3A_232 = tpu.vector_load %arg11[%swap3A_230, %swap3A_231] {strides = array<i32>} : memref<80x64xf32, #tpu.memory_space<vmem>>, vector<16xf32>,
        tpu.vector_store %arg11[%swap3A_230, %swap3A_231], %mul3A_225 {strides = array<i32>} : memref<80x64xf32, #tpu.memory_space<vmem>>, vector<16xf32>,
        %mul3A_233 = arith.constant 16 : i32
        %mul3A_234 = arith.muli %scan3A_65, %mul3A_233 : i32
        %add3A_235 = arith.constant 2 : i32
        %add3A_236 = arith.addi %mul3A_234, %add3A_235 : i32
        %get3A_237 = arith.index_cast %add3A_236 : i32 to index
        %get3A_238 = arith.constant 32 : index
        %get3A_239 = tpu.vector_load %arg11[%get3A_237, %get3A_238] {strides = array<i32>} : memref<80x64xf32, #tpu.memory_space<vmem>>, vector<16xf32>,
        %mul3A_240 = vector.broadcast %squeeze3A_200 : f32 to vector<16xf32>
        %mul3A_241 = arith.mulf %get3A_239, %mul3A_240 : vector<16xf32>
        %mul3A_242 = arith.constant 16 : i32
        %mul3A_243 = arith.muli %scan3A_65, %mul3A_242 : i32
        %add3A_244 = arith.constant 2 : i32
        %add3A_245 = arith.addi %mul3A_243, %add3A_244 : i32
        %swap3A_246 = arith.index_cast %add3A_245 : i32 to index
        %swap3A_247 = arith.constant 32 : index
        %swap3A_248 = tpu.vector_load %arg11[%swap3A_246, %swap3A_247] {strides = array<i32>} : memref<80x64xf32, #tpu.memory_space<vmem>>, vector<16xf32>,
        tpu.vector_store %arg11[%swap3A_246, %swap3A_247], %mul3A_241 {strides = array<i32>} : memref<80x64xf32, #tpu.memory_space<vmem>>, vector<16xf32>,
        %mul3A_249 = arith.constant 16 : i32
        %mul3A_250 = arith.muli %scan3A_65, %mul3A_249 : i32
        %add3A_251 = arith.constant 2 : i32
        %add3A_252 = arith.addi %mul3A_250, %add3A_251 : i32
        %get3A_253 = arith.index_cast %add3A_252 : i32 to index
        %get3A_254 = arith.constant 48 : index
        %get3A_255 = tpu.vector_load %arg11[%get3A_253, %get3A_254] {strides = array<i32>} : memref<80x64xf32, #tpu.memory_space<vmem>>, vector<16xf32>,
        %mul3A_256 = vector.broadcast %squeeze3A_200 : f32 to vector<16xf32>
        %mul3A_257 = arith.mulf %get3A_255, %mul3A_256 : vector<16xf32>
        %mul3A_258 = arith.constant 16 : i32
        %mul3A_259 = arith.muli %scan3A_65, %mul3A_258 : i32
        %add3A_260 = arith.constant 2 : i32
        %add3A_261 = arith.addi %mul3A_259, %add3A_260 : i32
        %swap3A_262 = arith.index_cast %add3A_261 : i32 to index
        %swap3A_263 = arith.constant 48 : index
        %swap3A_264 = tpu.vector_load %arg11[%swap3A_262, %swap3A_263] {strides = array<i32>} : memref<80x64xf32, #tpu.memory_space<vmem>>, vector<16xf32>,
        tpu.vector_store %arg11[%swap3A_262, %swap3A_263], %mul3A_257 {strides = array<i32>} : memref<80x64xf32, #tpu.memory_space<vmem>>, vector<16xf32>,
        %slice3A_265 = vector.extract_strided_slice %get3A_69 {offsets = [3], sizes = [1], strides = [1]} : vector<16xf32> to vector<1xf32>
        %squeeze3A_266 = vector.extract %slice3A_265[0] : f32 from vector<1xf32>
        %mul3A_267 = arith.constant 16 : i32
        %mul3A_268 = arith.muli %scan3A_65, %mul3A_267 : i32
        %add3A_269 = arith.constant 3 : i32
        %add3A_270 = arith.addi %mul3A_268, %add3A_269 : i32
        %get3A_271 = arith.index_cast %add3A_270 : i32 to index
        %get3A_272 = arith.constant 0 : index
        %get3A_273 = tpu.vector_load %arg11[%get3A_271, %get3A_272] {strides = array<i32>} : memref<80x64xf32, #tpu.memory_space<vmem>>, vector<16xf32>,
        %mul3A_274 = vector.broadcast %squeeze3A_266 : f32 to vector<16xf32>
        %mul3A_275 = arith.mulf %get3A_273, %mul3A_274 : vector<16xf32>
        %mul3A_276 = arith.constant 16 : i32
        %mul3A_277 = arith.muli %scan3A_65, %mul3A_276 : i32
        %add3A_278 = arith.constant 3 : i32
        %add3A_279 = arith.addi %mul3A_277, %add3A_278 : i32
        %swap3A_280 = arith.index_cast %add3A_279 : i32 to index
        %swap3A_281 = arith.constant 0 : index
        %swap3A_282 = tpu.vector_load %arg11[%swap3A_280, %swap3A_281] {strides = array<i32>} : memref<80x64xf32, #tpu.memory_space<vmem>>, vector<16xf32>,
        tpu.vector_store %arg11[%swap3A_280, %swap3A_281], %mul3A_275 {strides = array<i32>} : memref<80x64xf32, #tpu.memory_space<vmem>>, vector<16xf32>,
        %mul3A_283 = arith.constant 16 : i32
        %mul3A_284 = arith.muli %scan3A_65, %mul3A_283 : i32
        %add3A_285 = arith.constant 3 : i32
        %add3A_286 = arith.addi %mul3A_284, %add3A_285 : i32
        %get3A_287 = arith.index_cast %add3A_286 : i32 to index
        %get3A_288 = arith.constant 16 : index
        %get3A_289 = tpu.vector_load %arg11[%get3A_287, %get3A_288] {strides = array<i32>} : memref<80x64xf32, #tpu.memory_space<vmem>>, vector<16xf32>,
        %mul3A_290 = vector.broadcast %squeeze3A_266 : f32 to vector<16xf32>
        %mul3A_291 = arith.mulf %get3A_289, %mul3A_290 : vector<16xf32>
        %mul3A_292 = arith.constant 16 : i32
        %mul3A_293 = arith.muli %scan3A_65, %mul3A_292 : i32
        %add3A_294 = arith.constant 3 : i32
        %add3A_295 = arith.addi %mul3A_293, %add3A_294 : i32
        %swap3A_296 = arith.index_cast %add3A_295 : i32 to index
        %swap3A_297 = arith.constant 16 : index
        %swap3A_298 = tpu.vector_load %arg11[%swap3A_296, %swap3A_297] {strides = array<i32>} : memref<80x64xf32, #tpu.memory_space<vmem>>, vector<16xf32>,
        tpu.vector_store %arg11[%swap3A_296, %swap3A_297], %mul3A_291 {strides = array<i32>} : memref<80x64xf32, #tpu.memory_space<vmem>>, vector<16xf32>,
        %mul3A_299 = arith.constant 16 : i32
        %mul3A_300 = arith.muli %scan3A_65, %mul3A_299 : i32
        %add3A_301 = arith.constant 3 : i32
        %add3A_302 = arith.addi %mul3A_300, %add3A_301 : i32
        %get3A_303 = arith.index_cast %add3A_302 : i32 to index
        %get3A_304 = arith.constant 32 : index
        %get3A_305 = tpu.vector_load %arg11[%get3A_303, %get3A_304] {strides = array<i32>} : memref<80x64xf32, #tpu.memory_space<vmem>>, vector<16xf32>,
        %mul3A_306 = vector.broadcast %squeeze3A_266 : f32 to vector<16xf32>
        %mul3A_307 = arith.mulf %get3A_305, %mul3A_306 : vector<16xf32>
        %mul3A_308 = arith.constant 16 : i32
        %mul3A_309 = arith.muli %scan3A_65, %mul3A_308 : i32
        %add3A_310 = arith.constant 3 : i32
        %add3A_311 = arith.addi %mul3A_309, %add3A_310 : i32
        %swap3A_312 = arith.index_cast %add3A_311 : i32 to index
        %swap3A_313 = arith.constant 32 : index
        %swap3A_314 = tpu.vector_load %arg11[%swap3A_312, %swap3A_313] {strides = array<i32>} : memref<80x64xf32, #tpu.memory_space<vmem>>, vector<16xf32>,
        tpu.vector_store %arg11[%swap3A_312, %swap3A_313], %mul3A_307 {strides = array<i32>} : memref<80x64xf32, #tpu.memory_space<vmem>>, vector<16xf32>,
        %mul3A_315 = arith.constant 16 : i32
        %mul3A_316 = arith.muli %scan3A_65, %mul3A_315 : i32
        %add3A_317 = arith.constant 3 : i32
        %add3A_318 = arith.addi %mul3A_316, %add3A_317 : i32
        %get3A_319 = arith.index_cast %add3A_318 : i32 to index
        %get3A_320 = arith.constant 48 : index
        %get3A_321 = tpu.vector_load %arg11[%get3A_319, %get3A_320] {strides = array<i32>} : memref<80x64xf32, #tpu.memory_space<vmem>>, vector<16xf32>,
        %mul3A_322 = vector.broadcast %squeeze3A_266 : f32 to vector<16xf32>
        %mul3A_323 = arith.mulf %get3A_321, %mul3A_322 : vector<16xf32>
        %mul3A_324 = arith.constant 16 : i32
        %mul3A_325 = arith.muli %scan3A_65, %mul3A_324 : i32
        %add3A_326 = arith.constant 3 : i32
        %add3A_327 = arith.addi %mul3A_325, %add3A_326 : i32
        %swap3A_328 = arith.index_cast %add3A_327 : i32 to index
        %swap3A_329 = arith.constant 48 : index
        %swap3A_330 = tpu.vector_load %arg11[%swap3A_328, %swap3A_329] {strides = array<i32>} : memref<80x64xf32, #tpu.memory_space<vmem>>, vector<16xf32>,
        tpu.vector_store %arg11[%swap3A_328, %swap3A_329], %mul3A_323 {strides = array<i32>} : memref<80x64xf32, #tpu.memory_space<vmem>>, vector<16xf32>,
        %slice3A_331 = vector.extract_strided_slice %get3A_69 {offsets = [4], sizes = [1], strides = [1]} : vector<16xf32> to vector<1xf32>
        %squeeze3A_332 = vector.extract %slice3A_331[0] : f32 from vector<1xf32>
        %mul3A_333 = arith.constant 16 : i32
        %mul3A_334 = arith.muli %scan3A_65, %mul3A_333 : i32
        %add3A_335 = arith.constant 4 : i32
        %add3A_336 = arith.addi %mul3A_334, %add3A_335 : i32
        %get3A_337 = arith.index_cast %add3A_336 : i32 to index
        %get3A_338 = arith.constant 0 : index
        %get3A_339 = tpu.vector_load %arg11[%get3A_337, %get3A_338] {strides = array<i32>} : memref<80x64xf32, #tpu.memory_space<vmem>>, vector<16xf32>,
        %mul3A_340 = vector.broadcast %squeeze3A_332 : f32 to vector<16xf32>
        %mul3A_341 = arith.mulf %get3A_339, %mul3A_340 : vector<16xf32>
        %mul3A_342 = arith.constant 16 : i32
        %mul3A_343 = arith.muli %scan3A_65, %mul3A_342 : i32
        %add3A_344 = arith.constant 4 : i32
        %add3A_345 = arith.addi %mul3A_343, %add3A_344 : i32
        %swap3A_346 = arith.index_cast %add3A_345 : i32 to index
        %swap3A_347 = arith.constant 0 : index
        %swap3A_348 = tpu.vector_load %arg11[%swap3A_346, %swap3A_347] {strides = array<i32>} : memref<80x64xf32, #tpu.memory_space<vmem>>, vector<16xf32>,
        tpu.vector_store %arg11[%swap3A_346, %swap3A_347], %mul3A_341 {strides = array<i32>} : memref<80x64xf32, #tpu.memory_space<vmem>>, vector<16xf32>,
        %mul3A_349 = arith.constant 16 : i32
        %mul3A_350 = arith.muli %scan3A_65, %mul3A_349 : i32
        %add3A_351 = arith.constant 4 : i32
        %add3A_352 = arith.addi %mul3A_350, %add3A_351 : i32
        %get3A_353 = arith.index_cast %add3A_352 : i32 to index
        %get3A_354 = arith.constant 16 : index
        %get3A_355 = tpu.vector_load %arg11[%get3A_353, %get3A_354] {strides = array<i32>} : memref<80x64xf32, #tpu.memory_space<vmem>>, vector<16xf32>,
        %mul3A_356 = vector.broadcast %squeeze3A_332 : f32 to vector<16xf32>
        %mul3A_357 = arith.mulf %get3A_355, %mul3A_356 : vector<16xf32>
        %mul3A_358 = arith.constant 16 : i32
        %mul3A_359 = arith.muli %scan3A_65, %mul3A_358 : i32
        %add3A_360 = arith.constant 4 : i32
        %add3A_361 = arith.addi %mul3A_359, %add3A_360 : i32
        %swap3A_362 = arith.index_cast %add3A_361 : i32 to index
        %swap3A_363 = arith.constant 16 : index
        %swap3A_364 = tpu.vector_load %arg11[%swap3A_362, %swap3A_363] {strides = array<i32>} : memref<80x64xf32, #tpu.memory_space<vmem>>, vector<16xf32>,
        tpu.vector_store %arg11[%swap3A_362, %swap3A_363], %mul3A_357 {strides = array<i32>} : memref<80x64xf32, #tpu.memory_space<vmem>>, vector<16xf32>,
        %mul3A_365 = arith.constant 16 : i32
        %mul3A_366 = arith.muli %scan3A_65, %mul3A_365 : i32
        %add3A_367 = arith.constant 4 : i32
        %add3A_368 = arith.addi %mul3A_366, %add3A_367 : i32
        %get3A_369 = arith.index_cast %add3A_368 : i32 to index
        %get3A_370 = arith.constant 32 : index
        %get3A_371 = tpu.vector_load %arg11[%get3A_369, %get3A_370] {strides = array<i32>} : memref<80x64xf32, #tpu.memory_space<vmem>>, vector<16xf32>,
        %mul3A_372 = vector.broadcast %squeeze3A_332 : f32 to vector<16xf32>
        %mul3A_373 = arith.mulf %get3A_371, %mul3A_372 : vector<16xf32>
        %mul3A_374 = arith.constant 16 : i32
        %mul3A_375 = arith.muli %scan3A_65, %mul3A_374 : i32
        %add3A_376 = arith.constant 4 : i32
        %add3A_377 = arith.addi %mul3A_375, %add3A_376 : i32
        %swap3A_378 = arith.index_cast %add3A_377 : i32 to index
        %swap3A_379 = arith.constant 32 : index
        %swap3A_380 = tpu.vector_load %arg11[%swap3A_378, %swap3A_379] {strides = array<i32>} : memref<80x64xf32, #tpu.memory_space<vmem>>, vector<16xf32>,
        tpu.vector_store %arg11[%swap3A_378, %swap3A_379], %mul3A_373 {strides = array<i32>} : memref<80x64xf32, #tpu.memory_space<vmem>>, vector<16xf32>,
        %mul3A_381 = arith.constant 16 : i32
        %mul3A_382 = arith.muli %scan3A_65, %mul3A_381 : i32
        %add3A_383 = arith.constant 4 : i32
        %add3A_384 = arith.addi %mul3A_382, %add3A_383 : i32
        %get3A_385 = arith.index_cast %add3A_384 : i32 to index
        %get3A_386 = arith.constant 48 : index
        %get3A_387 = tpu.vector_load %arg11[%get3A_385, %get3A_386] {strides = array<i32>} : memref<80x64xf32, #tpu.memory_space<vmem>>, vector<16xf32>,
        %mul3A_388 = vector.broadcast %squeeze3A_332 : f32 to vector<16xf32>
        %mul3A_389 = arith.mulf %get3A_387, %mul3A_388 : vector<16xf32>
        %mul3A_390 = arith.constant 16 : i32
        %mul3A_391 = arith.muli %scan3A_65, %mul3A_390 : i32
        %add3A_392 = arith.constant 4 : i32
        %add3A_393 = arith.addi %mul3A_391, %add3A_392 : i32
        %swap3A_394 = arith.index_cast %add3A_393 : i32 to index
        %swap3A_395 = arith.constant 48 : index
        %swap3A_396 = tpu.vector_load %arg11[%swap3A_394, %swap3A_395] {strides = array<i32>} : memref<80x64xf32, #tpu.memory_space<vmem>>, vector<16xf32>,
        tpu.vector_store %arg11[%swap3A_394, %swap3A_395], %mul3A_389 {strides = array<i32>} : memref<80x64xf32, #tpu.memory_space<vmem>>, vector<16xf32>,
        %slice3A_397 = vector.extract_strided_slice %get3A_69 {offsets = [5], sizes = [1], strides = [1]} : vector<16xf32> to vector<1xf32>
        %squeeze3A_398 = vector.extract %slice3A_397[0] : f32 from vector<1xf32>
        %mul3A_399 = arith.constant 16 : i32
        %mul3A_400 = arith.muli %scan3A_65, %mul3A_399 : i32
        %add3A_401 = arith.constant 5 : i32
        %add3A_402 = arith.addi %mul3A_400, %add3A_401 : i32
        %get3A_403 = arith.index_cast %add3A_402 : i32 to index
        %get3A_404 = arith.constant 0 : index
        %get3A_405 = tpu.vector_load %arg11[%get3A_403, %get3A_404] {strides = array<i32>} : memref<80x64xf32, #tpu.memory_space<vmem>>, vector<16xf32>,
        %mul3A_406 = vector.broadcast %squeeze3A_398 : f32 to vector<16xf32>
        %mul3A_407 = arith.mulf %get3A_405, %mul3A_406 : vector<16xf32>
        %mul3A_408 = arith.constant 16 : i32
        %mul3A_409 = arith.muli %scan3A_65, %mul3A_408 : i32
        %add3A_410 = arith.constant 5 : i32
        %add3A_411 = arith.addi %mul3A_409, %add3A_410 : i32
        %swap3A_412 = arith.index_cast %add3A_411 : i32 to index
        %swap3A_413 = arith.constant 0 : index
        %swap3A_414 = tpu.vector_load %arg11[%swap3A_412, %swap3A_413] {strides = array<i32>} : memref<80x64xf32, #tpu.memory_space<vmem>>, vector<16xf32>,
        tpu.vector_store %arg11[%swap3A_412, %swap3A_413], %mul3A_407 {strides = array<i32>} : memref<80x64xf32, #tpu.memory_space<vmem>>, vector<16xf32>,
        %mul3A_415 = arith.constant 16 : i32
        %mul3A_416 = arith.muli %scan3A_65, %mul3A_415 : i32
        %add3A_417 = arith.constant 5 : i32
        %add3A_418 = arith.addi %mul3A_416, %add3A_417 : i32
        %get3A_419 = arith.index_cast %add3A_418 : i32 to index
        %get3A_420 = arith.constant 16 : index
        %get3A_421 = tpu.vector_load %arg11[%get3A_419, %get3A_420] {strides = array<i32>} : memref<80x64xf32, #tpu.memory_space<vmem>>, vector<16xf32>,
        %mul3A_422 = vector.broadcast %squeeze3A_398 : f32 to vector<16xf32>
        %mul3A_423 = arith.mulf %get3A_421, %mul3A_422 : vector<16xf32>
        %mul3A_424 = arith.constant 16 : i32
        %mul3A_425 = arith.muli %scan3A_65, %mul3A_424 : i32
        %add3A_426 = arith.constant 5 : i32
        %add3A_427 = arith.addi %mul3A_425, %add3A_426 : i32
        %swap3A_428 = arith.index_cast %add3A_427 : i32 to index
        %swap3A_429 = arith.constant 16 : index
        %swap3A_430 = tpu.vector_load %arg11[%swap3A_428, %swap3A_429] {strides = array<i32>} : memref<80x64xf32, #tpu.memory_space<vmem>>, vector<16xf32>,
        tpu.vector_store %arg11[%swap3A_428, %swap3A_429], %mul3A_423 {strides = array<i32>} : memref<80x64xf32, #tpu.memory_space<vmem>>, vector<16xf32>,
        %mul3A_431 = arith.constant 16 : i32
        %mul3A_432 = arith.muli %scan3A_65, %mul3A_431 : i32
        %add3A_433 = arith.constant 5 : i32
        %add3A_434 = arith.addi %mul3A_432, %add3A_433 : i32
        %get3A_435 = arith.index_cast %add3A_434 : i32 to index
        %get3A_436 = arith.constant 32 : index
        %get3A_437 = tpu.vector_load %arg11[%get3A_435, %get3A_436] {strides = array<i32>} : memref<80x64xf32, #tpu.memory_space<vmem>>, vector<16xf32>,
        %mul3A_438 = vector.broadcast %squeeze3A_398 : f32 to vector<16xf32>
        %mul3A_439 = arith.mulf %get3A_437, %mul3A_438 : vector<16xf32>
        %mul3A_440 = arith.constant 16 : i32
        %mul3A_441 = arith.muli %scan3A_65, %mul3A_440 : i32
        %add3A_442 = arith.constant 5 : i32
        %add3A_443 = arith.addi %mul3A_441, %add3A_442 : i32
        %swap3A_444 = arith.index_cast %add3A_443 : i32 to index
        %swap3A_445 = arith.constant 32 : index
        %swap3A_446 = tpu.vector_load %arg11[%swap3A_444, %swap3A_445] {strides = array<i32>} : memref<80x64xf32, #tpu.memory_space<vmem>>, vector<16xf32>,
        tpu.vector_store %arg11[%swap3A_444, %swap3A_445], %mul3A_439 {strides = array<i32>} : memref<80x64xf32, #tpu.memory_space<vmem>>, vector<16xf32>,
        %mul3A_447 = arith.constant 16 : i32
        %mul3A_448 = arith.muli %scan3A_65, %mul3A_447 : i32
        %add3A_449 = arith.constant 5 : i32
        %add3A_450 = arith.addi %mul3A_448, %add3A_449 : i32
        %get3A_451 = arith.index_cast %add3A_450 : i32 to index
        %get3A_452 = arith.constant 48 : index
        %get3A_453 = tpu.vector_load %arg11[%get3A_451, %get3A_452] {strides = array<i32>} : memref<80x64xf32, #tpu.memory_space<vmem>>, vector<16xf32>,
        %mul3A_454 = vector.broadcast %squeeze3A_398 : f32 to vector<16xf32>
        %mul3A_455 = arith.mulf %get3A_453, %mul3A_454 : vector<16xf32>
        %mul3A_456 = arith.constant 16 : i32
        %mul3A_457 = arith.muli %scan3A_65, %mul3A_456 : i32
        %add3A_458 = arith.constant 5 : i32
        %add3A_459 = arith.addi %mul3A_457, %add3A_458 : i32
        %swap3A_460 = arith.index_cast %add3A_459 : i32 to index
        %swap3A_461 = arith.constant 48 : index
        %swap3A_462 = tpu.vector_load %arg11[%swap3A_460, %swap3A_461] {strides = array<i32>} : memref<80x64xf32, #tpu.memory_space<vmem>>, vector<16xf32>,
        tpu.vector_store %arg11[%swap3A_460, %swap3A_461], %mul3A_455 {strides = array<i32>} : memref<80x64xf32, #tpu.memory_space<vmem>>, vector<16xf32>,
        %slice3A_463 = vector.extract_strided_slice %get3A_69 {offsets = [6], sizes = [1], strides = [1]} : vector<16xf32> to vector<1xf32>
        %squeeze3A_464 = vector.extract %slice3A_463[0] : f32 from vector<1xf32>
        %mul3A_465 = arith.constant 16 : i32
        %mul3A_466 = arith.muli %scan3A_65, %mul3A_465 : i32
        %add3A_467 = arith.constant 6 : i32
        %add3A_468 = arith.addi %mul3A_466, %add3A_467 : i32
        %get3A_469 = arith.index_cast %add3A_468 : i32 to index
        %get3A_470 = arith.constant 0 : index
        %get3A_471 = tpu.vector_load %arg11[%get3A_469, %get3A_470] {strides = array<i32>} : memref<80x64xf32, #tpu.memory_space<vmem>>, vector<16xf32>,
        %mul3A_472 = vector.broadcast %squeeze3A_464 : f32 to vector<16xf32>
        %mul3A_473 = arith.mulf %get3A_471, %mul3A_472 : vector<16xf32>
        %mul3A_474 = arith.constant 16 : i32
        %mul3A_475 = arith.muli %scan3A_65, %mul3A_474 : i32
        %add3A_476 = arith.constant 6 : i32
        %add3A_477 = arith.addi %mul3A_475, %add3A_476 : i32
        %swap3A_478 = arith.index_cast %add3A_477 : i32 to index
        %swap3A_479 = arith.constant 0 : index
        %swap3A_480 = tpu.vector_load %arg11[%swap3A_478, %swap3A_479] {strides = array<i32>} : memref<80x64xf32, #tpu.memory_space<vmem>>, vector<16xf32>,
        tpu.vector_store %arg11[%swap3A_478, %swap3A_479], %mul3A_473 {strides = array<i32>} : memref<80x64xf32, #tpu.memory_space<vmem>>, vector<16xf32>,
        %mul3A_481 = arith.constant 16 : i32
        %mul3A_482 = arith.muli %scan3A_65, %mul3A_481 : i32
        %add3A_483 = arith.constant 6 : i32
        %add3A_484 = arith.addi %mul3A_482, %add3A_483 : i32
        %get3A_485 = arith.index_cast %add3A_484 : i32 to index
        %get3A_486 = arith.constant 16 : index
        %get3A_487 = tpu.vector_load %arg11[%get3A_485, %get3A_486] {strides = array<i32>} : memref<80x64xf32, #tpu.memory_space<vmem>>, vector<16xf32>,
        %mul3A_488 = vector.broadcast %squeeze3A_464 : f32 to vector<16xf32>
        %mul3A_489 = arith.mulf %get3A_487, %mul3A_488 : vector<16xf32>
        %mul3A_490 = arith.constant 16 : i32
        %mul3A_491 = arith.muli %scan3A_65, %mul3A_490 : i32
        %add3A_492 = arith.constant 6 : i32
        %add3A_493 = arith.addi %mul3A_491, %add3A_492 : i32
        %swap3A_494 = arith.index_cast %add3A_493 : i32 to index
        %swap3A_495 = arith.constant 16 : index
        %swap3A_496 = tpu.vector_load %arg11[%swap3A_494, %swap3A_495] {strides = array<i32>} : memref<80x64xf32, #tpu.memory_space<vmem>>, vector<16xf32>,
        tpu.vector_store %arg11[%swap3A_494, %swap3A_495], %mul3A_489 {strides = array<i32>} : memref<80x64xf32, #tpu.memory_space<vmem>>, vector<16xf32>,
        %mul3A_497 = arith.constant 16 : i32
        %mul3A_498 = arith.muli %scan3A_65, %mul3A_497 : i32
        %add3A_499 = arith.constant 6 : i32
        %add3A_500 = arith.addi %mul3A_498, %add3A_499 : i32
        %get3A_501 = arith.index_cast %add3A_500 : i32 to index
        %get3A_502 = arith.constant 32 : index
        %get3A_503 = tpu.vector_load %arg11[%get3A_501, %get3A_502] {strides = array<i32>} : memref<80x64xf32, #tpu.memory_space<vmem>>, vector<16xf32>,
        %mul3A_504 = vector.broadcast %squeeze3A_464 : f32 to vector<16xf32>
        %mul3A_505 = arith.mulf %get3A_503, %mul3A_504 : vector<16xf32>
        %mul3A_506 = arith.constant 16 : i32
        %mul3A_507 = arith.muli %scan3A_65, %mul3A_506 : i32
        %add3A_508 = arith.constant 6 : i32
        %add3A_509 = arith.addi %mul3A_507, %add3A_508 : i32
        %swap3A_510 = arith.index_cast %add3A_509 : i32 to index
        %swap3A_511 = arith.constant 32 : index
        %swap3A_512 = tpu.vector_load %arg11[%swap3A_510, %swap3A_511] {strides = array<i32>} : memref<80x64xf32, #tpu.memory_space<vmem>>, vector<16xf32>,
        tpu.vector_store %arg11[%swap3A_510, %swap3A_511], %mul3A_505 {strides = array<i32>} : memref<80x64xf32, #tpu.memory_space<vmem>>, vector<16xf32>,
        %mul3A_513 = arith.constant 16 : i32
        %mul3A_514 = arith.muli %scan3A_65, %mul3A_513 : i32
        %add3A_515 = arith.constant 6 : i32
        %add3A_516 = arith.addi %mul3A_514, %add3A_515 : i32
        %get3A_517 = arith.index_cast %add3A_516 : i32 to index
        %get3A_518 = arith.constant 48 : index
        %get3A_519 = tpu.vector_load %arg11[%get3A_517, %get3A_518] {strides = array<i32>} : memref<80x64xf32, #tpu.memory_space<vmem>>, vector<16xf32>,
        %mul3A_520 = vector.broadcast %squeeze3A_464 : f32 to vector<16xf32>
        %mul3A_521 = arith.mulf %get3A_519, %mul3A_520 : vector<16xf32>
        %mul3A_522 = arith.constant 16 : i32
        %mul3A_523 = arith.muli %scan3A_65, %mul3A_522 : i32
        %add3A_524 = arith.constant 6 : i32
        %add3A_525 = arith.addi %mul3A_523, %add3A_524 : i32
        %swap3A_526 = arith.index_cast %add3A_525 : i32 to index
        %swap3A_527 = arith.constant 48 : index
        %swap3A_528 = tpu.vector_load %arg11[%swap3A_526, %swap3A_527] {strides = array<i32>} : memref<80x64xf32, #tpu.memory_space<vmem>>, vector<16xf32>,
        tpu.vector_store %arg11[%swap3A_526, %swap3A_527], %mul3A_521 {strides = array<i32>} : memref<80x64xf32, #tpu.memory_space<vmem>>, vector<16xf32>,
        %slice3A_529 = vector.extract_strided_slice %get3A_69 {offsets = [7], sizes = [1], strides = [1]} : vector<16xf32> to vector<1xf32>
        %squeeze3A_530 = vector.extract %slice3A_529[0] : f32 from vector<1xf32>
        %mul3A_531 = arith.constant 16 : i32
        %mul3A_532 = arith.muli %scan3A_65, %mul3A_531 : i32
        %add3A_533 = arith.constant 7 : i32
        %add3A_534 = arith.addi %mul3A_532, %add3A_533 : i32
        %get3A_535 = arith.index_cast %add3A_534 : i32 to index
        %get3A_536 = arith.constant 0 : index
        %get3A_537 = tpu.vector_load %arg11[%get3A_535, %get3A_536] {strides = array<i32>} : memref<80x64xf32, #tpu.memory_space<vmem>>, vector<16xf32>,
        %mul3A_538 = vector.broadcast %squeeze3A_530 : f32 to vector<16xf32>
        %mul3A_539 = arith.mulf %get3A_537, %mul3A_538 : vector<16xf32>
        %mul3A_540 = arith.constant 16 : i32
        %mul3A_541 = arith.muli %scan3A_65, %mul3A_540 : i32
        %add3A_542 = arith.constant 7 : i32
        %add3A_543 = arith.addi %mul3A_541, %add3A_542 : i32
        %swap3A_544 = arith.index_cast %add3A_543 : i32 to index
        %swap3A_545 = arith.constant 0 : index
        %swap3A_546 = tpu.vector_load %arg11[%swap3A_544, %swap3A_545] {strides = array<i32>} : memref<80x64xf32, #tpu.memory_space<vmem>>, vector<16xf32>,
        tpu.vector_store %arg11[%swap3A_544, %swap3A_545], %mul3A_539 {strides = array<i32>} : memref<80x64xf32, #tpu.memory_space<vmem>>, vector<16xf32>,
        %mul3A_547 = arith.constant 16 : i32
        %mul3A_548 = arith.muli %scan3A_65, %mul3A_547 : i32
        %add3A_549 = arith.constant 7 : i32
        %add3A_550 = arith.addi %mul3A_548, %add3A_549 : i32
        %get3A_551 = arith.index_cast %add3A_550 : i32 to index
        %get3A_552 = arith.constant 16 : index
        %get3A_553 = tpu.vector_load %arg11[%get3A_551, %get3A_552] {strides = array<i32>} : memref<80x64xf32, #tpu.memory_space<vmem>>, vector<16xf32>,
        %mul3A_554 = vector.broadcast %squeeze3A_530 : f32 to vector<16xf32>
        %mul3A_555 = arith.mulf %get3A_553, %mul3A_554 : vector<16xf32>
        %mul3A_556 = arith.constant 16 : i32
        %mul3A_557 = arith.muli %scan3A_65, %mul3A_556 : i32
        %add3A_558 = arith.constant 7 : i32
        %add3A_559 = arith.addi %mul3A_557, %add3A_558 : i32
        %swap3A_560 = arith.index_cast %add3A_559 : i32 to index
        %swap3A_561 = arith.constant 16 : index
        %swap3A_562 = tpu.vector_load %arg11[%swap3A_560, %swap3A_561] {strides = array<i32>} : memref<80x64xf32, #tpu.memory_space<vmem>>, vector<16xf32>,
        tpu.vector_store %arg11[%swap3A_560, %swap3A_561], %mul3A_555 {strides = array<i32>} : memref<80x64xf32, #tpu.memory_space<vmem>>, vector<16xf32>,
        %mul3A_563 = arith.constant 16 : i32
        %mul3A_564 = arith.muli %scan3A_65, %mul3A_563 : i32
        %add3A_565 = arith.constant 7 : i32
        %add3A_566 = arith.addi %mul3A_564, %add3A_565 : i32
        %get3A_567 = arith.index_cast %add3A_566 : i32 to index
        %get3A_568 = arith.constant 32 : index
        %get3A_569 = tpu.vector_load %arg11[%get3A_567, %get3A_568] {strides = array<i32>} : memref<80x64xf32, #tpu.memory_space<vmem>>, vector<16xf32>,
        %mul3A_570 = vector.broadcast %squeeze3A_530 : f32 to vector<16xf32>
        %mul3A_571 = arith.mulf %get3A_569, %mul3A_570 : vector<16xf32>
        %mul3A_572 = arith.constant 16 : i32
        %mul3A_573 = arith.muli %scan3A_65, %mul3A_572 : i32
        %add3A_574 = arith.constant 7 : i32
        %add3A_575 = arith.addi %mul3A_573, %add3A_574 : i32
        %swap3A_576 = arith.index_cast %add3A_575 : i32 to index
        %swap3A_577 = arith.constant 32 : index
        %swap3A_578 = tpu.vector_load %arg11[%swap3A_576, %swap3A_577] {strides = array<i32>} : memref<80x64xf32, #tpu.memory_space<vmem>>, vector<16xf32>,
        tpu.vector_store %arg11[%swap3A_576, %swap3A_577], %mul3A_571 {strides = array<i32>} : memref<80x64xf32, #tpu.memory_space<vmem>>, vector<16xf32>,
        %mul3A_579 = arith.constant 16 : i32
        %mul3A_580 = arith.muli %scan3A_65, %mul3A_579 : i32
        %add3A_581 = arith.constant 7 : i32
        %add3A_582 = arith.addi %mul3A_580, %add3A_581 : i32
        %get3A_583 = arith.index_cast %add3A_582 : i32 to index
        %get3A_584 = arith.constant 48 : index
        %get3A_585 = tpu.vector_load %arg11[%get3A_583, %get3A_584] {strides = array<i32>} : memref<80x64xf32, #tpu.memory_space<vmem>>, vector<16xf32>,
        %mul3A_586 = vector.broadcast %squeeze3A_530 : f32 to vector<16xf32>
        %mul3A_587 = arith.mulf %get3A_585, %mul3A_586 : vector<16xf32>
        %mul3A_588 = arith.constant 16 : i32
        %mul3A_589 = arith.muli %scan3A_65, %mul3A_588 : i32
        %add3A_590 = arith.constant 7 : i32
        %add3A_591 = arith.addi %mul3A_589, %add3A_590 : i32
        %swap3A_592 = arith.index_cast %add3A_591 : i32 to index
        %swap3A_593 = arith.constant 48 : index
        %swap3A_594 = tpu.vector_load %arg11[%swap3A_592, %swap3A_593] {strides = array<i32>} : memref<80x64xf32, #tpu.memory_space<vmem>>, vector<16xf32>,
        tpu.vector_store %arg11[%swap3A_592, %swap3A_593], %mul3A_587 {strides = array<i32>} : memref<80x64xf32, #tpu.memory_space<vmem>>, vector<16xf32>,
        %slice3A_595 = vector.extract_strided_slice %get3A_69 {offsets = [8], sizes = [1], strides = [1]} : vector<16xf32> to vector<1xf32>
        %squeeze3A_596 = vector.extract %slice3A_595[0] : f32 from vector<1xf32>
        %mul3A_597 = arith.constant 16 : i32
        %mul3A_598 = arith.muli %scan3A_65, %mul3A_597 : i32
        %add3A_599 = arith.constant 8 : i32
        %add3A_600 = arith.addi %mul3A_598, %add3A_599 : i32
        %get3A_601 = arith.index_cast %add3A_600 : i32 to index
        %get3A_602 = arith.constant 0 : index
        %get3A_603 = tpu.vector_load %arg11[%get3A_601, %get3A_602] {strides = array<i32>} : memref<80x64xf32, #tpu.memory_space<vmem>>, vector<16xf32>,
        %mul3A_604 = vector.broadcast %squeeze3A_596 : f32 to vector<16xf32>
        %mul3A_605 = arith.mulf %get3A_603, %mul3A_604 : vector<16xf32>
        %mul3A_606 = arith.constant 16 : i32
        %mul3A_607 = arith.muli %scan3A_65, %mul3A_606 : i32
        %add3A_608 = arith.constant 8 : i32
        %add3A_609 = arith.addi %mul3A_607, %add3A_608 : i32
        %swap3A_610 = arith.index_cast %add3A_609 : i32 to index
        %swap3A_611 = arith.constant 0 : index
        %swap3A_612 = tpu.vector_load %arg11[%swap3A_610, %swap3A_611] {strides = array<i32>} : memref<80x64xf32, #tpu.memory_space<vmem>>, vector<16xf32>,
        tpu.vector_store %arg11[%swap3A_610, %swap3A_611], %mul3A_605 {strides = array<i32>} : memref<80x64xf32, #tpu.memory_space<vmem>>, vector<16xf32>,
        %mul3A_613 = arith.constant 16 : i32
        %mul3A_614 = arith.muli %scan3A_65, %mul3A_613 : i32
        %add3A_615 = arith.constant 8 : i32
        %add3A_616 = arith.addi %mul3A_614, %add3A_615 : i32
        %get3A_617 = arith.index_cast %add3A_616 : i32 to index
        %get3A_618 = arith.constant 16 : index
        %get3A_619 = tpu.vector_load %arg11[%get3A_617, %get3A_618] {strides = array<i32>} : memref<80x64xf32, #tpu.memory_space<vmem>>, vector<16xf32>,
        %mul3A_620 = vector.broadcast %squeeze3A_596 : f32 to vector<16xf32>
        %mul3A_621 = arith.mulf %get3A_619, %mul3A_620 : vector<16xf32>
        %mul3A_622 = arith.constant 16 : i32
        %mul3A_623 = arith.muli %scan3A_65, %mul3A_622 : i32
        %add3A_624 = arith.constant 8 : i32
        %add3A_625 = arith.addi %mul3A_623, %add3A_624 : i32
        %swap3A_626 = arith.index_cast %add3A_625 : i32 to index
        %swap3A_627 = arith.constant 16 : index
        %swap3A_628 = tpu.vector_load %arg11[%swap3A_626, %swap3A_627] {strides = array<i32>} : memref<80x64xf32, #tpu.memory_space<vmem>>, vector<16xf32>,
        tpu.vector_store %arg11[%swap3A_626, %swap3A_627], %mul3A_621 {strides = array<i32>} : memref<80x64xf32, #tpu.memory_space<vmem>>, vector<16xf32>,
        %mul3A_629 = arith.constant 16 : i32
        %mul3A_630 = arith.muli %scan3A_65, %mul3A_629 : i32
        %add3A_631 = arith.constant 8 : i32
        %add3A_632 = arith.addi %mul3A_630, %add3A_631 : i32
        %get3A_633 = arith.index_cast %add3A_632 : i32 to index
        %get3A_634 = arith.constant 32 : index
        %get3A_635 = tpu.vector_load %arg11[%get3A_633, %get3A_634] {strides = array<i32>} : memref<80x64xf32, #tpu.memory_space<vmem>>, vector<16xf32>,
        %mul3A_636 = vector.broadcast %squeeze3A_596 : f32 to vector<16xf32>
        %mul3A_637 = arith.mulf %get3A_635, %mul3A_636 : vector<16xf32>
        %mul3A_638 = arith.constant 16 : i32
        %mul3A_639 = arith.muli %scan3A_65, %mul3A_638 : i32
        %add3A_640 = arith.constant 8 : i32
        %add3A_641 = arith.addi %mul3A_639, %add3A_640 : i32
        %swap3A_642 = arith.index_cast %add3A_641 : i32 to index
        %swap3A_643 = arith.constant 32 : index
        %swap3A_644 = tpu.vector_load %arg11[%swap3A_642, %swap3A_643] {strides = array<i32>} : memref<80x64xf32, #tpu.memory_space<vmem>>, vector<16xf32>,
        tpu.vector_store %arg11[%swap3A_642, %swap3A_643], %mul3A_637 {strides = array<i32>} : memref<80x64xf32, #tpu.memory_space<vmem>>, vector<16xf32>,
        %mul3A_645 = arith.constant 16 : i32
        %mul3A_646 = arith.muli %scan3A_65, %mul3A_645 : i32
        %add3A_647 = arith.constant 8 : i32
        %add3A_648 = arith.addi %mul3A_646, %add3A_647 : i32
        %get3A_649 = arith.index_cast %add3A_648 : i32 to index
        %get3A_650 = arith.constant 48 : index
        %get3A_651 = tpu.vector_load %arg11[%get3A_649, %get3A_650] {strides = array<i32>} : memref<80x64xf32, #tpu.memory_space<vmem>>, vector<16xf32>,
        %mul3A_652 = vector.broadcast %squeeze3A_596 : f32 to vector<16xf32>
        %mul3A_653 = arith.mulf %get3A_651, %mul3A_652 : vector<16xf32>
        %mul3A_654 = arith.constant 16 : i32
        %mul3A_655 = arith.muli %scan3A_65, %mul3A_654 : i32
        %add3A_656 = arith.constant 8 : i32
        %add3A_657 = arith.addi %mul3A_655, %add3A_656 : i32
        %swap3A_658 = arith.index_cast %add3A_657 : i32 to index
        %swap3A_659 = arith.constant 48 : index
        %swap3A_660 = tpu.vector_load %arg11[%swap3A_658, %swap3A_659] {strides = array<i32>} : memref<80x64xf32, #tpu.memory_space<vmem>>, vector<16xf32>,
        tpu.vector_store %arg11[%swap3A_658, %swap3A_659], %mul3A_653 {strides = array<i32>} : memref<80x64xf32, #tpu.memory_space<vmem>>, vector<16xf32>,
        %slice3A_661 = vector.extract_strided_slice %get3A_69 {offsets = [9], sizes = [1], strides = [1]} : vector<16xf32> to vector<1xf32>
        %squeeze3A_662 = vector.extract %slice3A_661[0] : f32 from vector<1xf32>
        %mul3A_663 = arith.constant 16 : i32
        %mul3A_664 = arith.muli %scan3A_65, %mul3A_663 : i32
        %add3A_665 = arith.constant 9 : i32
        %add3A_666 = arith.addi %mul3A_664, %add3A_665 : i32
        %get3A_667 = arith.index_cast %add3A_666 : i32 to index
        %get3A_668 = arith.constant 0 : index
        %get3A_669 = tpu.vector_load %arg11[%get3A_667, %get3A_668] {strides = array<i32>} : memref<80x64xf32, #tpu.memory_space<vmem>>, vector<16xf32>,
        %mul3A_670 = vector.broadcast %squeeze3A_662 : f32 to vector<16xf32>
        %mul3A_671 = arith.mulf %get3A_669, %mul3A_670 : vector<16xf32>
        %mul3A_672 = arith.constant 16 : i32
        %mul3A_673 = arith.muli %scan3A_65, %mul3A_672 : i32
        %add3A_674 = arith.constant 9 : i32
        %add3A_675 = arith.addi %mul3A_673, %add3A_674 : i32
        %swap3A_676 = arith.index_cast %add3A_675 : i32 to index
        %swap3A_677 = arith.constant 0 : index
        %swap3A_678 = tpu.vector_load %arg11[%swap3A_676, %swap3A_677] {strides = array<i32>} : memref<80x64xf32, #tpu.memory_space<vmem>>, vector<16xf32>,
        tpu.vector_store %arg11[%swap3A_676, %swap3A_677], %mul3A_671 {strides = array<i32>} : memref<80x64xf32, #tpu.memory_space<vmem>>, vector<16xf32>,
        %mul3A_679 = arith.constant 16 : i32
        %mul3A_680 = arith.muli %scan3A_65, %mul3A_679 : i32
        %add3A_681 = arith.constant 9 : i32
        %add3A_682 = arith.addi %mul3A_680, %add3A_681 : i32
        %get3A_683 = arith.index_cast %add3A_682 : i32 to index
        %get3A_684 = arith.constant 16 : index
        %get3A_685 = tpu.vector_load %arg11[%get3A_683, %get3A_684] {strides = array<i32>} : memref<80x64xf32, #tpu.memory_space<vmem>>, vector<16xf32>,
        %mul3A_686 = vector.broadcast %squeeze3A_662 : f32 to vector<16xf32>
        %mul3A_687 = arith.mulf %get3A_685, %mul3A_686 : vector<16xf32>
        %mul3A_688 = arith.constant 16 : i32
        %mul3A_689 = arith.muli %scan3A_65, %mul3A_688 : i32
        %add3A_690 = arith.constant 9 : i32
        %add3A_691 = arith.addi %mul3A_689, %add3A_690 : i32
        %swap3A_692 = arith.index_cast %add3A_691 : i32 to index
        %swap3A_693 = arith.constant 16 : index
        %swap3A_694 = tpu.vector_load %arg11[%swap3A_692, %swap3A_693] {strides = array<i32>} : memref<80x64xf32, #tpu.memory_space<vmem>>, vector<16xf32>,
        tpu.vector_store %arg11[%swap3A_692, %swap3A_693], %mul3A_687 {strides = array<i32>} : memref<80x64xf32, #tpu.memory_space<vmem>>, vector<16xf32>,
        %mul3A_695 = arith.constant 16 : i32
        %mul3A_696 = arith.muli %scan3A_65, %mul3A_695 : i32
        %add3A_697 = arith.constant 9 : i32
        %add3A_698 = arith.addi %mul3A_696, %add3A_697 : i32
        %get3A_699 = arith.index_cast %add3A_698 : i32 to index
        %get3A_700 = arith.constant 32 : index
        %get3A_701 = tpu.vector_load %arg11[%get3A_699, %get3A_700] {strides = array<i32>} : memref<80x64xf32, #tpu.memory_space<vmem>>, vector<16xf32>,
        %mul3A_702 = vector.broadcast %squeeze3A_662 : f32 to vector<16xf32>
        %mul3A_703 = arith.mulf %get3A_701, %mul3A_702 : vector<16xf32>
        %mul3A_704 = arith.constant 16 : i32
        %mul3A_705 = arith.muli %scan3A_65, %mul3A_704 : i32
        %add3A_706 = arith.constant 9 : i32
        %add3A_707 = arith.addi %mul3A_705, %add3A_706 : i32
        %swap3A_708 = arith.index_cast %add3A_707 : i32 to index
        %swap3A_709 = arith.constant 32 : index
        %swap3A_710 = tpu.vector_load %arg11[%swap3A_708, %swap3A_709] {strides = array<i32>} : memref<80x64xf32, #tpu.memory_space<vmem>>, vector<16xf32>,
        tpu.vector_store %arg11[%swap3A_708, %swap3A_709], %mul3A_703 {strides = array<i32>} : memref<80x64xf32, #tpu.memory_space<vmem>>, vector<16xf32>,
        %mul3A_711 = arith.constant 16 : i32
        %mul3A_712 = arith.muli %scan3A_65, %mul3A_711 : i32
        %add3A_713 = arith.constant 9 : i32
        %add3A_714 = arith.addi %mul3A_712, %add3A_713 : i32
        %get3A_715 = arith.index_cast %add3A_714 : i32 to index
        %get3A_716 = arith.constant 48 : index
        %get3A_717 = tpu.vector_load %arg11[%get3A_715, %get3A_716] {strides = array<i32>} : memref<80x64xf32, #tpu.memory_space<vmem>>, vector<16xf32>,
        %mul3A_718 = vector.broadcast %squeeze3A_662 : f32 to vector<16xf32>
        %mul3A_719 = arith.mulf %get3A_717, %mul3A_718 : vector<16xf32>
        %mul3A_720 = arith.constant 16 : i32
        %mul3A_721 = arith.muli %scan3A_65, %mul3A_720 : i32
        %add3A_722 = arith.constant 9 : i32
        %add3A_723 = arith.addi %mul3A_721, %add3A_722 : i32
        %swap3A_724 = arith.index_cast %add3A_723 : i32 to index
        %swap3A_725 = arith.constant 48 : index
        %swap3A_726 = tpu.vector_load %arg11[%swap3A_724, %swap3A_725] {strides = array<i32>} : memref<80x64xf32, #tpu.memory_space<vmem>>, vector<16xf32>,
        tpu.vector_store %arg11[%swap3A_724, %swap3A_725], %mul3A_719 {strides = array<i32>} : memref<80x64xf32, #tpu.memory_space<vmem>>, vector<16xf32>,
        %slice3A_727 = vector.extract_strided_slice %get3A_69 {offsets = [10], sizes = [1], strides = [1]} : vector<16xf32> to vector<1xf32>
        %squeeze3A_728 = vector.extract %slice3A_727[0] : f32 from vector<1xf32>
        %mul3A_729 = arith.constant 16 : i32
        %mul3A_730 = arith.muli %scan3A_65, %mul3A_729 : i32
        %add3A_731 = arith.constant 10 : i32
        %add3A_732 = arith.addi %mul3A_730, %add3A_731 : i32
        %get3A_733 = arith.index_cast %add3A_732 : i32 to index
        %get3A_734 = arith.constant 0 : index
        %get3A_735 = tpu.vector_load %arg11[%get3A_733, %get3A_734] {strides = array<i32>} : memref<80x64xf32, #tpu.memory_space<vmem>>, vector<16xf32>,
        %mul3A_736 = vector.broadcast %squeeze3A_728 : f32 to vector<16xf32>
        %mul3A_737 = arith.mulf %get3A_735, %mul3A_736 : vector<16xf32>
        %mul3A_738 = arith.constant 16 : i32
        %mul3A_739 = arith.muli %scan3A_65, %mul3A_738 : i32
        %add3A_740 = arith.constant 10 : i32
        %add3A_741 = arith.addi %mul3A_739, %add3A_740 : i32
        %swap3A_742 = arith.index_cast %add3A_741 : i32 to index
        %swap3A_743 = arith.constant 0 : index
        %swap3A_744 = tpu.vector_load %arg11[%swap3A_742, %swap3A_743] {strides = array<i32>} : memref<80x64xf32, #tpu.memory_space<vmem>>, vector<16xf32>,
        tpu.vector_store %arg11[%swap3A_742, %swap3A_743], %mul3A_737 {strides = array<i32>} : memref<80x64xf32, #tpu.memory_space<vmem>>, vector<16xf32>,
        %mul3A_745 = arith.constant 16 : i32
        %mul3A_746 = arith.muli %scan3A_65, %mul3A_745 : i32
        %add3A_747 = arith.constant 10 : i32
        %add3A_748 = arith.addi %mul3A_746, %add3A_747 : i32
        %get3A_749 = arith.index_cast %add3A_748 : i32 to index
        %get3A_750 = arith.constant 16 : index
        %get3A_751 = tpu.vector_load %arg11[%get3A_749, %get3A_750] {strides = array<i32>} : memref<80x64xf32, #tpu.memory_space<vmem>>, vector<16xf32>,
        %mul3A_752 = vector.broadcast %squeeze3A_728 : f32 to vector<16xf32>
        %mul3A_753 = arith.mulf %get3A_751, %mul3A_752 : vector<16xf32>
        %mul3A_754 = arith.constant 16 : i32
        %mul3A_755 = arith.muli %scan3A_65, %mul3A_754 : i32
        %add3A_756 = arith.constant 10 : i32
        %add3A_757 = arith.addi %mul3A_755, %add3A_756 : i32
        %swap3A_758 = arith.index_cast %add3A_757 : i32 to index
        %swap3A_759 = arith.constant 16 : index
        %swap3A_760 = tpu.vector_load %arg11[%swap3A_758, %swap3A_759] {strides = array<i32>} : memref<80x64xf32, #tpu.memory_space<vmem>>, vector<16xf32>,
        tpu.vector_store %arg11[%swap3A_758, %swap3A_759], %mul3A_753 {strides = array<i32>} : memref<80x64xf32, #tpu.memory_space<vmem>>, vector<16xf32>,
        %mul3A_761 = arith.constant 16 : i32
        %mul3A_762 = arith.muli %scan3A_65, %mul3A_761 : i32
        %add3A_763 = arith.constant 10 : i32
        %add3A_764 = arith.addi %mul3A_762, %add3A_763 : i32
        %get3A_765 = arith.index_cast %add3A_764 : i32 to index
        %get3A_766 = arith.constant 32 : index
        %get3A_767 = tpu.vector_load %arg11[%get3A_765, %get3A_766] {strides = array<i32>} : memref<80x64xf32, #tpu.memory_space<vmem>>, vector<16xf32>,
        %mul3A_768 = vector.broadcast %squeeze3A_728 : f32 to vector<16xf32>
        %mul3A_769 = arith.mulf %get3A_767, %mul3A_768 : vector<16xf32>
        %mul3A_770 = arith.constant 16 : i32
        %mul3A_771 = arith.muli %scan3A_65, %mul3A_770 : i32
        %add3A_772 = arith.constant 10 : i32
        %add3A_773 = arith.addi %mul3A_771, %add3A_772 : i32
        %swap3A_774 = arith.index_cast %add3A_773 : i32 to index
        %swap3A_775 = arith.constant 32 : index
        %swap3A_776 = tpu.vector_load %arg11[%swap3A_774, %swap3A_775] {strides = array<i32>} : memref<80x64xf32, #tpu.memory_space<vmem>>, vector<16xf32>,
        tpu.vector_store %arg11[%swap3A_774, %swap3A_775], %mul3A_769 {strides = array<i32>} : memref<80x64xf32, #tpu.memory_space<vmem>>, vector<16xf32>,
        %mul3A_777 = arith.constant 16 : i32
        %mul3A_778 = arith.muli %scan3A_65, %mul3A_777 : i32
        %add3A_779 = arith.constant 10 : i32
        %add3A_780 = arith.addi %mul3A_778, %add3A_779 : i32
        %get3A_781 = arith.index_cast %add3A_780 : i32 to index
        %get3A_782 = arith.constant 48 : index
        %get3A_783 = tpu.vector_load %arg11[%get3A_781, %get3A_782] {strides = array<i32>} : memref<80x64xf32, #tpu.memory_space<vmem>>, vector<16xf32>,
        %mul3A_784 = vector.broadcast %squeeze3A_728 : f32 to vector<16xf32>
        %mul3A_785 = arith.mulf %get3A_783, %mul3A_784 : vector<16xf32>
        %mul3A_786 = arith.constant 16 : i32
        %mul3A_787 = arith.muli %scan3A_65, %mul3A_786 : i32
        %add3A_788 = arith.constant 10 : i32
        %add3A_789 = arith.addi %mul3A_787, %add3A_788 : i32
        %swap3A_790 = arith.index_cast %add3A_789 : i32 to index
        %swap3A_791 = arith.constant 48 : index
        %swap3A_792 = tpu.vector_load %arg11[%swap3A_790, %swap3A_791] {strides = array<i32>} : memref<80x64xf32, #tpu.memory_space<vmem>>, vector<16xf32>,
        tpu.vector_store %arg11[%swap3A_790, %swap3A_791], %mul3A_785 {strides = array<i32>} : memref<80x64xf32, #tpu.memory_space<vmem>>, vector<16xf32>,
        %slice3A_793 = vector.extract_strided_slice %get3A_69 {offsets = [11], sizes = [1], strides = [1]} : vector<16xf32> to vector<1xf32>
        %squeeze3A_794 = vector.extract %slice3A_793[0] : f32 from vector<1xf32>
        %mul3A_795 = arith.constant 16 : i32
        %mul3A_796 = arith.muli %scan3A_65, %mul3A_795 : i32
        %add3A_797 = arith.constant 11 : i32
        %add3A_798 = arith.addi %mul3A_796, %add3A_797 : i32
        %get3A_799 = arith.index_cast %add3A_798 : i32 to index
        %get3A_800 = arith.constant 0 : index
        %get3A_801 = tpu.vector_load %arg11[%get3A_799, %get3A_800] {strides = array<i32>} : memref<80x64xf32, #tpu.memory_space<vmem>>, vector<16xf32>,
        %mul3A_802 = vector.broadcast %squeeze3A_794 : f32 to vector<16xf32>
        %mul3A_803 = arith.mulf %get3A_801, %mul3A_802 : vector<16xf32>
        %mul3A_804 = arith.constant 16 : i32
        %mul3A_805 = arith.muli %scan3A_65, %mul3A_804 : i32
        %add3A_806 = arith.constant 11 : i32
        %add3A_807 = arith.addi %mul3A_805, %add3A_806 : i32
        %swap3A_808 = arith.index_cast %add3A_807 : i32 to index
        %swap3A_809 = arith.constant 0 : index
        %swap3A_810 = tpu.vector_load %arg11[%swap3A_808, %swap3A_809] {strides = array<i32>} : memref<80x64xf32, #tpu.memory_space<vmem>>, vector<16xf32>,
        tpu.vector_store %arg11[%swap3A_808, %swap3A_809], %mul3A_803 {strides = array<i32>} : memref<80x64xf32, #tpu.memory_space<vmem>>, vector<16xf32>,
        %mul3A_811 = arith.constant 16 : i32
        %mul3A_812 = arith.muli %scan3A_65, %mul3A_811 : i32
        %add3A_813 = arith.constant 11 : i32
        %add3A_814 = arith.addi %mul3A_812, %add3A_813 : i32
        %get3A_815 = arith.index_cast %add3A_814 : i32 to index
        %get3A_816 = arith.constant 16 : index
        %get3A_817 = tpu.vector_load %arg11[%get3A_815, %get3A_816] {strides = array<i32>} : memref<80x64xf32, #tpu.memory_space<vmem>>, vector<16xf32>,
        %mul3A_818 = vector.broadcast %squeeze3A_794 : f32 to vector<16xf32>
        %mul3A_819 = arith.mulf %get3A_817, %mul3A_818 : vector<16xf32>
        %mul3A_820 = arith.constant 16 : i32
        %mul3A_821 = arith.muli %scan3A_65, %mul3A_820 : i32
        %add3A_822 = arith.constant 11 : i32
        %add3A_823 = arith.addi %mul3A_821, %add3A_822 : i32
        %swap3A_824 = arith.index_cast %add3A_823 : i32 to index
        %swap3A_825 = arith.constant 16 : index
        %swap3A_826 = tpu.vector_load %arg11[%swap3A_824, %swap3A_825] {strides = array<i32>} : memref<80x64xf32, #tpu.memory_space<vmem>>, vector<16xf32>,
        tpu.vector_store %arg11[%swap3A_824, %swap3A_825], %mul3A_819 {strides = array<i32>} : memref<80x64xf32, #tpu.memory_space<vmem>>, vector<16xf32>,
        %mul3A_827 = arith.constant 16 : i32
        %mul3A_828 = arith.muli %scan3A_65, %mul3A_827 : i32
        %add3A_829 = arith.constant 11 : i32
        %add3A_830 = arith.addi %mul3A_828, %add3A_829 : i32
        %get3A_831 = arith.index_cast %add3A_830 : i32 to index
        %get3A_832 = arith.constant 32 : index
        %get3A_833 = tpu.vector_load %arg11[%get3A_831, %get3A_832] {strides = array<i32>} : memref<80x64xf32, #tpu.memory_space<vmem>>, vector<16xf32>,
        %mul3A_834 = vector.broadcast %squeeze3A_794 : f32 to vector<16xf32>
        %mul3A_835 = arith.mulf %get3A_833, %mul3A_834 : vector<16xf32>
        %mul3A_836 = arith.constant 16 : i32
        %mul3A_837 = arith.muli %scan3A_65, %mul3A_836 : i32
        %add3A_838 = arith.constant 11 : i32
        %add3A_839 = arith.addi %mul3A_837, %add3A_838 : i32
        %swap3A_840 = arith.index_cast %add3A_839 : i32 to index
        %swap3A_841 = arith.constant 32 : index
        %swap3A_842 = tpu.vector_load %arg11[%swap3A_840, %swap3A_841] {strides = array<i32>} : memref<80x64xf32, #tpu.memory_space<vmem>>, vector<16xf32>,
        tpu.vector_store %arg11[%swap3A_840, %swap3A_841], %mul3A_835 {strides = array<i32>} : memref<80x64xf32, #tpu.memory_space<vmem>>, vector<16xf32>,
        %mul3A_843 = arith.constant 16 : i32
        %mul3A_844 = arith.muli %scan3A_65, %mul3A_843 : i32
        %add3A_845 = arith.constant 11 : i32
        %add3A_846 = arith.addi %mul3A_844, %add3A_845 : i32
        %get3A_847 = arith.index_cast %add3A_846 : i32 to index
        %get3A_848 = arith.constant 48 : index
        %get3A_849 = tpu.vector_load %arg11[%get3A_847, %get3A_848] {strides = array<i32>} : memref<80x64xf32, #tpu.memory_space<vmem>>, vector<16xf32>,
        %mul3A_850 = vector.broadcast %squeeze3A_794 : f32 to vector<16xf32>
        %mul3A_851 = arith.mulf %get3A_849, %mul3A_850 : vector<16xf32>
        %mul3A_852 = arith.constant 16 : i32
        %mul3A_853 = arith.muli %scan3A_65, %mul3A_852 : i32
        %add3A_854 = arith.constant 11 : i32
        %add3A_855 = arith.addi %mul3A_853, %add3A_854 : i32
        %swap3A_856 = arith.index_cast %add3A_855 : i32 to index
        %swap3A_857 = arith.constant 48 : index
        %swap3A_858 = tpu.vector_load %arg11[%swap3A_856, %swap3A_857] {strides = array<i32>} : memref<80x64xf32, #tpu.memory_space<vmem>>, vector<16xf32>,
        tpu.vector_store %arg11[%swap3A_856, %swap3A_857], %mul3A_851 {strides = array<i32>} : memref<80x64xf32, #tpu.memory_space<vmem>>, vector<16xf32>,
        %slice3A_859 = vector.extract_strided_slice %get3A_69 {offsets = [12], sizes = [1], strides = [1]} : vector<16xf32> to vector<1xf32>
        %squeeze3A_860 = vector.extract %slice3A_859[0] : f32 from vector<1xf32>
        %mul3A_861 = arith.constant 16 : i32
        %mul3A_862 = arith.muli %scan3A_65, %mul3A_861 : i32
        %add3A_863 = arith.constant 12 : i32
        %add3A_864 = arith.addi %mul3A_862, %add3A_863 : i32
        %get3A_865 = arith.index_cast %add3A_864 : i32 to index
        %get3A_866 = arith.constant 0 : index
        %get3A_867 = tpu.vector_load %arg11[%get3A_865, %get3A_866] {strides = array<i32>} : memref<80x64xf32, #tpu.memory_space<vmem>>, vector<16xf32>,
        %mul3A_868 = vector.broadcast %squeeze3A_860 : f32 to vector<16xf32>
        %mul3A_869 = arith.mulf %get3A_867, %mul3A_868 : vector<16xf32>
        %mul3A_870 = arith.constant 16 : i32
        %mul3A_871 = arith.muli %scan3A_65, %mul3A_870 : i32
        %add3A_872 = arith.constant 12 : i32
        %add3A_873 = arith.addi %mul3A_871, %add3A_872 : i32
        %swap3A_874 = arith.index_cast %add3A_873 : i32 to index
        %swap3A_875 = arith.constant 0 : index
        %swap3A_876 = tpu.vector_load %arg11[%swap3A_874, %swap3A_875] {strides = array<i32>} : memref<80x64xf32, #tpu.memory_space<vmem>>, vector<16xf32>,
        tpu.vector_store %arg11[%swap3A_874, %swap3A_875], %mul3A_869 {strides = array<i32>} : memref<80x64xf32, #tpu.memory_space<vmem>>, vector<16xf32>,
        %mul3A_877 = arith.constant 16 : i32
        %mul3A_878 = arith.muli %scan3A_65, %mul3A_877 : i32
        %add3A_879 = arith.constant 12 : i32
        %add3A_880 = arith.addi %mul3A_878, %add3A_879 : i32
        %get3A_881 = arith.index_cast %add3A_880 : i32 to index
        %get3A_882 = arith.constant 16 : index
        %get3A_883 = tpu.vector_load %arg11[%get3A_881, %get3A_882] {strides = array<i32>} : memref<80x64xf32, #tpu.memory_space<vmem>>, vector<16xf32>,
        %mul3A_884 = vector.broadcast %squeeze3A_860 : f32 to vector<16xf32>
        %mul3A_885 = arith.mulf %get3A_883, %mul3A_884 : vector<16xf32>
        %mul3A_886 = arith.constant 16 : i32
        %mul3A_887 = arith.muli %scan3A_65, %mul3A_886 : i32
        %add3A_888 = arith.constant 12 : i32
        %add3A_889 = arith.addi %mul3A_887, %add3A_888 : i32
        %swap3A_890 = arith.index_cast %add3A_889 : i32 to index
        %swap3A_891 = arith.constant 16 : index
        %swap3A_892 = tpu.vector_load %arg11[%swap3A_890, %swap3A_891] {strides = array<i32>} : memref<80x64xf32, #tpu.memory_space<vmem>>, vector<16xf32>,
        tpu.vector_store %arg11[%swap3A_890, %swap3A_891], %mul3A_885 {strides = array<i32>} : memref<80x64xf32, #tpu.memory_space<vmem>>, vector<16xf32>,
        %mul3A_893 = arith.constant 16 : i32
        %mul3A_894 = arith.muli %scan3A_65, %mul3A_893 : i32
        %add3A_895 = arith.constant 12 : i32
        %add3A_896 = arith.addi %mul3A_894, %add3A_895 : i32
        %get3A_897 = arith.index_cast %add3A_896 : i32 to index
        %get3A_898 = arith.constant 32 : index
        %get3A_899 = tpu.vector_load %arg11[%get3A_897, %get3A_898] {strides = array<i32>} : memref<80x64xf32, #tpu.memory_space<vmem>>, vector<16xf32>,
        %mul3A_900 = vector.broadcast %squeeze3A_860 : f32 to vector<16xf32>
        %mul3A_901 = arith.mulf %get3A_899, %mul3A_900 : vector<16xf32>
        %mul3A_902 = arith.constant 16 : i32
        %mul3A_903 = arith.muli %scan3A_65, %mul3A_902 : i32
        %add3A_904 = arith.constant 12 : i32
        %add3A_905 = arith.addi %mul3A_903, %add3A_904 : i32
        %swap3A_906 = arith.index_cast %add3A_905 : i32 to index
        %swap3A_907 = arith.constant 32 : index
        %swap3A_908 = tpu.vector_load %arg11[%swap3A_906, %swap3A_907] {strides = array<i32>} : memref<80x64xf32, #tpu.memory_space<vmem>>, vector<16xf32>,
        tpu.vector_store %arg11[%swap3A_906, %swap3A_907], %mul3A_901 {strides = array<i32>} : memref<80x64xf32, #tpu.memory_space<vmem>>, vector<16xf32>,
        %mul3A_909 = arith.constant 16 : i32
        %mul3A_910 = arith.muli %scan3A_65, %mul3A_909 : i32
        %add3A_911 = arith.constant 12 : i32
        %add3A_912 = arith.addi %mul3A_910, %add3A_911 : i32
        %get3A_913 = arith.index_cast %add3A_912 : i32 to index
        %get3A_914 = arith.constant 48 : index
        %get3A_915 = tpu.vector_load %arg11[%get3A_913, %get3A_914] {strides = array<i32>} : memref<80x64xf32, #tpu.memory_space<vmem>>, vector<16xf32>,
        %mul3A_916 = vector.broadcast %squeeze3A_860 : f32 to vector<16xf32>
        %mul3A_917 = arith.mulf %get3A_915, %mul3A_916 : vector<16xf32>
        %mul3A_918 = arith.constant 16 : i32
        %mul3A_919 = arith.muli %scan3A_65, %mul3A_918 : i32
        %add3A_920 = arith.constant 12 : i32
        %add3A_921 = arith.addi %mul3A_919, %add3A_920 : i32
        %swap3A_922 = arith.index_cast %add3A_921 : i32 to index
        %swap3A_923 = arith.constant 48 : index
        %swap3A_924 = tpu.vector_load %arg11[%swap3A_922, %swap3A_923] {strides = array<i32>} : memref<80x64xf32, #tpu.memory_space<vmem>>, vector<16xf32>,
        tpu.vector_store %arg11[%swap3A_922, %swap3A_923], %mul3A_917 {strides = array<i32>} : memref<80x64xf32, #tpu.memory_space<vmem>>, vector<16xf32>,
        %slice3A_925 = vector.extract_strided_slice %get3A_69 {offsets = [13], sizes = [1], strides = [1]} : vector<16xf32> to vector<1xf32>
        %squeeze3A_926 = vector.extract %slice3A_925[0] : f32 from vector<1xf32>
        %mul3A_927 = arith.constant 16 : i32
        %mul3A_928 = arith.muli %scan3A_65, %mul3A_927 : i32
        %add3A_929 = arith.constant 13 : i32
        %add3A_930 = arith.addi %mul3A_928, %add3A_929 : i32
        %get3A_931 = arith.index_cast %add3A_930 : i32 to index
        %get3A_932 = arith.constant 0 : index
        %get3A_933 = tpu.vector_load %arg11[%get3A_931, %get3A_932] {strides = array<i32>} : memref<80x64xf32, #tpu.memory_space<vmem>>, vector<16xf32>,
        %mul3A_934 = vector.broadcast %squeeze3A_926 : f32 to vector<16xf32>
        %mul3A_935 = arith.mulf %get3A_933, %mul3A_934 : vector<16xf32>
        %mul3A_936 = arith.constant 16 : i32
        %mul3A_937 = arith.muli %scan3A_65, %mul3A_936 : i32
        %add3A_938 = arith.constant 13 : i32
        %add3A_939 = arith.addi %mul3A_937, %add3A_938 : i32
        %swap3A_940 = arith.index_cast %add3A_939 : i32 to index
        %swap3A_941 = arith.constant 0 : index
        %swap3A_942 = tpu.vector_load %arg11[%swap3A_940, %swap3A_941] {strides = array<i32>} : memref<80x64xf32, #tpu.memory_space<vmem>>, vector<16xf32>,
        tpu.vector_store %arg11[%swap3A_940, %swap3A_941], %mul3A_935 {strides = array<i32>} : memref<80x64xf32, #tpu.memory_space<vmem>>, vector<16xf32>,
        %mul3A_943 = arith.constant 16 : i32
        %mul3A_944 = arith.muli %scan3A_65, %mul3A_943 : i32
        %add3A_945 = arith.constant 13 : i32
        %add3A_946 = arith.addi %mul3A_944, %add3A_945 : i32
        %get3A_947 = arith.index_cast %add3A_946 : i32 to index
        %get3A_948 = arith.constant 16 : index
        %get3A_949 = tpu.vector_load %arg11[%get3A_947, %get3A_948] {strides = array<i32>} : memref<80x64xf32, #tpu.memory_space<vmem>>, vector<16xf32>,
        %mul3A_950 = vector.broadcast %squeeze3A_926 : f32 to vector<16xf32>
        %mul3A_951 = arith.mulf %get3A_949, %mul3A_950 : vector<16xf32>
        %mul3A_952 = arith.constant 16 : i32
        %mul3A_953 = arith.muli %scan3A_65, %mul3A_952 : i32
        %add3A_954 = arith.constant 13 : i32
        %add3A_955 = arith.addi %mul3A_953, %add3A_954 : i32
        %swap3A_956 = arith.index_cast %add3A_955 : i32 to index
        %swap3A_957 = arith.constant 16 : index
        %swap3A_958 = tpu.vector_load %arg11[%swap3A_956, %swap3A_957] {strides = array<i32>} : memref<80x64xf32, #tpu.memory_space<vmem>>, vector<16xf32>,
        tpu.vector_store %arg11[%swap3A_956, %swap3A_957], %mul3A_951 {strides = array<i32>} : memref<80x64xf32, #tpu.memory_space<vmem>>, vector<16xf32>,
        %mul3A_959 = arith.constant 16 : i32
        %mul3A_960 = arith.muli %scan3A_65, %mul3A_959 : i32
        %add3A_961 = arith.constant 13 : i32
        %add3A_962 = arith.addi %mul3A_960, %add3A_961 : i32
        %get3A_963 = arith.index_cast %add3A_962 : i32 to index
        %get3A_964 = arith.constant 32 : index
        %get3A_965 = tpu.vector_load %arg11[%get3A_963, %get3A_964] {strides = array<i32>} : memref<80x64xf32, #tpu.memory_space<vmem>>, vector<16xf32>,
        %mul3A_966 = vector.broadcast %squeeze3A_926 : f32 to vector<16xf32>
        %mul3A_967 = arith.mulf %get3A_965, %mul3A_966 : vector<16xf32>
        %mul3A_968 = arith.constant 16 : i32
        %mul3A_969 = arith.muli %scan3A_65, %mul3A_968 : i32
        %add3A_970 = arith.constant 13 : i32
        %add3A_971 = arith.addi %mul3A_969, %add3A_970 : i32
        %swap3A_972 = arith.index_cast %add3A_971 : i32 to index
        %swap3A_973 = arith.constant 32 : index
        %swap3A_974 = tpu.vector_load %arg11[%swap3A_972, %swap3A_973] {strides = array<i32>} : memref<80x64xf32, #tpu.memory_space<vmem>>, vector<16xf32>,
        tpu.vector_store %arg11[%swap3A_972, %swap3A_973], %mul3A_967 {strides = array<i32>} : memref<80x64xf32, #tpu.memory_space<vmem>>, vector<16xf32>,
        %mul3A_975 = arith.constant 16 : i32
        %mul3A_976 = arith.muli %scan3A_65, %mul3A_975 : i32
        %add3A_977 = arith.constant 13 : i32
        %add3A_978 = arith.addi %mul3A_976, %add3A_977 : i32
        %get3A_979 = arith.index_cast %add3A_978 : i32 to index
        %get3A_980 = arith.constant 48 : index
        %get3A_981 = tpu.vector_load %arg11[%get3A_979, %get3A_980] {strides = array<i32>} : memref<80x64xf32, #tpu.memory_space<vmem>>, vector<16xf32>,
        %mul3A_982 = vector.broadcast %squeeze3A_926 : f32 to vector<16xf32>
        %mul3A_983 = arith.mulf %get3A_981, %mul3A_982 : vector<16xf32>
        %mul3A_984 = arith.constant 16 : i32
        %mul3A_985 = arith.muli %scan3A_65, %mul3A_984 : i32
        %add3A_986 = arith.constant 13 : i32
        %add3A_987 = arith.addi %mul3A_985, %add3A_986 : i32
        %swap3A_988 = arith.index_cast %add3A_987 : i32 to index
        %swap3A_989 = arith.constant 48 : index
        %swap3A_990 = tpu.vector_load %arg11[%swap3A_988, %swap3A_989] {strides = array<i32>} : memref<80x64xf32, #tpu.memory_space<vmem>>, vector<16xf32>,
        tpu.vector_store %arg11[%swap3A_988, %swap3A_989], %mul3A_983 {strides = array<i32>} : memref<80x64xf32, #tpu.memory_space<vmem>>, vector<16xf32>,
        %slice3A_991 = vector.extract_strided_slice %get3A_69 {offsets = [14], sizes = [1], strides = [1]} : vector<16xf32> to vector<1xf32>
        %squeeze3A_992 = vector.extract %slice3A_991[0] : f32 from vector<1xf32>
        %mul3A_993 = arith.constant 16 : i32
        %mul3A_994 = arith.muli %scan3A_65, %mul3A_993 : i32
        %add3A_995 = arith.constant 14 : i32
        %add3A_996 = arith.addi %mul3A_994, %add3A_995 : i32
        %get3A_997 = arith.index_cast %add3A_996 : i32 to index
        %get3A_998 = arith.constant 0 : index
        %get3A_999 = tpu.vector_load %arg11[%get3A_997, %get3A_998] {strides = array<i32>} : memref<80x64xf32, #tpu.memory_space<vmem>>, vector<16xf32>,
        %mul3A_1000 = vector.broadcast %squeeze3A_992 : f32 to vector<16xf32>
        %mul3A_1001 = arith.mulf %get3A_999, %mul3A_1000 : vector<16xf32>
        %mul3A_1002 = arith.constant 16 : i32
        %mul3A_1003 = arith.muli %scan3A_65, %mul3A_1002 : i32
        %add3A_1004 = arith.constant 14 : i32
        %add3A_1005 = arith.addi %mul3A_1003, %add3A_1004 : i32
        %swap3A_1006 = arith.index_cast %add3A_1005 : i32 to index
        %swap3A_1007 = arith.constant 0 : index
        %swap3A_1008 = tpu.vector_load %arg11[%swap3A_1006, %swap3A_1007] {strides = array<i32>} : memref<80x64xf32, #tpu.memory_space<vmem>>, vector<16xf32>,
        tpu.vector_store %arg11[%swap3A_1006, %swap3A_1007], %mul3A_1001 {strides = array<i32>} : memref<80x64xf32, #tpu.memory_space<vmem>>, vector<16xf32>,
        %mul3A_1009 = arith.constant 16 : i32
        %mul3A_1010 = arith.muli %scan3A_65, %mul3A_1009 : i32
        %add3A_1011 = arith.constant 14 : i32
        %add3A_1012 = arith.addi %mul3A_1010, %add3A_1011 : i32
        %get3A_1013 = arith.index_cast %add3A_1012 : i32 to index
        %get3A_1014 = arith.constant 16 : index
        %get3A_1015 = tpu.vector_load %arg11[%get3A_1013, %get3A_1014] {strides = array<i32>} : memref<80x64xf32, #tpu.memory_space<vmem>>, vector<16xf32>,
        %mul3A_1016 = vector.broadcast %squeeze3A_992 : f32 to vector<16xf32>
        %mul3A_1017 = arith.mulf %get3A_1015, %mul3A_1016 : vector<16xf32>
        %mul3A_1018 = arith.constant 16 : i32
        %mul3A_1019 = arith.muli %scan3A_65, %mul3A_1018 : i32
        %add3A_1020 = arith.constant 14 : i32
        %add3A_1021 = arith.addi %mul3A_1019, %add3A_1020 : i32
        %swap3A_1022 = arith.index_cast %add3A_1021 : i32 to index
        %swap3A_1023 = arith.constant 16 : index
        %swap3A_1024 = tpu.vector_load %arg11[%swap3A_1022, %swap3A_1023] {strides = array<i32>} : memref<80x64xf32, #tpu.memory_space<vmem>>, vector<16xf32>,
        tpu.vector_store %arg11[%swap3A_1022, %swap3A_1023], %mul3A_1017 {strides = array<i32>} : memref<80x64xf32, #tpu.memory_space<vmem>>, vector<16xf32>,
        %mul3A_1025 = arith.constant 16 : i32
        %mul3A_1026 = arith.muli %scan3A_65, %mul3A_1025 : i32
        %add3A_1027 = arith.constant 14 : i32
        %add3A_1028 = arith.addi %mul3A_1026, %add3A_1027 : i32
        %get3A_1029 = arith.index_cast %add3A_1028 : i32 to index
        %get3A_1030 = arith.constant 32 : index
        %get3A_1031 = tpu.vector_load %arg11[%get3A_1029, %get3A_1030] {strides = array<i32>} : memref<80x64xf32, #tpu.memory_space<vmem>>, vector<16xf32>,
        %mul3A_1032 = vector.broadcast %squeeze3A_992 : f32 to vector<16xf32>
        %mul3A_1033 = arith.mulf %get3A_1031, %mul3A_1032 : vector<16xf32>
        %mul3A_1034 = arith.constant 16 : i32
        %mul3A_1035 = arith.muli %scan3A_65, %mul3A_1034 : i32
        %add3A_1036 = arith.constant 14 : i32
        %add3A_1037 = arith.addi %mul3A_1035, %add3A_1036 : i32
        %swap3A_1038 = arith.index_cast %add3A_1037 : i32 to index
        %swap3A_1039 = arith.constant 32 : index
        %swap3A_1040 = tpu.vector_load %arg11[%swap3A_1038, %swap3A_1039] {strides = array<i32>} : memref<80x64xf32, #tpu.memory_space<vmem>>, vector<16xf32>,
        tpu.vector_store %arg11[%swap3A_1038, %swap3A_1039], %mul3A_1033 {strides = array<i32>} : memref<80x64xf32, #tpu.memory_space<vmem>>, vector<16xf32>,
        %mul3A_1041 = arith.constant 16 : i32
        %mul3A_1042 = arith.muli %scan3A_65, %mul3A_1041 : i32
        %add3A_1043 = arith.constant 14 : i32
        %add3A_1044 = arith.addi %mul3A_1042, %add3A_1043 : i32
        %get3A_1045 = arith.index_cast %add3A_1044 : i32 to index
        %get3A_1046 = arith.constant 48 : index
        %get3A_1047 = tpu.vector_load %arg11[%get3A_1045, %get3A_1046] {strides = array<i32>} : memref<80x64xf32, #tpu.memory_space<vmem>>, vector<16xf32>,
        %mul3A_1048 = vector.broadcast %squeeze3A_992 : f32 to vector<16xf32>
        %mul3A_1049 = arith.mulf %get3A_1047, %mul3A_1048 : vector<16xf32>
        %mul3A_1050 = arith.constant 16 : i32
        %mul3A_1051 = arith.muli %scan3A_65, %mul3A_1050 : i32
        %add3A_1052 = arith.constant 14 : i32
        %add3A_1053 = arith.addi %mul3A_1051, %add3A_1052 : i32
        %swap3A_1054 = arith.index_cast %add3A_1053 : i32 to index
        %swap3A_1055 = arith.constant 48 : index
        %swap3A_1056 = tpu.vector_load %arg11[%swap3A_1054, %swap3A_1055] {strides = array<i32>} : memref<80x64xf32, #tpu.memory_space<vmem>>, vector<16xf32>,
        tpu.vector_store %arg11[%swap3A_1054, %swap3A_1055], %mul3A_1049 {strides = array<i32>} : memref<80x64xf32, #tpu.memory_space<vmem>>, vector<16xf32>,
        %slice3A_1057 = vector.extract_strided_slice %get3A_69 {offsets = [15], sizes = [1], strides = [1]} : vector<16xf32> to vector<1xf32>
        %squeeze3A_1058 = vector.extract %slice3A_1057[0] : f32 from vector<1xf32>
        %mul3A_1059 = arith.constant 16 : i32
        %mul3A_1060 = arith.muli %scan3A_65, %mul3A_1059 : i32
        %add3A_1061 = arith.constant 15 : i32
        %add3A_1062 = arith.addi %mul3A_1060, %add3A_1061 : i32
        %get3A_1063 = arith.index_cast %add3A_1062 : i32 to index
        %get3A_1064 = arith.constant 0 : index
        %get3A_1065 = tpu.vector_load %arg11[%get3A_1063, %get3A_1064] {strides = array<i32>} : memref<80x64xf32, #tpu.memory_space<vmem>>, vector<16xf32>,
        %mul3A_1066 = vector.broadcast %squeeze3A_1058 : f32 to vector<16xf32>
        %mul3A_1067 = arith.mulf %get3A_1065, %mul3A_1066 : vector<16xf32>
        %mul3A_1068 = arith.constant 16 : i32
        %mul3A_1069 = arith.muli %scan3A_65, %mul3A_1068 : i32
        %add3A_1070 = arith.constant 15 : i32
        %add3A_1071 = arith.addi %mul3A_1069, %add3A_1070 : i32
        %swap3A_1072 = arith.index_cast %add3A_1071 : i32 to index
        %swap3A_1073 = arith.constant 0 : index
        %swap3A_1074 = tpu.vector_load %arg11[%swap3A_1072, %swap3A_1073] {strides = array<i32>} : memref<80x64xf32, #tpu.memory_space<vmem>>, vector<16xf32>,
        tpu.vector_store %arg11[%swap3A_1072, %swap3A_1073], %mul3A_1067 {strides = array<i32>} : memref<80x64xf32, #tpu.memory_space<vmem>>, vector<16xf32>,
        %mul3A_1075 = arith.constant 16 : i32
        %mul3A_1076 = arith.muli %scan3A_65, %mul3A_1075 : i32
        %add3A_1077 = arith.constant 15 : i32
        %add3A_1078 = arith.addi %mul3A_1076, %add3A_1077 : i32
        %get3A_1079 = arith.index_cast %add3A_1078 : i32 to index
        %get3A_1080 = arith.constant 16 : index
        %get3A_1081 = tpu.vector_load %arg11[%get3A_1079, %get3A_1080] {strides = array<i32>} : memref<80x64xf32, #tpu.memory_space<vmem>>, vector<16xf32>,
        %mul3A_1082 = vector.broadcast %squeeze3A_1058 : f32 to vector<16xf32>
        %mul3A_1083 = arith.mulf %get3A_1081, %mul3A_1082 : vector<16xf32>
        %mul3A_1084 = arith.constant 16 : i32
        %mul3A_1085 = arith.muli %scan3A_65, %mul3A_1084 : i32
        %add3A_1086 = arith.constant 15 : i32
        %add3A_1087 = arith.addi %mul3A_1085, %add3A_1086 : i32
        %swap3A_1088 = arith.index_cast %add3A_1087 : i32 to index
        %swap3A_1089 = arith.constant 16 : index
        %swap3A_1090 = tpu.vector_load %arg11[%swap3A_1088, %swap3A_1089] {strides = array<i32>} : memref<80x64xf32, #tpu.memory_space<vmem>>, vector<16xf32>,
        tpu.vector_store %arg11[%swap3A_1088, %swap3A_1089], %mul3A_1083 {strides = array<i32>} : memref<80x64xf32, #tpu.memory_space<vmem>>, vector<16xf32>,
        %mul3A_1091 = arith.constant 16 : i32
        %mul3A_1092 = arith.muli %scan3A_65, %mul3A_1091 : i32
        %add3A_1093 = arith.constant 15 : i32
        %add3A_1094 = arith.addi %mul3A_1092, %add3A_1093 : i32
        %get3A_1095 = arith.index_cast %add3A_1094 : i32 to index
        %get3A_1096 = arith.constant 32 : index
        %get3A_1097 = tpu.vector_load %arg11[%get3A_1095, %get3A_1096] {strides = array<i32>} : memref<80x64xf32, #tpu.memory_space<vmem>>, vector<16xf32>,
        %mul3A_1098 = vector.broadcast %squeeze3A_1058 : f32 to vector<16xf32>
        %mul3A_1099 = arith.mulf %get3A_1097, %mul3A_1098 : vector<16xf32>
        %mul3A_1100 = arith.constant 16 : i32
        %mul3A_1101 = arith.muli %scan3A_65, %mul3A_1100 : i32
        %add3A_1102 = arith.constant 15 : i32
        %add3A_1103 = arith.addi %mul3A_1101, %add3A_1102 : i32
        %swap3A_1104 = arith.index_cast %add3A_1103 : i32 to index
        %swap3A_1105 = arith.constant 32 : index
        %swap3A_1106 = tpu.vector_load %arg11[%swap3A_1104, %swap3A_1105] {strides = array<i32>} : memref<80x64xf32, #tpu.memory_space<vmem>>, vector<16xf32>,
        tpu.vector_store %arg11[%swap3A_1104, %swap3A_1105], %mul3A_1099 {strides = array<i32>} : memref<80x64xf32, #tpu.memory_space<vmem>>, vector<16xf32>,
        %mul3A_1107 = arith.constant 16 : i32
        %mul3A_1108 = arith.muli %scan3A_65, %mul3A_1107 : i32
        %add3A_1109 = arith.constant 15 : i32
        %add3A_1110 = arith.addi %mul3A_1108, %add3A_1109 : i32
        %get3A_1111 = arith.index_cast %add3A_1110 : i32 to index
        %get3A_1112 = arith.constant 48 : index
        %get3A_1113 = tpu.vector_load %arg11[%get3A_1111, %get3A_1112] {strides = array<i32>} : memref<80x64xf32, #tpu.memory_space<vmem>>, vector<16xf32>,
        %mul3A_1114 = vector.broadcast %squeeze3A_1058 : f32 to vector<16xf32>
        %mul3A_1115 = arith.mulf %get3A_1113, %mul3A_1114 : vector<16xf32>
        %mul3A_1116 = arith.constant 16 : i32
        %mul3A_1117 = arith.muli %scan3A_65, %mul3A_1116 : i32
        %add3A_1118 = arith.constant 15 : i32
        %add3A_1119 = arith.addi %mul3A_1117, %add3A_1118 : i32
        %swap3A_1120 = arith.index_cast %add3A_1119 : i32 to index
        %swap3A_1121 = arith.constant 48 : index
        %swap3A_1122 = tpu.vector_load %arg11[%swap3A_1120, %swap3A_1121] {strides = array<i32>} : memref<80x64xf32, #tpu.memory_space<vmem>>, vector<16xf32>,
        tpu.vector_store %arg11[%swap3A_1120, %swap3A_1121], %mul3A_1115 {strides = array<i32>} : memref<80x64xf32, #tpu.memory_space<vmem>>, vector<16xf32>,
      }
      %scan3A_44 = arith.constant 5 : i32
      "tpu.region"() ({
        %run_scoped3A = tpu.sem_alloc : memref<!tpu.dma_semaphore, #tpu.memory_space<semaphore_mem>>
        %dma_start3A_65 = arith.constant 0 : i32
        %dma_start3A_66 = tpu.memref_slice %arg9[%mul3A_9, %dma_start3A_65] : memref<250x80xi32, #tpu.memory_space<vmem>> -> memref<1x80xi32, #tpu.memory_space<vmem>>
        %dma_start3A_67 = tpu.memref_squeeze %dma_start3A_66 : memref<1x80xi32, #tpu.memory_space<vmem>> -> memref<80xi32, #tpu.memory_space<vmem>>
        %dma_start3A_68 = arith.constant 0 : i32
        %dma_start3A_69 = arith.constant 0 : i32
        %dma_start3A_70 = tpu.memref_slice %arg13[%dma_start3A_68, %dma_start3A_69] : memref<10240x64xf32, #tpu.memory_space<vmem_shared>> -> memref<10240x64xf32, #tpu.memory_space<vmem_shared>>
        tpu.enqueue_indirect_dma source(%arg11 : memref<80x64xf32, #tpu.memory_space<vmem>>) target(%dma_start3A_70 : memref<10240x64xf32, #tpu.memory_space<vmem_shared>>) offsets(%dma_start3A_67 : memref<80xi32, #tpu.memory_space<vmem>>) semaphore(%run_scoped3A : memref<!tpu.dma_semaphore, #tpu.memory_space<semaphore_mem>>) {add = true}
        %dma_wait3A_71 = arith.constant 0 : i32
        %dma_wait3A_72 = tpu.memref_slice %arg9[%mul3A_9, %dma_wait3A_71] : memref<250x80xi32, #tpu.memory_space<vmem>> -> memref<1x80xi32, #tpu.memory_space<vmem>>
        %dma_wait3A_73 = tpu.memref_squeeze %dma_wait3A_72 : memref<1x80xi32, #tpu.memory_space<vmem>> -> memref<80xi32, #tpu.memory_space<vmem>>
        %dma_wait3A_74 = arith.constant 0 : i32
        %dma_wait3A_75 = arith.constant 0 : i32
        %dma_wait3A_76 = tpu.memref_slice %arg13[%dma_wait3A_74, %dma_wait3A_75] : memref<10240x64xf32, #tpu.memory_space<vmem_shared>> -> memref<10240x64xf32, #tpu.memory_space<vmem_shared>>
        tpu.wait_indirect_dma semaphore(%run_scoped3A : memref<!tpu.dma_semaphore, #tpu.memory_space<semaphore_mem>>) src(%arg11 : memref<80x64xf32, #tpu.memory_space<vmem>>) dst(%dma_wait3A_76 : memref<10240x64xf32, #tpu.memory_space<vmem_shared>>)
        tpu.yield
      }) : () -> ()
      %add3A_45 = arith.constant 1 : i32
      %add3A_46 = arith.addi %mul3A_9, %add3A_45 : i32
      %dma_wait3A_47 = arith.constant 0 : i32
      %dma_wait3A_48 = tpu.memref_slice %arg8[%add3A_46, %dma_wait3A_47] : memref<250x80xi32, #tpu.memory_space<vmem>> -> memref<1x80xi32, #tpu.memory_space<vmem>>
      %dma_wait3A_49 = tpu.memref_squeeze %dma_wait3A_48 : memref<1x80xi32, #tpu.memory_space<vmem>> -> memref<80xi32, #tpu.memory_space<vmem>>
      %dma_wait3A_50 = arith.constant 0 : i32
      %dma_wait3A_51 = arith.constant 0 : i32
      %dma_wait3A_52 = tpu.memref_slice %arg2[%arg0, %dma_wait3A_50, %dma_wait3A_51] : memref<2x10000x64xf32, #tpu.memory_space<hbm>> -> memref<1x10000x64xf32, #tpu.memory_space<hbm>>
      %dma_wait3A_53 = tpu.memref_squeeze %dma_wait3A_52 : memref<1x10000x64xf32, #tpu.memory_space<hbm>> -> memref<10000x64xf32, #tpu.memory_space<hbm>>
      %dma_wait3A_54 = arith.constant 0 : i32
      %dma_wait3A_55 = arith.constant 0 : i32
      %dma_wait3A_56 = tpu.memref_slice %dma_wait3A_53[%dma_wait3A_54, %dma_wait3A_55] : memref<10000x64xf32, #tpu.memory_space<hbm>> -> memref<10000x64xf32, #tpu.memory_space<hbm>>
      tpu.wait_indirect_dma semaphore(%arg15 : memref<!tpu.dma_semaphore, #tpu.memory_space<semaphore_mem>>) src(%dma_wait3A_56 : memref<10000x64xf32, #tpu.memory_space<hbm>>) dst(%arg12 : memref<80x64xf32, #tpu.memory_space<vmem>>)
      %add3A_57 = arith.constant 1 : i32
      %add3A_58 = arith.addi %mul3A_9, %add3A_57 : i32
      %scan3A_59 = arith.constant 0 : i32
      %scan3A_60 = arith.constant 0 : i32
      %scan3A_61 = arith.constant 5 : i32
      %scan3A_62 = arith.addi %scan3A_60, %scan3A_61 : i32
      %scan3A_63 = arith.constant 1 : i32
      scf.for %scan3A_65 = %scan3A_60 to %scan3A_62 step %scan3A_63  : i32 {
        %mul3A_66 = arith.constant 16 : i32
        %mul3A_67 = arith.muli %scan3A_65, %mul3A_66 : i32
        %get3A = arith.index_cast %add3A_58 : i32 to index
        %get3A_68 = arith.index_cast %mul3A_67 : i32 to index
        %get3A_69 = tpu.vector_load %arg10[%get3A, %get3A_68] {strides = array<i32>} : memref<250x80xf32, #tpu.memory_space<vmem>>, vector<16xf32>,
        %slice3A = vector.extract_strided_slice %get3A_69 {offsets = [0], sizes = [1], strides = [1]} : vector<16xf32> to vector<1xf32>
        %squeeze3A = vector.extract %slice3A[0] : f32 from vector<1xf32>
        %mul3A_70 = arith.constant 16 : i32
        %mul3A_71 = arith.muli %scan3A_65, %mul3A_70 : i32
        %add3A_72 = arith.constant 0 : i32
        %add3A_73 = arith.addi %mul3A_71, %add3A_72 : i32
        %get3A_74 = arith.index_cast %add3A_73 : i32 to index
        %get3A_75 = arith.constant 0 : index
        %get3A_76 = tpu.vector_load %arg12[%get3A_74, %get3A_75] {strides = array<i32>} : memref<80x64xf32, #tpu.memory_space<vmem>>, vector<16xf32>,
        %mul3A_77 = vector.broadcast %squeeze3A : f32 to vector<16xf32>
        %mul3A_78 = arith.mulf %get3A_76, %mul3A_77 : vector<16xf32>
        %mul3A_79 = arith.constant 16 : i32
        %mul3A_80 = arith.muli %scan3A_65, %mul3A_79 : i32
        %add3A_81 = arith.constant 0 : i32
        %add3A_82 = arith.addi %mul3A_80, %add3A_81 : i32
        %swap3A = arith.index_cast %add3A_82 : i32 to index
        %swap3A_83 = arith.constant 0 : index
        %swap3A_84 = tpu.vector_load %arg12[%swap3A, %swap3A_83] {strides = array<i32>} : memref<80x64xf32, #tpu.memory_space<vmem>>, vector<16xf32>,
        tpu.vector_store %arg12[%swap3A, %swap3A_83], %mul3A_78 {strides = array<i32>} : memref<80x64xf32, #tpu.memory_space<vmem>>, vector<16xf32>,
        %mul3A_85 = arith.constant 16 : i32
        %mul3A_86 = arith.muli %scan3A_65, %mul3A_85 : i32
        %add3A_87 = arith.constant 0 : i32
        %add3A_88 = arith.addi %mul3A_86, %add3A_87 : i32
        %get3A_89 = arith.index_cast %add3A_88 : i32 to index
        %get3A_90 = arith.constant 16 : index
        %get3A_91 = tpu.vector_load %arg12[%get3A_89, %get3A_90] {strides = array<i32>} : memref<80x64xf32, #tpu.memory_space<vmem>>, vector<16xf32>,
        %mul3A_92 = vector.broadcast %squeeze3A : f32 to vector<16xf32>
        %mul3A_93 = arith.mulf %get3A_91, %mul3A_92 : vector<16xf32>
        %mul3A_94 = arith.constant 16 : i32
        %mul3A_95 = arith.muli %scan3A_65, %mul3A_94 : i32
        %add3A_96 = arith.constant 0 : i32
        %add3A_97 = arith.addi %mul3A_95, %add3A_96 : i32
        %swap3A_98 = arith.index_cast %add3A_97 : i32 to index
        %swap3A_99 = arith.constant 16 : index
        %swap3A_100 = tpu.vector_load %arg12[%swap3A_98, %swap3A_99] {strides = array<i32>} : memref<80x64xf32, #tpu.memory_space<vmem>>, vector<16xf32>,
        tpu.vector_store %arg12[%swap3A_98, %swap3A_99], %mul3A_93 {strides = array<i32>} : memref<80x64xf32, #tpu.memory_space<vmem>>, vector<16xf32>,
        %mul3A_101 = arith.constant 16 : i32
        %mul3A_102 = arith.muli %scan3A_65, %mul3A_101 : i32
        %add3A_103 = arith.constant 0 : i32
        %add3A_104 = arith.addi %mul3A_102, %add3A_103 : i32
        %get3A_105 = arith.index_cast %add3A_104 : i32 to index
        %get3A_106 = arith.constant 32 : index
        %get3A_107 = tpu.vector_load %arg12[%get3A_105, %get3A_106] {strides = array<i32>} : memref<80x64xf32, #tpu.memory_space<vmem>>, vector<16xf32>,
        %mul3A_108 = vector.broadcast %squeeze3A : f32 to vector<16xf32>
        %mul3A_109 = arith.mulf %get3A_107, %mul3A_108 : vector<16xf32>
        %mul3A_110 = arith.constant 16 : i32
        %mul3A_111 = arith.muli %scan3A_65, %mul3A_110 : i32
        %add3A_112 = arith.constant 0 : i32
        %add3A_113 = arith.addi %mul3A_111, %add3A_112 : i32
        %swap3A_114 = arith.index_cast %add3A_113 : i32 to index
        %swap3A_115 = arith.constant 32 : index
        %swap3A_116 = tpu.vector_load %arg12[%swap3A_114, %swap3A_115] {strides = array<i32>} : memref<80x64xf32, #tpu.memory_space<vmem>>, vector<16xf32>,
        tpu.vector_store %arg12[%swap3A_114, %swap3A_115], %mul3A_109 {strides = array<i32>} : memref<80x64xf32, #tpu.memory_space<vmem>>, vector<16xf32>,
        %mul3A_117 = arith.constant 16 : i32
        %mul3A_118 = arith.muli %scan3A_65, %mul3A_117 : i32
        %add3A_119 = arith.constant 0 : i32
        %add3A_120 = arith.addi %mul3A_118, %add3A_119 : i32
        %get3A_121 = arith.index_cast %add3A_120 : i32 to index
        %get3A_122 = arith.constant 48 : index
        %get3A_123 = tpu.vector_load %arg12[%get3A_121, %get3A_122] {strides = array<i32>} : memref<80x64xf32, #tpu.memory_space<vmem>>, vector<16xf32>,
        %mul3A_124 = vector.broadcast %squeeze3A : f32 to vector<16xf32>
        %mul3A_125 = arith.mulf %get3A_123, %mul3A_124 : vector<16xf32>
        %mul3A_126 = arith.constant 16 : i32
        %mul3A_127 = arith.muli %scan3A_65, %mul3A_126 : i32
        %add3A_128 = arith.constant 0 : i32
        %add3A_129 = arith.addi %mul3A_127, %add3A_128 : i32
        %swap3A_130 = arith.index_cast %add3A_129 : i32 to index
        %swap3A_131 = arith.constant 48 : index
        %swap3A_132 = tpu.vector_load %arg12[%swap3A_130, %swap3A_131] {strides = array<i32>} : memref<80x64xf32, #tpu.memory_space<vmem>>, vector<16xf32>,
        tpu.vector_store %arg12[%swap3A_130, %swap3A_131], %mul3A_125 {strides = array<i32>} : memref<80x64xf32, #tpu.memory_space<vmem>>, vector<16xf32>,
        %slice3A_133 = vector.extract_strided_slice %get3A_69 {offsets = [1], sizes = [1], strides = [1]} : vector<16xf32> to vector<1xf32>
        %squeeze3A_134 = vector.extract %slice3A_133[0] : f32 from vector<1xf32>
        %mul3A_135 = arith.constant 16 : i32
        %mul3A_136 = arith.muli %scan3A_65, %mul3A_135 : i32
        %add3A_137 = arith.constant 1 : i32
        %add3A_138 = arith.addi %mul3A_136, %add3A_137 : i32
        %get3A_139 = arith.index_cast %add3A_138 : i32 to index
        %get3A_140 = arith.constant 0 : index
        %get3A_141 = tpu.vector_load %arg12[%get3A_139, %get3A_140] {strides = array<i32>} : memref<80x64xf32, #tpu.memory_space<vmem>>, vector<16xf32>,
        %mul3A_142 = vector.broadcast %squeeze3A_134 : f32 to vector<16xf32>
        %mul3A_143 = arith.mulf %get3A_141, %mul3A_142 : vector<16xf32>
        %mul3A_144 = arith.constant 16 : i32
        %mul3A_145 = arith.muli %scan3A_65, %mul3A_144 : i32
        %add3A_146 = arith.constant 1 : i32
        %add3A_147 = arith.addi %mul3A_145, %add3A_146 : i32
        %swap3A_148 = arith.index_cast %add3A_147 : i32 to index
        %swap3A_149 = arith.constant 0 : index
        %swap3A_150 = tpu.vector_load %arg12[%swap3A_148, %swap3A_149] {strides = array<i32>} : memref<80x64xf32, #tpu.memory_space<vmem>>, vector<16xf32>,
        tpu.vector_store %arg12[%swap3A_148, %swap3A_149], %mul3A_143 {strides = array<i32>} : memref<80x64xf32, #tpu.memory_space<vmem>>, vector<16xf32>,
        %mul3A_151 = arith.constant 16 : i32
        %mul3A_152 = arith.muli %scan3A_65, %mul3A_151 : i32
        %add3A_153 = arith.constant 1 : i32
        %add3A_154 = arith.addi %mul3A_152, %add3A_153 : i32
        %get3A_155 = arith.index_cast %add3A_154 : i32 to index
        %get3A_156 = arith.constant 16 : index
        %get3A_157 = tpu.vector_load %arg12[%get3A_155, %get3A_156] {strides = array<i32>} : memref<80x64xf32, #tpu.memory_space<vmem>>, vector<16xf32>,
        %mul3A_158 = vector.broadcast %squeeze3A_134 : f32 to vector<16xf32>
        %mul3A_159 = arith.mulf %get3A_157, %mul3A_158 : vector<16xf32>
        %mul3A_160 = arith.constant 16 : i32
        %mul3A_161 = arith.muli %scan3A_65, %mul3A_160 : i32
        %add3A_162 = arith.constant 1 : i32
        %add3A_163 = arith.addi %mul3A_161, %add3A_162 : i32
        %swap3A_164 = arith.index_cast %add3A_163 : i32 to index
        %swap3A_165 = arith.constant 16 : index
        %swap3A_166 = tpu.vector_load %arg12[%swap3A_164, %swap3A_165] {strides = array<i32>} : memref<80x64xf32, #tpu.memory_space<vmem>>, vector<16xf32>,
        tpu.vector_store %arg12[%swap3A_164, %swap3A_165], %mul3A_159 {strides = array<i32>} : memref<80x64xf32, #tpu.memory_space<vmem>>, vector<16xf32>,
        %mul3A_167 = arith.constant 16 : i32
        %mul3A_168 = arith.muli %scan3A_65, %mul3A_167 : i32
        %add3A_169 = arith.constant 1 : i32
        %add3A_170 = arith.addi %mul3A_168, %add3A_169 : i32
        %get3A_171 = arith.index_cast %add3A_170 : i32 to index
        %get3A_172 = arith.constant 32 : index
        %get3A_173 = tpu.vector_load %arg12[%get3A_171, %get3A_172] {strides = array<i32>} : memref<80x64xf32, #tpu.memory_space<vmem>>, vector<16xf32>,
        %mul3A_174 = vector.broadcast %squeeze3A_134 : f32 to vector<16xf32>
        %mul3A_175 = arith.mulf %get3A_173, %mul3A_174 : vector<16xf32>
        %mul3A_176 = arith.constant 16 : i32
        %mul3A_177 = arith.muli %scan3A_65, %mul3A_176 : i32
        %add3A_178 = arith.constant 1 : i32
        %add3A_179 = arith.addi %mul3A_177, %add3A_178 : i32
        %swap3A_180 = arith.index_cast %add3A_179 : i32 to index
        %swap3A_181 = arith.constant 32 : index
        %swap3A_182 = tpu.vector_load %arg12[%swap3A_180, %swap3A_181] {strides = array<i32>} : memref<80x64xf32, #tpu.memory_space<vmem>>, vector<16xf32>,
        tpu.vector_store %arg12[%swap3A_180, %swap3A_181], %mul3A_175 {strides = array<i32>} : memref<80x64xf32, #tpu.memory_space<vmem>>, vector<16xf32>,
        %mul3A_183 = arith.constant 16 : i32
        %mul3A_184 = arith.muli %scan3A_65, %mul3A_183 : i32
        %add3A_185 = arith.constant 1 : i32
        %add3A_186 = arith.addi %mul3A_184, %add3A_185 : i32
        %get3A_187 = arith.index_cast %add3A_186 : i32 to index
        %get3A_188 = arith.constant 48 : index
        %get3A_189 = tpu.vector_load %arg12[%get3A_187, %get3A_188] {strides = array<i32>} : memref<80x64xf32, #tpu.memory_space<vmem>>, vector<16xf32>,
        %mul3A_190 = vector.broadcast %squeeze3A_134 : f32 to vector<16xf32>
        %mul3A_191 = arith.mulf %get3A_189, %mul3A_190 : vector<16xf32>
        %mul3A_192 = arith.constant 16 : i32
        %mul3A_193 = arith.muli %scan3A_65, %mul3A_192 : i32
        %add3A_194 = arith.constant 1 : i32
        %add3A_195 = arith.addi %mul3A_193, %add3A_194 : i32
        %swap3A_196 = arith.index_cast %add3A_195 : i32 to index
        %swap3A_197 = arith.constant 48 : index
        %swap3A_198 = tpu.vector_load %arg12[%swap3A_196, %swap3A_197] {strides = array<i32>} : memref<80x64xf32, #tpu.memory_space<vmem>>, vector<16xf32>,
        tpu.vector_store %arg12[%swap3A_196, %swap3A_197], %mul3A_191 {strides = array<i32>} : memref<80x64xf32, #tpu.memory_space<vmem>>, vector<16xf32>,
        %slice3A_199 = vector.extract_strided_slice %get3A_69 {offsets = [2], sizes = [1], strides = [1]} : vector<16xf32> to vector<1xf32>
        %squeeze3A_200 = vector.extract %slice3A_199[0] : f32 from vector<1xf32>
        %mul3A_201 = arith.constant 16 : i32
        %mul3A_202 = arith.muli %scan3A_65, %mul3A_201 : i32
        %add3A_203 = arith.constant 2 : i32
        %add3A_204 = arith.addi %mul3A_202, %add3A_203 : i32
        %get3A_205 = arith.index_cast %add3A_204 : i32 to index
        %get3A_206 = arith.constant 0 : index
        %get3A_207 = tpu.vector_load %arg12[%get3A_205, %get3A_206] {strides = array<i32>} : memref<80x64xf32, #tpu.memory_space<vmem>>, vector<16xf32>,
        %mul3A_208 = vector.broadcast %squeeze3A_200 : f32 to vector<16xf32>
        %mul3A_209 = arith.mulf %get3A_207, %mul3A_208 : vector<16xf32>
        %mul3A_210 = arith.constant 16 : i32
        %mul3A_211 = arith.muli %scan3A_65, %mul3A_210 : i32
        %add3A_212 = arith.constant 2 : i32
        %add3A_213 = arith.addi %mul3A_211, %add3A_212 : i32
        %swap3A_214 = arith.index_cast %add3A_213 : i32 to index
        %swap3A_215 = arith.constant 0 : index
        %swap3A_216 = tpu.vector_load %arg12[%swap3A_214, %swap3A_215] {strides = array<i32>} : memref<80x64xf32, #tpu.memory_space<vmem>>, vector<16xf32>,
        tpu.vector_store %arg12[%swap3A_214, %swap3A_215], %mul3A_209 {strides = array<i32>} : memref<80x64xf32, #tpu.memory_space<vmem>>, vector<16xf32>,
        %mul3A_217 = arith.constant 16 : i32
        %mul3A_218 = arith.muli %scan3A_65, %mul3A_217 : i32
        %add3A_219 = arith.constant 2 : i32
        %add3A_220 = arith.addi %mul3A_218, %add3A_219 : i32
        %get3A_221 = arith.index_cast %add3A_220 : i32 to index
        %get3A_222 = arith.constant 16 : index
        %get3A_223 = tpu.vector_load %arg12[%get3A_221, %get3A_222] {strides = array<i32>} : memref<80x64xf32, #tpu.memory_space<vmem>>, vector<16xf32>,
        %mul3A_224 = vector.broadcast %squeeze3A_200 : f32 to vector<16xf32>
        %mul3A_225 = arith.mulf %get3A_223, %mul3A_224 : vector<16xf32>
        %mul3A_226 = arith.constant 16 : i32
        %mul3A_227 = arith.muli %scan3A_65, %mul3A_226 : i32
        %add3A_228 = arith.constant 2 : i32
        %add3A_229 = arith.addi %mul3A_227, %add3A_228 : i32
        %swap3A_230 = arith.index_cast %add3A_229 : i32 to index
        %swap3A_231 = arith.constant 16 : index
        %swap3A_232 = tpu.vector_load %arg12[%swap3A_230, %swap3A_231] {strides = array<i32>} : memref<80x64xf32, #tpu.memory_space<vmem>>, vector<16xf32>,
        tpu.vector_store %arg12[%swap3A_230, %swap3A_231], %mul3A_225 {strides = array<i32>} : memref<80x64xf32, #tpu.memory_space<vmem>>, vector<16xf32>,
        %mul3A_233 = arith.constant 16 : i32
        %mul3A_234 = arith.muli %scan3A_65, %mul3A_233 : i32
        %add3A_235 = arith.constant 2 : i32
        %add3A_236 = arith.addi %mul3A_234, %add3A_235 : i32
        %get3A_237 = arith.index_cast %add3A_236 : i32 to index
        %get3A_238 = arith.constant 32 : index
        %get3A_239 = tpu.vector_load %arg12[%get3A_237, %get3A_238] {strides = array<i32>} : memref<80x64xf32, #tpu.memory_space<vmem>>, vector<16xf32>,
        %mul3A_240 = vector.broadcast %squeeze3A_200 : f32 to vector<16xf32>
        %mul3A_241 = arith.mulf %get3A_239, %mul3A_240 : vector<16xf32>
        %mul3A_242 = arith.constant 16 : i32
        %mul3A_243 = arith.muli %scan3A_65, %mul3A_242 : i32
        %add3A_244 = arith.constant 2 : i32
        %add3A_245 = arith.addi %mul3A_243, %add3A_244 : i32
        %swap3A_246 = arith.index_cast %add3A_245 : i32 to index
        %swap3A_247 = arith.constant 32 : index
        %swap3A_248 = tpu.vector_load %arg12[%swap3A_246, %swap3A_247] {strides = array<i32>} : memref<80x64xf32, #tpu.memory_space<vmem>>, vector<16xf32>,
        tpu.vector_store %arg12[%swap3A_246, %swap3A_247], %mul3A_241 {strides = array<i32>} : memref<80x64xf32, #tpu.memory_space<vmem>>, vector<16xf32>,
        %mul3A_249 = arith.constant 16 : i32
        %mul3A_250 = arith.muli %scan3A_65, %mul3A_249 : i32
        %add3A_251 = arith.constant 2 : i32
        %add3A_252 = arith.addi %mul3A_250, %add3A_251 : i32
        %get3A_253 = arith.index_cast %add3A_252 : i32 to index
        %get3A_254 = arith.constant 48 : index
        %get3A_255 = tpu.vector_load %arg12[%get3A_253, %get3A_254] {strides = array<i32>} : memref<80x64xf32, #tpu.memory_space<vmem>>, vector<16xf32>,
        %mul3A_256 = vector.broadcast %squeeze3A_200 : f32 to vector<16xf32>
        %mul3A_257 = arith.mulf %get3A_255, %mul3A_256 : vector<16xf32>
        %mul3A_258 = arith.constant 16 : i32
        %mul3A_259 = arith.muli %scan3A_65, %mul3A_258 : i32
        %add3A_260 = arith.constant 2 : i32
        %add3A_261 = arith.addi %mul3A_259, %add3A_260 : i32
        %swap3A_262 = arith.index_cast %add3A_261 : i32 to index
        %swap3A_263 = arith.constant 48 : index
        %swap3A_264 = tpu.vector_load %arg12[%swap3A_262, %swap3A_263] {strides = array<i32>} : memref<80x64xf32, #tpu.memory_space<vmem>>, vector<16xf32>,
        tpu.vector_store %arg12[%swap3A_262, %swap3A_263], %mul3A_257 {strides = array<i32>} : memref<80x64xf32, #tpu.memory_space<vmem>>, vector<16xf32>,
        %slice3A_265 = vector.extract_strided_slice %get3A_69 {offsets = [3], sizes = [1], strides = [1]} : vector<16xf32> to vector<1xf32>
        %squeeze3A_266 = vector.extract %slice3A_265[0] : f32 from vector<1xf32>
        %mul3A_267 = arith.constant 16 : i32
        %mul3A_268 = arith.muli %scan3A_65, %mul3A_267 : i32
        %add3A_269 = arith.constant 3 : i32
        %add3A_270 = arith.addi %mul3A_268, %add3A_269 : i32
        %get3A_271 = arith.index_cast %add3A_270 : i32 to index
        %get3A_272 = arith.constant 0 : index
        %get3A_273 = tpu.vector_load %arg12[%get3A_271, %get3A_272] {strides = array<i32>} : memref<80x64xf32, #tpu.memory_space<vmem>>, vector<16xf32>,
        %mul3A_274 = vector.broadcast %squeeze3A_266 : f32 to vector<16xf32>
        %mul3A_275 = arith.mulf %get3A_273, %mul3A_274 : vector<16xf32>
        %mul3A_276 = arith.constant 16 : i32
        %mul3A_277 = arith.muli %scan3A_65, %mul3A_276 : i32
        %add3A_278 = arith.constant 3 : i32
        %add3A_279 = arith.addi %mul3A_277, %add3A_278 : i32
        %swap3A_280 = arith.index_cast %add3A_279 : i32 to index
        %swap3A_281 = arith.constant 0 : index
        %swap3A_282 = tpu.vector_load %arg12[%swap3A_280, %swap3A_281] {strides = array<i32>} : memref<80x64xf32, #tpu.memory_space<vmem>>, vector<16xf32>,
        tpu.vector_store %arg12[%swap3A_280, %swap3A_281], %mul3A_275 {strides = array<i32>} : memref<80x64xf32, #tpu.memory_space<vmem>>, vector<16xf32>,
        %mul3A_283 = arith.constant 16 : i32
        %mul3A_284 = arith.muli %scan3A_65, %mul3A_283 : i32
        %add3A_285 = arith.constant 3 : i32
        %add3A_286 = arith.addi %mul3A_284, %add3A_285 : i32
        %get3A_287 = arith.index_cast %add3A_286 : i32 to index
        %get3A_288 = arith.constant 16 : index
        %get3A_289 = tpu.vector_load %arg12[%get3A_287, %get3A_288] {strides = array<i32>} : memref<80x64xf32, #tpu.memory_space<vmem>>, vector<16xf32>,
        %mul3A_290 = vector.broadcast %squeeze3A_266 : f32 to vector<16xf32>
        %mul3A_291 = arith.mulf %get3A_289, %mul3A_290 : vector<16xf32>
        %mul3A_292 = arith.constant 16 : i32
        %mul3A_293 = arith.muli %scan3A_65, %mul3A_292 : i32
        %add3A_294 = arith.constant 3 : i32
        %add3A_295 = arith.addi %mul3A_293, %add3A_294 : i32
        %swap3A_296 = arith.index_cast %add3A_295 : i32 to index
        %swap3A_297 = arith.constant 16 : index
        %swap3A_298 = tpu.vector_load %arg12[%swap3A_296, %swap3A_297] {strides = array<i32>} : memref<80x64xf32, #tpu.memory_space<vmem>>, vector<16xf32>,
        tpu.vector_store %arg12[%swap3A_296, %swap3A_297], %mul3A_291 {strides = array<i32>} : memref<80x64xf32, #tpu.memory_space<vmem>>, vector<16xf32>,
        %mul3A_299 = arith.constant 16 : i32
        %mul3A_300 = arith.muli %scan3A_65, %mul3A_299 : i32
        %add3A_301 = arith.constant 3 : i32
        %add3A_302 = arith.addi %mul3A_300, %add3A_301 : i32
        %get3A_303 = arith.index_cast %add3A_302 : i32 to index
        %get3A_304 = arith.constant 32 : index
        %get3A_305 = tpu.vector_load %arg12[%get3A_303, %get3A_304] {strides = array<i32>} : memref<80x64xf32, #tpu.memory_space<vmem>>, vector<16xf32>,
        %mul3A_306 = vector.broadcast %squeeze3A_266 : f32 to vector<16xf32>
        %mul3A_307 = arith.mulf %get3A_305, %mul3A_306 : vector<16xf32>
        %mul3A_308 = arith.constant 16 : i32
        %mul3A_309 = arith.muli %scan3A_65, %mul3A_308 : i32
        %add3A_310 = arith.constant 3 : i32
        %add3A_311 = arith.addi %mul3A_309, %add3A_310 : i32
        %swap3A_312 = arith.index_cast %add3A_311 : i32 to index
        %swap3A_313 = arith.constant 32 : index
        %swap3A_314 = tpu.vector_load %arg12[%swap3A_312, %swap3A_313] {strides = array<i32>} : memref<80x64xf32, #tpu.memory_space<vmem>>, vector<16xf32>,
        tpu.vector_store %arg12[%swap3A_312, %swap3A_313], %mul3A_307 {strides = array<i32>} : memref<80x64xf32, #tpu.memory_space<vmem>>, vector<16xf32>,
        %mul3A_315 = arith.constant 16 : i32
        %mul3A_316 = arith.muli %scan3A_65, %mul3A_315 : i32
        %add3A_317 = arith.constant 3 : i32
        %add3A_318 = arith.addi %mul3A_316, %add3A_317 : i32
        %get3A_319 = arith.index_cast %add3A_318 : i32 to index
        %get3A_320 = arith.constant 48 : index
        %get3A_321 = tpu.vector_load %arg12[%get3A_319, %get3A_320] {strides = array<i32>} : memref<80x64xf32, #tpu.memory_space<vmem>>, vector<16xf32>,
        %mul3A_322 = vector.broadcast %squeeze3A_266 : f32 to vector<16xf32>
        %mul3A_323 = arith.mulf %get3A_321, %mul3A_322 : vector<16xf32>
        %mul3A_324 = arith.constant 16 : i32
        %mul3A_325 = arith.muli %scan3A_65, %mul3A_324 : i32
        %add3A_326 = arith.constant 3 : i32
        %add3A_327 = arith.addi %mul3A_325, %add3A_326 : i32
        %swap3A_328 = arith.index_cast %add3A_327 : i32 to index
        %swap3A_329 = arith.constant 48 : index
        %swap3A_330 = tpu.vector_load %arg12[%swap3A_328, %swap3A_329] {strides = array<i32>} : memref<80x64xf32, #tpu.memory_space<vmem>>, vector<16xf32>,
        tpu.vector_store %arg12[%swap3A_328, %swap3A_329], %mul3A_323 {strides = array<i32>} : memref<80x64xf32, #tpu.memory_space<vmem>>, vector<16xf32>,
        %slice3A_331 = vector.extract_strided_slice %get3A_69 {offsets = [4], sizes = [1], strides = [1]} : vector<16xf32> to vector<1xf32>
        %squeeze3A_332 = vector.extract %slice3A_331[0] : f32 from vector<1xf32>
        %mul3A_333 = arith.constant 16 : i32
        %mul3A_334 = arith.muli %scan3A_65, %mul3A_333 : i32
        %add3A_335 = arith.constant 4 : i32
        %add3A_336 = arith.addi %mul3A_334, %add3A_335 : i32
        %get3A_337 = arith.index_cast %add3A_336 : i32 to index
        %get3A_338 = arith.constant 0 : index
        %get3A_339 = tpu.vector_load %arg12[%get3A_337, %get3A_338] {strides = array<i32>} : memref<80x64xf32, #tpu.memory_space<vmem>>, vector<16xf32>,
        %mul3A_340 = vector.broadcast %squeeze3A_332 : f32 to vector<16xf32>
        %mul3A_341 = arith.mulf %get3A_339, %mul3A_340 : vector<16xf32>
        %mul3A_342 = arith.constant 16 : i32
        %mul3A_343 = arith.muli %scan3A_65, %mul3A_342 : i32
        %add3A_344 = arith.constant 4 : i32
        %add3A_345 = arith.addi %mul3A_343, %add3A_344 : i32
        %swap3A_346 = arith.index_cast %add3A_345 : i32 to index
        %swap3A_347 = arith.constant 0 : index
        %swap3A_348 = tpu.vector_load %arg12[%swap3A_346, %swap3A_347] {strides = array<i32>} : memref<80x64xf32, #tpu.memory_space<vmem>>, vector<16xf32>,
        tpu.vector_store %arg12[%swap3A_346, %swap3A_347], %mul3A_341 {strides = array<i32>} : memref<80x64xf32, #tpu.memory_space<vmem>>, vector<16xf32>,
        %mul3A_349 = arith.constant 16 : i32
        %mul3A_350 = arith.muli %scan3A_65, %mul3A_349 : i32
        %add3A_351 = arith.constant 4 : i32
        %add3A_352 = arith.addi %mul3A_350, %add3A_351 : i32
        %get3A_353 = arith.index_cast %add3A_352 : i32 to index
        %get3A_354 = arith.constant 16 : index
        %get3A_355 = tpu.vector_load %arg12[%get3A_353, %get3A_354] {strides = array<i32>} : memref<80x64xf32, #tpu.memory_space<vmem>>, vector<16xf32>,
        %mul3A_356 = vector.broadcast %squeeze3A_332 : f32 to vector<16xf32>
        %mul3A_357 = arith.mulf %get3A_355, %mul3A_356 : vector<16xf32>
        %mul3A_358 = arith.constant 16 : i32
        %mul3A_359 = arith.muli %scan3A_65, %mul3A_358 : i32
        %add3A_360 = arith.constant 4 : i32
        %add3A_361 = arith.addi %mul3A_359, %add3A_360 : i32
        %swap3A_362 = arith.index_cast %add3A_361 : i32 to index
        %swap3A_363 = arith.constant 16 : index
        %swap3A_364 = tpu.vector_load %arg12[%swap3A_362, %swap3A_363] {strides = array<i32>} : memref<80x64xf32, #tpu.memory_space<vmem>>, vector<16xf32>,
        tpu.vector_store %arg12[%swap3A_362, %swap3A_363], %mul3A_357 {strides = array<i32>} : memref<80x64xf32, #tpu.memory_space<vmem>>, vector<16xf32>,
        %mul3A_365 = arith.constant 16 : i32
        %mul3A_366 = arith.muli %scan3A_65, %mul3A_365 : i32
        %add3A_367 = arith.constant 4 : i32
        %add3A_368 = arith.addi %mul3A_366, %add3A_367 : i32
        %get3A_369 = arith.index_cast %add3A_368 : i32 to index
        %get3A_370 = arith.constant 32 : index
        %get3A_371 = tpu.vector_load %arg12[%get3A_369, %get3A_370] {strides = array<i32>} : memref<80x64xf32, #tpu.memory_space<vmem>>, vector<16xf32>,
        %mul3A_372 = vector.broadcast %squeeze3A_332 : f32 to vector<16xf32>
        %mul3A_373 = arith.mulf %get3A_371, %mul3A_372 : vector<16xf32>
        %mul3A_374 = arith.constant 16 : i32
        %mul3A_375 = arith.muli %scan3A_65, %mul3A_374 : i32
        %add3A_376 = arith.constant 4 : i32
        %add3A_377 = arith.addi %mul3A_375, %add3A_376 : i32
        %swap3A_378 = arith.index_cast %add3A_377 : i32 to index
        %swap3A_379 = arith.constant 32 : index
        %swap3A_380 = tpu.vector_load %arg12[%swap3A_378, %swap3A_379] {strides = array<i32>} : memref<80x64xf32, #tpu.memory_space<vmem>>, vector<16xf32>,
        tpu.vector_store %arg12[%swap3A_378, %swap3A_379], %mul3A_373 {strides = array<i32>} : memref<80x64xf32, #tpu.memory_space<vmem>>, vector<16xf32>,
        %mul3A_381 = arith.constant 16 : i32
        %mul3A_382 = arith.muli %scan3A_65, %mul3A_381 : i32
        %add3A_383 = arith.constant 4 : i32
        %add3A_384 = arith.addi %mul3A_382, %add3A_383 : i32
        %get3A_385 = arith.index_cast %add3A_384 : i32 to index
        %get3A_386 = arith.constant 48 : index
        %get3A_387 = tpu.vector_load %arg12[%get3A_385, %get3A_386] {strides = array<i32>} : memref<80x64xf32, #tpu.memory_space<vmem>>, vector<16xf32>,
        %mul3A_388 = vector.broadcast %squeeze3A_332 : f32 to vector<16xf32>
        %mul3A_389 = arith.mulf %get3A_387, %mul3A_388 : vector<16xf32>
        %mul3A_390 = arith.constant 16 : i32
        %mul3A_391 = arith.muli %scan3A_65, %mul3A_390 : i32
        %add3A_392 = arith.constant 4 : i32
        %add3A_393 = arith.addi %mul3A_391, %add3A_392 : i32
        %swap3A_394 = arith.index_cast %add3A_393 : i32 to index
        %swap3A_395 = arith.constant 48 : index
        %swap3A_396 = tpu.vector_load %arg12[%swap3A_394, %swap3A_395] {strides = array<i32>} : memref<80x64xf32, #tpu.memory_space<vmem>>, vector<16xf32>,
        tpu.vector_store %arg12[%swap3A_394, %swap3A_395], %mul3A_389 {strides = array<i32>} : memref<80x64xf32, #tpu.memory_space<vmem>>, vector<16xf32>,
        %slice3A_397 = vector.extract_strided_slice %get3A_69 {offsets = [5], sizes = [1], strides = [1]} : vector<16xf32> to vector<1xf32>
        %squeeze3A_398 = vector.extract %slice3A_397[0] : f32 from vector<1xf32>
        %mul3A_399 = arith.constant 16 : i32
        %mul3A_400 = arith.muli %scan3A_65, %mul3A_399 : i32
        %add3A_401 = arith.constant 5 : i32
        %add3A_402 = arith.addi %mul3A_400, %add3A_401 : i32
        %get3A_403 = arith.index_cast %add3A_402 : i32 to index
        %get3A_404 = arith.constant 0 : index
        %get3A_405 = tpu.vector_load %arg12[%get3A_403, %get3A_404] {strides = array<i32>} : memref<80x64xf32, #tpu.memory_space<vmem>>, vector<16xf32>,
        %mul3A_406 = vector.broadcast %squeeze3A_398 : f32 to vector<16xf32>
        %mul3A_407 = arith.mulf %get3A_405, %mul3A_406 : vector<16xf32>
        %mul3A_408 = arith.constant 16 : i32
        %mul3A_409 = arith.muli %scan3A_65, %mul3A_408 : i32
        %add3A_410 = arith.constant 5 : i32
        %add3A_411 = arith.addi %mul3A_409, %add3A_410 : i32
        %swap3A_412 = arith.index_cast %add3A_411 : i32 to index
        %swap3A_413 = arith.constant 0 : index
        %swap3A_414 = tpu.vector_load %arg12[%swap3A_412, %swap3A_413] {strides = array<i32>} : memref<80x64xf32, #tpu.memory_space<vmem>>, vector<16xf32>,
        tpu.vector_store %arg12[%swap3A_412, %swap3A_413], %mul3A_407 {strides = array<i32>} : memref<80x64xf32, #tpu.memory_space<vmem>>, vector<16xf32>,
        %mul3A_415 = arith.constant 16 : i32
        %mul3A_416 = arith.muli %scan3A_65, %mul3A_415 : i32
        %add3A_417 = arith.constant 5 : i32
        %add3A_418 = arith.addi %mul3A_416, %add3A_417 : i32
        %get3A_419 = arith.index_cast %add3A_418 : i32 to index
        %get3A_420 = arith.constant 16 : index
        %get3A_421 = tpu.vector_load %arg12[%get3A_419, %get3A_420] {strides = array<i32>} : memref<80x64xf32, #tpu.memory_space<vmem>>, vector<16xf32>,
        %mul3A_422 = vector.broadcast %squeeze3A_398 : f32 to vector<16xf32>
        %mul3A_423 = arith.mulf %get3A_421, %mul3A_422 : vector<16xf32>
        %mul3A_424 = arith.constant 16 : i32
        %mul3A_425 = arith.muli %scan3A_65, %mul3A_424 : i32
        %add3A_426 = arith.constant 5 : i32
        %add3A_427 = arith.addi %mul3A_425, %add3A_426 : i32
        %swap3A_428 = arith.index_cast %add3A_427 : i32 to index
        %swap3A_429 = arith.constant 16 : index
        %swap3A_430 = tpu.vector_load %arg12[%swap3A_428, %swap3A_429] {strides = array<i32>} : memref<80x64xf32, #tpu.memory_space<vmem>>, vector<16xf32>,
        tpu.vector_store %arg12[%swap3A_428, %swap3A_429], %mul3A_423 {strides = array<i32>} : memref<80x64xf32, #tpu.memory_space<vmem>>, vector<16xf32>,
        %mul3A_431 = arith.constant 16 : i32
        %mul3A_432 = arith.muli %scan3A_65, %mul3A_431 : i32
        %add3A_433 = arith.constant 5 : i32
        %add3A_434 = arith.addi %mul3A_432, %add3A_433 : i32
        %get3A_435 = arith.index_cast %add3A_434 : i32 to index
        %get3A_436 = arith.constant 32 : index
        %get3A_437 = tpu.vector_load %arg12[%get3A_435, %get3A_436] {strides = array<i32>} : memref<80x64xf32, #tpu.memory_space<vmem>>, vector<16xf32>,
        %mul3A_438 = vector.broadcast %squeeze3A_398 : f32 to vector<16xf32>
        %mul3A_439 = arith.mulf %get3A_437, %mul3A_438 : vector<16xf32>
        %mul3A_440 = arith.constant 16 : i32
        %mul3A_441 = arith.muli %scan3A_65, %mul3A_440 : i32
        %add3A_442 = arith.constant 5 : i32
        %add3A_443 = arith.addi %mul3A_441, %add3A_442 : i32
        %swap3A_444 = arith.index_cast %add3A_443 : i32 to index
        %swap3A_445 = arith.constant 32 : index
        %swap3A_446 = tpu.vector_load %arg12[%swap3A_444, %swap3A_445] {strides = array<i32>} : memref<80x64xf32, #tpu.memory_space<vmem>>, vector<16xf32>,
        tpu.vector_store %arg12[%swap3A_444, %swap3A_445], %mul3A_439 {strides = array<i32>} : memref<80x64xf32, #tpu.memory_space<vmem>>, vector<16xf32>,
        %mul3A_447 = arith.constant 16 : i32
        %mul3A_448 = arith.muli %scan3A_65, %mul3A_447 : i32
        %add3A_449 = arith.constant 5 : i32
        %add3A_450 = arith.addi %mul3A_448, %add3A_449 : i32
        %get3A_451 = arith.index_cast %add3A_450 : i32 to index
        %get3A_452 = arith.constant 48 : index
        %get3A_453 = tpu.vector_load %arg12[%get3A_451, %get3A_452] {strides = array<i32>} : memref<80x64xf32, #tpu.memory_space<vmem>>, vector<16xf32>,
        %mul3A_454 = vector.broadcast %squeeze3A_398 : f32 to vector<16xf32>
        %mul3A_455 = arith.mulf %get3A_453, %mul3A_454 : vector<16xf32>
        %mul3A_456 = arith.constant 16 : i32
        %mul3A_457 = arith.muli %scan3A_65, %mul3A_456 : i32
        %add3A_458 = arith.constant 5 : i32
        %add3A_459 = arith.addi %mul3A_457, %add3A_458 : i32
        %swap3A_460 = arith.index_cast %add3A_459 : i32 to index
        %swap3A_461 = arith.constant 48 : index
        %swap3A_462 = tpu.vector_load %arg12[%swap3A_460, %swap3A_461] {strides = array<i32>} : memref<80x64xf32, #tpu.memory_space<vmem>>, vector<16xf32>,
        tpu.vector_store %arg12[%swap3A_460, %swap3A_461], %mul3A_455 {strides = array<i32>} : memref<80x64xf32, #tpu.memory_space<vmem>>, vector<16xf32>,
        %slice3A_463 = vector.extract_strided_slice %get3A_69 {offsets = [6], sizes = [1], strides = [1]} : vector<16xf32> to vector<1xf32>
        %squeeze3A_464 = vector.extract %slice3A_463[0] : f32 from vector<1xf32>
        %mul3A_465 = arith.constant 16 : i32
        %mul3A_466 = arith.muli %scan3A_65, %mul3A_465 : i32
        %add3A_467 = arith.constant 6 : i32
        %add3A_468 = arith.addi %mul3A_466, %add3A_467 : i32
        %get3A_469 = arith.index_cast %add3A_468 : i32 to index
        %get3A_470 = arith.constant 0 : index
        %get3A_471 = tpu.vector_load %arg12[%get3A_469, %get3A_470] {strides = array<i32>} : memref<80x64xf32, #tpu.memory_space<vmem>>, vector<16xf32>,
        %mul3A_472 = vector.broadcast %squeeze3A_464 : f32 to vector<16xf32>
        %mul3A_473 = arith.mulf %get3A_471, %mul3A_472 : vector<16xf32>
        %mul3A_474 = arith.constant 16 : i32
        %mul3A_475 = arith.muli %scan3A_65, %mul3A_474 : i32
        %add3A_476 = arith.constant 6 : i32
        %add3A_477 = arith.addi %mul3A_475, %add3A_476 : i32
        %swap3A_478 = arith.index_cast %add3A_477 : i32 to index
        %swap3A_479 = arith.constant 0 : index
        %swap3A_480 = tpu.vector_load %arg12[%swap3A_478, %swap3A_479] {strides = array<i32>} : memref<80x64xf32, #tpu.memory_space<vmem>>, vector<16xf32>,
        tpu.vector_store %arg12[%swap3A_478, %swap3A_479], %mul3A_473 {strides = array<i32>} : memref<80x64xf32, #tpu.memory_space<vmem>>, vector<16xf32>,
        %mul3A_481 = arith.constant 16 : i32
        %mul3A_482 = arith.muli %scan3A_65, %mul3A_481 : i32
        %add3A_483 = arith.constant 6 : i32
        %add3A_484 = arith.addi %mul3A_482, %add3A_483 : i32
        %get3A_485 = arith.index_cast %add3A_484 : i32 to index
        %get3A_486 = arith.constant 16 : index
        %get3A_487 = tpu.vector_load %arg12[%get3A_485, %get3A_486] {strides = array<i32>} : memref<80x64xf32, #tpu.memory_space<vmem>>, vector<16xf32>,
        %mul3A_488 = vector.broadcast %squeeze3A_464 : f32 to vector<16xf32>
        %mul3A_489 = arith.mulf %get3A_487, %mul3A_488 : vector<16xf32>
        %mul3A_490 = arith.constant 16 : i32
        %mul3A_491 = arith.muli %scan3A_65, %mul3A_490 : i32
        %add3A_492 = arith.constant 6 : i32
        %add3A_493 = arith.addi %mul3A_491, %add3A_492 : i32
        %swap3A_494 = arith.index_cast %add3A_493 : i32 to index
        %swap3A_495 = arith.constant 16 : index
        %swap3A_496 = tpu.vector_load %arg12[%swap3A_494, %swap3A_495] {strides = array<i32>} : memref<80x64xf32, #tpu.memory_space<vmem>>, vector<16xf32>,
        tpu.vector_store %arg12[%swap3A_494, %swap3A_495], %mul3A_489 {strides = array<i32>} : memref<80x64xf32, #tpu.memory_space<vmem>>, vector<16xf32>,
        %mul3A_497 = arith.constant 16 : i32
        %mul3A_498 = arith.muli %scan3A_65, %mul3A_497 : i32
        %add3A_499 = arith.constant 6 : i32
        %add3A_500 = arith.addi %mul3A_498, %add3A_499 : i32
        %get3A_501 = arith.index_cast %add3A_500 : i32 to index
        %get3A_502 = arith.constant 32 : index
        %get3A_503 = tpu.vector_load %arg12[%get3A_501, %get3A_502] {strides = array<i32>} : memref<80x64xf32, #tpu.memory_space<vmem>>, vector<16xf32>,
        %mul3A_504 = vector.broadcast %squeeze3A_464 : f32 to vector<16xf32>
        %mul3A_505 = arith.mulf %get3A_503, %mul3A_504 : vector<16xf32>
        %mul3A_506 = arith.constant 16 : i32
        %mul3A_507 = arith.muli %scan3A_65, %mul3A_506 : i32
        %add3A_508 = arith.constant 6 : i32
        %add3A_509 = arith.addi %mul3A_507, %add3A_508 : i32
        %swap3A_510 = arith.index_cast %add3A_509 : i32 to index
        %swap3A_511 = arith.constant 32 : index
        %swap3A_512 = tpu.vector_load %arg12[%swap3A_510, %swap3A_511] {strides = array<i32>} : memref<80x64xf32, #tpu.memory_space<vmem>>, vector<16xf32>,
        tpu.vector_store %arg12[%swap3A_510, %swap3A_511], %mul3A_505 {strides = array<i32>} : memref<80x64xf32, #tpu.memory_space<vmem>>, vector<16xf32>,
        %mul3A_513 = arith.constant 16 : i32
        %mul3A_514 = arith.muli %scan3A_65, %mul3A_513 : i32
        %add3A_515 = arith.constant 6 : i32
        %add3A_516 = arith.addi %mul3A_514, %add3A_515 : i32
        %get3A_517 = arith.index_cast %add3A_516 : i32 to index
        %get3A_518 = arith.constant 48 : index
        %get3A_519 = tpu.vector_load %arg12[%get3A_517, %get3A_518] {strides = array<i32>} : memref<80x64xf32, #tpu.memory_space<vmem>>, vector<16xf32>,
        %mul3A_520 = vector.broadcast %squeeze3A_464 : f32 to vector<16xf32>
        %mul3A_521 = arith.mulf %get3A_519, %mul3A_520 : vector<16xf32>
        %mul3A_522 = arith.constant 16 : i32
        %mul3A_523 = arith.muli %scan3A_65, %mul3A_522 : i32
        %add3A_524 = arith.constant 6 : i32
        %add3A_525 = arith.addi %mul3A_523, %add3A_524 : i32
        %swap3A_526 = arith.index_cast %add3A_525 : i32 to index
        %swap3A_527 = arith.constant 48 : index
        %swap3A_528 = tpu.vector_load %arg12[%swap3A_526, %swap3A_527] {strides = array<i32>} : memref<80x64xf32, #tpu.memory_space<vmem>>, vector<16xf32>,
        tpu.vector_store %arg12[%swap3A_526, %swap3A_527], %mul3A_521 {strides = array<i32>} : memref<80x64xf32, #tpu.memory_space<vmem>>, vector<16xf32>,
        %slice3A_529 = vector.extract_strided_slice %get3A_69 {offsets = [7], sizes = [1], strides = [1]} : vector<16xf32> to vector<1xf32>
        %squeeze3A_530 = vector.extract %slice3A_529[0] : f32 from vector<1xf32>
        %mul3A_531 = arith.constant 16 : i32
        %mul3A_532 = arith.muli %scan3A_65, %mul3A_531 : i32
        %add3A_533 = arith.constant 7 : i32
        %add3A_534 = arith.addi %mul3A_532, %add3A_533 : i32
        %get3A_535 = arith.index_cast %add3A_534 : i32 to index
        %get3A_536 = arith.constant 0 : index
        %get3A_537 = tpu.vector_load %arg12[%get3A_535, %get3A_536] {strides = array<i32>} : memref<80x64xf32, #tpu.memory_space<vmem>>, vector<16xf32>,
        %mul3A_538 = vector.broadcast %squeeze3A_530 : f32 to vector<16xf32>
        %mul3A_539 = arith.mulf %get3A_537, %mul3A_538 : vector<16xf32>
        %mul3A_540 = arith.constant 16 : i32
        %mul3A_541 = arith.muli %scan3A_65, %mul3A_540 : i32
        %add3A_542 = arith.constant 7 : i32
        %add3A_543 = arith.addi %mul3A_541, %add3A_542 : i32
        %swap3A_544 = arith.index_cast %add3A_543 : i32 to index
        %swap3A_545 = arith.constant 0 : index
        %swap3A_546 = tpu.vector_load %arg12[%swap3A_544, %swap3A_545] {strides = array<i32>} : memref<80x64xf32, #tpu.memory_space<vmem>>, vector<16xf32>,
        tpu.vector_store %arg12[%swap3A_544, %swap3A_545], %mul3A_539 {strides = array<i32>} : memref<80x64xf32, #tpu.memory_space<vmem>>, vector<16xf32>,
        %mul3A_547 = arith.constant 16 : i32
        %mul3A_548 = arith.muli %scan3A_65, %mul3A_547 : i32
        %add3A_549 = arith.constant 7 : i32
        %add3A_550 = arith.addi %mul3A_548, %add3A_549 : i32
        %get3A_551 = arith.index_cast %add3A_550 : i32 to index
        %get3A_552 = arith.constant 16 : index
        %get3A_553 = tpu.vector_load %arg12[%get3A_551, %get3A_552] {strides = array<i32>} : memref<80x64xf32, #tpu.memory_space<vmem>>, vector<16xf32>,
        %mul3A_554 = vector.broadcast %squeeze3A_530 : f32 to vector<16xf32>
        %mul3A_555 = arith.mulf %get3A_553, %mul3A_554 : vector<16xf32>
        %mul3A_556 = arith.constant 16 : i32
        %mul3A_557 = arith.muli %scan3A_65, %mul3A_556 : i32
        %add3A_558 = arith.constant 7 : i32
        %add3A_559 = arith.addi %mul3A_557, %add3A_558 : i32
        %swap3A_560 = arith.index_cast %add3A_559 : i32 to index
        %swap3A_561 = arith.constant 16 : index
        %swap3A_562 = tpu.vector_load %arg12[%swap3A_560, %swap3A_561] {strides = array<i32>} : memref<80x64xf32, #tpu.memory_space<vmem>>, vector<16xf32>,
        tpu.vector_store %arg12[%swap3A_560, %swap3A_561], %mul3A_555 {strides = array<i32>} : memref<80x64xf32, #tpu.memory_space<vmem>>, vector<16xf32>,
        %mul3A_563 = arith.constant 16 : i32
        %mul3A_564 = arith.muli %scan3A_65, %mul3A_563 : i32
        %add3A_565 = arith.constant 7 : i32
        %add3A_566 = arith.addi %mul3A_564, %add3A_565 : i32
        %get3A_567 = arith.index_cast %add3A_566 : i32 to index
        %get3A_568 = arith.constant 32 : index
        %get3A_569 = tpu.vector_load %arg12[%get3A_567, %get3A_568] {strides = array<i32>} : memref<80x64xf32, #tpu.memory_space<vmem>>, vector<16xf32>,
        %mul3A_570 = vector.broadcast %squeeze3A_530 : f32 to vector<16xf32>
        %mul3A_571 = arith.mulf %get3A_569, %mul3A_570 : vector<16xf32>
        %mul3A_572 = arith.constant 16 : i32
        %mul3A_573 = arith.muli %scan3A_65, %mul3A_572 : i32
        %add3A_574 = arith.constant 7 : i32
        %add3A_575 = arith.addi %mul3A_573, %add3A_574 : i32
        %swap3A_576 = arith.index_cast %add3A_575 : i32 to index
        %swap3A_577 = arith.constant 32 : index
        %swap3A_578 = tpu.vector_load %arg12[%swap3A_576, %swap3A_577] {strides = array<i32>} : memref<80x64xf32, #tpu.memory_space<vmem>>, vector<16xf32>,
        tpu.vector_store %arg12[%swap3A_576, %swap3A_577], %mul3A_571 {strides = array<i32>} : memref<80x64xf32, #tpu.memory_space<vmem>>, vector<16xf32>,
        %mul3A_579 = arith.constant 16 : i32
        %mul3A_580 = arith.muli %scan3A_65, %mul3A_579 : i32
        %add3A_581 = arith.constant 7 : i32
        %add3A_582 = arith.addi %mul3A_580, %add3A_581 : i32
        %get3A_583 = arith.index_cast %add3A_582 : i32 to index
        %get3A_584 = arith.constant 48 : index
        %get3A_585 = tpu.vector_load %arg12[%get3A_583, %get3A_584] {strides = array<i32>} : memref<80x64xf32, #tpu.memory_space<vmem>>, vector<16xf32>,
        %mul3A_586 = vector.broadcast %squeeze3A_530 : f32 to vector<16xf32>
        %mul3A_587 = arith.mulf %get3A_585, %mul3A_586 : vector<16xf32>
        %mul3A_588 = arith.constant 16 : i32
        %mul3A_589 = arith.muli %scan3A_65, %mul3A_588 : i32
        %add3A_590 = arith.constant 7 : i32
        %add3A_591 = arith.addi %mul3A_589, %add3A_590 : i32
        %swap3A_592 = arith.index_cast %add3A_591 : i32 to index
        %swap3A_593 = arith.constant 48 : index
        %swap3A_594 = tpu.vector_load %arg12[%swap3A_592, %swap3A_593] {strides = array<i32>} : memref<80x64xf32, #tpu.memory_space<vmem>>, vector<16xf32>,
        tpu.vector_store %arg12[%swap3A_592, %swap3A_593], %mul3A_587 {strides = array<i32>} : memref<80x64xf32, #tpu.memory_space<vmem>>, vector<16xf32>,
        %slice3A_595 = vector.extract_strided_slice %get3A_69 {offsets = [8], sizes = [1], strides = [1]} : vector<16xf32> to vector<1xf32>
        %squeeze3A_596 = vector.extract %slice3A_595[0] : f32 from vector<1xf32>
        %mul3A_597 = arith.constant 16 : i32
        %mul3A_598 = arith.muli %scan3A_65, %mul3A_597 : i32
        %add3A_599 = arith.constant 8 : i32
        %add3A_600 = arith.addi %mul3A_598, %add3A_599 : i32
        %get3A_601 = arith.index_cast %add3A_600 : i32 to index
        %get3A_602 = arith.constant 0 : index
        %get3A_603 = tpu.vector_load %arg12[%get3A_601, %get3A_602] {strides = array<i32>} : memref<80x64xf32, #tpu.memory_space<vmem>>, vector<16xf32>,
        %mul3A_604 = vector.broadcast %squeeze3A_596 : f32 to vector<16xf32>
        %mul3A_605 = arith.mulf %get3A_603, %mul3A_604 : vector<16xf32>
        %mul3A_606 = arith.constant 16 : i32
        %mul3A_607 = arith.muli %scan3A_65, %mul3A_606 : i32
        %add3A_608 = arith.constant 8 : i32
        %add3A_609 = arith.addi %mul3A_607, %add3A_608 : i32
        %swap3A_610 = arith.index_cast %add3A_609 : i32 to index
        %swap3A_611 = arith.constant 0 : index
        %swap3A_612 = tpu.vector_load %arg12[%swap3A_610, %swap3A_611] {strides = array<i32>} : memref<80x64xf32, #tpu.memory_space<vmem>>, vector<16xf32>,
        tpu.vector_store %arg12[%swap3A_610, %swap3A_611], %mul3A_605 {strides = array<i32>} : memref<80x64xf32, #tpu.memory_space<vmem>>, vector<16xf32>,
        %mul3A_613 = arith.constant 16 : i32
        %mul3A_614 = arith.muli %scan3A_65, %mul3A_613 : i32
        %add3A_615 = arith.constant 8 : i32
        %add3A_616 = arith.addi %mul3A_614, %add3A_615 : i32
        %get3A_617 = arith.index_cast %add3A_616 : i32 to index
        %get3A_618 = arith.constant 16 : index
        %get3A_619 = tpu.vector_load %arg12[%get3A_617, %get3A_618] {strides = array<i32>} : memref<80x64xf32, #tpu.memory_space<vmem>>, vector<16xf32>,
        %mul3A_620 = vector.broadcast %squeeze3A_596 : f32 to vector<16xf32>
        %mul3A_621 = arith.mulf %get3A_619, %mul3A_620 : vector<16xf32>
        %mul3A_622 = arith.constant 16 : i32
        %mul3A_623 = arith.muli %scan3A_65, %mul3A_622 : i32
        %add3A_624 = arith.constant 8 : i32
        %add3A_625 = arith.addi %mul3A_623, %add3A_624 : i32
        %swap3A_626 = arith.index_cast %add3A_625 : i32 to index
        %swap3A_627 = arith.constant 16 : index
        %swap3A_628 = tpu.vector_load %arg12[%swap3A_626, %swap3A_627] {strides = array<i32>} : memref<80x64xf32, #tpu.memory_space<vmem>>, vector<16xf32>,
        tpu.vector_store %arg12[%swap3A_626, %swap3A_627], %mul3A_621 {strides = array<i32>} : memref<80x64xf32, #tpu.memory_space<vmem>>, vector<16xf32>,
        %mul3A_629 = arith.constant 16 : i32
        %mul3A_630 = arith.muli %scan3A_65, %mul3A_629 : i32
        %add3A_631 = arith.constant 8 : i32
        %add3A_632 = arith.addi %mul3A_630, %add3A_631 : i32
        %get3A_633 = arith.index_cast %add3A_632 : i32 to index
        %get3A_634 = arith.constant 32 : index
        %get3A_635 = tpu.vector_load %arg12[%get3A_633, %get3A_634] {strides = array<i32>} : memref<80x64xf32, #tpu.memory_space<vmem>>, vector<16xf32>,
        %mul3A_636 = vector.broadcast %squeeze3A_596 : f32 to vector<16xf32>
        %mul3A_637 = arith.mulf %get3A_635, %mul3A_636 : vector<16xf32>
        %mul3A_638 = arith.constant 16 : i32
        %mul3A_639 = arith.muli %scan3A_65, %mul3A_638 : i32
        %add3A_640 = arith.constant 8 : i32
        %add3A_641 = arith.addi %mul3A_639, %add3A_640 : i32
        %swap3A_642 = arith.index_cast %add3A_641 : i32 to index
        %swap3A_643 = arith.constant 32 : index
        %swap3A_644 = tpu.vector_load %arg12[%swap3A_642, %swap3A_643] {strides = array<i32>} : memref<80x64xf32, #tpu.memory_space<vmem>>, vector<16xf32>,
        tpu.vector_store %arg12[%swap3A_642, %swap3A_643], %mul3A_637 {strides = array<i32>} : memref<80x64xf32, #tpu.memory_space<vmem>>, vector<16xf32>,
        %mul3A_645 = arith.constant 16 : i32
        %mul3A_646 = arith.muli %scan3A_65, %mul3A_645 : i32
        %add3A_647 = arith.constant 8 : i32
        %add3A_648 = arith.addi %mul3A_646, %add3A_647 : i32
        %get3A_649 = arith.index_cast %add3A_648 : i32 to index
        %get3A_650 = arith.constant 48 : index
        %get3A_651 = tpu.vector_load %arg12[%get3A_649, %get3A_650] {strides = array<i32>} : memref<80x64xf32, #tpu.memory_space<vmem>>, vector<16xf32>,
        %mul3A_652 = vector.broadcast %squeeze3A_596 : f32 to vector<16xf32>
        %mul3A_653 = arith.mulf %get3A_651, %mul3A_652 : vector<16xf32>
        %mul3A_654 = arith.constant 16 : i32
        %mul3A_655 = arith.muli %scan3A_65, %mul3A_654 : i32
        %add3A_656 = arith.constant 8 : i32
        %add3A_657 = arith.addi %mul3A_655, %add3A_656 : i32
        %swap3A_658 = arith.index_cast %add3A_657 : i32 to index
        %swap3A_659 = arith.constant 48 : index
        %swap3A_660 = tpu.vector_load %arg12[%swap3A_658, %swap3A_659] {strides = array<i32>} : memref<80x64xf32, #tpu.memory_space<vmem>>, vector<16xf32>,
        tpu.vector_store %arg12[%swap3A_658, %swap3A_659], %mul3A_653 {strides = array<i32>} : memref<80x64xf32, #tpu.memory_space<vmem>>, vector<16xf32>,
        %slice3A_661 = vector.extract_strided_slice %get3A_69 {offsets = [9], sizes = [1], strides = [1]} : vector<16xf32> to vector<1xf32>
        %squeeze3A_662 = vector.extract %slice3A_661[0] : f32 from vector<1xf32>
        %mul3A_663 = arith.constant 16 : i32
        %mul3A_664 = arith.muli %scan3A_65, %mul3A_663 : i32
        %add3A_665 = arith.constant 9 : i32
        %add3A_666 = arith.addi %mul3A_664, %add3A_665 : i32
        %get3A_667 = arith.index_cast %add3A_666 : i32 to index
        %get3A_668 = arith.constant 0 : index
        %get3A_669 = tpu.vector_load %arg12[%get3A_667, %get3A_668] {strides = array<i32>} : memref<80x64xf32, #tpu.memory_space<vmem>>, vector<16xf32>,
        %mul3A_670 = vector.broadcast %squeeze3A_662 : f32 to vector<16xf32>
        %mul3A_671 = arith.mulf %get3A_669, %mul3A_670 : vector<16xf32>
        %mul3A_672 = arith.constant 16 : i32
        %mul3A_673 = arith.muli %scan3A_65, %mul3A_672 : i32
        %add3A_674 = arith.constant 9 : i32
        %add3A_675 = arith.addi %mul3A_673, %add3A_674 : i32
        %swap3A_676 = arith.index_cast %add3A_675 : i32 to index
        %swap3A_677 = arith.constant 0 : index
        %swap3A_678 = tpu.vector_load %arg12[%swap3A_676, %swap3A_677] {strides = array<i32>} : memref<80x64xf32, #tpu.memory_space<vmem>>, vector<16xf32>,
        tpu.vector_store %arg12[%swap3A_676, %swap3A_677], %mul3A_671 {strides = array<i32>} : memref<80x64xf32, #tpu.memory_space<vmem>>, vector<16xf32>,
        %mul3A_679 = arith.constant 16 : i32
        %mul3A_680 = arith.muli %scan3A_65, %mul3A_679 : i32
        %add3A_681 = arith.constant 9 : i32
        %add3A_682 = arith.addi %mul3A_680, %add3A_681 : i32
        %get3A_683 = arith.index_cast %add3A_682 : i32 to index
        %get3A_684 = arith.constant 16 : index
        %get3A_685 = tpu.vector_load %arg12[%get3A_683, %get3A_684] {strides = array<i32>} : memref<80x64xf32, #tpu.memory_space<vmem>>, vector<16xf32>,
        %mul3A_686 = vector.broadcast %squeeze3A_662 : f32 to vector<16xf32>
        %mul3A_687 = arith.mulf %get3A_685, %mul3A_686 : vector<16xf32>
        %mul3A_688 = arith.constant 16 : i32
        %mul3A_689 = arith.muli %scan3A_65, %mul3A_688 : i32
        %add3A_690 = arith.constant 9 : i32
        %add3A_691 = arith.addi %mul3A_689, %add3A_690 : i32
        %swap3A_692 = arith.index_cast %add3A_691 : i32 to index
        %swap3A_693 = arith.constant 16 : index
        %swap3A_694 = tpu.vector_load %arg12[%swap3A_692, %swap3A_693] {strides = array<i32>} : memref<80x64xf32, #tpu.memory_space<vmem>>, vector<16xf32>,
        tpu.vector_store %arg12[%swap3A_692, %swap3A_693], %mul3A_687 {strides = array<i32>} : memref<80x64xf32, #tpu.memory_space<vmem>>, vector<16xf32>,
        %mul3A_695 = arith.constant 16 : i32
        %mul3A_696 = arith.muli %scan3A_65, %mul3A_695 : i32
        %add3A_697 = arith.constant 9 : i32
        %add3A_698 = arith.addi %mul3A_696, %add3A_697 : i32
        %get3A_699 = arith.index_cast %add3A_698 : i32 to index
        %get3A_700 = arith.constant 32 : index
        %get3A_701 = tpu.vector_load %arg12[%get3A_699, %get3A_700] {strides = array<i32>} : memref<80x64xf32, #tpu.memory_space<vmem>>, vector<16xf32>,
        %mul3A_702 = vector.broadcast %squeeze3A_662 : f32 to vector<16xf32>
        %mul3A_703 = arith.mulf %get3A_701, %mul3A_702 : vector<16xf32>
        %mul3A_704 = arith.constant 16 : i32
        %mul3A_705 = arith.muli %scan3A_65, %mul3A_704 : i32
        %add3A_706 = arith.constant 9 : i32
        %add3A_707 = arith.addi %mul3A_705, %add3A_706 : i32
        %swap3A_708 = arith.index_cast %add3A_707 : i32 to index
        %swap3A_709 = arith.constant 32 : index
        %swap3A_710 = tpu.vector_load %arg12[%swap3A_708, %swap3A_709] {strides = array<i32>} : memref<80x64xf32, #tpu.memory_space<vmem>>, vector<16xf32>,
        tpu.vector_store %arg12[%swap3A_708, %swap3A_709], %mul3A_703 {strides = array<i32>} : memref<80x64xf32, #tpu.memory_space<vmem>>, vector<16xf32>,
        %mul3A_711 = arith.constant 16 : i32
        %mul3A_712 = arith.muli %scan3A_65, %mul3A_711 : i32
        %add3A_713 = arith.constant 9 : i32
        %add3A_714 = arith.addi %mul3A_712, %add3A_713 : i32
        %get3A_715 = arith.index_cast %add3A_714 : i32 to index
        %get3A_716 = arith.constant 48 : index
        %get3A_717 = tpu.vector_load %arg12[%get3A_715, %get3A_716] {strides = array<i32>} : memref<80x64xf32, #tpu.memory_space<vmem>>, vector<16xf32>,
        %mul3A_718 = vector.broadcast %squeeze3A_662 : f32 to vector<16xf32>
        %mul3A_719 = arith.mulf %get3A_717, %mul3A_718 : vector<16xf32>
        %mul3A_720 = arith.constant 16 : i32
        %mul3A_721 = arith.muli %scan3A_65, %mul3A_720 : i32
        %add3A_722 = arith.constant 9 : i32
        %add3A_723 = arith.addi %mul3A_721, %add3A_722 : i32
        %swap3A_724 = arith.index_cast %add3A_723 : i32 to index
        %swap3A_725 = arith.constant 48 : index
        %swap3A_726 = tpu.vector_load %arg12[%swap3A_724, %swap3A_725] {strides = array<i32>} : memref<80x64xf32, #tpu.memory_space<vmem>>, vector<16xf32>,
        tpu.vector_store %arg12[%swap3A_724, %swap3A_725], %mul3A_719 {strides = array<i32>} : memref<80x64xf32, #tpu.memory_space<vmem>>, vector<16xf32>,
        %slice3A_727 = vector.extract_strided_slice %get3A_69 {offsets = [10], sizes = [1], strides = [1]} : vector<16xf32> to vector<1xf32>
        %squeeze3A_728 = vector.extract %slice3A_727[0] : f32 from vector<1xf32>
        %mul3A_729 = arith.constant 16 : i32
        %mul3A_730 = arith.muli %scan3A_65, %mul3A_729 : i32
        %add3A_731 = arith.constant 10 : i32
        %add3A_732 = arith.addi %mul3A_730, %add3A_731 : i32
        %get3A_733 = arith.index_cast %add3A_732 : i32 to index
        %get3A_734 = arith.constant 0 : index
        %get3A_735 = tpu.vector_load %arg12[%get3A_733, %get3A_734] {strides = array<i32>} : memref<80x64xf32, #tpu.memory_space<vmem>>, vector<16xf32>,
        %mul3A_736 = vector.broadcast %squeeze3A_728 : f32 to vector<16xf32>
        %mul3A_737 = arith.mulf %get3A_735, %mul3A_736 : vector<16xf32>
        %mul3A_738 = arith.constant 16 : i32
        %mul3A_739 = arith.muli %scan3A_65, %mul3A_738 : i32
        %add3A_740 = arith.constant 10 : i32
        %add3A_741 = arith.addi %mul3A_739, %add3A_740 : i32
        %swap3A_742 = arith.index_cast %add3A_741 : i32 to index
        %swap3A_743 = arith.constant 0 : index
        %swap3A_744 = tpu.vector_load %arg12[%swap3A_742, %swap3A_743] {strides = array<i32>} : memref<80x64xf32, #tpu.memory_space<vmem>>, vector<16xf32>,
        tpu.vector_store %arg12[%swap3A_742, %swap3A_743], %mul3A_737 {strides = array<i32>} : memref<80x64xf32, #tpu.memory_space<vmem>>, vector<16xf32>,
        %mul3A_745 = arith.constant 16 : i32
        %mul3A_746 = arith.muli %scan3A_65, %mul3A_745 : i32
        %add3A_747 = arith.constant 10 : i32
        %add3A_748 = arith.addi %mul3A_746, %add3A_747 : i32
        %get3A_749 = arith.index_cast %add3A_748 : i32 to index
        %get3A_750 = arith.constant 16 : index
        %get3A_751 = tpu.vector_load %arg12[%get3A_749, %get3A_750] {strides = array<i32>} : memref<80x64xf32, #tpu.memory_space<vmem>>, vector<16xf32>,
        %mul3A_752 = vector.broadcast %squeeze3A_728 : f32 to vector<16xf32>
        %mul3A_753 = arith.mulf %get3A_751, %mul3A_752 : vector<16xf32>
        %mul3A_754 = arith.constant 16 : i32
        %mul3A_755 = arith.muli %scan3A_65, %mul3A_754 : i32
        %add3A_756 = arith.constant 10 : i32
        %add3A_757 = arith.addi %mul3A_755, %add3A_756 : i32
        %swap3A_758 = arith.index_cast %add3A_757 : i32 to index
        %swap3A_759 = arith.constant 16 : index
        %swap3A_760 = tpu.vector_load %arg12[%swap3A_758, %swap3A_759] {strides = array<i32>} : memref<80x64xf32, #tpu.memory_space<vmem>>, vector<16xf32>,
        tpu.vector_store %arg12[%swap3A_758, %swap3A_759], %mul3A_753 {strides = array<i32>} : memref<80x64xf32, #tpu.memory_space<vmem>>, vector<16xf32>,
        %mul3A_761 = arith.constant 16 : i32
        %mul3A_762 = arith.muli %scan3A_65, %mul3A_761 : i32
        %add3A_763 = arith.constant 10 : i32
        %add3A_764 = arith.addi %mul3A_762, %add3A_763 : i32
        %get3A_765 = arith.index_cast %add3A_764 : i32 to index
        %get3A_766 = arith.constant 32 : index
        %get3A_767 = tpu.vector_load %arg12[%get3A_765, %get3A_766] {strides = array<i32>} : memref<80x64xf32, #tpu.memory_space<vmem>>, vector<16xf32>,
        %mul3A_768 = vector.broadcast %squeeze3A_728 : f32 to vector<16xf32>
        %mul3A_769 = arith.mulf %get3A_767, %mul3A_768 : vector<16xf32>
        %mul3A_770 = arith.constant 16 : i32
        %mul3A_771 = arith.muli %scan3A_65, %mul3A_770 : i32
        %add3A_772 = arith.constant 10 : i32
        %add3A_773 = arith.addi %mul3A_771, %add3A_772 : i32
        %swap3A_774 = arith.index_cast %add3A_773 : i32 to index
        %swap3A_775 = arith.constant 32 : index
        %swap3A_776 = tpu.vector_load %arg12[%swap3A_774, %swap3A_775] {strides = array<i32>} : memref<80x64xf32, #tpu.memory_space<vmem>>, vector<16xf32>,
        tpu.vector_store %arg12[%swap3A_774, %swap3A_775], %mul3A_769 {strides = array<i32>} : memref<80x64xf32, #tpu.memory_space<vmem>>, vector<16xf32>,
        %mul3A_777 = arith.constant 16 : i32
        %mul3A_778 = arith.muli %scan3A_65, %mul3A_777 : i32
        %add3A_779 = arith.constant 10 : i32
        %add3A_780 = arith.addi %mul3A_778, %add3A_779 : i32
        %get3A_781 = arith.index_cast %add3A_780 : i32 to index
        %get3A_782 = arith.constant 48 : index
        %get3A_783 = tpu.vector_load %arg12[%get3A_781, %get3A_782] {strides = array<i32>} : memref<80x64xf32, #tpu.memory_space<vmem>>, vector<16xf32>,
        %mul3A_784 = vector.broadcast %squeeze3A_728 : f32 to vector<16xf32>
        %mul3A_785 = arith.mulf %get3A_783, %mul3A_784 : vector<16xf32>
        %mul3A_786 = arith.constant 16 : i32
        %mul3A_787 = arith.muli %scan3A_65, %mul3A_786 : i32
        %add3A_788 = arith.constant 10 : i32
        %add3A_789 = arith.addi %mul3A_787, %add3A_788 : i32
        %swap3A_790 = arith.index_cast %add3A_789 : i32 to index
        %swap3A_791 = arith.constant 48 : index
        %swap3A_792 = tpu.vector_load %arg12[%swap3A_790, %swap3A_791] {strides = array<i32>} : memref<80x64xf32, #tpu.memory_space<vmem>>, vector<16xf32>,
        tpu.vector_store %arg12[%swap3A_790, %swap3A_791], %mul3A_785 {strides = array<i32>} : memref<80x64xf32, #tpu.memory_space<vmem>>, vector<16xf32>,
        %slice3A_793 = vector.extract_strided_slice %get3A_69 {offsets = [11], sizes = [1], strides = [1]} : vector<16xf32> to vector<1xf32>
        %squeeze3A_794 = vector.extract %slice3A_793[0] : f32 from vector<1xf32>
        %mul3A_795 = arith.constant 16 : i32
        %mul3A_796 = arith.muli %scan3A_65, %mul3A_795 : i32
        %add3A_797 = arith.constant 11 : i32
        %add3A_798 = arith.addi %mul3A_796, %add3A_797 : i32
        %get3A_799 = arith.index_cast %add3A_798 : i32 to index
        %get3A_800 = arith.constant 0 : index
        %get3A_801 = tpu.vector_load %arg12[%get3A_799, %get3A_800] {strides = array<i32>} : memref<80x64xf32, #tpu.memory_space<vmem>>, vector<16xf32>,
        %mul3A_802 = vector.broadcast %squeeze3A_794 : f32 to vector<16xf32>
        %mul3A_803 = arith.mulf %get3A_801, %mul3A_802 : vector<16xf32>
        %mul3A_804 = arith.constant 16 : i32
        %mul3A_805 = arith.muli %scan3A_65, %mul3A_804 : i32
        %add3A_806 = arith.constant 11 : i32
        %add3A_807 = arith.addi %mul3A_805, %add3A_806 : i32
        %swap3A_808 = arith.index_cast %add3A_807 : i32 to index
        %swap3A_809 = arith.constant 0 : index
        %swap3A_810 = tpu.vector_load %arg12[%swap3A_808, %swap3A_809] {strides = array<i32>} : memref<80x64xf32, #tpu.memory_space<vmem>>, vector<16xf32>,
        tpu.vector_store %arg12[%swap3A_808, %swap3A_809], %mul3A_803 {strides = array<i32>} : memref<80x64xf32, #tpu.memory_space<vmem>>, vector<16xf32>,
        %mul3A_811 = arith.constant 16 : i32
        %mul3A_812 = arith.muli %scan3A_65, %mul3A_811 : i32
        %add3A_813 = arith.constant 11 : i32
        %add3A_814 = arith.addi %mul3A_812, %add3A_813 : i32
        %get3A_815 = arith.index_cast %add3A_814 : i32 to index
        %get3A_816 = arith.constant 16 : index
        %get3A_817 = tpu.vector_load %arg12[%get3A_815, %get3A_816] {strides = array<i32>} : memref<80x64xf32, #tpu.memory_space<vmem>>, vector<16xf32>,
        %mul3A_818 = vector.broadcast %squeeze3A_794 : f32 to vector<16xf32>
        %mul3A_819 = arith.mulf %get3A_817, %mul3A_818 : vector<16xf32>
        %mul3A_820 = arith.constant 16 : i32
        %mul3A_821 = arith.muli %scan3A_65, %mul3A_820 : i32
        %add3A_822 = arith.constant 11 : i32
        %add3A_823 = arith.addi %mul3A_821, %add3A_822 : i32
        %swap3A_824 = arith.index_cast %add3A_823 : i32 to index
        %swap3A_825 = arith.constant 16 : index
        %swap3A_826 = tpu.vector_load %arg12[%swap3A_824, %swap3A_825] {strides = array<i32>} : memref<80x64xf32, #tpu.memory_space<vmem>>, vector<16xf32>,
        tpu.vector_store %arg12[%swap3A_824, %swap3A_825], %mul3A_819 {strides = array<i32>} : memref<80x64xf32, #tpu.memory_space<vmem>>, vector<16xf32>,
        %mul3A_827 = arith.constant 16 : i32
        %mul3A_828 = arith.muli %scan3A_65, %mul3A_827 : i32
        %add3A_829 = arith.constant 11 : i32
        %add3A_830 = arith.addi %mul3A_828, %add3A_829 : i32
        %get3A_831 = arith.index_cast %add3A_830 : i32 to index
        %get3A_832 = arith.constant 32 : index
        %get3A_833 = tpu.vector_load %arg12[%get3A_831, %get3A_832] {strides = array<i32>} : memref<80x64xf32, #tpu.memory_space<vmem>>, vector<16xf32>,
        %mul3A_834 = vector.broadcast %squeeze3A_794 : f32 to vector<16xf32>
        %mul3A_835 = arith.mulf %get3A_833, %mul3A_834 : vector<16xf32>
        %mul3A_836 = arith.constant 16 : i32
        %mul3A_837 = arith.muli %scan3A_65, %mul3A_836 : i32
        %add3A_838 = arith.constant 11 : i32
        %add3A_839 = arith.addi %mul3A_837, %add3A_838 : i32
        %swap3A_840 = arith.index_cast %add3A_839 : i32 to index
        %swap3A_841 = arith.constant 32 : index
        %swap3A_842 = tpu.vector_load %arg12[%swap3A_840, %swap3A_841] {strides = array<i32>} : memref<80x64xf32, #tpu.memory_space<vmem>>, vector<16xf32>,
        tpu.vector_store %arg12[%swap3A_840, %swap3A_841], %mul3A_835 {strides = array<i32>} : memref<80x64xf32, #tpu.memory_space<vmem>>, vector<16xf32>,
        %mul3A_843 = arith.constant 16 : i32
        %mul3A_844 = arith.muli %scan3A_65, %mul3A_843 : i32
        %add3A_845 = arith.constant 11 : i32
        %add3A_846 = arith.addi %mul3A_844, %add3A_845 : i32
        %get3A_847 = arith.index_cast %add3A_846 : i32 to index
        %get3A_848 = arith.constant 48 : index
        %get3A_849 = tpu.vector_load %arg12[%get3A_847, %get3A_848] {strides = array<i32>} : memref<80x64xf32, #tpu.memory_space<vmem>>, vector<16xf32>,
        %mul3A_850 = vector.broadcast %squeeze3A_794 : f32 to vector<16xf32>
        %mul3A_851 = arith.mulf %get3A_849, %mul3A_850 : vector<16xf32>
        %mul3A_852 = arith.constant 16 : i32
        %mul3A_853 = arith.muli %scan3A_65, %mul3A_852 : i32
        %add3A_854 = arith.constant 11 : i32
        %add3A_855 = arith.addi %mul3A_853, %add3A_854 : i32
        %swap3A_856 = arith.index_cast %add3A_855 : i32 to index
        %swap3A_857 = arith.constant 48 : index
        %swap3A_858 = tpu.vector_load %arg12[%swap3A_856, %swap3A_857] {strides = array<i32>} : memref<80x64xf32, #tpu.memory_space<vmem>>, vector<16xf32>,
        tpu.vector_store %arg12[%swap3A_856, %swap3A_857], %mul3A_851 {strides = array<i32>} : memref<80x64xf32, #tpu.memory_space<vmem>>, vector<16xf32>,
        %slice3A_859 = vector.extract_strided_slice %get3A_69 {offsets = [12], sizes = [1], strides = [1]} : vector<16xf32> to vector<1xf32>
        %squeeze3A_860 = vector.extract %slice3A_859[0] : f32 from vector<1xf32>
        %mul3A_861 = arith.constant 16 : i32
        %mul3A_862 = arith.muli %scan3A_65, %mul3A_861 : i32
        %add3A_863 = arith.constant 12 : i32
        %add3A_864 = arith.addi %mul3A_862, %add3A_863 : i32
        %get3A_865 = arith.index_cast %add3A_864 : i32 to index
        %get3A_866 = arith.constant 0 : index
        %get3A_867 = tpu.vector_load %arg12[%get3A_865, %get3A_866] {strides = array<i32>} : memref<80x64xf32, #tpu.memory_space<vmem>>, vector<16xf32>,
        %mul3A_868 = vector.broadcast %squeeze3A_860 : f32 to vector<16xf32>
        %mul3A_869 = arith.mulf %get3A_867, %mul3A_868 : vector<16xf32>
        %mul3A_870 = arith.constant 16 : i32
        %mul3A_871 = arith.muli %scan3A_65, %mul3A_870 : i32
        %add3A_872 = arith.constant 12 : i32
        %add3A_873 = arith.addi %mul3A_871, %add3A_872 : i32
        %swap3A_874 = arith.index_cast %add3A_873 : i32 to index
        %swap3A_875 = arith.constant 0 : index
        %swap3A_876 = tpu.vector_load %arg12[%swap3A_874, %swap3A_875] {strides = array<i32>} : memref<80x64xf32, #tpu.memory_space<vmem>>, vector<16xf32>,
        tpu.vector_store %arg12[%swap3A_874, %swap3A_875], %mul3A_869 {strides = array<i32>} : memref<80x64xf32, #tpu.memory_space<vmem>>, vector<16xf32>,
        %mul3A_877 = arith.constant 16 : i32
        %mul3A_878 = arith.muli %scan3A_65, %mul3A_877 : i32
        %add3A_879 = arith.constant 12 : i32
        %add3A_880 = arith.addi %mul3A_878, %add3A_879 : i32
        %get3A_881 = arith.index_cast %add3A_880 : i32 to index
        %get3A_882 = arith.constant 16 : index
        %get3A_883 = tpu.vector_load %arg12[%get3A_881, %get3A_882] {strides = array<i32>} : memref<80x64xf32, #tpu.memory_space<vmem>>, vector<16xf32>,
        %mul3A_884 = vector.broadcast %squeeze3A_860 : f32 to vector<16xf32>
        %mul3A_885 = arith.mulf %get3A_883, %mul3A_884 : vector<16xf32>
        %mul3A_886 = arith.constant 16 : i32
        %mul3A_887 = arith.muli %scan3A_65, %mul3A_886 : i32
        %add3A_888 = arith.constant 12 : i32
        %add3A_889 = arith.addi %mul3A_887, %add3A_888 : i32
        %swap3A_890 = arith.index_cast %add3A_889 : i32 to index
        %swap3A_891 = arith.constant 16 : index
        %swap3A_892 = tpu.vector_load %arg12[%swap3A_890, %swap3A_891] {strides = array<i32>} : memref<80x64xf32, #tpu.memory_space<vmem>>, vector<16xf32>,
        tpu.vector_store %arg12[%swap3A_890, %swap3A_891], %mul3A_885 {strides = array<i32>} : memref<80x64xf32, #tpu.memory_space<vmem>>, vector<16xf32>,
        %mul3A_893 = arith.constant 16 : i32
        %mul3A_894 = arith.muli %scan3A_65, %mul3A_893 : i32
        %add3A_895 = arith.constant 12 : i32
        %add3A_896 = arith.addi %mul3A_894, %add3A_895 : i32
        %get3A_897 = arith.index_cast %add3A_896 : i32 to index
        %get3A_898 = arith.constant 32 : index
        %get3A_899 = tpu.vector_load %arg12[%get3A_897, %get3A_898] {strides = array<i32>} : memref<80x64xf32, #tpu.memory_space<vmem>>, vector<16xf32>,
        %mul3A_900 = vector.broadcast %squeeze3A_860 : f32 to vector<16xf32>
        %mul3A_901 = arith.mulf %get3A_899, %mul3A_900 : vector<16xf32>
        %mul3A_902 = arith.constant 16 : i32
        %mul3A_903 = arith.muli %scan3A_65, %mul3A_902 : i32
        %add3A_904 = arith.constant 12 : i32
        %add3A_905 = arith.addi %mul3A_903, %add3A_904 : i32
        %swap3A_906 = arith.index_cast %add3A_905 : i32 to index
        %swap3A_907 = arith.constant 32 : index
        %swap3A_908 = tpu.vector_load %arg12[%swap3A_906, %swap3A_907] {strides = array<i32>} : memref<80x64xf32, #tpu.memory_space<vmem>>, vector<16xf32>,
        tpu.vector_store %arg12[%swap3A_906, %swap3A_907], %mul3A_901 {strides = array<i32>} : memref<80x64xf32, #tpu.memory_space<vmem>>, vector<16xf32>,
        %mul3A_909 = arith.constant 16 : i32
        %mul3A_910 = arith.muli %scan3A_65, %mul3A_909 : i32
        %add3A_911 = arith.constant 12 : i32
        %add3A_912 = arith.addi %mul3A_910, %add3A_911 : i32
        %get3A_913 = arith.index_cast %add3A_912 : i32 to index
        %get3A_914 = arith.constant 48 : index
        %get3A_915 = tpu.vector_load %arg12[%get3A_913, %get3A_914] {strides = array<i32>} : memref<80x64xf32, #tpu.memory_space<vmem>>, vector<16xf32>,
        %mul3A_916 = vector.broadcast %squeeze3A_860 : f32 to vector<16xf32>
        %mul3A_917 = arith.mulf %get3A_915, %mul3A_916 : vector<16xf32>
        %mul3A_918 = arith.constant 16 : i32
        %mul3A_919 = arith.muli %scan3A_65, %mul3A_918 : i32
        %add3A_920 = arith.constant 12 : i32
        %add3A_921 = arith.addi %mul3A_919, %add3A_920 : i32
        %swap3A_922 = arith.index_cast %add3A_921 : i32 to index
        %swap3A_923 = arith.constant 48 : index
        %swap3A_924 = tpu.vector_load %arg12[%swap3A_922, %swap3A_923] {strides = array<i32>} : memref<80x64xf32, #tpu.memory_space<vmem>>, vector<16xf32>,
        tpu.vector_store %arg12[%swap3A_922, %swap3A_923], %mul3A_917 {strides = array<i32>} : memref<80x64xf32, #tpu.memory_space<vmem>>, vector<16xf32>,
        %slice3A_925 = vector.extract_strided_slice %get3A_69 {offsets = [13], sizes = [1], strides = [1]} : vector<16xf32> to vector<1xf32>
        %squeeze3A_926 = vector.extract %slice3A_925[0] : f32 from vector<1xf32>
        %mul3A_927 = arith.constant 16 : i32
        %mul3A_928 = arith.muli %scan3A_65, %mul3A_927 : i32
        %add3A_929 = arith.constant 13 : i32
        %add3A_930 = arith.addi %mul3A_928, %add3A_929 : i32
        %get3A_931 = arith.index_cast %add3A_930 : i32 to index
        %get3A_932 = arith.constant 0 : index
        %get3A_933 = tpu.vector_load %arg12[%get3A_931, %get3A_932] {strides = array<i32>} : memref<80x64xf32, #tpu.memory_space<vmem>>, vector<16xf32>,
        %mul3A_934 = vector.broadcast %squeeze3A_926 : f32 to vector<16xf32>
        %mul3A_935 = arith.mulf %get3A_933, %mul3A_934 : vector<16xf32>
        %mul3A_936 = arith.constant 16 : i32
        %mul3A_937 = arith.muli %scan3A_65, %mul3A_936 : i32
        %add3A_938 = arith.constant 13 : i32
        %add3A_939 = arith.addi %mul3A_937, %add3A_938 : i32
        %swap3A_940 = arith.index_cast %add3A_939 : i32 to index
        %swap3A_941 = arith.constant 0 : index
        %swap3A_942 = tpu.vector_load %arg12[%swap3A_940, %swap3A_941] {strides = array<i32>} : memref<80x64xf32, #tpu.memory_space<vmem>>, vector<16xf32>,
        tpu.vector_store %arg12[%swap3A_940, %swap3A_941], %mul3A_935 {strides = array<i32>} : memref<80x64xf32, #tpu.memory_space<vmem>>, vector<16xf32>,
        %mul3A_943 = arith.constant 16 : i32
        %mul3A_944 = arith.muli %scan3A_65, %mul3A_943 : i32
        %add3A_945 = arith.constant 13 : i32
        %add3A_946 = arith.addi %mul3A_944, %add3A_945 : i32
        %get3A_947 = arith.index_cast %add3A_946 : i32 to index
        %get3A_948 = arith.constant 16 : index
        %get3A_949 = tpu.vector_load %arg12[%get3A_947, %get3A_948] {strides = array<i32>} : memref<80x64xf32, #tpu.memory_space<vmem>>, vector<16xf32>,
        %mul3A_950 = vector.broadcast %squeeze3A_926 : f32 to vector<16xf32>
        %mul3A_951 = arith.mulf %get3A_949, %mul3A_950 : vector<16xf32>
        %mul3A_952 = arith.constant 16 : i32
        %mul3A_953 = arith.muli %scan3A_65, %mul3A_952 : i32
        %add3A_954 = arith.constant 13 : i32
        %add3A_955 = arith.addi %mul3A_953, %add3A_954 : i32
        %swap3A_956 = arith.index_cast %add3A_955 : i32 to index
        %swap3A_957 = arith.constant 16 : index
        %swap3A_958 = tpu.vector_load %arg12[%swap3A_956, %swap3A_957] {strides = array<i32>} : memref<80x64xf32, #tpu.memory_space<vmem>>, vector<16xf32>,
        tpu.vector_store %arg12[%swap3A_956, %swap3A_957], %mul3A_951 {strides = array<i32>} : memref<80x64xf32, #tpu.memory_space<vmem>>, vector<16xf32>,
        %mul3A_959 = arith.constant 16 : i32
        %mul3A_960 = arith.muli %scan3A_65, %mul3A_959 : i32
        %add3A_961 = arith.constant 13 : i32
        %add3A_962 = arith.addi %mul3A_960, %add3A_961 : i32
        %get3A_963 = arith.index_cast %add3A_962 : i32 to index
        %get3A_964 = arith.constant 32 : index
        %get3A_965 = tpu.vector_load %arg12[%get3A_963, %get3A_964] {strides = array<i32>} : memref<80x64xf32, #tpu.memory_space<vmem>>, vector<16xf32>,
        %mul3A_966 = vector.broadcast %squeeze3A_926 : f32 to vector<16xf32>
        %mul3A_967 = arith.mulf %get3A_965, %mul3A_966 : vector<16xf32>
        %mul3A_968 = arith.constant 16 : i32
        %mul3A_969 = arith.muli %scan3A_65, %mul3A_968 : i32
        %add3A_970 = arith.constant 13 : i32
        %add3A_971 = arith.addi %mul3A_969, %add3A_970 : i32
        %swap3A_972 = arith.index_cast %add3A_971 : i32 to index
        %swap3A_973 = arith.constant 32 : index
        %swap3A_974 = tpu.vector_load %arg12[%swap3A_972, %swap3A_973] {strides = array<i32>} : memref<80x64xf32, #tpu.memory_space<vmem>>, vector<16xf32>,
        tpu.vector_store %arg12[%swap3A_972, %swap3A_973], %mul3A_967 {strides = array<i32>} : memref<80x64xf32, #tpu.memory_space<vmem>>, vector<16xf32>,
        %mul3A_975 = arith.constant 16 : i32
        %mul3A_976 = arith.muli %scan3A_65, %mul3A_975 : i32
        %add3A_977 = arith.constant 13 : i32
        %add3A_978 = arith.addi %mul3A_976, %add3A_977 : i32
        %get3A_979 = arith.index_cast %add3A_978 : i32 to index
        %get3A_980 = arith.constant 48 : index
        %get3A_981 = tpu.vector_load %arg12[%get3A_979, %get3A_980] {strides = array<i32>} : memref<80x64xf32, #tpu.memory_space<vmem>>, vector<16xf32>,
        %mul3A_982 = vector.broadcast %squeeze3A_926 : f32 to vector<16xf32>
        %mul3A_983 = arith.mulf %get3A_981, %mul3A_982 : vector<16xf32>
        %mul3A_984 = arith.constant 16 : i32
        %mul3A_985 = arith.muli %scan3A_65, %mul3A_984 : i32
        %add3A_986 = arith.constant 13 : i32
        %add3A_987 = arith.addi %mul3A_985, %add3A_986 : i32
        %swap3A_988 = arith.index_cast %add3A_987 : i32 to index
        %swap3A_989 = arith.constant 48 : index
        %swap3A_990 = tpu.vector_load %arg12[%swap3A_988, %swap3A_989] {strides = array<i32>} : memref<80x64xf32, #tpu.memory_space<vmem>>, vector<16xf32>,
        tpu.vector_store %arg12[%swap3A_988, %swap3A_989], %mul3A_983 {strides = array<i32>} : memref<80x64xf32, #tpu.memory_space<vmem>>, vector<16xf32>,
        %slice3A_991 = vector.extract_strided_slice %get3A_69 {offsets = [14], sizes = [1], strides = [1]} : vector<16xf32> to vector<1xf32>
        %squeeze3A_992 = vector.extract %slice3A_991[0] : f32 from vector<1xf32>
        %mul3A_993 = arith.constant 16 : i32
        %mul3A_994 = arith.muli %scan3A_65, %mul3A_993 : i32
        %add3A_995 = arith.constant 14 : i32
        %add3A_996 = arith.addi %mul3A_994, %add3A_995 : i32
        %get3A_997 = arith.index_cast %add3A_996 : i32 to index
        %get3A_998 = arith.constant 0 : index
        %get3A_999 = tpu.vector_load %arg12[%get3A_997, %get3A_998] {strides = array<i32>} : memref<80x64xf32, #tpu.memory_space<vmem>>, vector<16xf32>,
        %mul3A_1000 = vector.broadcast %squeeze3A_992 : f32 to vector<16xf32>
        %mul3A_1001 = arith.mulf %get3A_999, %mul3A_1000 : vector<16xf32>
        %mul3A_1002 = arith.constant 16 : i32
        %mul3A_1003 = arith.muli %scan3A_65, %mul3A_1002 : i32
        %add3A_1004 = arith.constant 14 : i32
        %add3A_1005 = arith.addi %mul3A_1003, %add3A_1004 : i32
        %swap3A_1006 = arith.index_cast %add3A_1005 : i32 to index
        %swap3A_1007 = arith.constant 0 : index
        %swap3A_1008 = tpu.vector_load %arg12[%swap3A_1006, %swap3A_1007] {strides = array<i32>} : memref<80x64xf32, #tpu.memory_space<vmem>>, vector<16xf32>,
        tpu.vector_store %arg12[%swap3A_1006, %swap3A_1007], %mul3A_1001 {strides = array<i32>} : memref<80x64xf32, #tpu.memory_space<vmem>>, vector<16xf32>,
        %mul3A_1009 = arith.constant 16 : i32
        %mul3A_1010 = arith.muli %scan3A_65, %mul3A_1009 : i32
        %add3A_1011 = arith.constant 14 : i32
        %add3A_1012 = arith.addi %mul3A_1010, %add3A_1011 : i32
        %get3A_1013 = arith.index_cast %add3A_1012 : i32 to index
        %get3A_1014 = arith.constant 16 : index
        %get3A_1015 = tpu.vector_load %arg12[%get3A_1013, %get3A_1014] {strides = array<i32>} : memref<80x64xf32, #tpu.memory_space<vmem>>, vector<16xf32>,
        %mul3A_1016 = vector.broadcast %squeeze3A_992 : f32 to vector<16xf32>
        %mul3A_1017 = arith.mulf %get3A_1015, %mul3A_1016 : vector<16xf32>
        %mul3A_1018 = arith.constant 16 : i32
        %mul3A_1019 = arith.muli %scan3A_65, %mul3A_1018 : i32
        %add3A_1020 = arith.constant 14 : i32
        %add3A_1021 = arith.addi %mul3A_1019, %add3A_1020 : i32
        %swap3A_1022 = arith.index_cast %add3A_1021 : i32 to index
        %swap3A_1023 = arith.constant 16 : index
        %swap3A_1024 = tpu.vector_load %arg12[%swap3A_1022, %swap3A_1023] {strides = array<i32>} : memref<80x64xf32, #tpu.memory_space<vmem>>, vector<16xf32>,
        tpu.vector_store %arg12[%swap3A_1022, %swap3A_1023], %mul3A_1017 {strides = array<i32>} : memref<80x64xf32, #tpu.memory_space<vmem>>, vector<16xf32>,
        %mul3A_1025 = arith.constant 16 : i32
        %mul3A_1026 = arith.muli %scan3A_65, %mul3A_1025 : i32
        %add3A_1027 = arith.constant 14 : i32
        %add3A_1028 = arith.addi %mul3A_1026, %add3A_1027 : i32
        %get3A_1029 = arith.index_cast %add3A_1028 : i32 to index
        %get3A_1030 = arith.constant 32 : index
        %get3A_1031 = tpu.vector_load %arg12[%get3A_1029, %get3A_1030] {strides = array<i32>} : memref<80x64xf32, #tpu.memory_space<vmem>>, vector<16xf32>,
        %mul3A_1032 = vector.broadcast %squeeze3A_992 : f32 to vector<16xf32>
        %mul3A_1033 = arith.mulf %get3A_1031, %mul3A_1032 : vector<16xf32>
        %mul3A_1034 = arith.constant 16 : i32
        %mul3A_1035 = arith.muli %scan3A_65, %mul3A_1034 : i32
        %add3A_1036 = arith.constant 14 : i32
        %add3A_1037 = arith.addi %mul3A_1035, %add3A_1036 : i32
        %swap3A_1038 = arith.index_cast %add3A_1037 : i32 to index
        %swap3A_1039 = arith.constant 32 : index
        %swap3A_1040 = tpu.vector_load %arg12[%swap3A_1038, %swap3A_1039] {strides = array<i32>} : memref<80x64xf32, #tpu.memory_space<vmem>>, vector<16xf32>,
        tpu.vector_store %arg12[%swap3A_1038, %swap3A_1039], %mul3A_1033 {strides = array<i32>} : memref<80x64xf32, #tpu.memory_space<vmem>>, vector<16xf32>,
        %mul3A_1041 = arith.constant 16 : i32
        %mul3A_1042 = arith.muli %scan3A_65, %mul3A_1041 : i32
        %add3A_1043 = arith.constant 14 : i32
        %add3A_1044 = arith.addi %mul3A_1042, %add3A_1043 : i32
        %get3A_1045 = arith.index_cast %add3A_1044 : i32 to index
        %get3A_1046 = arith.constant 48 : index
        %get3A_1047 = tpu.vector_load %arg12[%get3A_1045, %get3A_1046] {strides = array<i32>} : memref<80x64xf32, #tpu.memory_space<vmem>>, vector<16xf32>,
        %mul3A_1048 = vector.broadcast %squeeze3A_992 : f32 to vector<16xf32>
        %mul3A_1049 = arith.mulf %get3A_1047, %mul3A_1048 : vector<16xf32>
        %mul3A_1050 = arith.constant 16 : i32
        %mul3A_1051 = arith.muli %scan3A_65, %mul3A_1050 : i32
        %add3A_1052 = arith.constant 14 : i32
        %add3A_1053 = arith.addi %mul3A_1051, %add3A_1052 : i32
        %swap3A_1054 = arith.index_cast %add3A_1053 : i32 to index
        %swap3A_1055 = arith.constant 48 : index
        %swap3A_1056 = tpu.vector_load %arg12[%swap3A_1054, %swap3A_1055] {strides = array<i32>} : memref<80x64xf32, #tpu.memory_space<vmem>>, vector<16xf32>,
        tpu.vector_store %arg12[%swap3A_1054, %swap3A_1055], %mul3A_1049 {strides = array<i32>} : memref<80x64xf32, #tpu.memory_space<vmem>>, vector<16xf32>,
        %slice3A_1057 = vector.extract_strided_slice %get3A_69 {offsets = [15], sizes = [1], strides = [1]} : vector<16xf32> to vector<1xf32>
        %squeeze3A_1058 = vector.extract %slice3A_1057[0] : f32 from vector<1xf32>
        %mul3A_1059 = arith.constant 16 : i32
        %mul3A_1060 = arith.muli %scan3A_65, %mul3A_1059 : i32
        %add3A_1061 = arith.constant 15 : i32
        %add3A_1062 = arith.addi %mul3A_1060, %add3A_1061 : i32
        %get3A_1063 = arith.index_cast %add3A_1062 : i32 to index
        %get3A_1064 = arith.constant 0 : index
        %get3A_1065 = tpu.vector_load %arg12[%get3A_1063, %get3A_1064] {strides = array<i32>} : memref<80x64xf32, #tpu.memory_space<vmem>>, vector<16xf32>,
        %mul3A_1066 = vector.broadcast %squeeze3A_1058 : f32 to vector<16xf32>
        %mul3A_1067 = arith.mulf %get3A_1065, %mul3A_1066 : vector<16xf32>
        %mul3A_1068 = arith.constant 16 : i32
        %mul3A_1069 = arith.muli %scan3A_65, %mul3A_1068 : i32
        %add3A_1070 = arith.constant 15 : i32
        %add3A_1071 = arith.addi %mul3A_1069, %add3A_1070 : i32
        %swap3A_1072 = arith.index_cast %add3A_1071 : i32 to index
        %swap3A_1073 = arith.constant 0 : index
        %swap3A_1074 = tpu.vector_load %arg12[%swap3A_1072, %swap3A_1073] {strides = array<i32>} : memref<80x64xf32, #tpu.memory_space<vmem>>, vector<16xf32>,
        tpu.vector_store %arg12[%swap3A_1072, %swap3A_1073], %mul3A_1067 {strides = array<i32>} : memref<80x64xf32, #tpu.memory_space<vmem>>, vector<16xf32>,
        %mul3A_1075 = arith.constant 16 : i32
        %mul3A_1076 = arith.muli %scan3A_65, %mul3A_1075 : i32
        %add3A_1077 = arith.constant 15 : i32
        %add3A_1078 = arith.addi %mul3A_1076, %add3A_1077 : i32
        %get3A_1079 = arith.index_cast %add3A_1078 : i32 to index
        %get3A_1080 = arith.constant 16 : index
        %get3A_1081 = tpu.vector_load %arg12[%get3A_1079, %get3A_1080] {strides = array<i32>} : memref<80x64xf32, #tpu.memory_space<vmem>>, vector<16xf32>,
        %mul3A_1082 = vector.broadcast %squeeze3A_1058 : f32 to vector<16xf32>
        %mul3A_1083 = arith.mulf %get3A_1081, %mul3A_1082 : vector<16xf32>
        %mul3A_1084 = arith.constant 16 : i32
        %mul3A_1085 = arith.muli %scan3A_65, %mul3A_1084 : i32
        %add3A_1086 = arith.constant 15 : i32
        %add3A_1087 = arith.addi %mul3A_1085, %add3A_1086 : i32
        %swap3A_1088 = arith.index_cast %add3A_1087 : i32 to index
        %swap3A_1089 = arith.constant 16 : index
        %swap3A_1090 = tpu.vector_load %arg12[%swap3A_1088, %swap3A_1089] {strides = array<i32>} : memref<80x64xf32, #tpu.memory_space<vmem>>, vector<16xf32>,
        tpu.vector_store %arg12[%swap3A_1088, %swap3A_1089], %mul3A_1083 {strides = array<i32>} : memref<80x64xf32, #tpu.memory_space<vmem>>, vector<16xf32>,
        %mul3A_1091 = arith.constant 16 : i32
        %mul3A_1092 = arith.muli %scan3A_65, %mul3A_1091 : i32
        %add3A_1093 = arith.constant 15 : i32
        %add3A_1094 = arith.addi %mul3A_1092, %add3A_1093 : i32
        %get3A_1095 = arith.index_cast %add3A_1094 : i32 to index
        %get3A_1096 = arith.constant 32 : index
        %get3A_1097 = tpu.vector_load %arg12[%get3A_1095, %get3A_1096] {strides = array<i32>} : memref<80x64xf32, #tpu.memory_space<vmem>>, vector<16xf32>,
        %mul3A_1098 = vector.broadcast %squeeze3A_1058 : f32 to vector<16xf32>
        %mul3A_1099 = arith.mulf %get3A_1097, %mul3A_1098 : vector<16xf32>
        %mul3A_1100 = arith.constant 16 : i32
        %mul3A_1101 = arith.muli %scan3A_65, %mul3A_1100 : i32
        %add3A_1102 = arith.constant 15 : i32
        %add3A_1103 = arith.addi %mul3A_1101, %add3A_1102 : i32
        %swap3A_1104 = arith.index_cast %add3A_1103 : i32 to index
        %swap3A_1105 = arith.constant 32 : index
        %swap3A_1106 = tpu.vector_load %arg12[%swap3A_1104, %swap3A_1105] {strides = array<i32>} : memref<80x64xf32, #tpu.memory_space<vmem>>, vector<16xf32>,
        tpu.vector_store %arg12[%swap3A_1104, %swap3A_1105], %mul3A_1099 {strides = array<i32>} : memref<80x64xf32, #tpu.memory_space<vmem>>, vector<16xf32>,
        %mul3A_1107 = arith.constant 16 : i32
        %mul3A_1108 = arith.muli %scan3A_65, %mul3A_1107 : i32
        %add3A_1109 = arith.constant 15 : i32
        %add3A_1110 = arith.addi %mul3A_1108, %add3A_1109 : i32
        %get3A_1111 = arith.index_cast %add3A_1110 : i32 to index
        %get3A_1112 = arith.constant 48 : index
        %get3A_1113 = tpu.vector_load %arg12[%get3A_1111, %get3A_1112] {strides = array<i32>} : memref<80x64xf32, #tpu.memory_space<vmem>>, vector<16xf32>,
        %mul3A_1114 = vector.broadcast %squeeze3A_1058 : f32 to vector<16xf32>
        %mul3A_1115 = arith.mulf %get3A_1113, %mul3A_1114 : vector<16xf32>
        %mul3A_1116 = arith.constant 16 : i32
        %mul3A_1117 = arith.muli %scan3A_65, %mul3A_1116 : i32
        %add3A_1118 = arith.constant 15 : i32
        %add3A_1119 = arith.addi %mul3A_1117, %add3A_1118 : i32
        %swap3A_1120 = arith.index_cast %add3A_1119 : i32 to index
        %swap3A_1121 = arith.constant 48 : index
        %swap3A_1122 = tpu.vector_load %arg12[%swap3A_1120, %swap3A_1121] {strides = array<i32>} : memref<80x64xf32, #tpu.memory_space<vmem>>, vector<16xf32>,
        tpu.vector_store %arg12[%swap3A_1120, %swap3A_1121], %mul3A_1115 {strides = array<i32>} : memref<80x64xf32, #tpu.memory_space<vmem>>, vector<16xf32>,
      }
      %scan3A_64 = arith.constant 5 : i32
      "tpu.region"() ({
        %run_scoped3A = tpu.sem_alloc : memref<!tpu.dma_semaphore, #tpu.memory_space<semaphore_mem>>
        %dma_start3A_65 = arith.constant 0 : i32
        %dma_start3A_66 = tpu.memref_slice %arg9[%add3A_58, %dma_start3A_65] : memref<250x80xi32, #tpu.memory_space<vmem>> -> memref<1x80xi32, #tpu.memory_space<vmem>>
        %dma_start3A_67 = tpu.memref_squeeze %dma_start3A_66 : memref<1x80xi32, #tpu.memory_space<vmem>> -> memref<80xi32, #tpu.memory_space<vmem>>
        %dma_start3A_68 = arith.constant 0 : i32
        %dma_start3A_69 = arith.constant 0 : i32
        %dma_start3A_70 = tpu.memref_slice %arg13[%dma_start3A_68, %dma_start3A_69] : memref<10240x64xf32, #tpu.memory_space<vmem_shared>> -> memref<10240x64xf32, #tpu.memory_space<vmem_shared>>
        tpu.enqueue_indirect_dma source(%arg12 : memref<80x64xf32, #tpu.memory_space<vmem>>) target(%dma_start3A_70 : memref<10240x64xf32, #tpu.memory_space<vmem_shared>>) offsets(%dma_start3A_67 : memref<80xi32, #tpu.memory_space<vmem>>) semaphore(%run_scoped3A : memref<!tpu.dma_semaphore, #tpu.memory_space<semaphore_mem>>) {add = true}
        %dma_wait3A_71 = arith.constant 0 : i32
        %dma_wait3A_72 = tpu.memref_slice %arg9[%add3A_58, %dma_wait3A_71] : memref<250x80xi32, #tpu.memory_space<vmem>> -> memref<1x80xi32, #tpu.memory_space<vmem>>
        %dma_wait3A_73 = tpu.memref_squeeze %dma_wait3A_72 : memref<1x80xi32, #tpu.memory_space<vmem>> -> memref<80xi32, #tpu.memory_space<vmem>>
        %dma_wait3A_74 = arith.constant 0 : i32
        %dma_wait3A_75 = arith.constant 0 : i32
        %dma_wait3A_76 = tpu.memref_slice %arg13[%dma_wait3A_74, %dma_wait3A_75] : memref<10240x64xf32, #tpu.memory_space<vmem_shared>> -> memref<10240x64xf32, #tpu.memory_space<vmem_shared>>
        tpu.wait_indirect_dma semaphore(%run_scoped3A : memref<!tpu.dma_semaphore, #tpu.memory_space<semaphore_mem>>) src(%arg12 : memref<80x64xf32, #tpu.memory_space<vmem>>) dst(%dma_wait3A_76 : memref<10240x64xf32, #tpu.memory_space<vmem_shared>>)
        tpu.yield
      }) : () -> ()
    }
    %scan3A_5 = arith.constant 125 : i32
    %barrier3A_6 = arith.constant 0 : index
    tpu.barrier barrier_id(%barrier3A_6)
    "tpu.region"() ({
      %run_scoped3A = tpu.sem_alloc : memref<!tpu.dma_semaphore, #tpu.memory_space<semaphore_mem>>
      %dma_start3A = arith.constant 0 : i32
      %dma_start3A_7 = tpu.memref_slice %arg7[%arg0, %multiple_of3A, %dma_start3A] : memref<2x10240x64xf32, #tpu.memory_space<hbm>> -> memref<1x640x64xf32, #tpu.memory_space<hbm>>
      %dma_start3A_8 = tpu.memref_squeeze %dma_start3A_7 : memref<1x640x64xf32, #tpu.memory_space<hbm>> -> memref<640x64xf32, #tpu.memory_space<hbm>>
      %dma_start3A_9 = arith.constant 0 : i32
      %dma_start3A_10 = tpu.memref_slice %arg13[%multiple_of3A, %dma_start3A_9] : memref<10240x64xf32, #tpu.memory_space<vmem_shared>> -> memref<640x64xf32, #tpu.memory_space<vmem_shared>>
      tpu.enqueue_dma source(%dma_start3A_10 : memref<640x64xf32, #tpu.memory_space<vmem_shared>>) target(%dma_start3A_8 : memref<640x64xf32, #tpu.memory_space<hbm>>) target_semaphore(%run_scoped3A : memref<!tpu.dma_semaphore, #tpu.memory_space<semaphore_mem>>)
      %dma_wait3A = arith.constant 0 : i32
      %dma_wait3A_11 = tpu.memref_slice %arg7[%arg0, %multiple_of3A, %dma_wait3A] : memref<2x10240x64xf32, #tpu.memory_space<hbm>> -> memref<1x640x64xf32, #tpu.memory_space<hbm>>
      %dma_wait3A_12 = tpu.memref_squeeze %dma_wait3A_11 : memref<1x640x64xf32, #tpu.memory_space<hbm>> -> memref<640x64xf32, #tpu.memory_space<hbm>>
      %dma_wait3A_13 = arith.constant 0 : i32
      %dma_wait3A_14 = tpu.memref_slice %arg13[%multiple_of3A, %dma_wait3A_13] : memref<10240x64xf32, #tpu.memory_space<vmem_shared>> -> memref<640x64xf32, #tpu.memory_space<vmem_shared>>
      tpu.wait_dma2 semaphore(%run_scoped3A : memref<!tpu.dma_semaphore, #tpu.memory_space<semaphore_mem>>) src(%dma_wait3A_14 : memref<640x64xf32, #tpu.memory_space<vmem_shared>>) dst(%dma_wait3A_12 : memref<640x64xf32, #tpu.memory_space<hbm>>)
      tpu.yield
    }) : () -> ()
    return
  }
}

module attributes {stable_mosaic.version = 14 : i64} {
  func.func @_tc_pre_body(%arg0: memref<32x10000xf32, #tpu.memory_space<vmem>>, %arg1: memref<10000x128xf32, #tpu.memory_space<vmem>>, %arg2: memref<128x128xf32, #tpu.memory_space<vmem>>, %arg3: memref<2x10000x64xf32, #tpu.memory_space<vmem>>, %arg4: memref<10000x128xf32, #tpu.memory_space<vmem>>, %arg5: memref<10000x1xf32, #tpu.memory_space<vmem>>) attributes {dimension_semantics = [], scalar_prefetch = 0 : i64, scratch_operands = 0 : i64, tpu.core_type = #tpu.core_type<tc>} {
    %broadcast_in_dim3A = arith.constant 1.000000e+00 : f32
    %broadcast_in_dim3A_0 = vector.broadcast %broadcast_in_dim3A : f32 to vector<32x1xf32>
    %get3A = arith.constant 0 : index
    %get3A_1 = arith.constant 0 : index
    %get3A_2 = vector.load %arg0[%get3A, %get3A_1] : memref<32x10000xf32, #tpu.memory_space<vmem>>, vector<32x10000xf32>
    %dot_general3A = arith.constant dense<0.000000e+00> : vector<10000x1xf32>
    %dot_general3A_3 = tpu.matmul %get3A_2, %broadcast_in_dim3A_0, %dot_general3A {dimension_numbers = #tpu.dot_dimension_numbers<[0], [0], [1], [1], [0, 1, 1, 1], [], []>, transpose_lhs_hint = false} : vector<32x10000xf32>, vector<32x1xf32>, vector<10000x1xf32> -> vector<10000x1xf32>
    %add3A = arith.constant 1.000000e+00 : f32
    %add3A_4 = vector.broadcast %add3A : f32 to vector<10000x1xf32>
    %add3A_5 = arith.addf %dot_general3A_3, %add3A_4 : vector<10000x1xf32>
    %gt3A = arith.constant 0.000000e+00 : f32
    %gt3A_6 = vector.broadcast %gt3A : f32 to vector<10000x1xf32>
    %gt3A_7 = arith.cmpf ogt, %add3A_5, %gt3A_6 : vector<10000x1xf32>
    %max3A = arith.constant 9.99999996E-13 : f32
    %max3A_8 = vector.broadcast %max3A : f32 to vector<10000x1xf32>
    %max3A_9 = arith.maximumf %add3A_5, %max3A_8 : vector<10000x1xf32>
    %rsqrt3A = math.rsqrt %max3A_9 : vector<10000x1xf32>
    %jit3A = arith.constant 0.000000e+00 : f32
    %broadcast_in_dim3A_10 = vector.broadcast %jit3A : f32 to vector<10000x1xf32>
    %select_n3A = arith.select %gt3A_7, %rsqrt3A, %broadcast_in_dim3A_10 : vector<10000x1xi1>, vector<10000x1xf32>
    %get3A_11 = arith.constant 0 : index
    %get3A_12 = arith.constant 0 : index
    %get3A_13 = vector.load %arg1[%get3A_11, %get3A_12] : memref<10000x128xf32, #tpu.memory_space<vmem>>, vector<10000x128xf32>
    %get3A_14 = arith.constant 0 : index
    %get3A_15 = arith.constant 0 : index
    %get3A_16 = vector.load %arg2[%get3A_14, %get3A_15] : memref<128x128xf32, #tpu.memory_space<vmem>>, vector<128x128xf32>
    %dot_general3A_17 = arith.constant dense<0.000000e+00> : vector<10000x128xf32>
    %dot_general3A_18 = tpu.matmul %get3A_13, %get3A_16, %dot_general3A_17 {dimension_numbers = #tpu.dot_dimension_numbers<[1], [0], [0], [1], [0, 0, 1, 1], [], []>, transpose_lhs_hint = false} : vector<10000x128xf32>, vector<128x128xf32>, vector<10000x128xf32> -> vector<10000x128xf32>
    %mul3A = vector.broadcast %select_n3A : vector<10000x1xf32> to vector<10000x128xf32>
    %mul3A_19 = arith.mulf %dot_general3A_18, %mul3A : vector<10000x128xf32>
    %swap3A = arith.constant 0 : index
    %swap3A_20 = arith.constant 0 : index
    %swap3A_21 = vector.load %arg4[%swap3A, %swap3A_20] : memref<10000x128xf32, #tpu.memory_space<vmem>>, vector<10000x128xf32>
    tpu.vector_store %arg4[%swap3A, %swap3A_20], %mul3A_19 {strides = array<i32>} : memref<10000x128xf32, #tpu.memory_space<vmem>>, vector<10000x128xf32>,
    %slice3A = vector.extract_strided_slice %mul3A_19 {offsets = [0, 0], sizes = [10000, 64], strides = [1, 1]} : vector<10000x128xf32> to vector<10000x64xf32>
    %swap3A_22 = arith.constant 0 : index
    %swap3A_23 = arith.constant 0 : index
    %swap3A_24 = arith.constant 0 : index
    %swap3A_25 = vector.load %arg3[%swap3A_22, %swap3A_23, %swap3A_24] : memref<2x10000x64xf32, #tpu.memory_space<vmem>>, vector<1x10000x64xf32>
    %swap3A_26 = vector.shape_cast %swap3A_25 : vector<1x10000x64xf32> to vector<10000x64xf32>
    %swap3A_27 = vector.shape_cast %slice3A : vector<10000x64xf32> to vector<1x10000x64xf32>
    tpu.vector_store %arg3[%swap3A_22, %swap3A_23, %swap3A_24], %swap3A_27 {strides = array<i32>} : memref<2x10000x64xf32, #tpu.memory_space<vmem>>, vector<1x10000x64xf32>,
    %slice3A_28 = vector.extract_strided_slice %mul3A_19 {offsets = [0, 64], sizes = [10000, 64], strides = [1, 1]} : vector<10000x128xf32> to vector<10000x64xf32>
    %swap3A_29 = arith.constant 1 : index
    %swap3A_30 = arith.constant 0 : index
    %swap3A_31 = arith.constant 0 : index
    %swap3A_32 = vector.load %arg3[%swap3A_29, %swap3A_30, %swap3A_31] : memref<2x10000x64xf32, #tpu.memory_space<vmem>>, vector<1x10000x64xf32>
    %swap3A_33 = vector.shape_cast %swap3A_32 : vector<1x10000x64xf32> to vector<10000x64xf32>
    %swap3A_34 = vector.shape_cast %slice3A_28 : vector<10000x64xf32> to vector<1x10000x64xf32>
    tpu.vector_store %arg3[%swap3A_29, %swap3A_30, %swap3A_31], %swap3A_34 {strides = array<i32>} : memref<2x10000x64xf32, #tpu.memory_space<vmem>>, vector<1x10000x64xf32>,
    %swap3A_35 = arith.constant 0 : index
    %swap3A_36 = arith.constant 0 : index
    %swap3A_37 = vector.load %arg5[%swap3A_35, %swap3A_36] : memref<10000x1xf32, #tpu.memory_space<vmem>>, vector<10000x1xf32>
    tpu.vector_store %arg5[%swap3A_35, %swap3A_36], %select_n3A {strides = array<i32>} : memref<10000x1xf32, #tpu.memory_space<vmem>>, vector<10000x1xf32>,
    return
  }
}

module attributes {stable_mosaic.version = 14 : i64} {
  func.func @_tc_mid_body(%arg0: memref<2x10240x64xf32, #tpu.memory_space<vmem>>, %arg1: memref<10000x128xf32, #tpu.memory_space<vmem>>, %arg2: memref<10000x1xf32, #tpu.memory_space<vmem>>, %arg3: memref<1x128xf32, #tpu.memory_space<vmem>>, %arg4: memref<128x64xf32, #tpu.memory_space<vmem>>, %arg5: memref<2x10000x32xf32, #tpu.memory_space<vmem>>, %arg6: memref<10000x64xf32, #tpu.memory_space<vmem>>) attributes {dimension_semantics = [], scalar_prefetch = 0 : i64, scratch_operands = 0 : i64, tpu.core_type = #tpu.core_type<tc>} {
    %get3A = arith.constant 0 : index
    %get3A_0 = arith.constant 0 : index
    %get3A_1 = arith.constant 0 : index
    %get3A_2 = vector.load %arg0[%get3A, %get3A_0, %get3A_1] : memref<2x10240x64xf32, #tpu.memory_space<vmem>>, vector<1x10000x64xf32>
    %get3A_3 = vector.shape_cast %get3A_2 : vector<1x10000x64xf32> to vector<10000x64xf32>
    %get3A_4 = arith.constant 1 : index
    %get3A_5 = arith.constant 0 : index
    %get3A_6 = arith.constant 0 : index
    %get3A_7 = vector.load %arg0[%get3A_4, %get3A_5, %get3A_6] : memref<2x10240x64xf32, #tpu.memory_space<vmem>>, vector<1x10000x64xf32>
    %get3A_8 = vector.shape_cast %get3A_7 : vector<1x10000x64xf32> to vector<10000x64xf32>
    %concatenate3A = tpu.concatenate %get3A_3, %get3A_8 in 1 : vector<10000x64xf32>, vector<10000x64xf32> -> vector<10000x128xf32>
    %get3A_9 = arith.constant 0 : index
    %get3A_10 = arith.constant 0 : index
    %get3A_11 = vector.load %arg1[%get3A_9, %get3A_10] : memref<10000x128xf32, #tpu.memory_space<vmem>>, vector<10000x128xf32>
    %add3A = arith.addf %concatenate3A, %get3A_11 : vector<10000x128xf32>
    %get3A_12 = arith.constant 0 : index
    %get3A_13 = arith.constant 0 : index
    %get3A_14 = vector.load %arg2[%get3A_12, %get3A_13] : memref<10000x1xf32, #tpu.memory_space<vmem>>, vector<10000x1xf32>
    %mul3A = vector.broadcast %get3A_14 : vector<10000x1xf32> to vector<10000x128xf32>
    %mul3A_15 = arith.mulf %add3A, %mul3A : vector<10000x128xf32>
    %get3A_16 = arith.constant 0 : index
    %get3A_17 = arith.constant 0 : index
    %get3A_18 = vector.load %arg3[%get3A_16, %get3A_17] : memref<1x128xf32, #tpu.memory_space<vmem>>, vector<1x128xf32>
    %add3A_19 = vector.broadcast %get3A_18 : vector<1x128xf32> to vector<10000x128xf32>
    %add3A_20 = arith.addf %mul3A_15, %add3A_19 : vector<10000x128xf32>
    %max3A = arith.constant 0.000000e+00 : f32
    %max3A_21 = vector.broadcast %max3A : f32 to vector<10000x128xf32>
    %max3A_22 = arith.maximumf %add3A_20, %max3A_21 : vector<10000x128xf32>
    %get3A_23 = arith.constant 0 : index
    %get3A_24 = arith.constant 0 : index
    %get3A_25 = vector.load %arg4[%get3A_23, %get3A_24] : memref<128x64xf32, #tpu.memory_space<vmem>>, vector<128x64xf32>
    %dot_general3A = arith.constant dense<0.000000e+00> : vector<10000x64xf32>
    %dot_general3A_26 = tpu.matmul %max3A_22, %get3A_25, %dot_general3A {dimension_numbers = #tpu.dot_dimension_numbers<[1], [0], [0], [1], [0, 0, 1, 1], [], []>, transpose_lhs_hint = false} : vector<10000x128xf32>, vector<128x64xf32>, vector<10000x64xf32> -> vector<10000x64xf32>
    %get3A_27 = arith.constant 0 : index
    %get3A_28 = arith.constant 0 : index
    %get3A_29 = vector.load %arg2[%get3A_27, %get3A_28] : memref<10000x1xf32, #tpu.memory_space<vmem>>, vector<10000x1xf32>
    %mul3A_30 = vector.broadcast %get3A_29 : vector<10000x1xf32> to vector<10000x64xf32>
    %mul3A_31 = arith.mulf %dot_general3A_26, %mul3A_30 : vector<10000x64xf32>
    %swap3A = arith.constant 0 : index
    %swap3A_32 = arith.constant 0 : index
    %swap3A_33 = vector.load %arg6[%swap3A, %swap3A_32] : memref<10000x64xf32, #tpu.memory_space<vmem>>, vector<10000x64xf32>
    tpu.vector_store %arg6[%swap3A, %swap3A_32], %mul3A_31 {strides = array<i32>} : memref<10000x64xf32, #tpu.memory_space<vmem>>, vector<10000x64xf32>,
    %slice3A = vector.extract_strided_slice %mul3A_31 {offsets = [0, 0], sizes = [10000, 32], strides = [1, 1]} : vector<10000x64xf32> to vector<10000x32xf32>
    %swap3A_34 = arith.constant 0 : index
    %swap3A_35 = arith.constant 0 : index
    %swap3A_36 = arith.constant 0 : index
    %swap3A_37 = vector.load %arg5[%swap3A_34, %swap3A_35, %swap3A_36] : memref<2x10000x32xf32, #tpu.memory_space<vmem>>, vector<1x10000x32xf32>
    %swap3A_38 = vector.shape_cast %swap3A_37 : vector<1x10000x32xf32> to vector<10000x32xf32>
    %swap3A_39 = vector.shape_cast %slice3A : vector<10000x32xf32> to vector<1x10000x32xf32>
    tpu.vector_store %arg5[%swap3A_34, %swap3A_35, %swap3A_36], %swap3A_39 {strides = array<i32>} : memref<2x10000x32xf32, #tpu.memory_space<vmem>>, vector<1x10000x32xf32>,
    %slice3A_40 = vector.extract_strided_slice %mul3A_31 {offsets = [0, 32], sizes = [10000, 32], strides = [1, 1]} : vector<10000x64xf32> to vector<10000x32xf32>
    %swap3A_41 = arith.constant 1 : index
    %swap3A_42 = arith.constant 0 : index
    %swap3A_43 = arith.constant 0 : index
    %swap3A_44 = vector.load %arg5[%swap3A_41, %swap3A_42, %swap3A_43] : memref<2x10000x32xf32, #tpu.memory_space<vmem>>, vector<1x10000x32xf32>
    %swap3A_45 = vector.shape_cast %swap3A_44 : vector<1x10000x32xf32> to vector<10000x32xf32>
    %swap3A_46 = vector.shape_cast %slice3A_40 : vector<10000x32xf32> to vector<1x10000x32xf32>
    tpu.vector_store %arg5[%swap3A_41, %swap3A_42, %swap3A_43], %swap3A_46 {strides = array<i32>} : memref<2x10000x32xf32, #tpu.memory_space<vmem>>, vector<1x10000x32xf32>,
    return
  }
}

module attributes {stable_mosaic.version = 14 : i64} {
  func.func @_tc_post_body(%arg0: memref<2x10240x32xf32, #tpu.memory_space<vmem>>, %arg1: memref<10000x64xf32, #tpu.memory_space<vmem>>, %arg2: memref<10000x1xf32, #tpu.memory_space<vmem>>, %arg3: memref<1x40xf32, #tpu.memory_space<vmem>>, %arg4: memref<10000x40xf32, #tpu.memory_space<vmem>>) attributes {dimension_semantics = [], scalar_prefetch = 0 : i64, scratch_operands = 0 : i64, tpu.core_type = #tpu.core_type<tc>} {
    %get3A = arith.constant 0 : index
    %get3A_0 = arith.constant 0 : index
    %get3A_1 = arith.constant 0 : index
    %get3A_2 = vector.load %arg0[%get3A, %get3A_0, %get3A_1] : memref<2x10240x32xf32, #tpu.memory_space<vmem>>, vector<1x10000x32xf32>
    %get3A_3 = vector.shape_cast %get3A_2 : vector<1x10000x32xf32> to vector<10000x32xf32>
    %get3A_4 = arith.constant 1 : index
    %get3A_5 = arith.constant 0 : index
    %get3A_6 = arith.constant 0 : index
    %get3A_7 = vector.load %arg0[%get3A_4, %get3A_5, %get3A_6] : memref<2x10240x32xf32, #tpu.memory_space<vmem>>, vector<1x10000x32xf32>
    %get3A_8 = vector.shape_cast %get3A_7 : vector<1x10000x32xf32> to vector<10000x32xf32>
    %concatenate3A = tpu.concatenate %get3A_3, %get3A_8 in 1 : vector<10000x32xf32>, vector<10000x32xf32> -> vector<10000x64xf32>
    %get3A_9 = arith.constant 0 : index
    %get3A_10 = arith.constant 0 : index
    %get3A_11 = vector.load %arg1[%get3A_9, %get3A_10] : memref<10000x64xf32, #tpu.memory_space<vmem>>, vector<10000x64xf32>
    %add3A = arith.addf %concatenate3A, %get3A_11 : vector<10000x64xf32>
    %get3A_12 = arith.constant 0 : index
    %get3A_13 = arith.constant 0 : index
    %get3A_14 = vector.load %arg2[%get3A_12, %get3A_13] : memref<10000x1xf32, #tpu.memory_space<vmem>>, vector<10000x1xf32>
    %mul3A = vector.broadcast %get3A_14 : vector<10000x1xf32> to vector<10000x64xf32>
    %mul3A_15 = arith.mulf %add3A, %mul3A : vector<10000x64xf32>
    %slice3A = vector.extract_strided_slice %mul3A_15 {offsets = [0, 0], sizes = [10000, 40], strides = [1, 1]} : vector<10000x64xf32> to vector<10000x40xf32>
    %get3A_16 = arith.constant 0 : index
    %get3A_17 = arith.constant 0 : index
    %get3A_18 = vector.load %arg3[%get3A_16, %get3A_17] : memref<1x40xf32, #tpu.memory_space<vmem>>, vector<1x40xf32>
    %add3A_19 = vector.broadcast %get3A_18 : vector<1x40xf32> to vector<10000x40xf32>
    %add3A_20 = arith.addf %slice3A, %add3A_19 : vector<10000x40xf32>
    %reduce_max3A = arith.constant dense<0xFF800000> : vector<10000xf32>
    %reduce_max3A_21 = vector.multi_reduction <maximumf>, %add3A_20, %reduce_max3A [1] : vector<10000x40xf32> to vector<10000xf32>
    %broadcast_in_dim3A = vector.shape_cast %reduce_max3A_21 : vector<10000xf32> to vector<10000x1xf32>
    %sub3A = vector.broadcast %broadcast_in_dim3A : vector<10000x1xf32> to vector<10000x40xf32>
    %sub3A_22 = arith.subf %add3A_20, %sub3A : vector<10000x40xf32>
    %exp3A = math.exp %sub3A_22 : vector<10000x40xf32>
    %reduce_sum3A = arith.constant dense<0.000000e+00> : vector<10000xf32>
    %reduce_sum3A_23 = vector.multi_reduction <add>, %exp3A, %reduce_sum3A [1] : vector<10000x40xf32> to vector<10000xf32>
    %broadcast_in_dim3A_24 = vector.shape_cast %reduce_sum3A_23 : vector<10000xf32> to vector<10000x1xf32>
    %log3A = math.log %broadcast_in_dim3A_24 : vector<10000x1xf32>
    %sub3A_25 = vector.broadcast %log3A : vector<10000x1xf32> to vector<10000x40xf32>
    %sub3A_26 = arith.subf %sub3A_22, %sub3A_25 : vector<10000x40xf32>
    %swap3A = arith.constant 0 : index
    %swap3A_27 = arith.constant 0 : index
    %swap3A_28 = vector.load %arg4[%swap3A, %swap3A_27] : memref<10000x40xf32, #tpu.memory_space<vmem>>, vector<10000x40xf32>
    tpu.vector_store %arg4[%swap3A, %swap3A_27], %sub3A_26 {strides = array<i32>} : memref<10000x40xf32, #tpu.memory_space<vmem>>, vector<10000x40xf32>,
    return
  }
}

</mosaic_0001>

<sc_bundles>
// kernel: kernel.11.cloned.1.call-start
scs
__scs_entry_jumppad:
0x0: {  	(pc) =	sbr.rel $0x88, $3  }
0x1: {  	(tag) =	ssettag $0x0;
	lr =	simm.s32 $0x1  }
0x2: {  	[smem:$0x3F9A] =	sst lr;
	_ =	strace $0xD0000000  }
0x3: {  	_ = 	snop  }
0x4: {  	_ = 	snop  }
0x5: {  	_ = 	snop  }
0x6: {  	_ = 	snop  }
0x7: {  	_ = 	snop  }
__scs_overlays_trampoline_lowered:
0x8: {  	[smem:$0x3FA9] =	sst s0  }
0x9: {  	[smem:$0x3FAA] =	sst s1  }
0xa: {  	[smem:$0x3FAB] =	sst s2  }
0xb: {  	[smem:$0x3FAC] =	sst s3  }
0xc: {  	[smem:$0x3FAD] =	sst s4  }
0xd: {  	[smem:$0x3FAE] =	sst s5  }
0xe: {  	[smem:$0x3FAF] =	sst s6  }
0xf: {  	[smem:$0x3FB0] =	sst s7  }
0x10: {  	[smem:$0x3FB1] =	sst s8  }
0x11: {  	[smem:$0x3FB2] =	sst s9;
	s0 =	simm.s32 @!p0 $0x0  }
0x12: {  	s1 =	sld [smem:$0x3F98];
	s0 =	simm.s32 @p0 $0x1  }
0x13: {  	[smem:$0x3FB3] =	sst s0;
	s0 =	simm.s32 @!p1 $0x0  }
0x14: {  	s2 =	sld [smem:$0x3F97];
	s0 =	simm.s32 @p1 $0x1  }
0x15: {  	[smem:$0x3FB4] =	sst s0;
	s0 =	simm.s32 @!p2 $0x0  }
0x16: {  	s3 =	sld [smem:$0x3FDB];
	s0 =	simm.s32 @p2 $0x1  }
0x17: {  	s4 =	simm.s32 $0x1BF5;
	[smem:$0x3FB6] =	sst s0  }
0x18: {  	s0 =	sld [smem:$0x3F99];
	_ =	swait.ge [sflag:s4], $0x0  }
0x19: {  	s7 =	sld [smem:$0x3F9A]  }
0x1a: {  	s8 =	sadd.s32 $0xFFFFE003, lr  }
0x1b: {  	s9 =	sadd.s32 $0xFFFFFEF7, lr;
	s5 =	simm.s32 $0xFFFFFFFF;
	p2 =	slt.u32 s8, $0xFFFFF086  }
0x1c: {  	p1 =	slt.u32 s9, $0xF7A;
	s5 =	simm.s32 @!p2 $0x0  }
0x1d: {  	s5 =	simm.s32 @p1 $0x1;
	p0 =	seq.s32 s7, s2  }
0x1e: {  	s7 =	smul.u32 @!p0 $0xF7A, s2;
	p2 =	seq.s32 @!p0 s5, $0x0  }
0x1f: {  	s9 =	smul.u32 $0xF7A, s1;
	s8 =	simm.s32 @!p0 $0x1BF5;
	p2 =	por !p2, p0  }
0x20: {  	[sflag:s8] =	ssyncset.s32 @!p0 $0xFFFFF086;
	s6 =	sadd.s32 @!p0 s3, s7;
	s7 =	simm.s32 @!p0 $0x108  }
0x21: {  	s3 =	sadd.s32 s3, s9;
	s6 =	sadd.s32 @!p0 $0x88, s6;
	s7 =	simm.s32 @p2 $0x1082  }
0x22: {  	[simem:s7], [sflag:s8] =	dma.local @!p0 [hbm:s6], $0xF7A  }
0x23: {  	s9 =	sor.u32 $0xD0000000, s2;
	s6 =	simm.s32 $0x108;
	_ =	swait.ge @!p0 [sflag:s8], $0x0  }
0x24: {  	s3 =	sadd.s32 $0x88, s3;
	s6 =	simm.s32 @!p1 $0x1082;
	[sflag:s4] =	ssyncset.s32 $0xFFFFF086  }
0x25: {  	[simem:s6], [sflag:s4] =	dma.local [hbm:s3], $0xF7A  }
0x26: {  	[smem:$0x3F9A] =	sst s1;
	(tag) =	ssettag s2;
	_ =	strace s9  }
0x27: {  	s1 =	sld [smem:$0x3FAA]  }
0x28: {  	s2 =	sld [smem:$0x3FAB]  }
0x29: {  	s4 =	sld [smem:$0x3FAD]  }
0x2a: {  	p0 =	seq.s32 s5, $0x0;
	s5 =	sld [smem:$0x3FAE]  }
0x2b: {  	s6 =	sld [smem:$0x3FAF]  }
0x2c: {  	s7 =	sld [smem:$0x3FB0]  }
0x2d: {  	s3 =	simm.s32 $0x108;
	s8 =	sld [smem:$0x3FB1]  }
0x2e: {  	s3 =	simm.s32 @!p0 $0x1082;
	s9 =	sld [smem:$0x3FB2]  }
0x2f: {  	lr =	sadd.s32 s0, s3;
	s0 =	sld [smem:$0x3FA9]  }
0x30: {  	s3 =	sld [smem:$0x3FAC]  }
0x31: {  	[smem:$0x3FB5] =	sst s10  }
0x32: {  	s10 =	sld [smem:$0x3FB3];
	_ =	sdelay $0x3  }
0x33: {  	p0 =	seq.s32 s10, $0x1;
	s10 =	sld [smem:$0x3FB5];
	_ =	sdelay $0x3  }
0x34: {  	[smem:$0x3FB5] =	sst s10  }
0x35: {  	s10 =	sld [smem:$0x3FB4];
	_ =	sdelay $0x3  }
0x36: {  	p1 =	seq.s32 s10, $0x1;
	s10 =	sld [smem:$0x3FB5];
	_ =	sdelay $0x3  }
0x37: {  	[smem:$0x3FB5] =	sst s10  }
0x38: {  	s10 =	sld [smem:$0x3FB6]  }
0x39: {  	_ = 	snop;
	(pc) =	sbr.ind lr, $3  }
0x3a: {  	_ = 	snop  }
0x3b: {  	_ = 	snop  }
0x3c: {  	p2 =	seq.s32 s10, $0x1;
	s10 =	sld [smem:$0x3FB5]  }
0x3d: {  	_ =	shalt  }
0x3e: {  	_ =	shalt  }
0x3f: {  	_ =	shalt  }
0x40: {  	_ =	shalt  }
0x41: {  	_ =	shalt  }
0x42: {  	_ =	shalt  }
0x43: {  	_ =	shalt  }
0x44: {  	_ =	shalt  }
0x45: {  	_ =	shalt  }
0x46: {  	_ =	shalt  }
0x47: {  	_ =	shalt  }
0x48: {  	_ =	shalt  }
0x49: {  	_ =	shalt  }
0x4a: {  	_ =	shalt  }
0x4b: {  	_ =	shalt  }
0x4c: {  	_ =	shalt  }
0x4d: {  	_ =	shalt  }
0x4e: {  	_ =	shalt  }
0x4f: {  	_ =	shalt  }
0x50: {  	_ =	shalt  }
0x51: {  	_ =	shalt  }
0x52: {  	_ =	shalt  }
0x53: {  	_ =	shalt  }
0x54: {  	_ =	shalt  }
0x55: {  	_ =	shalt  }
0x56: {  	_ =	shalt  }
0x57: {  	_ =	shalt  }
0x58: {  	_ =	shalt  }
0x59: {  	_ =	shalt  }
0x5a: {  	_ =	shalt  }
0x5b: {  	_ =	shalt  }
0x5c: {  	_ =	shalt  }
0x5d: {  	_ =	shalt  }
0x5e: {  	_ =	shalt  }
0x5f: {  	_ =	shalt  }
0x60: {  	_ =	shalt  }
0x61: {  	_ =	shalt  }
0x62: {  	_ =	shalt  }
0x63: {  	_ =	shalt  }
0x64: {  	_ =	shalt  }
0x65: {  	_ =	shalt  }
0x66: {  	_ =	shalt  }
0x67: {  	_ =	shalt  }
0x68: {  	_ =	shalt  }
0x69: {  	_ =	shalt  }
0x6a: {  	_ =	shalt  }
0x6b: {  	_ =	shalt  }
0x6c: {  	_ =	shalt  }
0x6d: {  	_ =	shalt  }
0x6e: {  	_ =	shalt  }
0x6f: {  	_ =	shalt  }
0x70: {  	_ =	shalt  }
0x71: {  	_ =	shalt  }
0x72: {  	_ =	shalt  }
0x73: {  	_ =	shalt  }
0x74: {  	_ =	shalt  }
0x75: {  	_ =	shalt  }
0x76: {  	_ =	shalt  }
0x77: {  	_ =	shalt  }
0x78: {  	_ =	shalt  }
0x79: {  	_ =	shalt  }
0x7a: {  	_ =	shalt  }
0x7b: {  	_ =	shalt  }
0x7c: {  	_ =	shalt  }
0x7d: {  	_ =	shalt  }
0x7e: {  	_ =	shalt  }
0x7f: {  	_ =	shalt  }
0x80: {  	_ =	shalt  }
0x81: {  	_ =	shalt  }
0x82: {  	_ =	shalt  }
0x83: {  	_ =	shalt  }
0x84: {  	_ =	shalt  }
0x85: {  	_ =	shalt  }
0x86: {  	_ =	shalt  }
0x87: {  	_ =	shalt  }
.Lfunc_end0:
.L_simem_size_0:
called_computation.1_lowered:
.L_overlay_start_0:
0x88: {  	s2 =	sld [smem:$0x3FD9]  }
0x89: {  	s3 =	sld [smem:$0x3FFE];
	_ =	sdelay $0x1  }
0x8a: {  	s1 =	srdreg.scid  }
0x8b: {  	s0 =	sand.u32 $0x1, s1  }
0x8c: {  	s17 =	sshll.u32 s0, $0xA;
	s2 =	sadd.s32 s3, s2  }
0x8d: {  	s2 =	sadd.s32 s2, s17  }
0x8e: {  	[smem:$0x3FC1] =	sst s2  }
0x8f: {  	_ = 	snop  }
0x90: {  	s2 =	sld [smem:$0x3FC7]  }
0x91: {  	s18 =	sld [smem:$0x3FD0];
	(tm) =	ssettm $0x1  }
0x92: {  	s4 =	sld [smem:$0x3FFB];
	_ =	sdelay $0x3  }
0x93: {  	_ =	strace s4  }
0x94: {  	s4 =	sld [smem:$0x3FFC];
	_ =	sdelay $0x3  }
0x95: {  	_ =	strace s4  }
0x96: {  	s4 =	sld [smem:$0x3FFD];
	_ =	sdelay $0x3  }
0x97: {  	_ =	strace s4  }
0x98: {  	_ =	strace $0x8FFFFFFF  }
0x99: {  	s19 =	sld [smem:$0x3FDB];
	_ =	sdelay $0x1  }
0x9a: {  	s5 =	simm.s32 $_scs_section_size  }
0x9b: {  	s6 =	simm.s32 $_size__tile_overlayer_lowered;
	s7 =	simm.s32 $_tile_overlayer_lowered  }
0x9c: {  	s22 =	simm.s32 $0x1BFF;
	s21 =	sshll.u32 s7, $0x1;
	s4 =	sadd.s32 s5, s19  }
0x9d: {  	s8 =	simm.s32 $0x0;
	s20 =	sshll.u32 s6, $0x1;
	s6 =	sadd.s32 s21, s4  }
0x9e: {  	[timem:s8], [sflag:s22] =	dma.local [hbm:s6], s20  }
0x9f: {  	_ =	swait.ge [sflag:s22], s20  }
0xa0: {  	s5 =	ssub.s32 $0x0, s20;
	[sflag:s22] =	ssyncset.done $0x0  }
0xa1: {  	[sflag:s22] =	ssyncadd.s32 s5;
	_ =	sdelay $0x1  }
0xa2: {  	s23 =	simm.s32 $0x1B8B  }
0xa3: {  	_ =	swait.ge [sflag:s23], $0x1  }
0xa4: {  	[sflag:s23] =	ssyncset.done $0x0  }
0xa5: {  	s25 =	simm.s32 $0x1B8E;
	s24 =	sld [smem:$0x3FFE];
	[sflag:s23] =	ssyncadd.s32 $0xFFFFFFFF  }
0xa6: {  	s26 =	simm.s32 $execute0_lowered;
	[smem:$0x3FD2] =	sst s25  }
0xa7: {  	s6 =	sshll.u32 s26, $0x1;
	_ =	strace $0x80000049;
	[dreg:$0x1] =	wrdreg $0xFFFFFFFF  }
0xa8: {  	s28 =	simm.s32 $_size_execute0_lowered;
	s4 =	sadd.s32 s4, s6;
	[dreg:$0x0] =	wrdreg $0x0  }
0xa9: {  	s6 =	sshll.u32 s28, $0x1;
	[dreg:$0x2] =	wrdreg s4  }
0xaa: {  	[dreg:$0x3] =	wrdreg s6  }
0xab: {  	[dreg:$0x4] =	wrdreg $0xC0  }
0xac: {  	_ =	task [dreg:s8], $0x5FFFF  }
0xad: {  	[dreg:$0x1] =	wrdreg $0xFFFFFFFF  }
0xae: {  	[dreg:$0x0] =	wrdreg $0x60  }
0xaf: {  	[dreg:$0x2] =	wrdreg s24  }
0xb0: {  	[dreg:$0x3] =	wrdreg s18  }
0xb1: {  	[dreg:$0x4] =	wrdreg s2  }
0xb2: {  	[dreg:$0x5] =	wrdreg $0x112600  }
0xb3: {  	[dreg:$0x6] =	wrdreg $0x9  }
0xb4: {  	_ =	task.clear_ibuf [dreg:s8], $0x7FFFF;
	_ =	strace $0x90000049  }
0xb5: {  	s29 =	simm.s32 $0x9;
	_ =	strace $0x8000004B  }
0xb6: {  	_ =	swait.ge [sflag:s29], $0x1  }
0xb7: {  	[sflag:s29] =	ssyncadd.s32 $0xFFFFFFFF  }
0xb8: {  	_ =	strace $0x9000004B  }
0xb9: {  	_ =	sfence  }
0xba: {  	s30 =	sld [smem:$0x0];
	_ =	sdelay $0x2  }
0xbb: {  	s31 =	sshll.u32 s1, $0xD;
	s1 =	sshrl.u32 s1, $0x2  }
0xbc: {  	s3 =	sand.u32 $0x4000, s31;
	s1 =	sadd.s32 s1, s30  }
0xbd: {  	s0 =	sor.u32 s3, s0;
	s1 =	sshll.u32 s1, $0x11  }
0xbe: {  	s0 =	sor.u32 s1, s0  }
0xbf: {  	s0 =	sadd.s32 $0x8F2B, s0  }
0xc0: {  	[sflag:s0] =	ssyncadd.remote.s32 $0x1  }
0xc1: {  	_ =	sfence.sel $0xFFFF  }
0xc2: {  	[dreg:$0x0] =	wrdreg $0xFFFFFFFF;
	(pc) =	sbr.abs _section_cstart, $3  }
0xc3: {  	[dreg:$0x1] =	wrdreg $0xFFFFFFFF  }
0xc4: {  	_ =	task.clear_ibuf [dreg:s8], $0x2FFFF;
	_ =	strace $0x9FFFFFFF  }
0xc5: {  	(tm) =	ssettm $0x7FFFFFFF  }
tec
execute0_lowered:
.L_overlay_start_1:
0x0: {  	(tag) =	ssettag $0x1  }
0x1: {  	s5 =	rddreg [dreg:$0x0]  }
0x2: {  	s6 =	rddreg [dreg:$0x1]  }
0x3: {  	s7 =	rddreg [dreg:$0x2];
	s0 =	srdreg.scid  }
0x4: {  	s2 =	rddreg [dreg:$0x3];
	s1 =	stileid.u32  }
0x5: {  	s3 =	simm.s32 $0x0;
	s15 =	simm.s32 $0x50;
	s16 =	simm.s32 $0xEA60  }
0x6: {  	s17 =	simm.s32 $0xFE60;
	s18 =	simm.s32 $0x1;
	s9 =	smul.u32 $0xA000, s1  }
0x7: {  	s19 =	simm.s32 $0x2;
	s4 =	sand.u32 $0x1, s0;
	s11 =	smul.u32 $0x9C4, s1  }
0x8: {  	s20 =	simm.s32 $0x0;
	s0 =	rddreg [dreg:$0x4];
	s8 =	smul.u32 $0x13880, s4  }
0x9: {  	[smem:$0x7FF] =	sst s3;
	s31 =	sshll.u32 s1, $0x6;
	s10 =	smul.u32 $0xA0000, s4  }
0xa: {  	_ =	strace $0x8000004A;
	s12 =	ssub.s32 $0x2, s4;
	s4 =	sadd.s32 $0xB000, s5  }
0xb: {  	s13 =	sadd.s32 s11, s5;
	s14 =	sshrl.u32 s12, $0x1;
	s7 =	sadd.s32 s7, s11  }
0xc: {  	s30 =	sadd.s32 s9, s2;
	s8 =	sadd.s32 s8, s5;
	s10 =	sadd.s32 s9, s10  }
0xd: {  	s12 =	ssub.s32 s12, s14;
	s14 =	sshrl.u32 s30, $0x3;
	s10 =	sshrl.u32 s10, $0x3  }
0xe: {  	s8 =	sadd.s32 $0x59200, s8;
	s10 =	sadd.s32 s10, s5;
	s5 =	sadd.s32 s6, s11  }
0xf: {  	s6 =	sadd.s32 $0x1200, s13;
	s11 =	simm.s32 $0x3;
	s13 =	sor.u32 $0x1C03, s31  }
0x10: {  	s9 =	sadd.s32 $0xC400, s10;
	s10 =	smax.u32 s12, $0x1;
	s12 =	simm.s32 $0x4E20  }
.LBB2_1:
0x11: {  	[tilespmem:s3], [sflag:$0x3] =	stream.linear.gather [hbm4b:s5+s3], $0x4E20, $0x38;
	[tilespmem:$0x1B260] =	vst v63  }
0x12: {  	_ =	swait.ge [sflag:s11], $0x4E20  }
0x13: {  	[sflag:s11] =	ssyncset.done $0x0  }
0x14: {  	[sflag:s11] =	ssyncadd.s32 $0xFFFFB1E0  }
0x15: {  	[tilespmem:s12], [sflag:$0x3] =	stream.linear.gather [hbm4b:s6+s3], $0x4E20, $0x38;
	[tilespmem:$0x1B260] =	vst v63  }
0x16: {  	_ =	swait.ge [sflag:s11], $0x4E20  }
0x17: {  	[sflag:s11] =	ssyncset.done $0x0  }
0x18: {  	s21 =	simm.s32 $0x9C40;
	[sflag:s11] =	ssyncadd.s32 $0xFFFFB1E0  }
0x19: {  	[tilespmem:s21], [sflag:$0x3] =	stream.linear.gather [hbm4b:s7+s3], $0x4E20, $0x38;
	[tilespmem:$0x1B260] =	vst v63  }
0x1a: {  	_ =	swait.ge [sflag:s11], $0x4E20  }
0x1b: {  	[sflag:s11] =	ssyncset.done $0x0  }
0x1c: {  	[sflag:s11] =	ssyncadd.s32 $0xFFFFB1E0  }
0x1d: {  	[spmem:s14], [sflag:s13] =	dma.local [hbm:s4], $0x1400  }
0x1e: {  	_ =	swait.ge [sflag:s11], $0x1400  }
0x1f: {  	[sflag:s11] =	ssyncset.done $0x0  }
0x20: {  	[sflag:s11] =	ssyncadd.s32 $0xFFFFEC00  }
0x21: {  	s22 =	simm.s32 $0x9C90;
	s23 =	simm.s32 $0x0;
	[bflag:$0x0] =	sbarrier.arrive $0xFFFF  }
.LBB2_2:
0x22: {  	s25 =	smul.u32 $0xA0, s23;
	_ =	sdelay $0x1  }
0x23: {  	[tilespmem:s16], [sflag:$0x1] =	stream.indirect.gather [hbm4b:s8+s15], $0x40, s25, s15, $0xb8;
	[tilespmem:$0x1B260] =	vst v63  }
0x24: {  	s24 =	sadd.s32 $0x50, s25  }
0x25: {  	v0 =	vmov s21;
	[tilespmem:s17], [sflag:$0x2] =	stream.indirect.gather [hbm4b:s8+s15], $0x40, s24, s15, $0xb8;
	[tilespmem:$0x1B260] =	vst v63  }
0x26: {  	_ =	swait.ge [sflag:s18], $0x1400  }
0x27: {  	[sflag:s18] =	ssyncset.done $0x0  }
0x28: {  	s26 =	simm.s32 $0x0;
	s28 =	simm.s32 $0xEC60;
	[sflag:s18] =	ssyncadd.s32 $0xFFFFEC00  }
.LBB2_3:
0x29: {  	s29 =	sshra.s32 s26, $0x2  }
0x2a: {  	v1 =	vld.idx.msk [tilespmem:v0+s29+$0x0 ss:$0x1], $0xffff;
	_ =	sdelay $0x1  }
0x2b: {  	v2 =	vld [tilespmem:s28+$0xFFFFFE00];
	_ =	sdelay $0x2  }
0x2c: {  	v3 =	vbroadcast v1, $0x0;
	_ =	sdelay $0x1  }
0x2d: {  	v2 =	vmul.f32 v3, v2;
	_ =	sdelay $0x1  }
0x2e: {  	[tilespmem:s28+$0xFFFFFE00] =	vst v2;
	v2 =	vld [tilespmem:s28+$0xFFFFFE10];
	_ =	sdelay $0x4  }
0x2f: {  	v2 =	vmul.f32 v2, v3;
	_ =	sdelay $0x1  }
0x30: {  	[tilespmem:s28+$0xFFFFFE10] =	vst v2;
	v2 =	vld [tilespmem:s28+$0xFFFFFE20];
	_ =	sdelay $0x4  }
0x31: {  	v2 =	vmul.f32 v2, v3;
	_ =	sdelay $0x1  }
0x32: {  	[tilespmem:s28+$0xFFFFFE20] =	vst v2;
	v2 =	vld [tilespmem:s28+$0xFFFFFE30];
	_ =	sdelay $0x4  }
0x33: {  	v2 =	vmul.f32 v2, v3;
	_ =	sdelay $0x1  }
0x34: {  	[tilespmem:s28+$0xFFFFFE30] =	vst v2;
	v2 =	vld [tilespmem:s28+$0xFFFFFE40];
	_ =	sdelay $0x2  }
0x35: {  	v3 =	vbroadcast v1, $0x1;
	_ =	sdelay $0x1  }
0x36: {  	v2 =	vmul.f32 v2, v3;
	_ =	sdelay $0x1  }
0x37: {  	[tilespmem:s28+$0xFFFFFE40] =	vst v2;
	v2 =	vld [tilespmem:s28+$0xFFFFFE50];
	_ =	sdelay $0x4  }
0x38: {  	v2 =	vmul.f32 v2, v3;
	_ =	sdelay $0x1  }
0x39: {  	[tilespmem:s28+$0xFFFFFE50] =	vst v2;
	v2 =	vld [tilespmem:s28+$0xFFFFFE60];
	_ =	sdelay $0x4  }
0x3a: {  	v2 =	vmul.f32 v2, v3;
	_ =	sdelay $0x1  }
0x3b: {  	[tilespmem:s28+$0xFFFFFE60] =	vst v2;
	v2 =	vld [tilespmem:s28+$0xFFFFFE70];
	_ =	sdelay $0x4  }
0x3c: {  	v2 =	vmul.f32 v2, v3;
	_ =	sdelay $0x1  }
0x3d: {  	[tilespmem:s28+$0xFFFFFE70] =	vst v2;
	v2 =	vld [tilespmem:s28+$0xFFFFFE80];
	_ =	sdelay $0x2  }
0x3e: {  	v3 =	vbroadcast v1, $0x2;
	_ =	sdelay $0x1  }
0x3f: {  	v2 =	vmul.f32 v2, v3;
	_ =	sdelay $0x1  }
0x40: {  	[tilespmem:s28+$0xFFFFFE80] =	vst v2;
	v2 =	vld [tilespmem:s28+$0xFFFFFE90];
	_ =	sdelay $0x4  }
0x41: {  	v2 =	vmul.f32 v2, v3;
	_ =	sdelay $0x1  }
0x42: {  	[tilespmem:s28+$0xFFFFFE90] =	vst v2;
	v2 =	vld [tilespmem:s28+$0xFFFFFEA0];
	_ =	sdelay $0x4  }
0x43: {  	v2 =	vmul.f32 v2, v3;
	_ =	sdelay $0x1  }
0x44: {  	[tilespmem:s28+$0xFFFFFEA0] =	vst v2;
	v2 =	vld [tilespmem:s28+$0xFFFFFEB0];
	_ =	sdelay $0x4  }
0x45: {  	v2 =	vmul.f32 v2, v3;
	_ =	sdelay $0x1  }
0x46: {  	[tilespmem:s28+$0xFFFFFEB0] =	vst v2;
	v2 =	vld [tilespmem:s28+$0xFFFFFEC0];
	_ =	sdelay $0x2  }
0x47: {  	v3 =	vbroadcast v1, $0x3;
	_ =	sdelay $0x1  }
0x48: {  	v2 =	vmul.f32 v2, v3;
	_ =	sdelay $0x1  }
0x49: {  	[tilespmem:s28+$0xFFFFFEC0] =	vst v2;
	v2 =	vld [tilespmem:s28+$0xFFFFFED0];
	_ =	sdelay $0x4  }
0x4a: {  	v2 =	vmul.f32 v2, v3;
	_ =	sdelay $0x1  }
0x4b: {  	[tilespmem:s28+$0xFFFFFED0] =	vst v2;
	v2 =	vld [tilespmem:s28+$0xFFFFFEE0];
	_ =	sdelay $0x4  }
0x4c: {  	v2 =	vmul.f32 v2, v3;
	_ =	sdelay $0x1  }
0x4d: {  	[tilespmem:s28+$0xFFFFFEE0] =	vst v2;
	v2 =	vld [tilespmem:s28+$0xFFFFFEF0];
	_ =	sdelay $0x4  }
0x4e: {  	v2 =	vmul.f32 v2, v3;
	_ =	sdelay $0x1  }
0x4f: {  	[tilespmem:s28+$0xFFFFFEF0] =	vst v2;
	v2 =	vld [tilespmem:s28+$0xFFFFFF00];
	_ =	sdelay $0x2  }
0x50: {  	v3 =	vbroadcast v1, $0x4;
	_ =	sdelay $0x1  }
0x51: {  	v2 =	vmul.f32 v2, v3;
	_ =	sdelay $0x1  }
0x52: {  	[tilespmem:s28+$0xFFFFFF00] =	vst v2;
	v2 =	vld [tilespmem:s28+$0xFFFFFF10];
	_ =	sdelay $0x4  }
0x53: {  	v2 =	vmul.f32 v2, v3;
	_ =	sdelay $0x1  }
0x54: {  	[tilespmem:s28+$0xFFFFFF10] =	vst v2;
	v2 =	vld [tilespmem:s28+$0xFFFFFF20];
	_ =	sdelay $0x4  }
0x55: {  	v2 =	vmul.f32 v2, v3;
	_ =	sdelay $0x1  }
0x56: {  	[tilespmem:s28+$0xFFFFFF20] =	vst v2;
	v2 =	vld [tilespmem:s28+$0xFFFFFF30];
	_ =	sdelay $0x4  }
0x57: {  	v2 =	vmul.f32 v2, v3;
	_ =	sdelay $0x1  }
0x58: {  	[tilespmem:s28+$0xFFFFFF30] =	vst v2;
	v2 =	vld [tilespmem:s28+$0xFFFFFF40];
	_ =	sdelay $0x2  }
0x59: {  	v3 =	vbroadcast v1, $0x5;
	_ =	sdelay $0x1  }
0x5a: {  	v2 =	vmul.f32 v2, v3;
	_ =	sdelay $0x1  }
0x5b: {  	[tilespmem:s28+$0xFFFFFF40] =	vst v2;
	v2 =	vld [tilespmem:s28+$0xFFFFFF50];
	_ =	sdelay $0x4  }
0x5c: {  	v2 =	vmul.f32 v2, v3;
	_ =	sdelay $0x1  }
0x5d: {  	[tilespmem:s28+$0xFFFFFF50] =	vst v2;
	v2 =	vld [tilespmem:s28+$0xFFFFFF60];
	_ =	sdelay $0x4  }
0x5e: {  	v2 =	vmul.f32 v2, v3;
	_ =	sdelay $0x1  }
0x5f: {  	[tilespmem:s28+$0xFFFFFF60] =	vst v2;
	v2 =	vld [tilespmem:s28+$0xFFFFFF70];
	_ =	sdelay $0x4  }
0x60: {  	v2 =	vmul.f32 v2, v3;
	_ =	sdelay $0x1  }
0x61: {  	[tilespmem:s28+$0xFFFFFF70] =	vst v2;
	v2 =	vld [tilespmem:s28+$0xFFFFFF80];
	_ =	sdelay $0x2  }
0x62: {  	v3 =	vbroadcast v1, $0x6;
	_ =	sdelay $0x1  }
0x63: {  	v2 =	vmul.f32 v2, v3;
	_ =	sdelay $0x1  }
0x64: {  	[tilespmem:s28+$0xFFFFFF80] =	vst v2;
	v2 =	vld [tilespmem:s28+$0xFFFFFF90];
	_ =	sdelay $0x4  }
0x65: {  	v2 =	vmul.f32 v2, v3;
	_ =	sdelay $0x1  }
0x66: {  	[tilespmem:s28+$0xFFFFFF90] =	vst v2;
	v2 =	vld [tilespmem:s28+$0xFFFFFFA0];
	_ =	sdelay $0x4  }
0x67: {  	v2 =	vmul.f32 v2, v3;
	_ =	sdelay $0x1  }
0x68: {  	[tilespmem:s28+$0xFFFFFFA0] =	vst v2;
	v2 =	vld [tilespmem:s28+$0xFFFFFFB0];
	_ =	sdelay $0x4  }
0x69: {  	v2 =	vmul.f32 v2, v3;
	_ =	sdelay $0x1  }
0x6a: {  	[tilespmem:s28+$0xFFFFFFB0] =	vst v2;
	v2 =	vld [tilespmem:s28+$0xFFFFFFC0];
	_ =	sdelay $0x2  }
0x6b: {  	v3 =	vbroadcast v1, $0x7;
	_ =	sdelay $0x1  }
0x6c: {  	v2 =	vmul.f32 v2, v3;
	_ =	sdelay $0x1  }
0x6d: {  	[tilespmem:s28+$0xFFFFFFC0] =	vst v2;
	v2 =	vld [tilespmem:s28+$0xFFFFFFD0];
	_ =	sdelay $0x4  }
0x6e: {  	v2 =	vmul.f32 v2, v3;
	_ =	sdelay $0x1  }
0x6f: {  	[tilespmem:s28+$0xFFFFFFD0] =	vst v2;
	v2 =	vld [tilespmem:s28+$0xFFFFFFE0];
	_ =	sdelay $0x4  }
0x70: {  	v2 =	vmul.f32 v2, v3;
	_ =	sdelay $0x1  }
0x71: {  	[tilespmem:s28+$0xFFFFFFE0] =	vst v2;
	v2 =	vld [tilespmem:s28+$0xFFFFFFF0];
	_ =	sdelay $0x4  }
0x72: {  	v2 =	vmul.f32 v2, v3;
	_ =	sdelay $0x1  }
0x73: {  	[tilespmem:s28+$0xFFFFFFF0] =	vst v2;
	v2 =	vld [tilespmem:s28+$0x0];
	_ =	sdelay $0x2  }
0x74: {  	v3 =	vbroadcast v1, $0x8;
	_ =	sdelay $0x1  }
0x75: {  	v2 =	vmul.f32 v2, v3;
	_ =	sdelay $0x1  }
0x76: {  	[tilespmem:s28+$0x0] =	vst v2;
	v2 =	vld [tilespmem:s28+$0x10];
	_ =	sdelay $0x4  }
0x77: {  	v2 =	vmul.f32 v2, v3;
	_ =	sdelay $0x1  }
0x78: {  	[tilespmem:s28+$0x10] =	vst v2;
	v2 =	vld [tilespmem:s28+$0x20];
	_ =	sdelay $0x4  }
0x79: {  	v2 =	vmul.f32 v2, v3;
	_ =	sdelay $0x1  }
0x7a: {  	[tilespmem:s28+$0x20] =	vst v2;
	v2 =	vld [tilespmem:s28+$0x30];
	_ =	sdelay $0x4  }
0x7b: {  	v2 =	vmul.f32 v2, v3;
	_ =	sdelay $0x1  }
0x7c: {  	[tilespmem:s28+$0x30] =	vst v2;
	v2 =	vld [tilespmem:s28+$0x40];
	_ =	sdelay $0x2  }
0x7d: {  	v3 =	vbroadcast v1, $0x9;
	_ =	sdelay $0x1  }
0x7e: {  	v2 =	vmul.f32 v2, v3;
	_ =	sdelay $0x1  }
0x7f: {  	[tilespmem:s28+$0x40] =	vst v2;
	v2 =	vld [tilespmem:s28+$0x50];
	_ =	sdelay $0x4  }
0x80: {  	v2 =	vmul.f32 v2, v3;
	_ =	sdelay $0x1  }
0x81: {  	[tilespmem:s28+$0x50] =	vst v2;
	v2 =	vld [tilespmem:s28+$0x60];
	_ =	sdelay $0x4  }
0x82: {  	v2 =	vmul.f32 v2, v3;
	_ =	sdelay $0x1  }
0x83: {  	[tilespmem:s28+$0x60] =	vst v2;
	v2 =	vld [tilespmem:s28+$0x70];
	_ =	sdelay $0x4  }
0x84: {  	v2 =	vmul.f32 v2, v3;
	_ =	sdelay $0x1  }
0x85: {  	[tilespmem:s28+$0x70] =	vst v2;
	v2 =	vld [tilespmem:s28+$0x80];
	_ =	sdelay $0x2  }
0x86: {  	v3 =	vbroadcast v1, $0xA;
	_ =	sdelay $0x1  }
0x87: {  	v2 =	vmul.f32 v2, v3;
	_ =	sdelay $0x1  }
0x88: {  	[tilespmem:s28+$0x80] =	vst v2;
	v2 =	vld [tilespmem:s28+$0x90];
	_ =	sdelay $0x4  }
0x89: {  	v2 =	vmul.f32 v2, v3;
	_ =	sdelay $0x1  }
0x8a: {  	[tilespmem:s28+$0x90] =	vst v2;
	v2 =	vld [tilespmem:s28+$0xA0];
	_ =	sdelay $0x4  }
0x8b: {  	v2 =	vmul.f32 v2, v3;
	_ =	sdelay $0x1  }
0x8c: {  	[tilespmem:s28+$0xA0] =	vst v2;
	v2 =	vld [tilespmem:s28+$0xB0];
	_ =	sdelay $0x4  }
0x8d: {  	v2 =	vmul.f32 v2, v3;
	_ =	sdelay $0x1  }
0x8e: {  	[tilespmem:s28+$0xB0] =	vst v2;
	v2 =	vld [tilespmem:s28+$0xC0];
	_ =	sdelay $0x2  }
0x8f: {  	v3 =	vbroadcast v1, $0xB;
	_ =	sdelay $0x1  }
0x90: {  	v2 =	vmul.f32 v2, v3;
	_ =	sdelay $0x1  }
0x91: {  	[tilespmem:s28+$0xC0] =	vst v2;
	v2 =	vld [tilespmem:s28+$0xD0];
	_ =	sdelay $0x4  }
0x92: {  	v2 =	vmul.f32 v2, v3;
	_ =	sdelay $0x1  }
0x93: {  	[tilespmem:s28+$0xD0] =	vst v2;
	v2 =	vld [tilespmem:s28+$0xE0];
	_ =	sdelay $0x4  }
0x94: {  	v2 =	vmul.f32 v2, v3;
	_ =	sdelay $0x1  }
0x95: {  	[tilespmem:s28+$0xE0] =	vst v2;
	v2 =	vld [tilespmem:s28+$0xF0];
	_ =	sdelay $0x4  }
0x96: {  	v2 =	vmul.f32 v2, v3;
	_ =	sdelay $0x1  }
0x97: {  	[tilespmem:s28+$0xF0] =	vst v2;
	v2 =	vld [tilespmem:s28+$0x100];
	_ =	sdelay $0x2  }
0x98: {  	v3 =	vbroadcast v1, $0xC;
	_ =	sdelay $0x1  }
0x99: {  	v2 =	vmul.f32 v2, v3;
	_ =	sdelay $0x1  }
0x9a: {  	[tilespmem:s28+$0x100] =	vst v2;
	v2 =	vld [tilespmem:s28+$0x110];
	_ =	sdelay $0x4  }
0x9b: {  	v2 =	vmul.f32 v2, v3;
	_ =	sdelay $0x1  }
0x9c: {  	[tilespmem:s28+$0x110] =	vst v2;
	v2 =	vld [tilespmem:s28+$0x120];
	_ =	sdelay $0x4  }
0x9d: {  	v2 =	vmul.f32 v2, v3;
	_ =	sdelay $0x1  }
0x9e: {  	[tilespmem:s28+$0x120] =	vst v2;
	v2 =	vld [tilespmem:s28+$0x130];
	_ =	sdelay $0x4  }
0x9f: {  	v2 =	vmul.f32 v2, v3;
	_ =	sdelay $0x1  }
0xa0: {  	[tilespmem:s28+$0x130] =	vst v2;
	v2 =	vld [tilespmem:s28+$0x140];
	_ =	sdelay $0x2  }
0xa1: {  	v3 =	vbroadcast v1, $0xD;
	_ =	sdelay $0x1  }
0xa2: {  	v2 =	vmul.f32 v2, v3;
	_ =	sdelay $0x1  }
0xa3: {  	[tilespmem:s28+$0x140] =	vst v2;
	v2 =	vld [tilespmem:s28+$0x150];
	_ =	sdelay $0x4  }
0xa4: {  	v2 =	vmul.f32 v2, v3;
	_ =	sdelay $0x1  }
0xa5: {  	[tilespmem:s28+$0x150] =	vst v2;
	v2 =	vld [tilespmem:s28+$0x160];
	_ =	sdelay $0x4  }
0xa6: {  	v2 =	vmul.f32 v2, v3;
	_ =	sdelay $0x1  }
0xa7: {  	[tilespmem:s28+$0x160] =	vst v2;
	v2 =	vld [tilespmem:s28+$0x170];
	_ =	sdelay $0x4  }
0xa8: {  	v2 =	vmul.f32 v2, v3;
	_ =	sdelay $0x1  }
0xa9: {  	[tilespmem:s28+$0x170] =	vst v2;
	v2 =	vld [tilespmem:s28+$0x180];
	_ =	sdelay $0x2  }
0xaa: {  	v3 =	vbroadcast v1, $0xE;
	_ =	sdelay $0x1  }
0xab: {  	v2 =	vmul.f32 v2, v3;
	_ =	sdelay $0x1  }
0xac: {  	[tilespmem:s28+$0x180] =	vst v2;
	v2 =	vld [tilespmem:s28+$0x190];
	_ =	sdelay $0x4  }
0xad: {  	v2 =	vmul.f32 v2, v3;
	_ =	sdelay $0x1  }
0xae: {  	[tilespmem:s28+$0x190] =	vst v2;
	v2 =	vld [tilespmem:s28+$0x1A0];
	_ =	sdelay $0x4  }
0xaf: {  	v2 =	vmul.f32 v2, v3;
	_ =	sdelay $0x1  }
0xb0: {  	[tilespmem:s28+$0x1A0] =	vst v2;
	v2 =	vld [tilespmem:s28+$0x1B0];
	_ =	sdelay $0x4  }
0xb1: {  	v2 =	vmul.f32 v2, v3;
	_ =	sdelay $0x1  }
0xb2: {  	[tilespmem:s28+$0x1B0] =	vst v2;
	v2 =	vld [tilespmem:s28+$0x1C0];
	_ =	sdelay $0x2  }
0xb3: {  	v1 =	vbroadcast v1, $0xF;
	_ =	sdelay $0x1  }
0xb4: {  	v2 =	vmul.f32 v2, v1;
	_ =	sdelay $0x1  }
0xb5: {  	[tilespmem:s28+$0x1C0] =	vst v2;
	v2 =	vld [tilespmem:s28+$0x1D0];
	_ =	sdelay $0x4  }
0xb6: {  	v2 =	vmul.f32 v2, v1;
	_ =	sdelay $0x1  }
0xb7: {  	[tilespmem:s28+$0x1D0] =	vst v2;
	v2 =	vld [tilespmem:s28+$0x1E0];
	_ =	sdelay $0x4  }
0xb8: {  	v2 =	vmul.f32 v2, v1;
	_ =	sdelay $0x1  }
0xb9: {  	[tilespmem:s28+$0x1E0] =	vst v2;
	v2 =	vld [tilespmem:s28+$0x1F0];
	_ =	sdelay $0x1  }
0xba: {  	p0 =	sne.s32 s26, $0x100  }
.Ltmp0:
0xbb: {  	_ = 	snop;
	(pc) =	sbr.rel @p0 .LBB2_3-.Ltmp0, $3  }
0xbc: {  	_ = 	snop  }
0xbd: {  	v1 =	vmul.f32 v2, v1;
	_ =	sdelay $0x1  }
0xbe: {  	s26 =	sadd.s32 $0x40, s26;
	[tilespmem:s28+$0x1F0] =	vst v1;
	s28 =	sadd.s32 $0x400, s28  }
0xbf: {  	s25 =	sadd.s32 $0x4E20, s25  }
0xc0: {  	[spmem:s2] =	stream.indirect.scatter.add.f32 [tilespmem:s16], [sflag:$0x3], $0x40, s25, s15, $0xb8;
	[tilespmem:$0x1B260] =	vst v63  }
0xc1: {  	_ =	swait.ge [sflag:s11], $0x1400  }
0xc2: {  	[sflag:s11] =	ssyncset.done $0x0  }
0xc3: {  	v0 =	vmov s22;
	[sflag:s11] =	ssyncadd.s32 $0xFFFFEC00  }
0xc4: {  	_ =	swait.ge [sflag:s19], $0x1400  }
0xc5: {  	[sflag:s19] =	ssyncset.done $0x0  }
0xc6: {  	s26 =	simm.s32 $0x10060;
	s25 =	simm.s32 $0x0;
	[sflag:s19] =	ssyncadd.s32 $0xFFFFEC00  }
.LBB2_5:
0xc7: {  	s28 =	sshra.s32 s25, $0x2  }
0xc8: {  	v1 =	vld.idx.msk [tilespmem:v0+s28+$0x0 ss:$0x1], $0xffff;
	_ =	sdelay $0x1  }
0xc9: {  	v2 =	vld [tilespmem:s26+$0xFFFFFE00];
	_ =	sdelay $0x2  }
0xca: {  	v3 =	vbroadcast v1, $0x0;
	_ =	sdelay $0x1  }
0xcb: {  	v2 =	vmul.f32 v3, v2;
	_ =	sdelay $0x1  }
0xcc: {  	[tilespmem:s26+$0xFFFFFE00] =	vst v2;
	v2 =	vld [tilespmem:s26+$0xFFFFFE10];
	_ =	sdelay $0x4  }
0xcd: {  	v2 =	vmul.f32 v2, v3;
	_ =	sdelay $0x1  }
0xce: {  	[tilespmem:s26+$0xFFFFFE10] =	vst v2;
	v2 =	vld [tilespmem:s26+$0xFFFFFE20];
	_ =	sdelay $0x4  }
0xcf: {  	v2 =	vmul.f32 v2, v3;
	_ =	sdelay $0x1  }
0xd0: {  	[tilespmem:s26+$0xFFFFFE20] =	vst v2;
	v2 =	vld [tilespmem:s26+$0xFFFFFE30];
	_ =	sdelay $0x4  }
0xd1: {  	v2 =	vmul.f32 v2, v3;
	_ =	sdelay $0x1  }
0xd2: {  	[tilespmem:s26+$0xFFFFFE30] =	vst v2;
	v2 =	vld [tilespmem:s26+$0xFFFFFE40];
	_ =	sdelay $0x2  }
0xd3: {  	v3 =	vbroadcast v1, $0x1;
	_ =	sdelay $0x1  }
0xd4: {  	v2 =	vmul.f32 v2, v3;
	_ =	sdelay $0x1  }
0xd5: {  	[tilespmem:s26+$0xFFFFFE40] =	vst v2;
	v2 =	vld [tilespmem:s26+$0xFFFFFE50];
	_ =	sdelay $0x4  }
0xd6: {  	v2 =	vmul.f32 v2, v3;
	_ =	sdelay $0x1  }
0xd7: {  	[tilespmem:s26+$0xFFFFFE50] =	vst v2;
	v2 =	vld [tilespmem:s26+$0xFFFFFE60];
	_ =	sdelay $0x4  }
0xd8: {  	v2 =	vmul.f32 v2, v3;
	_ =	sdelay $0x1  }
0xd9: {  	[tilespmem:s26+$0xFFFFFE60] =	vst v2;
	v2 =	vld [tilespmem:s26+$0xFFFFFE70];
	_ =	sdelay $0x4  }
0xda: {  	v2 =	vmul.f32 v2, v3;
	_ =	sdelay $0x1  }
0xdb: {  	[tilespmem:s26+$0xFFFFFE70] =	vst v2;
	v2 =	vld [tilespmem:s26+$0xFFFFFE80];
	_ =	sdelay $0x2  }
0xdc: {  	v3 =	vbroadcast v1, $0x2;
	_ =	sdelay $0x1  }
0xdd: {  	v2 =	vmul.f32 v2, v3;
	_ =	sdelay $0x1  }
0xde: {  	[tilespmem:s26+$0xFFFFFE80] =	vst v2;
	v2 =	vld [tilespmem:s26+$0xFFFFFE90];
	_ =	sdelay $0x4  }
0xdf: {  	v2 =	vmul.f32 v2, v3;
	_ =	sdelay $0x1  }
0xe0: {  	[tilespmem:s26+$0xFFFFFE90] =	vst v2;
	v2 =	vld [tilespmem:s26+$0xFFFFFEA0];
	_ =	sdelay $0x4  }
0xe1: {  	v2 =	vmul.f32 v2, v3;
	_ =	sdelay $0x1  }
0xe2: {  	[tilespmem:s26+$0xFFFFFEA0] =	vst v2;
	v2 =	vld [tilespmem:s26+$0xFFFFFEB0];
	_ =	sdelay $0x4  }
0xe3: {  	v2 =	vmul.f32 v2, v3;
	_ =	sdelay $0x1  }
0xe4: {  	[tilespmem:s26+$0xFFFFFEB0] =	vst v2;
	v2 =	vld [tilespmem:s26+$0xFFFFFEC0];
	_ =	sdelay $0x2  }
0xe5: {  	v3 =	vbroadcast v1, $0x3;
	_ =	sdelay $0x1  }
0xe6: {  	v2 =	vmul.f32 v2, v3;
	_ =	sdelay $0x1  }
0xe7: {  	[tilespmem:s26+$0xFFFFFEC0] =	vst v2;
	v2 =	vld [tilespmem:s26+$0xFFFFFED0];
	_ =	sdelay $0x4  }
0xe8: {  	v2 =	vmul.f32 v2, v3;
	_ =	sdelay $0x1  }
0xe9: {  	[tilespmem:s26+$0xFFFFFED0] =	vst v2;
	v2 =	vld [tilespmem:s26+$0xFFFFFEE0];
	_ =	sdelay $0x4  }
0xea: {  	v2 =	vmul.f32 v2, v3;
	_ =	sdelay $0x1  }
0xeb: {  	[tilespmem:s26+$0xFFFFFEE0] =	vst v2;
	v2 =	vld [tilespmem:s26+$0xFFFFFEF0];
	_ =	sdelay $0x4  }
0xec: {  	v2 =	vmul.f32 v2, v3;
	_ =	sdelay $0x1  }
0xed: {  	[tilespmem:s26+$0xFFFFFEF0] =	vst v2;
	v2 =	vld [tilespmem:s26+$0xFFFFFF00];
	_ =	sdelay $0x2  }
0xee: {  	v3 =	vbroadcast v1, $0x4;
	_ =	sdelay $0x1  }
0xef: {  	v2 =	vmul.f32 v2, v3;
	_ =	sdelay $0x1  }
0xf0: {  	[tilespmem:s26+$0xFFFFFF00] =	vst v2;
	v2 =	vld [tilespmem:s26+$0xFFFFFF10];
	_ =	sdelay $0x4  }
0xf1: {  	v2 =	vmul.f32 v2, v3;
	_ =	sdelay $0x1  }
0xf2: {  	[tilespmem:s26+$0xFFFFFF10] =	vst v2;
	v2 =	vld [tilespmem:s26+$0xFFFFFF20];
	_ =	sdelay $0x4  }
0xf3: {  	v2 =	vmul.f32 v2, v3;
	_ =	sdelay $0x1  }
0xf4: {  	[tilespmem:s26+$0xFFFFFF20] =	vst v2;
	v2 =	vld [tilespmem:s26+$0xFFFFFF30];
	_ =	sdelay $0x4  }
0xf5: {  	v2 =	vmul.f32 v2, v3;
	_ =	sdelay $0x1  }
0xf6: {  	[tilespmem:s26+$0xFFFFFF30] =	vst v2;
	v2 =	vld [tilespmem:s26+$0xFFFFFF40];
	_ =	sdelay $0x2  }
0xf7: {  	v3 =	vbroadcast v1, $0x5;
	_ =	sdelay $0x1  }
0xf8: {  	v2 =	vmul.f32 v2, v3;
	_ =	sdelay $0x1  }
0xf9: {  	[tilespmem:s26+$0xFFFFFF40] =	vst v2;
	v2 =	vld [tilespmem:s26+$0xFFFFFF50];
	_ =	sdelay $0x4  }
0xfa: {  	v2 =	vmul.f32 v2, v3;
	_ =	sdelay $0x1  }
0xfb: {  	[tilespmem:s26+$0xFFFFFF50] =	vst v2;
	v2 =	vld [tilespmem:s26+$0xFFFFFF60];
	_ =	sdelay $0x4  }
0xfc: {  	v2 =	vmul.f32 v2, v3;
	_ =	sdelay $0x1  }
0xfd: {  	[tilespmem:s26+$0xFFFFFF60] =	vst v2;
	v2 =	vld [tilespmem:s26+$0xFFFFFF70];
	_ =	sdelay $0x4  }
0xfe: {  	v2 =	vmul.f32 v2, v3;
	_ =	sdelay $0x1  }
0xff: {  	[tilespmem:s26+$0xFFFFFF70] =	vst v2;
	v2 =	vld [tilespmem:s26+$0xFFFFFF80];
	_ =	sdelay $0x2  }
0x100: {  	v3 =	vbroadcast v1, $0x6;
	_ =	sdelay $0x1  }
0x101: {  	v2 =	vmul.f32 v2, v3;
	_ =	sdelay $0x1  }
0x102: {  	[tilespmem:s26+$0xFFFFFF80] =	vst v2;
	v2 =	vld [tilespmem:s26+$0xFFFFFF90];
	_ =	sdelay $0x4  }
0x103: {  	v2 =	vmul.f32 v2, v3;
	_ =	sdelay $0x1  }
0x104: {  	[tilespmem:s26+$0xFFFFFF90] =	vst v2;
	v2 =	vld [tilespmem:s26+$0xFFFFFFA0];
	_ =	sdelay $0x4  }
0x105: {  	v2 =	vmul.f32 v2, v3;
	_ =	sdelay $0x1  }
0x106: {  	[tilespmem:s26+$0xFFFFFFA0] =	vst v2;
	v2 =	vld [tilespmem:s26+$0xFFFFFFB0];
	_ =	sdelay $0x4  }
0x107: {  	v2 =	vmul.f32 v2, v3;
	_ =	sdelay $0x1  }
0x108: {  	[tilespmem:s26+$0xFFFFFFB0] =	vst v2;
	v2 =	vld [tilespmem:s26+$0xFFFFFFC0];
	_ =	sdelay $0x2  }
0x109: {  	v3 =	vbroadcast v1, $0x7;
	_ =	sdelay $0x1  }
0x10a: {  	v2 =	vmul.f32 v2, v3;
	_ =	sdelay $0x1  }
0x10b: {  	[tilespmem:s26+$0xFFFFFFC0] =	vst v2;
	v2 =	vld [tilespmem:s26+$0xFFFFFFD0];
	_ =	sdelay $0x4  }
0x10c: {  	v2 =	vmul.f32 v2, v3;
	_ =	sdelay $0x1  }
0x10d: {  	[tilespmem:s26+$0xFFFFFFD0] =	vst v2;
	v2 =	vld [tilespmem:s26+$0xFFFFFFE0];
	_ =	sdelay $0x4  }
0x10e: {  	v2 =	vmul.f32 v2, v3;
	_ =	sdelay $0x1  }
0x10f: {  	[tilespmem:s26+$0xFFFFFFE0] =	vst v2;
	v2 =	vld [tilespmem:s26+$0xFFFFFFF0];
	_ =	sdelay $0x4  }
0x110: {  	v2 =	vmul.f32 v2, v3;
	_ =	sdelay $0x1  }
0x111: {  	[tilespmem:s26+$0xFFFFFFF0] =	vst v2;
	v2 =	vld [tilespmem:s26+$0x0];
	_ =	sdelay $0x2  }
0x112: {  	v3 =	vbroadcast v1, $0x8;
	_ =	sdelay $0x1  }
0x113: {  	v2 =	vmul.f32 v2, v3;
	_ =	sdelay $0x1  }
0x114: {  	[tilespmem:s26+$0x0] =	vst v2;
	v2 =	vld [tilespmem:s26+$0x10];
	_ =	sdelay $0x4  }
0x115: {  	v2 =	vmul.f32 v2, v3;
	_ =	sdelay $0x1  }
0x116: {  	[tilespmem:s26+$0x10] =	vst v2;
	v2 =	vld [tilespmem:s26+$0x20];
	_ =	sdelay $0x4  }
0x117: {  	v2 =	vmul.f32 v2, v3;
	_ =	sdelay $0x1  }
0x118: {  	[tilespmem:s26+$0x20] =	vst v2;
	v2 =	vld [tilespmem:s26+$0x30];
	_ =	sdelay $0x4  }
0x119: {  	v2 =	vmul.f32 v2, v3;
	_ =	sdelay $0x1  }
0x11a: {  	[tilespmem:s26+$0x30] =	vst v2;
	v2 =	vld [tilespmem:s26+$0x40];
	_ =	sdelay $0x2  }
0x11b: {  	v3 =	vbroadcast v1, $0x9;
	_ =	sdelay $0x1  }
0x11c: {  	v2 =	vmul.f32 v2, v3;
	_ =	sdelay $0x1  }
0x11d: {  	[tilespmem:s26+$0x40] =	vst v2;
	v2 =	vld [tilespmem:s26+$0x50];
	_ =	sdelay $0x4  }
0x11e: {  	v2 =	vmul.f32 v2, v3;
	_ =	sdelay $0x1  }
0x11f: {  	[tilespmem:s26+$0x50] =	vst v2;
	v2 =	vld [tilespmem:s26+$0x60];
	_ =	sdelay $0x4  }
0x120: {  	v2 =	vmul.f32 v2, v3;
	_ =	sdelay $0x1  }
0x121: {  	[tilespmem:s26+$0x60] =	vst v2;
	v2 =	vld [tilespmem:s26+$0x70];
	_ =	sdelay $0x4  }
0x122: {  	v2 =	vmul.f32 v2, v3;
	_ =	sdelay $0x1  }
0x123: {  	[tilespmem:s26+$0x70] =	vst v2;
	v2 =	vld [tilespmem:s26+$0x80];
	_ =	sdelay $0x2  }
0x124: {  	v3 =	vbroadcast v1, $0xA;
	_ =	sdelay $0x1  }
0x125: {  	v2 =	vmul.f32 v2, v3;
	_ =	sdelay $0x1  }
0x126: {  	[tilespmem:s26+$0x80] =	vst v2;
	v2 =	vld [tilespmem:s26+$0x90];
	_ =	sdelay $0x4  }
0x127: {  	v2 =	vmul.f32 v2, v3;
	_ =	sdelay $0x1  }
0x128: {  	[tilespmem:s26+$0x90] =	vst v2;
	v2 =	vld [tilespmem:s26+$0xA0];
	_ =	sdelay $0x4  }
0x129: {  	v2 =	vmul.f32 v2, v3;
	_ =	sdelay $0x1  }
0x12a: {  	[tilespmem:s26+$0xA0] =	vst v2;
	v2 =	vld [tilespmem:s26+$0xB0];
	_ =	sdelay $0x4  }
0x12b: {  	v2 =	vmul.f32 v2, v3;
	_ =	sdelay $0x1  }
0x12c: {  	[tilespmem:s26+$0xB0] =	vst v2;
	v2 =	vld [tilespmem:s26+$0xC0];
	_ =	sdelay $0x2  }
0x12d: {  	v3 =	vbroadcast v1, $0xB;
	_ =	sdelay $0x1  }
0x12e: {  	v2 =	vmul.f32 v2, v3;
	_ =	sdelay $0x1  }
0x12f: {  	[tilespmem:s26+$0xC0] =	vst v2;
	v2 =	vld [tilespmem:s26+$0xD0];
	_ =	sdelay $0x4  }
0x130: {  	v2 =	vmul.f32 v2, v3;
	_ =	sdelay $0x1  }
0x131: {  	[tilespmem:s26+$0xD0] =	vst v2;
	v2 =	vld [tilespmem:s26+$0xE0];
	_ =	sdelay $0x4  }
0x132: {  	v2 =	vmul.f32 v2, v3;
	_ =	sdelay $0x1  }
0x133: {  	[tilespmem:s26+$0xE0] =	vst v2;
	v2 =	vld [tilespmem:s26+$0xF0];
	_ =	sdelay $0x4  }
0x134: {  	v2 =	vmul.f32 v2, v3;
	_ =	sdelay $0x1  }
0x135: {  	[tilespmem:s26+$0xF0] =	vst v2;
	v2 =	vld [tilespmem:s26+$0x100];
	_ =	sdelay $0x2  }
0x136: {  	v3 =	vbroadcast v1, $0xC;
	_ =	sdelay $0x1  }
0x137: {  	v2 =	vmul.f32 v2, v3;
	_ =	sdelay $0x1  }
0x138: {  	[tilespmem:s26+$0x100] =	vst v2;
	v2 =	vld [tilespmem:s26+$0x110];
	_ =	sdelay $0x4  }
0x139: {  	v2 =	vmul.f32 v2, v3;
	_ =	sdelay $0x1  }
0x13a: {  	[tilespmem:s26+$0x110] =	vst v2;
	v2 =	vld [tilespmem:s26+$0x120];
	_ =	sdelay $0x4  }
0x13b: {  	v2 =	vmul.f32 v2, v3;
	_ =	sdelay $0x1  }
0x13c: {  	[tilespmem:s26+$0x120] =	vst v2;
	v2 =	vld [tilespmem:s26+$0x130];
	_ =	sdelay $0x4  }
0x13d: {  	v2 =	vmul.f32 v2, v3;
	_ =	sdelay $0x1  }
0x13e: {  	[tilespmem:s26+$0x130] =	vst v2;
	v2 =	vld [tilespmem:s26+$0x140];
	_ =	sdelay $0x2  }
0x13f: {  	v3 =	vbroadcast v1, $0xD;
	_ =	sdelay $0x1  }
0x140: {  	v2 =	vmul.f32 v2, v3;
	_ =	sdelay $0x1  }
0x141: {  	[tilespmem:s26+$0x140] =	vst v2;
	v2 =	vld [tilespmem:s26+$0x150];
	_ =	sdelay $0x4  }
0x142: {  	v2 =	vmul.f32 v2, v3;
	_ =	sdelay $0x1  }
0x143: {  	[tilespmem:s26+$0x150] =	vst v2;
	v2 =	vld [tilespmem:s26+$0x160];
	_ =	sdelay $0x4  }
0x144: {  	v2 =	vmul.f32 v2, v3;
	_ =	sdelay $0x1  }
0x145: {  	[tilespmem:s26+$0x160] =	vst v2;
	v2 =	vld [tilespmem:s26+$0x170];
	_ =	sdelay $0x4  }
0x146: {  	v2 =	vmul.f32 v2, v3;
	_ =	sdelay $0x1  }
0x147: {  	[tilespmem:s26+$0x170] =	vst v2;
	v2 =	vld [tilespmem:s26+$0x180];
	_ =	sdelay $0x2  }
0x148: {  	v3 =	vbroadcast v1, $0xE;
	_ =	sdelay $0x1  }
0x149: {  	v2 =	vmul.f32 v2, v3;
	_ =	sdelay $0x1  }
0x14a: {  	[tilespmem:s26+$0x180] =	vst v2;
	v2 =	vld [tilespmem:s26+$0x190];
	_ =	sdelay $0x4  }
0x14b: {  	v2 =	vmul.f32 v2, v3;
	_ =	sdelay $0x1  }
0x14c: {  	[tilespmem:s26+$0x190] =	vst v2;
	v2 =	vld [tilespmem:s26+$0x1A0];
	_ =	sdelay $0x4  }
0x14d: {  	v2 =	vmul.f32 v2, v3;
	_ =	sdelay $0x1  }
0x14e: {  	[tilespmem:s26+$0x1A0] =	vst v2;
	v2 =	vld [tilespmem:s26+$0x1B0];
	_ =	sdelay $0x4  }
0x14f: {  	v2 =	vmul.f32 v2, v3;
	_ =	sdelay $0x1  }
0x150: {  	[tilespmem:s26+$0x1B0] =	vst v2;
	v2 =	vld [tilespmem:s26+$0x1C0];
	_ =	sdelay $0x2  }
0x151: {  	v1 =	vbroadcast v1, $0xF;
	_ =	sdelay $0x1  }
0x152: {  	v2 =	vmul.f32 v2, v1;
	_ =	sdelay $0x1  }
0x153: {  	[tilespmem:s26+$0x1C0] =	vst v2;
	v2 =	vld [tilespmem:s26+$0x1D0];
	_ =	sdelay $0x4  }
0x154: {  	v2 =	vmul.f32 v2, v1;
	_ =	sdelay $0x1  }
0x155: {  	[tilespmem:s26+$0x1D0] =	vst v2;
	v2 =	vld [tilespmem:s26+$0x1E0];
	_ =	sdelay $0x4  }
0x156: {  	v2 =	vmul.f32 v2, v1;
	_ =	sdelay $0x1  }
0x157: {  	[tilespmem:s26+$0x1E0] =	vst v2;
	v2 =	vld [tilespmem:s26+$0x1F0];
	_ =	sdelay $0x1  }
0x158: {  	p0 =	sne.s32 s25, $0x100  }
.Ltmp1:
0x159: {  	_ = 	snop;
	(pc) =	sbr.rel @p0 .LBB2_5-.Ltmp1, $3  }
0x15a: {  	_ = 	snop  }
0x15b: {  	v1 =	vmul.f32 v2, v1;
	_ =	sdelay $0x1  }
0x15c: {  	s25 =	sadd.s32 $0x40, s25;
	[tilespmem:s26+$0x1F0] =	vst v1;
	s26 =	sadd.s32 $0x400, s26  }
0x15d: {  	s23 =	sadd.s32 $0x1, s23  }
0x15e: {  	p0 =	sne.s32 s23, $0x7D  }
.Ltmp2:
0x15f: {  	s24 =	sadd.s32 $0x4E20, s24;
	(pc) =	sbr.rel @p0 .LBB2_2-.Ltmp2, $4  }
0x160: {  	[spmem:s2] =	stream.indirect.scatter.add.f32 [tilespmem:s17], [sflag:$0x3], $0x40, s24, s15, $0xb8;
	[tilespmem:$0x1B260] =	vst v63  }
0x161: {  	_ =	swait.ge [sflag:s11], $0x1400  }
0x162: {  	[sflag:s11] =	ssyncset.done $0x0  }
0x163: {  	s21 =	sadd.s32 $0xA0, s21;
	s22 =	sadd.s32 $0xA0, s22;
	[sflag:s11] =	ssyncadd.s32 $0xFFFFEC00  }
0x164: {  	s20 =	sadd.s32 $0x1, s20  }
0x165: {  	p0 =	sne.s32 s20, s10  }
.Ltmp3:
0x166: {  	[bflag:$0x0] =	sbarrier.arrive $0xFFFF;
	(pc) =	sbr.rel @p0 .LBB2_1-.Ltmp3, $4  }
0x167: {  	[hbm:s9], [sflag:s13] =	dma.local [spmem:s14], $0x1400  }
0x168: {  	_ =	swait.ge [sflag:s11], $0x1400  }
0x169: {  	[sflag:s11] =	ssyncset.done $0x0  }
0x16a: {  	[sflag:s11] =	ssyncadd.s32 $0xFFFFEC00  }
0x16b: {  	_ =	sfence.sel $0x180000  }
0x16c: {  	[bflag:$0x0] =	sbarrier.arrive $0xFFFF  }
0x16d: {  	p0 =	sne.s32 s1, $0x0;
	_ =	strace $0x9000004A  }
0x16e: {  	s0 =	sadd.s32 @!p0 $0x100000, s0;
	[bflag:$0x2] =	sbarrier.arrive $0xFFFF  }
0x16f: {  	[sflag:s0] =	ssyncadd.tile.s32 @!p0 $0x1;
	_ =	shalt  }
.Lfunc_end2:
_tile_overlayer_lowered:
.L_overlay_start_2:
0x170: {  	(tag) =	ssettag $0x2  }
0x171: {  	s0 =	rddreg [dreg:$0x0];
	s2 =	stileid.u32  }
0x172: {  	s1 =	rddreg [dreg:$0x1];
	p0 =	sne.s32 s2, $0x0  }
0x173: {  	s3 =	rddreg [dreg:$0x2];
	[bflag:$0x3] =	sbarrier.arrive $0xFFFF;
	s2 =	simm.s32 @!p0 $0x1C03  }
0x174: {  	[timem:s3], [sflag:s2] =	dma.local @!p0 [hbm:s0], s1  }
0x175: {  	s0 =	simm.s32 @!p0 $0x3  }
0x176: {  	_ =	swait.ge @!p0 [sflag:s0], s1  }
0x177: {  	s1 =	ssub.s32 @!p0 $0x0, s1;
	[sflag:s0] =	ssyncset.done @!p0 $0x0  }
0x178: {  	[sflag:s0] =	ssyncadd.s32 @!p0 s1  }
0x179: {  	[bflag:$0x3] =	sbarrier.arrive $0xFFFF  }
0x17a: {  	_ =	shalt  }

// kernel: kernel.14.cloned.1.call-start
scs
__scs_entry_jumppad:
0x0: {  	(pc) =	sbr.rel $0x88, $3  }
0x1: {  	(tag) =	ssettag $0x0;
	lr =	simm.s32 $0x1  }
0x2: {  	[smem:$0x3F9A] =	sst lr;
	_ =	strace $0xD0000000  }
0x3: {  	_ = 	snop  }
0x4: {  	_ = 	snop  }
0x5: {  	_ = 	snop  }
0x6: {  	_ = 	snop  }
0x7: {  	_ = 	snop  }
__scs_overlays_trampoline_lowered:
0x8: {  	[smem:$0x3FA9] =	sst s0  }
0x9: {  	[smem:$0x3FAA] =	sst s1  }
0xa: {  	[smem:$0x3FAB] =	sst s2  }
0xb: {  	[smem:$0x3FAC] =	sst s3  }
0xc: {  	[smem:$0x3FAD] =	sst s4  }
0xd: {  	[smem:$0x3FAE] =	sst s5  }
0xe: {  	[smem:$0x3FAF] =	sst s6  }
0xf: {  	[smem:$0x3FB0] =	sst s7  }
0x10: {  	[smem:$0x3FB1] =	sst s8  }
0x11: {  	[smem:$0x3FB2] =	sst s9;
	s0 =	simm.s32 @!p0 $0x0  }
0x12: {  	s1 =	sld [smem:$0x3F98];
	s0 =	simm.s32 @p0 $0x1  }
0x13: {  	[smem:$0x3FB3] =	sst s0;
	s0 =	simm.s32 @!p1 $0x0  }
0x14: {  	s2 =	sld [smem:$0x3F97];
	s0 =	simm.s32 @p1 $0x1  }
0x15: {  	[smem:$0x3FB4] =	sst s0;
	s0 =	simm.s32 @!p2 $0x0  }
0x16: {  	s3 =	sld [smem:$0x3FDB];
	s0 =	simm.s32 @p2 $0x1  }
0x17: {  	s4 =	simm.s32 $0x1BF5;
	[smem:$0x3FB6] =	sst s0  }
0x18: {  	s0 =	sld [smem:$0x3F99];
	_ =	swait.ge [sflag:s4], $0x0  }
0x19: {  	s7 =	sld [smem:$0x3F9A]  }
0x1a: {  	s8 =	sadd.s32 $0xFFFFE003, lr  }
0x1b: {  	s9 =	sadd.s32 $0xFFFFFEF7, lr;
	s5 =	simm.s32 $0xFFFFFFFF;
	p2 =	slt.u32 s8, $0xFFFFF086  }
0x1c: {  	p1 =	slt.u32 s9, $0xF7A;
	s5 =	simm.s32 @!p2 $0x0  }
0x1d: {  	s5 =	simm.s32 @p1 $0x1;
	p0 =	seq.s32 s7, s2  }
0x1e: {  	s7 =	smul.u32 @!p0 $0xF7A, s2;
	p2 =	seq.s32 @!p0 s5, $0x0  }
0x1f: {  	s9 =	smul.u32 $0xF7A, s1;
	s8 =	simm.s32 @!p0 $0x1BF5;
	p2 =	por !p2, p0  }
0x20: {  	[sflag:s8] =	ssyncset.s32 @!p0 $0xFFFFF086;
	s6 =	sadd.s32 @!p0 s3, s7;
	s7 =	simm.s32 @!p0 $0x108  }
0x21: {  	s3 =	sadd.s32 s3, s9;
	s6 =	sadd.s32 @!p0 $0x88, s6;
	s7 =	simm.s32 @p2 $0x1082  }
0x22: {  	[simem:s7], [sflag:s8] =	dma.local @!p0 [hbm:s6], $0xF7A  }
0x23: {  	s9 =	sor.u32 $0xD0000000, s2;
	s6 =	simm.s32 $0x108;
	_ =	swait.ge @!p0 [sflag:s8], $0x0  }
0x24: {  	s3 =	sadd.s32 $0x88, s3;
	s6 =	simm.s32 @!p1 $0x1082;
	[sflag:s4] =	ssyncset.s32 $0xFFFFF086  }
0x25: {  	[simem:s6], [sflag:s4] =	dma.local [hbm:s3], $0xF7A  }
0x26: {  	[smem:$0x3F9A] =	sst s1;
	(tag) =	ssettag s2;
	_ =	strace s9  }
0x27: {  	s1 =	sld [smem:$0x3FAA]  }
0x28: {  	s2 =	sld [smem:$0x3FAB]  }
0x29: {  	s4 =	sld [smem:$0x3FAD]  }
0x2a: {  	p0 =	seq.s32 s5, $0x0;
	s5 =	sld [smem:$0x3FAE]  }
0x2b: {  	s6 =	sld [smem:$0x3FAF]  }
0x2c: {  	s7 =	sld [smem:$0x3FB0]  }
0x2d: {  	s3 =	simm.s32 $0x108;
	s8 =	sld [smem:$0x3FB1]  }
0x2e: {  	s3 =	simm.s32 @!p0 $0x1082;
	s9 =	sld [smem:$0x3FB2]  }
0x2f: {  	lr =	sadd.s32 s0, s3;
	s0 =	sld [smem:$0x3FA9]  }
0x30: {  	s3 =	sld [smem:$0x3FAC]  }
0x31: {  	[smem:$0x3FB5] =	sst s10  }
0x32: {  	s10 =	sld [smem:$0x3FB3];
	_ =	sdelay $0x3  }
0x33: {  	p0 =	seq.s32 s10, $0x1;
	s10 =	sld [smem:$0x3FB5];
	_ =	sdelay $0x3  }
0x34: {  	[smem:$0x3FB5] =	sst s10  }
0x35: {  	s10 =	sld [smem:$0x3FB4];
	_ =	sdelay $0x3  }
0x36: {  	p1 =	seq.s32 s10, $0x1;
	s10 =	sld [smem:$0x3FB5];
	_ =	sdelay $0x3  }
0x37: {  	[smem:$0x3FB5] =	sst s10  }
0x38: {  	s10 =	sld [smem:$0x3FB6]  }
0x39: {  	_ = 	snop;
	(pc) =	sbr.ind lr, $3  }
0x3a: {  	_ = 	snop  }
0x3b: {  	_ = 	snop  }
0x3c: {  	p2 =	seq.s32 s10, $0x1;
	s10 =	sld [smem:$0x3FB5]  }
0x3d: {  	_ =	shalt  }
0x3e: {  	_ =	shalt  }
0x3f: {  	_ =	shalt  }
0x40: {  	_ =	shalt  }
0x41: {  	_ =	shalt  }
0x42: {  	_ =	shalt  }
0x43: {  	_ =	shalt  }
0x44: {  	_ =	shalt  }
0x45: {  	_ =	shalt  }
0x46: {  	_ =	shalt  }
0x47: {  	_ =	shalt  }
0x48: {  	_ =	shalt  }
0x49: {  	_ =	shalt  }
0x4a: {  	_ =	shalt  }
0x4b: {  	_ =	shalt  }
0x4c: {  	_ =	shalt  }
0x4d: {  	_ =	shalt  }
0x4e: {  	_ =	shalt  }
0x4f: {  	_ =	shalt  }
0x50: {  	_ =	shalt  }
0x51: {  	_ =	shalt  }
0x52: {  	_ =	shalt  }
0x53: {  	_ =	shalt  }
0x54: {  	_ =	shalt  }
0x55: {  	_ =	shalt  }
0x56: {  	_ =	shalt  }
0x57: {  	_ =	shalt  }
0x58: {  	_ =	shalt  }
0x59: {  	_ =	shalt  }
0x5a: {  	_ =	shalt  }
0x5b: {  	_ =	shalt  }
0x5c: {  	_ =	shalt  }
0x5d: {  	_ =	shalt  }
0x5e: {  	_ =	shalt  }
0x5f: {  	_ =	shalt  }
0x60: {  	_ =	shalt  }
0x61: {  	_ =	shalt  }
0x62: {  	_ =	shalt  }
0x63: {  	_ =	shalt  }
0x64: {  	_ =	shalt  }
0x65: {  	_ =	shalt  }
0x66: {  	_ =	shalt  }
0x67: {  	_ =	shalt  }
0x68: {  	_ =	shalt  }
0x69: {  	_ =	shalt  }
0x6a: {  	_ =	shalt  }
0x6b: {  	_ =	shalt  }
0x6c: {  	_ =	shalt  }
0x6d: {  	_ =	shalt  }
0x6e: {  	_ =	shalt  }
0x6f: {  	_ =	shalt  }
0x70: {  	_ =	shalt  }
0x71: {  	_ =	shalt  }
0x72: {  	_ =	shalt  }
0x73: {  	_ =	shalt  }
0x74: {  	_ =	shalt  }
0x75: {  	_ =	shalt  }
0x76: {  	_ =	shalt  }
0x77: {  	_ =	shalt  }
0x78: {  	_ =	shalt  }
0x79: {  	_ =	shalt  }
0x7a: {  	_ =	shalt  }
0x7b: {  	_ =	shalt  }
0x7c: {  	_ =	shalt  }
0x7d: {  	_ =	shalt  }
0x7e: {  	_ =	shalt  }
0x7f: {  	_ =	shalt  }
0x80: {  	_ =	shalt  }
0x81: {  	_ =	shalt  }
0x82: {  	_ =	shalt  }
0x83: {  	_ =	shalt  }
0x84: {  	_ =	shalt  }
0x85: {  	_ =	shalt  }
0x86: {  	_ =	shalt  }
0x87: {  	_ =	shalt  }
.Lfunc_end0:
.L_simem_size_0:
called_computation.2_lowered:
.L_overlay_start_0:
0x88: {  	s2 =	sld [smem:$0x3FD9]  }
0x89: {  	s3 =	sld [smem:$0x3FFE];
	_ =	sdelay $0x1  }
0x8a: {  	s1 =	srdreg.scid  }
0x8b: {  	s0 =	sand.u32 $0x1, s1  }
0x8c: {  	s17 =	sshll.u32 s0, $0xA;
	s2 =	sadd.s32 s3, s2  }
0x8d: {  	s2 =	sadd.s32 s2, s17  }
0x8e: {  	[smem:$0x3FC1] =	sst s2  }
0x8f: {  	_ = 	snop  }
0x90: {  	s2 =	sld [smem:$0x3FC7]  }
0x91: {  	s18 =	sld [smem:$0x3FD0];
	(tm) =	ssettm $0x1  }
0x92: {  	s4 =	sld [smem:$0x3FFB];
	_ =	sdelay $0x3  }
0x93: {  	_ =	strace s4  }
0x94: {  	s4 =	sld [smem:$0x3FFC];
	_ =	sdelay $0x3  }
0x95: {  	_ =	strace s4  }
0x96: {  	s4 =	sld [smem:$0x3FFD];
	_ =	sdelay $0x3  }
0x97: {  	_ =	strace s4  }
0x98: {  	_ =	strace $0x8FFFFFFF  }
0x99: {  	s19 =	sld [smem:$0x3FDB];
	_ =	sdelay $0x1  }
0x9a: {  	s5 =	simm.s32 $_scs_section_size  }
0x9b: {  	s6 =	simm.s32 $_size__tile_overlayer_lowered;
	s7 =	simm.s32 $_tile_overlayer_lowered  }
0x9c: {  	s22 =	simm.s32 $0x1BFF;
	s21 =	sshll.u32 s7, $0x1;
	s4 =	sadd.s32 s5, s19  }
0x9d: {  	s8 =	simm.s32 $0x0;
	s20 =	sshll.u32 s6, $0x1;
	s6 =	sadd.s32 s21, s4  }
0x9e: {  	[timem:s8], [sflag:s22] =	dma.local [hbm:s6], s20  }
0x9f: {  	_ =	swait.ge [sflag:s22], s20  }
0xa0: {  	s5 =	ssub.s32 $0x0, s20;
	[sflag:s22] =	ssyncset.done $0x0  }
0xa1: {  	[sflag:s22] =	ssyncadd.s32 s5;
	_ =	sdelay $0x1  }
0xa2: {  	s23 =	simm.s32 $0x1B8B  }
0xa3: {  	_ =	swait.ge [sflag:s23], $0x1  }
0xa4: {  	[sflag:s23] =	ssyncset.done $0x0  }
0xa5: {  	s25 =	simm.s32 $0x1B8E;
	s24 =	sld [smem:$0x3FFE];
	[sflag:s23] =	ssyncadd.s32 $0xFFFFFFFF  }
0xa6: {  	s26 =	simm.s32 $execute0_lowered;
	[smem:$0x3FD2] =	sst s25  }
0xa7: {  	s6 =	sshll.u32 s26, $0x1;
	_ =	strace $0x8000004C;
	[dreg:$0x1] =	wrdreg $0xFFFFFFFF  }
0xa8: {  	s28 =	simm.s32 $_size_execute0_lowered;
	s4 =	sadd.s32 s4, s6;
	[dreg:$0x0] =	wrdreg $0x0  }
0xa9: {  	s6 =	sshll.u32 s28, $0x1;
	[dreg:$0x2] =	wrdreg s4  }
0xaa: {  	[dreg:$0x3] =	wrdreg s6  }
0xab: {  	[dreg:$0x4] =	wrdreg $0xC0  }
0xac: {  	_ =	task [dreg:s8], $0x5FFFF  }
0xad: {  	[dreg:$0x1] =	wrdreg $0xFFFFFFFF  }
0xae: {  	[dreg:$0x0] =	wrdreg $0x60  }
0xaf: {  	[dreg:$0x2] =	wrdreg s24  }
0xb0: {  	[dreg:$0x3] =	wrdreg s18  }
0xb1: {  	[dreg:$0x4] =	wrdreg s2  }
0xb2: {  	[dreg:$0x5] =	wrdreg $0xFE600  }
0xb3: {  	[dreg:$0x6] =	wrdreg $0x9  }
0xb4: {  	_ =	task.clear_ibuf [dreg:s8], $0x7FFFF;
	_ =	strace $0x9000004C  }
0xb5: {  	s29 =	simm.s32 $0x9;
	_ =	strace $0x8000004E  }
0xb6: {  	_ =	swait.ge [sflag:s29], $0x1  }
0xb7: {  	[sflag:s29] =	ssyncadd.s32 $0xFFFFFFFF  }
0xb8: {  	_ =	strace $0x9000004E  }
0xb9: {  	_ =	sfence  }
0xba: {  	s30 =	sld [smem:$0x0];
	_ =	sdelay $0x2  }
0xbb: {  	s31 =	sshll.u32 s1, $0xD;
	s1 =	sshrl.u32 s1, $0x2  }
0xbc: {  	s3 =	sand.u32 $0x4000, s31;
	s1 =	sadd.s32 s1, s30  }
0xbd: {  	s0 =	sor.u32 s3, s0;
	s1 =	sshll.u32 s1, $0x11  }
0xbe: {  	s0 =	sor.u32 s1, s0  }
0xbf: {  	s0 =	sadd.s32 $0x8F2B, s0  }
0xc0: {  	[sflag:s0] =	ssyncadd.remote.s32 $0x1  }
0xc1: {  	_ =	sfence.sel $0xFFFF  }
0xc2: {  	[dreg:$0x0] =	wrdreg $0xFFFFFFFF;
	(pc) =	sbr.abs _section_cstart, $3  }
0xc3: {  	[dreg:$0x1] =	wrdreg $0xFFFFFFFF  }
0xc4: {  	_ =	task.clear_ibuf [dreg:s8], $0x2FFFF;
	_ =	strace $0x9FFFFFFF  }
0xc5: {  	(tm) =	ssettm $0x7FFFFFFF  }
tec
execute0_lowered:
.L_overlay_start_1:
0x0: {  	(tag) =	ssettag $0x1  }
0x1: {  	s5 =	rddreg [dreg:$0x0]  }
0x2: {  	s6 =	rddreg [dreg:$0x1]  }
0x3: {  	s7 =	rddreg [dreg:$0x2];
	s0 =	srdreg.scid  }
0x4: {  	s2 =	rddreg [dreg:$0x3];
	s1 =	stileid.u32  }
0x5: {  	s3 =	simm.s32 $0x0;
	s15 =	simm.s32 $0x50;
	s16 =	simm.s32 $0xEA60  }
0x6: {  	s17 =	simm.s32 $0xF460;
	s18 =	simm.s32 $0x1;
	s9 =	smul.u32 $0x5000, s1  }
0x7: {  	s19 =	simm.s32 $0x2;
	s4 =	sand.u32 $0x1, s0;
	s11 =	smul.u32 $0x9C4, s1  }
0x8: {  	s20 =	simm.s32 $0x0;
	s0 =	rddreg [dreg:$0x4];
	s8 =	smul.u32 $0x9C40, s4  }
0x9: {  	[smem:$0x7FF] =	sst s3;
	s31 =	sshll.u32 s1, $0x6;
	s10 =	smul.u32 $0x50000, s4  }
0xa: {  	_ =	strace $0x8000004D;
	s12 =	ssub.s32 $0x2, s4;
	s4 =	sadd.s32 $0x1EA00, s5  }
0xb: {  	s13 =	sadd.s32 s11, s5;
	s14 =	sshrl.u32 s12, $0x1;
	s7 =	sadd.s32 s7, s11  }
0xc: {  	s30 =	sadd.s32 s9, s2;
	s8 =	sadd.s32 s8, s5;
	s10 =	sadd.s32 s9, s10  }
0xd: {  	s12 =	ssub.s32 s12, s14;
	s14 =	sshrl.u32 s30, $0x3;
	s10 =	sshrl.u32 s10, $0x3  }
0xe: {  	s8 =	sadd.s32 $0xB000, s8;
	s10 =	sadd.s32 s10, s5;
	s5 =	sadd.s32 s6, s11  }
0xf: {  	s6 =	sadd.s32 $0x1200, s13;
	s11 =	simm.s32 $0x3;
	s13 =	sor.u32 $0x1C03, s31  }
0x10: {  	s9 =	sadd.s32 $0x1F400, s10;
	s10 =	smax.u32 s12, $0x1;
	s12 =	simm.s32 $0x4E20  }
.LBB2_1:
0x11: {  	[tilespmem:s3], [sflag:$0x3] =	stream.linear.gather [hbm4b:s5+s3], $0x4E20, $0x38;
	[tilespmem:$0x14E60] =	vst v63  }
0x12: {  	_ =	swait.ge [sflag:s11], $0x4E20  }
0x13: {  	[sflag:s11] =	ssyncset.done $0x0  }
0x14: {  	[sflag:s11] =	ssyncadd.s32 $0xFFFFB1E0  }
0x15: {  	[tilespmem:s12], [sflag:$0x3] =	stream.linear.gather [hbm4b:s6+s3], $0x4E20, $0x38;
	[tilespmem:$0x14E60] =	vst v63  }
0x16: {  	_ =	swait.ge [sflag:s11], $0x4E20  }
0x17: {  	[sflag:s11] =	ssyncset.done $0x0  }
0x18: {  	s21 =	simm.s32 $0x9C40;
	[sflag:s11] =	ssyncadd.s32 $0xFFFFB1E0  }
0x19: {  	[tilespmem:s21], [sflag:$0x3] =	stream.linear.gather [hbm4b:s7+s3], $0x4E20, $0x38;
	[tilespmem:$0x14E60] =	vst v63  }
0x1a: {  	_ =	swait.ge [sflag:s11], $0x4E20  }
0x1b: {  	[sflag:s11] =	ssyncset.done $0x0  }
0x1c: {  	[sflag:s11] =	ssyncadd.s32 $0xFFFFB1E0  }
0x1d: {  	[spmem:s14], [sflag:s13] =	dma.local [hbm:s4], $0xA00  }
0x1e: {  	_ =	swait.ge [sflag:s11], $0xA00  }
0x1f: {  	[sflag:s11] =	ssyncset.done $0x0  }
0x20: {  	[sflag:s11] =	ssyncadd.s32 $0xFFFFF600  }
0x21: {  	s22 =	simm.s32 $0x9C90;
	s23 =	simm.s32 $0x0;
	[bflag:$0x0] =	sbarrier.arrive $0xFFFF  }
.LBB2_2:
0x22: {  	s25 =	smul.u32 $0xA0, s23;
	_ =	sdelay $0x1  }
0x23: {  	[tilespmem:s16], [sflag:$0x1] =	stream.indirect.gather [hbm4b:s8+s15], $0x20, s25, s15, $0xb8;
	[tilespmem:$0x14E60] =	vst v63  }
0x24: {  	s24 =	sadd.s32 $0x50, s25  }
0x25: {  	[tilespmem:s17], [sflag:$0x2] =	stream.indirect.gather [hbm4b:s8+s15], $0x20, s24, s15, $0xb8;
	[tilespmem:$0x14E60] =	vst v63  }
0x26: {  	_ =	swait.ge [sflag:s18], $0xA00  }
0x27: {  	[sflag:s18] =	ssyncset.done $0x0  }
0x28: {  	s26 =	simm.s32 $0xEB60;
	[sflag:s18] =	ssyncadd.s32 $0xFFFFF600  }
0x29: {  	v6 =	vld [tilespmem:s26+$0xFFFFFFA0]  }
0x2a: {  	v3 =	vld [tilespmem:s26+$0xFFFFFFF0]  }
0x2b: {  	v0 =	vld [tilespmem:s26+$0xFFFFFF60]  }
0x2c: {  	v4 =	vmov s21;
	v7 =	vld [tilespmem:s26+$0xFFFFFFD0]  }
0x2d: {  	v8 =	vld [tilespmem:s26+$0x80]  }
0x2e: {  	v11 =	vld [tilespmem:s26+$0xFFFFFF10]  }
0x2f: {  	v15 =	vld [tilespmem:s26+$0xE0]  }
0x30: {  	s28 =	simm.s32 $0x0;
	v10 =	vld [tilespmem:s26+$0xFFFFFF40]  }
0x31: {  	v1 =	vld.idx.msk [tilespmem:v4+s28+$0x0 ss:$0x1], $0xffff  }
0x32: {  	v2 =	vld [tilespmem:s26+$0xFFFFFF90]  }
0x33: {  	v9 =	vld [tilespmem:s26+$0xFFFFFFC0]  }
0x34: {  	v12 =	vld [tilespmem:s26+$0xFFFFFF00]  }
0x35: {  	v13 =	vld [tilespmem:s26+$0xD0]  }
0x36: {  	v22 =	vld [tilespmem:s26+$0xC0]  }
0x37: {  	v20 =	vld [tilespmem:s26+$0x90];
	v18 =	vbroadcast v1, $0x0;
	v5 =	vbroadcast v1, $0xF  }
0x38: {  	v21 =	vld [tilespmem:s26+$0xFFFFFF50];
	v19 =	vbroadcast v1, $0x2;
	v17 =	vbroadcast v1, $0xE  }
0x39: {  	v16 =	vld [tilespmem:s26+$0xB0];
	v14 =	vbroadcast v1, $0xC;
	v24 =	vmul.f32 v18, v12  }
0x3a: {  	s29 =	simm.s32 $0xEB60;
	s28 =	simm.s32 $0x40;
	v12 =	vbroadcast v1, $0xD;
	v23 =	vmul.f32 v10, v19;
	v10 =	vld [tilespmem:s26+$0x60]  }
.LBB2_3:
0x3b: {  	p0 =	sne.s32 s28, $0x100  }
0x3c: {  	[tilespmem:s26+$0xFFFFFF00] =	vst v24;
	v24 =	vld [tilespmem:s26+$0xFFFFFFB0];
	v22 =	vmul.f32 v22, v17;
	v15 =	vmul.f32 v15, v5;
	s29 =	sadd.s32 $0x200, s29;
	s30 =	smov.u32 s28;
	s28 =	sadd.s32 $0x40, s28  }
0x3d: {  	[tilespmem:s26+$0xFFFFFF40] =	vst v23;
	v23 =	vbroadcast v1, $0xA;
	v20 =	vmul.f32 v20, v14;
	v25 =	vld [tilespmem:s26+$0xA0]  }
0x3e: {  	v11 =	vmul.f32 v11, v18;
	v18 =	vmul.f32 v21, v19;
	v19 =	vld [tilespmem:s26+$0x70];
	[tilespmem:s26+$0xE0] =	vst v15  }
0x3f: {  	v15 =	vbroadcast v1, $0x5;
	v21 =	vld [tilespmem:s26+$0xFFFFFFE0];
	v16 =	vmul.f32 v16, v12;
	[tilespmem:s26+$0xC0] =	vst v22  }
0x40: {  	v13 =	vmul.f32 v13, v17;
	[tilespmem:s26+$0xFFFFFF10] =	vst v11;
	v11 =	vbroadcast v1, $0x6;
	v22 =	vld [tilespmem:s26+$0x40]  }
0x41: {  	v26 =	vbroadcast v1, $0xB;
	v6 =	vmul.f32 v6, v15;
	v17 =	vld [tilespmem:s26+$0xFFFFFF20];
	[tilespmem:s26+$0x90] =	vst v20  }
0x42: {  	v20 =	vbroadcast v1, $0x9;
	[tilespmem:s26+$0xFFFFFF50] =	vst v18;
	v18 =	vld [tilespmem:s26+$0x20];
	v12 =	vmul.f32 v25, v12  }
0x43: {  	v15 =	vmul.f32 v24, v15;
	v24 =	vld [tilespmem:s26+$0x50];
	v19 =	vmul.f32 v19, v26;
	[tilespmem:s26+$0xD0] =	vst v13  }
0x44: {  	v8 =	vmul.f32 v8, v14;
	v13 =	vbroadcast v1, $0x7;
	v25 =	vld [tilespmem:s26+$0x30];
	[tilespmem:s26+$0xA0] =	vst v12  }
0x45: {  	v9 =	vmul.f32 v9, v11;
	v12 =	vbroadcast v1, $0x3;
	v14 =	vld [tilespmem:s26+$0x0];
	[tilespmem:s26+$0x70] =	vst v19  }
0x46: {  	v10 =	vmul.f32 v10, v26;
	v7 =	vmul.f32 v7, v11;
	v11 =	vld [tilespmem:s26+$0x10];
	[tilespmem:s26+$0x80] =	vst v8  }
0x47: {  	v19 =	vbroadcast v1, $0x8;
	v22 =	vmul.f32 v22, v23;
	v8 =	vld [tilespmem:s26+$0xFFFFFF30];
	[tilespmem:s26+$0xB0] =	vst v16  }
0x48: {  	v16 =	vbroadcast v1, $0x1;
	v26 =	vld [tilespmem:s26+$0xFFFFFF70];
	[tilespmem:s26+$0xFFFFFFD0] =	vst v7;
	v23 =	vmul.f32 v24, v23  }
0x49: {  	v3 =	vmul.f32 v3, v13;
	v7 =	vmul.f32 v21, v13;
	[tilespmem:s26+$0xFFFFFFC0] =	vst v9;
	v9 =	vld [tilespmem:s26+$0xF0]  }
0x4a: {  	v21 =	vmul.f32 v25, v20;
	v13 =	vld [tilespmem:s26+$0xFFFFFF80];
	[tilespmem:s26+$0xFFFFFFA0] =	vst v6;
	v14 =	vmul.f32 v14, v19  }
0x4b: {  	v6 =	vld [tilespmem:s29+$0xFFFFFFA0];
	[tilespmem:s26+$0xFFFFFFF0] =	vst v3;
	v19 =	vmul.f32 v11, v19;
	v11 =	vmul.f32 v18, v20  }
0x4c: {  	v3 =	vmul.f32 v17, v16;
	v16 =	vmul.f32 v8, v16;
	[tilespmem:s26+$0x60] =	vst v10  }
0x4d: {  	v0 =	vmul.f32 v0, v12;
	v8 =	vmul.f32 v26, v12;
	[tilespmem:s26+$0xFFFFFFB0] =	vst v15  }
0x4e: {  	v1 =	vbroadcast v1, $0x4;
	[tilespmem:s26+$0xFFFFFF20] =	vst v3;
	v3 =	vmul.f32 v9, v5  }
0x4f: {  	[tilespmem:s26+$0xFFFFFF60] =	vst v0  }
0x50: {  	v5 =	vmul.f32 v13, v1;
	v0 =	vmul.f32 v2, v1;
	[tilespmem:s26+$0x40] =	vst v22  }
0x51: {  	[tilespmem:s26+$0xFFFFFFE0] =	vst v7  }
0x52: {  	[tilespmem:s26+$0xF0] =	vst v3  }
0x53: {  	[tilespmem:s26+$0xFFFFFF90] =	vst v0  }
0x54: {  	[tilespmem:s26+$0xFFFFFF70] =	vst v8  }
0x55: {  	v3 =	vld [tilespmem:s29+$0xFFFFFFF0];
	[tilespmem:s26+$0x20] =	vst v11  }
0x56: {  	v0 =	vld [tilespmem:s29+$0xFFFFFF60];
	[tilespmem:s26+$0x30] =	vst v21  }
0x57: {  	v7 =	vld [tilespmem:s29+$0xFFFFFFD0];
	[tilespmem:s26+$0xFFFFFF80] =	vst v5  }
0x58: {  	v8 =	vld [tilespmem:s29+$0x80];
	[tilespmem:s26+$0x50] =	vst v23  }
0x59: {  	v11 =	vld [tilespmem:s29+$0xFFFFFF10];
	[tilespmem:s26+$0x0] =	vst v14  }
0x5a: {  	v15 =	vld [tilespmem:s29+$0xE0];
	[tilespmem:s26+$0xFFFFFF30] =	vst v16  }
0x5b: {  	s30 =	sshra.s32 s30, $0x2;
	v10 =	vld [tilespmem:s29+$0xFFFFFF40];
	[tilespmem:s26+$0x10] =	vst v19;
	s26 =	smov.u32 s29  }
0x5c: {  	v1 =	vld.idx.msk [tilespmem:v4+s30+$0x0 ss:$0x1], $0xffff  }
0x5d: {  	v2 =	vld [tilespmem:s29+$0xFFFFFF90]  }
0x5e: {  	v9 =	vld [tilespmem:s29+$0xFFFFFFC0]  }
0x5f: {  	v12 =	vld [tilespmem:s29+$0xFFFFFF00]  }
0x60: {  	v13 =	vld [tilespmem:s29+$0xD0]  }
.Ltmp0:
0x61: {  	v22 =	vld [tilespmem:s29+$0xC0];
	(pc) =	sbr.rel @p0 .LBB2_3-.Ltmp0, $4  }
0x62: {  	v18 =	vbroadcast v1, $0x0;
	v5 =	vbroadcast v1, $0xF;
	v20 =	vld [tilespmem:s29+$0x90]  }
0x63: {  	v19 =	vbroadcast v1, $0x2;
	v17 =	vbroadcast v1, $0xE;
	v21 =	vld [tilespmem:s29+$0xFFFFFF50]  }
0x64: {  	v24 =	vmul.f32 v18, v12;
	v12 =	vbroadcast v1, $0xD;
	v16 =	vld [tilespmem:s29+$0xB0]  }
0x65: {  	v14 =	vbroadcast v1, $0xC;
	v23 =	vmul.f32 v10, v19;
	v10 =	vld [tilespmem:s29+$0x60]  }
0x66: {  	[tilespmem:s26+$0xFFFFFF00] =	vst v24;
	v4 =	vmul.f32 v15, v5  }
0x67: {  	v15 =	vmul.f32 v22, v17;
	[tilespmem:s26+$0xFFFFFF40] =	vst v23  }
0x68: {  	v11 =	vmul.f32 v11, v18;
	[tilespmem:s26+$0xE0] =	vst v4  }
0x69: {  	v22 =	vld [tilespmem:s26+$0xA0];
	v8 =	vmul.f32 v8, v14;
	[tilespmem:s26+$0xC0] =	vst v15  }
0x6a: {  	v18 =	vld [tilespmem:s26+$0x70];
	v4 =	vmul.f32 v20, v14;
	v19 =	vmul.f32 v21, v19;
	[tilespmem:s26+$0xFFFFFF10] =	vst v11  }
0x6b: {  	v11 =	vmul.f32 v13, v17;
	v17 =	vbroadcast v1, $0xB;
	[tilespmem:s26+$0x80] =	vst v8  }
0x6c: {  	[tilespmem:s26+$0x90] =	vst v4  }
0x6d: {  	[tilespmem:s26+$0xFFFFFF50] =	vst v19;
	v10 =	vmul.f32 v10, v17  }
0x6e: {  	[tilespmem:s26+$0xD0] =	vst v11;
	v19 =	vmul.f32 v22, v12  }
0x6f: {  	v8 =	vbroadcast v1, $0x7;
	v18 =	vmul.f32 v18, v17;
	[tilespmem:s26+$0x60] =	vst v10  }
0x70: {  	v13 =	vld [tilespmem:s26+$0xFFFFFF20];
	v11 =	vbroadcast v1, $0x6;
	v12 =	vmul.f32 v16, v12;
	[tilespmem:s26+$0xA0] =	vst v19  }
0x71: {  	v15 =	vld [tilespmem:s26+$0xFFFFFFB0];
	v3 =	vmul.f32 v3, v8;
	[tilespmem:s26+$0x70] =	vst v18  }
0x72: {  	v4 =	vld [tilespmem:s26+$0xFFFFFFE0];
	v16 =	vbroadcast v1, $0x5;
	v7 =	vmul.f32 v7, v11;
	[tilespmem:s26+$0xB0] =	vst v12  }
0x73: {  	v17 =	vbroadcast v1, $0x1;
	v9 =	vmul.f32 v9, v11;
	[tilespmem:s26+$0xFFFFFFF0] =	vst v3  }
0x74: {  	v20 =	vld [tilespmem:s26+$0x40];
	v6 =	vmul.f32 v6, v16;
	[tilespmem:s26+$0xFFFFFFD0] =	vst v7  }
0x75: {  	v13 =	vmul.f32 v13, v17;
	[tilespmem:s26+$0xFFFFFFC0] =	vst v9  }
0x76: {  	v12 =	vld [tilespmem:s26+$0xFFFFFF70];
	[tilespmem:s26+$0xFFFFFFA0] =	vst v6;
	v6 =	vmul.f32 v15, v16;
	v15 =	vbroadcast v1, $0x3  }
0x77: {  	v3 =	vbroadcast v1, $0xA;
	v16 =	vld [tilespmem:s26+$0xF0];
	[tilespmem:s26+$0xFFFFFF20] =	vst v13;
	v4 =	vmul.f32 v4, v8  }
0x78: {  	v7 =	vld [tilespmem:s26+$0xFFFFFF80];
	v8 =	vbroadcast v1, $0x4;
	v0 =	vmul.f32 v0, v15;
	[tilespmem:s26+$0xFFFFFFB0] =	vst v6  }
0x79: {  	v14 =	vld [tilespmem:s26+$0x20];
	v6 =	vmul.f32 v20, v3;
	[tilespmem:s26+$0xFFFFFFE0] =	vst v4  }
0x7a: {  	v18 =	vld [tilespmem:s26+$0x30];
	v2 =	vmul.f32 v2, v8;
	[tilespmem:s26+$0xFFFFFF60] =	vst v0  }
0x7b: {  	v21 =	vld [tilespmem:s26+$0x50];
	v4 =	vmul.f32 v12, v15;
	[tilespmem:s26+$0x40] =	vst v6  }
0x7c: {  	v11 =	vld [tilespmem:s26+$0x0];
	[tilespmem:s26+$0xFFFFFF90] =	vst v2;
	v0 =	vmul.f32 v16, v5;
	v5 =	vbroadcast v1, $0x9  }
0x7d: {  	v10 =	vld [tilespmem:s26+$0xFFFFFF30];
	[tilespmem:s26+$0xFFFFFF70] =	vst v4;
	v4 =	vmul.f32 v7, v8  }
0x7e: {  	v9 =	vld [tilespmem:s26+$0x10];
	[tilespmem:s26+$0xF0] =	vst v0;
	v0 =	vmul.f32 v14, v5  }
0x7f: {  	v1 =	vbroadcast v1, $0x8;
	v2 =	vmul.f32 v18, v5;
	[tilespmem:s26+$0xFFFFFF80] =	vst v4  }
0x80: {  	[tilespmem:s26+$0x20] =	vst v0;
	v0 =	vmul.f32 v21, v3  }
0x81: {  	[tilespmem:s26+$0x30] =	vst v2;
	v2 =	vmul.f32 v11, v1  }
0x82: {  	v3 =	vmul.f32 v10, v17;
	[tilespmem:s26+$0x50] =	vst v0  }
0x83: {  	v0 =	vmul.f32 v9, v1;
	[tilespmem:s26+$0x0] =	vst v2  }
0x84: {  	[tilespmem:s26+$0xFFFFFF30] =	vst v3  }
0x85: {  	s25 =	sadd.s32 $0x4E20, s25;
	[tilespmem:s26+$0x10] =	vst v0  }
0x86: {  	[spmem:s2] =	stream.indirect.scatter.add.f32 [tilespmem:s16], [sflag:$0x3], $0x20, s25, s15, $0xb8;
	[tilespmem:$0x14E60] =	vst v63  }
0x87: {  	_ =	swait.ge [sflag:s11], $0xA00  }
0x88: {  	[sflag:s11] =	ssyncset.done $0x0  }
0x89: {  	[sflag:s11] =	ssyncadd.s32 $0xFFFFF600  }
0x8a: {  	_ =	swait.ge [sflag:s19], $0xA00  }
0x8b: {  	[sflag:s19] =	ssyncset.done $0x0  }
0x8c: {  	s25 =	simm.s32 $0xF560;
	[sflag:s19] =	ssyncadd.s32 $0xFFFFF600  }
0x8d: {  	v6 =	vld [tilespmem:s25+$0xFFFFFFA0]  }
0x8e: {  	v3 =	vld [tilespmem:s25+$0xFFFFFFF0]  }
0x8f: {  	v0 =	vld [tilespmem:s25+$0xFFFFFF60]  }
0x90: {  	v4 =	vmov s22;
	v7 =	vld [tilespmem:s25+$0xFFFFFFD0]  }
0x91: {  	v8 =	vld [tilespmem:s25+$0x80]  }
0x92: {  	v11 =	vld [tilespmem:s25+$0xFFFFFF10]  }
0x93: {  	v15 =	vld [tilespmem:s25+$0xE0]  }
0x94: {  	s31 =	simm.s32 $0x0;
	v10 =	vld [tilespmem:s25+$0xFFFFFF40]  }
0x95: {  	v1 =	vld.idx.msk [tilespmem:v4+s31+$0x0 ss:$0x1], $0xffff  }
0x96: {  	v2 =	vld [tilespmem:s25+$0xFFFFFF90]  }
0x97: {  	v9 =	vld [tilespmem:s25+$0xFFFFFFC0]  }
0x98: {  	v12 =	vld [tilespmem:s25+$0xFFFFFF00]  }
0x99: {  	v13 =	vld [tilespmem:s25+$0xD0]  }
0x9a: {  	v22 =	vld [tilespmem:s25+$0xC0]  }
0x9b: {  	v20 =	vld [tilespmem:s25+$0x90];
	v18 =	vbroadcast v1, $0x0;
	v5 =	vbroadcast v1, $0xF  }
0x9c: {  	v21 =	vld [tilespmem:s25+$0xFFFFFF50];
	v19 =	vbroadcast v1, $0x2;
	v17 =	vbroadcast v1, $0xE  }
0x9d: {  	v16 =	vld [tilespmem:s25+$0xB0];
	v14 =	vbroadcast v1, $0xC;
	v24 =	vmul.f32 v18, v12  }
0x9e: {  	s28 =	simm.s32 $0xF560;
	s26 =	simm.s32 $0x40;
	v12 =	vbroadcast v1, $0xD;
	v23 =	vmul.f32 v10, v19;
	v10 =	vld [tilespmem:s25+$0x60]  }
.LBB2_5:
0x9f: {  	p0 =	sne.s32 s26, $0x100  }
0xa0: {  	[tilespmem:s25+$0xFFFFFF00] =	vst v24;
	v24 =	vld [tilespmem:s25+$0xFFFFFFB0];
	v22 =	vmul.f32 v22, v17;
	v15 =	vmul.f32 v15, v5;
	s28 =	sadd.s32 $0x200, s28;
	s29 =	smov.u32 s26;
	s26 =	sadd.s32 $0x40, s26  }
0xa1: {  	[tilespmem:s25+$0xFFFFFF40] =	vst v23;
	v23 =	vbroadcast v1, $0xA;
	v20 =	vmul.f32 v20, v14;
	v25 =	vld [tilespmem:s25+$0xA0]  }
0xa2: {  	v11 =	vmul.f32 v11, v18;
	v18 =	vmul.f32 v21, v19;
	v19 =	vld [tilespmem:s25+$0x70];
	[tilespmem:s25+$0xE0] =	vst v15  }
0xa3: {  	v15 =	vbroadcast v1, $0x5;
	v21 =	vld [tilespmem:s25+$0xFFFFFFE0];
	v16 =	vmul.f32 v16, v12;
	[tilespmem:s25+$0xC0] =	vst v22  }
0xa4: {  	v13 =	vmul.f32 v13, v17;
	[tilespmem:s25+$0xFFFFFF10] =	vst v11;
	v11 =	vbroadcast v1, $0x6;
	v22 =	vld [tilespmem:s25+$0x40]  }
0xa5: {  	v26 =	vbroadcast v1, $0xB;
	v6 =	vmul.f32 v6, v15;
	v17 =	vld [tilespmem:s25+$0xFFFFFF20];
	[tilespmem:s25+$0x90] =	vst v20  }
0xa6: {  	v20 =	vbroadcast v1, $0x9;
	[tilespmem:s25+$0xFFFFFF50] =	vst v18;
	v18 =	vld [tilespmem:s25+$0x20];
	v12 =	vmul.f32 v25, v12  }
0xa7: {  	v15 =	vmul.f32 v24, v15;
	v24 =	vld [tilespmem:s25+$0x50];
	v19 =	vmul.f32 v19, v26;
	[tilespmem:s25+$0xD0] =	vst v13  }
0xa8: {  	v8 =	vmul.f32 v8, v14;
	v13 =	vbroadcast v1, $0x7;
	v25 =	vld [tilespmem:s25+$0x30];
	[tilespmem:s25+$0xA0] =	vst v12  }
0xa9: {  	v9 =	vmul.f32 v9, v11;
	v12 =	vbroadcast v1, $0x3;
	v14 =	vld [tilespmem:s25+$0x0];
	[tilespmem:s25+$0x70] =	vst v19  }
0xaa: {  	v10 =	vmul.f32 v10, v26;
	v7 =	vmul.f32 v7, v11;
	v11 =	vld [tilespmem:s25+$0x10];
	[tilespmem:s25+$0x80] =	vst v8  }
0xab: {  	v19 =	vbroadcast v1, $0x8;
	v22 =	vmul.f32 v22, v23;
	v8 =	vld [tilespmem:s25+$0xFFFFFF30];
	[tilespmem:s25+$0xB0] =	vst v16  }
0xac: {  	v16 =	vbroadcast v1, $0x1;
	v26 =	vld [tilespmem:s25+$0xFFFFFF70];
	[tilespmem:s25+$0xFFFFFFD0] =	vst v7;
	v23 =	vmul.f32 v24, v23  }
0xad: {  	v3 =	vmul.f32 v3, v13;
	v7 =	vmul.f32 v21, v13;
	[tilespmem:s25+$0xFFFFFFC0] =	vst v9;
	v9 =	vld [tilespmem:s25+$0xF0]  }
0xae: {  	v21 =	vmul.f32 v25, v20;
	v13 =	vld [tilespmem:s25+$0xFFFFFF80];
	[tilespmem:s25+$0xFFFFFFA0] =	vst v6;
	v14 =	vmul.f32 v14, v19  }
0xaf: {  	v6 =	vld [tilespmem:s28+$0xFFFFFFA0];
	[tilespmem:s25+$0xFFFFFFF0] =	vst v3;
	v19 =	vmul.f32 v11, v19;
	v11 =	vmul.f32 v18, v20  }
0xb0: {  	v3 =	vmul.f32 v17, v16;
	v16 =	vmul.f32 v8, v16;
	[tilespmem:s25+$0x60] =	vst v10  }
0xb1: {  	v0 =	vmul.f32 v0, v12;
	v8 =	vmul.f32 v26, v12;
	[tilespmem:s25+$0xFFFFFFB0] =	vst v15  }
0xb2: {  	v1 =	vbroadcast v1, $0x4;
	[tilespmem:s25+$0xFFFFFF20] =	vst v3;
	v3 =	vmul.f32 v9, v5  }
0xb3: {  	[tilespmem:s25+$0xFFFFFF60] =	vst v0  }
0xb4: {  	v5 =	vmul.f32 v13, v1;
	v0 =	vmul.f32 v2, v1;
	[tilespmem:s25+$0x40] =	vst v22  }
0xb5: {  	[tilespmem:s25+$0xFFFFFFE0] =	vst v7  }
0xb6: {  	[tilespmem:s25+$0xF0] =	vst v3  }
0xb7: {  	[tilespmem:s25+$0xFFFFFF90] =	vst v0  }
0xb8: {  	[tilespmem:s25+$0xFFFFFF70] =	vst v8  }
0xb9: {  	v3 =	vld [tilespmem:s28+$0xFFFFFFF0];
	[tilespmem:s25+$0x20] =	vst v11  }
0xba: {  	v0 =	vld [tilespmem:s28+$0xFFFFFF60];
	[tilespmem:s25+$0x30] =	vst v21  }
0xbb: {  	v7 =	vld [tilespmem:s28+$0xFFFFFFD0];
	[tilespmem:s25+$0xFFFFFF80] =	vst v5  }
0xbc: {  	v8 =	vld [tilespmem:s28+$0x80];
	[tilespmem:s25+$0x50] =	vst v23  }
0xbd: {  	v11 =	vld [tilespmem:s28+$0xFFFFFF10];
	[tilespmem:s25+$0x0] =	vst v14  }
0xbe: {  	v15 =	vld [tilespmem:s28+$0xE0];
	[tilespmem:s25+$0xFFFFFF30] =	vst v16  }
0xbf: {  	s29 =	sshra.s32 s29, $0x2;
	v10 =	vld [tilespmem:s28+$0xFFFFFF40];
	[tilespmem:s25+$0x10] =	vst v19;
	s25 =	smov.u32 s28  }
0xc0: {  	v1 =	vld.idx.msk [tilespmem:v4+s29+$0x0 ss:$0x1], $0xffff  }
0xc1: {  	v2 =	vld [tilespmem:s28+$0xFFFFFF90]  }
0xc2: {  	v9 =	vld [tilespmem:s28+$0xFFFFFFC0]  }
0xc3: {  	v12 =	vld [tilespmem:s28+$0xFFFFFF00]  }
0xc4: {  	v13 =	vld [tilespmem:s28+$0xD0]  }
.Ltmp1:
0xc5: {  	v22 =	vld [tilespmem:s28+$0xC0];
	(pc) =	sbr.rel @p0 .LBB2_5-.Ltmp1, $4  }
0xc6: {  	v18 =	vbroadcast v1, $0x0;
	v5 =	vbroadcast v1, $0xF;
	v20 =	vld [tilespmem:s28+$0x90]  }
0xc7: {  	v19 =	vbroadcast v1, $0x2;
	v17 =	vbroadcast v1, $0xE;
	v21 =	vld [tilespmem:s28+$0xFFFFFF50]  }
0xc8: {  	v24 =	vmul.f32 v18, v12;
	v12 =	vbroadcast v1, $0xD;
	v16 =	vld [tilespmem:s28+$0xB0]  }
0xc9: {  	v14 =	vbroadcast v1, $0xC;
	v23 =	vmul.f32 v10, v19;
	v10 =	vld [tilespmem:s28+$0x60]  }
0xca: {  	[tilespmem:s25+$0xFFFFFF00] =	vst v24;
	v4 =	vmul.f32 v15, v5  }
0xcb: {  	v63 =	vmul.f32 v22, v17;
	[tilespmem:s25+$0xFFFFFF40] =	vst v23  }
0xcc: {  	v11 =	vmul.f32 v11, v18;
	[tilespmem:s25+$0xE0] =	vst v4  }
0xcd: {  	v28 =	vmul.f32 v13, v17;
	[tilespmem:s25+$0xC0] =	vst v63  }
0xce: {  	v26 =	vmul.f32 v20, v14;
	[tilespmem:s25+$0xFFFFFF10] =	vst v11  }
0xcf: {  	v34 =	vbroadcast v1, $0x6;
	v8 =	vmul.f32 v8, v14;
	[tilespmem:s25+$0xD0] =	vst v28  }
0xd0: {  	v19 =	vmul.f32 v21, v19;
	[tilespmem:s25+$0x90] =	vst v26  }
0xd1: {  	v38 =	vbroadcast v1, $0x5;
	v7 =	vmul.f32 v7, v34;
	[tilespmem:s25+$0x80] =	vst v8  }
0xd2: {  	v40 =	vbroadcast v1, $0x7;
	v9 =	vmul.f32 v9, v34;
	[tilespmem:s25+$0xFFFFFF50] =	vst v19  }
0xd3: {  	v47 =	vbroadcast v1, $0x3;
	v6 =	vmul.f32 v6, v38;
	[tilespmem:s25+$0xFFFFFFD0] =	vst v7  }
0xd4: {  	v24 =	vld [tilespmem:s25+$0xA0];
	v52 =	vbroadcast v1, $0x4;
	v3 =	vmul.f32 v3, v40;
	[tilespmem:s25+$0xFFFFFFC0] =	vst v9  }
0xd5: {  	v25 =	vld [tilespmem:s25+$0x70];
	v0 =	vmul.f32 v0, v47;
	[tilespmem:s25+$0xFFFFFFA0] =	vst v6  }
0xd6: {  	v27 =	vld [tilespmem:s25+$0xFFFFFFB0];
	v30 =	vbroadcast v1, $0xB;
	v2 =	vmul.f32 v2, v52;
	[tilespmem:s25+$0xFFFFFFF0] =	vst v3  }
0xd7: {  	v29 =	vld [tilespmem:s25+$0xFFFFFF20];
	v36 =	vmul.f32 v16, v12;
	[tilespmem:s25+$0xFFFFFF60] =	vst v0  }
0xd8: {  	v33 =	vld [tilespmem:s25+$0x40];
	v10 =	vmul.f32 v10, v30;
	[tilespmem:s25+$0xFFFFFF90] =	vst v2  }
0xd9: {  	v31 =	vld [tilespmem:s25+$0xFFFFFFE0];
	v32 =	vmul.f32 v24, v12;
	[tilespmem:s25+$0xB0] =	vst v36  }
0xda: {  	v45 =	vbroadcast v1, $0x1;
	v48 =	vld [tilespmem:s25+$0xF0];
	v18 =	vmul.f32 v25, v30;
	[tilespmem:s25+$0x60] =	vst v10  }
0xdb: {  	v42 =	vld [tilespmem:s25+$0xFFFFFF70];
	v49 =	vbroadcast v1, $0xA;
	v46 =	vmul.f32 v27, v38;
	[tilespmem:s25+$0xA0] =	vst v32  }
0xdc: {  	v37 =	vld [tilespmem:s25+$0x20];
	v13 =	vmul.f32 v29, v45;
	[tilespmem:s25+$0x70] =	vst v18  }
0xdd: {  	v39 =	vld [tilespmem:s25+$0x30];
	v51 =	vmul.f32 v33, v49;
	[tilespmem:s25+$0xFFFFFFB0] =	vst v46  }
0xde: {  	v43 =	vld [tilespmem:s25+$0xFFFFFF80];
	v4 =	vmul.f32 v31, v40;
	[tilespmem:s25+$0xFFFFFF20] =	vst v13  }
0xdf: {  	v35 =	vld [tilespmem:s25+$0x50];
	v54 =	vbroadcast v1, $0x9;
	v53 =	vmul.f32 v48, v5;
	[tilespmem:s25+$0x40] =	vst v51  }
0xe0: {  	v41 =	vld [tilespmem:s25+$0x0];
	v55 =	vmul.f32 v42, v47;
	[tilespmem:s25+$0xFFFFFFE0] =	vst v4  }
0xe1: {  	v50 =	vld [tilespmem:s25+$0xFFFFFF30];
	v56 =	vmul.f32 v37, v54;
	[tilespmem:s25+$0xF0] =	vst v53  }
0xe2: {  	v44 =	vld [tilespmem:s25+$0x10];
	v57 =	vmul.f32 v39, v54;
	[tilespmem:s25+$0xFFFFFF70] =	vst v55  }
0xe3: {  	v58 =	vbroadcast v1, $0x8;
	v59 =	vmul.f32 v43, v52;
	[tilespmem:s25+$0x20] =	vst v56  }
0xe4: {  	v60 =	vmul.f32 v35, v49;
	[tilespmem:s25+$0x30] =	vst v57  }
0xe5: {  	v61 =	vmul.f32 v41, v58;
	[tilespmem:s25+$0xFFFFFF80] =	vst v59  }
0xe6: {  	v62 =	vmul.f32 v50, v45;
	[tilespmem:s25+$0x50] =	vst v60  }
0xe7: {  	s23 =	sadd.s32 $0x1, s23;
	v63 =	vmul.f32 v44, v58;
	[tilespmem:s25+$0x0] =	vst v61  }
0xe8: {  	p0 =	sne.s32 s23, $0x7D;
	[tilespmem:s25+$0xFFFFFF30] =	vst v62  }
.Ltmp2:
0xe9: {  	s24 =	sadd.s32 $0x4E20, s24;
	[tilespmem:s25+$0x10] =	vst v63;
	(pc) =	sbr.rel @p0 .LBB2_2-.Ltmp2, $4  }
0xea: {  	[spmem:s2] =	stream.indirect.scatter.add.f32 [tilespmem:s17], [sflag:$0x3], $0x20, s24, s15, $0xb8;
	[tilespmem:$0x14E60] =	vst v63  }
0xeb: {  	_ =	swait.ge [sflag:s11], $0xA00  }
0xec: {  	[sflag:s11] =	ssyncset.done $0x0  }
0xed: {  	s21 =	sadd.s32 $0xA0, s21;
	s22 =	sadd.s32 $0xA0, s22;
	[sflag:s11] =	ssyncadd.s32 $0xFFFFF600  }
0xee: {  	s20 =	sadd.s32 $0x1, s20  }
0xef: {  	p0 =	sne.s32 s20, s10  }
.Ltmp3:
0xf0: {  	[bflag:$0x0] =	sbarrier.arrive $0xFFFF;
	(pc) =	sbr.rel @p0 .LBB2_1-.Ltmp3, $4  }
0xf1: {  	[hbm:s9], [sflag:s13] =	dma.local [spmem:s14], $0xA00  }
0xf2: {  	_ =	swait.ge [sflag:s11], $0xA00  }
0xf3: {  	[sflag:s11] =	ssyncset.done $0x0  }
0xf4: {  	[sflag:s11] =	ssyncadd.s32 $0xFFFFF600  }
0xf5: {  	_ =	sfence.sel $0x180000  }
0xf6: {  	[bflag:$0x0] =	sbarrier.arrive $0xFFFF  }
0xf7: {  	p0 =	sne.s32 s1, $0x0;
	_ =	strace $0x9000004D  }
0xf8: {  	s0 =	sadd.s32 @!p0 $0x100000, s0;
	[bflag:$0x2] =	sbarrier.arrive $0xFFFF  }
0xf9: {  	[sflag:s0] =	ssyncadd.tile.s32 @!p0 $0x1;
	_ =	shalt  }
.Lfunc_end2:
_tile_overlayer_lowered:
.L_overlay_start_2:
0xfa: {  	(tag) =	ssettag $0x2  }
0xfb: {  	s0 =	rddreg [dreg:$0x0];
	s2 =	stileid.u32  }
0xfc: {  	s1 =	rddreg [dreg:$0x1];
	p0 =	sne.s32 s2, $0x0  }
0xfd: {  	s3 =	rddreg [dreg:$0x2];
	[bflag:$0x3] =	sbarrier.arrive $0xFFFF;
	s2 =	simm.s32 @!p0 $0x1C03  }
0xfe: {  	[timem:s3], [sflag:s2] =	dma.local @!p0 [hbm:s0], s1  }
0xff: {  	s0 =	simm.s32 @!p0 $0x3  }
0x100: {  	_ =	swait.ge @!p0 [sflag:s0], s1  }
0x101: {  	s1 =	ssub.s32 @!p0 $0x0, s1;
	[sflag:s0] =	ssyncset.done @!p0 $0x0  }
0x102: {  	[sflag:s0] =	ssyncadd.s32 @!p0 s1  }
0x103: {  	[bflag:$0x3] =	sbarrier.arrive $0xFFFF  }
0x104: {  	_ =	shalt  }

// kernel: kernel.8.cloned.1.call-start
scs
__scs_entry_jumppad:
0x0: {  	(pc) =	sbr.rel $0x88, $3  }
0x1: {  	(tag) =	ssettag $0x0;
	lr =	simm.s32 $0x1  }
0x2: {  	[smem:$0x3F9A] =	sst lr;
	_ =	strace $0xD0000000  }
0x3: {  	_ = 	snop  }
0x4: {  	_ = 	snop  }
0x5: {  	_ = 	snop  }
0x6: {  	_ = 	snop  }
0x7: {  	_ = 	snop  }
__scs_overlays_trampoline_lowered:
0x8: {  	[smem:$0x3FA9] =	sst s0  }
0x9: {  	[smem:$0x3FAA] =	sst s1  }
0xa: {  	[smem:$0x3FAB] =	sst s2  }
0xb: {  	[smem:$0x3FAC] =	sst s3  }
0xc: {  	[smem:$0x3FAD] =	sst s4  }
0xd: {  	[smem:$0x3FAE] =	sst s5  }
0xe: {  	[smem:$0x3FAF] =	sst s6  }
0xf: {  	[smem:$0x3FB0] =	sst s7  }
0x10: {  	[smem:$0x3FB1] =	sst s8  }
0x11: {  	[smem:$0x3FB2] =	sst s9;
	s0 =	simm.s32 @!p0 $0x0  }
0x12: {  	s1 =	sld [smem:$0x3F98];
	s0 =	simm.s32 @p0 $0x1  }
0x13: {  	[smem:$0x3FB3] =	sst s0;
	s0 =	simm.s32 @!p1 $0x0  }
0x14: {  	s2 =	sld [smem:$0x3F97];
	s0 =	simm.s32 @p1 $0x1  }
0x15: {  	[smem:$0x3FB4] =	sst s0;
	s0 =	simm.s32 @!p2 $0x0  }
0x16: {  	s3 =	sld [smem:$0x3FDB];
	s0 =	simm.s32 @p2 $0x1  }
0x17: {  	s4 =	simm.s32 $0x1BF5;
	[smem:$0x3FB6] =	sst s0  }
0x18: {  	s0 =	sld [smem:$0x3F99];
	_ =	swait.ge [sflag:s4], $0x0  }
0x19: {  	s7 =	sld [smem:$0x3F9A]  }
0x1a: {  	s8 =	sadd.s32 $0xFFFFE003, lr  }
0x1b: {  	s9 =	sadd.s32 $0xFFFFFEF7, lr;
	s5 =	simm.s32 $0xFFFFFFFF;
	p2 =	slt.u32 s8, $0xFFFFF086  }
0x1c: {  	p1 =	slt.u32 s9, $0xF7A;
	s5 =	simm.s32 @!p2 $0x0  }
0x1d: {  	s5 =	simm.s32 @p1 $0x1;
	p0 =	seq.s32 s7, s2  }
0x1e: {  	s7 =	smul.u32 @!p0 $0xF7A, s2;
	p2 =	seq.s32 @!p0 s5, $0x0  }
0x1f: {  	s9 =	smul.u32 $0xF7A, s1;
	s8 =	simm.s32 @!p0 $0x1BF5;
	p2 =	por !p2, p0  }
0x20: {  	[sflag:s8] =	ssyncset.s32 @!p0 $0xFFFFF086;
	s6 =	sadd.s32 @!p0 s3, s7;
	s7 =	simm.s32 @!p0 $0x108  }
0x21: {  	s3 =	sadd.s32 s3, s9;
	s6 =	sadd.s32 @!p0 $0x88, s6;
	s7 =	simm.s32 @p2 $0x1082  }
0x22: {  	[simem:s7], [sflag:s8] =	dma.local @!p0 [hbm:s6], $0xF7A  }
0x23: {  	s9 =	sor.u32 $0xD0000000, s2;
	s6 =	simm.s32 $0x108;
	_ =	swait.ge @!p0 [sflag:s8], $0x0  }
0x24: {  	s3 =	sadd.s32 $0x88, s3;
	s6 =	simm.s32 @!p1 $0x1082;
	[sflag:s4] =	ssyncset.s32 $0xFFFFF086  }
0x25: {  	[simem:s6], [sflag:s4] =	dma.local [hbm:s3], $0xF7A  }
0x26: {  	[smem:$0x3F9A] =	sst s1;
	(tag) =	ssettag s2;
	_ =	strace s9  }
0x27: {  	s1 =	sld [smem:$0x3FAA]  }
0x28: {  	s2 =	sld [smem:$0x3FAB]  }
0x29: {  	s4 =	sld [smem:$0x3FAD]  }
0x2a: {  	p0 =	seq.s32 s5, $0x0;
	s5 =	sld [smem:$0x3FAE]  }
0x2b: {  	s6 =	sld [smem:$0x3FAF]  }
0x2c: {  	s7 =	sld [smem:$0x3FB0]  }
0x2d: {  	s3 =	simm.s32 $0x108;
	s8 =	sld [smem:$0x3FB1]  }
0x2e: {  	s3 =	simm.s32 @!p0 $0x1082;
	s9 =	sld [smem:$0x3FB2]  }
0x2f: {  	lr =	sadd.s32 s0, s3;
	s0 =	sld [smem:$0x3FA9]  }
0x30: {  	s3 =	sld [smem:$0x3FAC]  }
0x31: {  	[smem:$0x3FB5] =	sst s10  }
0x32: {  	s10 =	sld [smem:$0x3FB3];
	_ =	sdelay $0x3  }
0x33: {  	p0 =	seq.s32 s10, $0x1;
	s10 =	sld [smem:$0x3FB5];
	_ =	sdelay $0x3  }
0x34: {  	[smem:$0x3FB5] =	sst s10  }
0x35: {  	s10 =	sld [smem:$0x3FB4];
	_ =	sdelay $0x3  }
0x36: {  	p1 =	seq.s32 s10, $0x1;
	s10 =	sld [smem:$0x3FB5];
	_ =	sdelay $0x3  }
0x37: {  	[smem:$0x3FB5] =	sst s10  }
0x38: {  	s10 =	sld [smem:$0x3FB6]  }
0x39: {  	_ = 	snop;
	(pc) =	sbr.ind lr, $3  }
0x3a: {  	_ = 	snop  }
0x3b: {  	_ = 	snop  }
0x3c: {  	p2 =	seq.s32 s10, $0x1;
	s10 =	sld [smem:$0x3FB5]  }
0x3d: {  	_ =	shalt  }
0x3e: {  	_ =	shalt  }
0x3f: {  	_ =	shalt  }
0x40: {  	_ =	shalt  }
0x41: {  	_ =	shalt  }
0x42: {  	_ =	shalt  }
0x43: {  	_ =	shalt  }
0x44: {  	_ =	shalt  }
0x45: {  	_ =	shalt  }
0x46: {  	_ =	shalt  }
0x47: {  	_ =	shalt  }
0x48: {  	_ =	shalt  }
0x49: {  	_ =	shalt  }
0x4a: {  	_ =	shalt  }
0x4b: {  	_ =	shalt  }
0x4c: {  	_ =	shalt  }
0x4d: {  	_ =	shalt  }
0x4e: {  	_ =	shalt  }
0x4f: {  	_ =	shalt  }
0x50: {  	_ =	shalt  }
0x51: {  	_ =	shalt  }
0x52: {  	_ =	shalt  }
0x53: {  	_ =	shalt  }
0x54: {  	_ =	shalt  }
0x55: {  	_ =	shalt  }
0x56: {  	_ =	shalt  }
0x57: {  	_ =	shalt  }
0x58: {  	_ =	shalt  }
0x59: {  	_ =	shalt  }
0x5a: {  	_ =	shalt  }
0x5b: {  	_ =	shalt  }
0x5c: {  	_ =	shalt  }
0x5d: {  	_ =	shalt  }
0x5e: {  	_ =	shalt  }
0x5f: {  	_ =	shalt  }
0x60: {  	_ =	shalt  }
0x61: {  	_ =	shalt  }
0x62: {  	_ =	shalt  }
0x63: {  	_ =	shalt  }
0x64: {  	_ =	shalt  }
0x65: {  	_ =	shalt  }
0x66: {  	_ =	shalt  }
0x67: {  	_ =	shalt  }
0x68: {  	_ =	shalt  }
0x69: {  	_ =	shalt  }
0x6a: {  	_ =	shalt  }
0x6b: {  	_ =	shalt  }
0x6c: {  	_ =	shalt  }
0x6d: {  	_ =	shalt  }
0x6e: {  	_ =	shalt  }
0x6f: {  	_ =	shalt  }
0x70: {  	_ =	shalt  }
0x71: {  	_ =	shalt  }
0x72: {  	_ =	shalt  }
0x73: {  	_ =	shalt  }
0x74: {  	_ =	shalt  }
0x75: {  	_ =	shalt  }
0x76: {  	_ =	shalt  }
0x77: {  	_ =	shalt  }
0x78: {  	_ =	shalt  }
0x79: {  	_ =	shalt  }
0x7a: {  	_ =	shalt  }
0x7b: {  	_ =	shalt  }
0x7c: {  	_ =	shalt  }
0x7d: {  	_ =	shalt  }
0x7e: {  	_ =	shalt  }
0x7f: {  	_ =	shalt  }
0x80: {  	_ =	shalt  }
0x81: {  	_ =	shalt  }
0x82: {  	_ =	shalt  }
0x83: {  	_ =	shalt  }
0x84: {  	_ =	shalt  }
0x85: {  	_ =	shalt  }
0x86: {  	_ =	shalt  }
0x87: {  	_ =	shalt  }
.Lfunc_end0:
.L_simem_size_0:
called_computation_lowered:
.L_overlay_start_0:
0x88: {  	s2 =	sld [smem:$0x3FD9]  }
0x89: {  	s3 =	sld [smem:$0x3FFE];
	_ =	sdelay $0x1  }
0x8a: {  	s1 =	srdreg.scid  }
0x8b: {  	s0 =	sand.u32 $0x1, s1  }
0x8c: {  	s17 =	sshll.u32 s0, $0xA;
	s2 =	sadd.s32 s3, s2  }
0x8d: {  	s2 =	sadd.s32 s2, s17  }
0x8e: {  	[smem:$0x3FC1] =	sst s2  }
0x8f: {  	_ = 	snop  }
0x90: {  	s2 =	sld [smem:$0x3FC7];
	(tm) =	ssettm $0x1  }
0x91: {  	s18 =	sld [smem:$0x3FFB];
	_ =	sdelay $0x3  }
0x92: {  	_ =	strace s18  }
0x93: {  	s3 =	sld [smem:$0x3FFC];
	_ =	sdelay $0x3  }
0x94: {  	_ =	strace s3  }
0x95: {  	s3 =	sld [smem:$0x3FFD];
	_ =	sdelay $0x3  }
0x96: {  	_ =	strace s3  }
0x97: {  	_ =	strace $0x8FFFFFFF  }
0x98: {  	s19 =	sld [smem:$0x3FDB];
	_ =	sdelay $0x1  }
0x99: {  	s4 =	simm.s32 $_scs_section_size  }
0x9a: {  	s5 =	simm.s32 $_size__tile_overlayer_lowered;
	s6 =	simm.s32 $_tile_overlayer_lowered  }
0x9b: {  	s22 =	simm.s32 $0x1BFF;
	s21 =	sshll.u32 s6, $0x1;
	s3 =	sadd.s32 s4, s19  }
0x9c: {  	s7 =	simm.s32 $0x0;
	s20 =	sshll.u32 s5, $0x1;
	s5 =	sadd.s32 s21, s3  }
0x9d: {  	[timem:s7], [sflag:s22] =	dma.local [hbm:s5], s20  }
0x9e: {  	_ =	swait.ge [sflag:s22], s20  }
0x9f: {  	s4 =	ssub.s32 $0x0, s20;
	[sflag:s22] =	ssyncset.done $0x0  }
0xa0: {  	[sflag:s22] =	ssyncadd.s32 s4;
	_ =	sdelay $0x1  }
0xa1: {  	s23 =	simm.s32 $0x1B8B  }
0xa2: {  	_ =	swait.ge [sflag:s23], $0x1  }
0xa3: {  	[sflag:s23] =	ssyncset.done $0x0  }
0xa4: {  	s25 =	simm.s32 $0x1B8E;
	s24 =	sld [smem:$0x3FFE];
	[sflag:s23] =	ssyncadd.s32 $0xFFFFFFFF  }
0xa5: {  	s26 =	simm.s32 $execute0_lowered;
	[smem:$0x3FD2] =	sst s25  }
0xa6: {  	s5 =	sshll.u32 s26, $0x1;
	_ =	strace $0x80000046;
	[dreg:$0x1] =	wrdreg $0xFFFFFFFF  }
0xa7: {  	s28 =	simm.s32 $_size_execute0_lowered;
	s3 =	sadd.s32 s3, s5;
	[dreg:$0x0] =	wrdreg $0x0  }
0xa8: {  	s5 =	sshll.u32 s28, $0x1;
	[dreg:$0x2] =	wrdreg s3  }
0xa9: {  	[dreg:$0x3] =	wrdreg s5  }
0xaa: {  	[dreg:$0x4] =	wrdreg $0xC0  }
0xab: {  	_ =	task [dreg:s7], $0x5FFFF  }
0xac: {  	[dreg:$0x1] =	wrdreg $0xFFFFFFFF  }
0xad: {  	[dreg:$0x0] =	wrdreg $0x60  }
0xae: {  	[dreg:$0x2] =	wrdreg s24  }
0xaf: {  	[dreg:$0x3] =	wrdreg s2  }
0xb0: {  	[dreg:$0x4] =	wrdreg $0x9  }
0xb1: {  	_ =	task.clear_ibuf [dreg:s7], $0x5FFFF;
	_ =	strace $0x90000046  }
0xb2: {  	s29 =	simm.s32 $0x9;
	_ =	strace $0x80000048  }
0xb3: {  	_ =	swait.ge [sflag:s29], $0x1  }
0xb4: {  	[sflag:s29] =	ssyncadd.s32 $0xFFFFFFFF  }
0xb5: {  	_ =	strace $0x90000048  }
0xb6: {  	_ =	sfence  }
0xb7: {  	s30 =	sld [smem:$0x0];
	_ =	sdelay $0x2  }
0xb8: {  	s31 =	sshll.u32 s1, $0xD;
	s1 =	sshrl.u32 s1, $0x2  }
0xb9: {  	s3 =	sand.u32 $0x4000, s31;
	s1 =	sadd.s32 s1, s30  }
0xba: {  	s0 =	sor.u32 s3, s0;
	s1 =	sshll.u32 s1, $0x11  }
0xbb: {  	s0 =	sor.u32 s1, s0  }
0xbc: {  	s0 =	sadd.s32 $0x8F2B, s0  }
0xbd: {  	[sflag:s0] =	ssyncadd.remote.s32 $0x1  }
0xbe: {  	_ =	sfence.sel $0xFFFF  }
0xbf: {  	[dreg:$0x0] =	wrdreg $0xFFFFFFFF;
	(pc) =	sbr.abs _section_cstart, $3  }
0xc0: {  	[dreg:$0x1] =	wrdreg $0xFFFFFFFF  }
0xc1: {  	_ =	task.clear_ibuf [dreg:s7], $0x2FFFF;
	_ =	strace $0x9FFFFFFF  }
0xc2: {  	(tm) =	ssettm $0x7FFFFFFF  }
0xc3: {  	_ =	shalt  }
tec
execute0_lowered:
.L_overlay_start_1:
0x0: {  	(tag) =	ssettag $0x1  }
0x1: {  	s0 =	srdreg.scid  }
0x2: {  	s4 =	rddreg [dreg:$0x0];
	s3 =	sand.u32 $0x1, s0  }
0x3: {  	s5 =	rddreg [dreg:$0x1];
	s0 =	stileid.u32;
	s1 =	sshll.u32 s3, $0x4  }
0x4: {  	s2 =	simm.s32 $0x0;
	s9 =	simm.s32 $0x4E20;
	s6 =	sor.u32 s0, s1  }
0x5: {  	[smem:$0x7FF] =	sst s2;
	s3 =	ssub.s32 $0x2, s3;
	s6 =	smul.u32 $0x4E2, s6  }
0x6: {  	s10 =	simm.s32 $0x0;
	s1 =	rddreg [dreg:$0x2];
	s31 =	sshrl.u32 s3, $0x1  }
0x7: {  	_ =	strace $0x80000047;
	s8 =	ssub.s32 s3, s31;
	s7 =	sadd.s32 s6, s4  }
0x8: {  	s4 =	sadd.s32 s5, s6;
	s6 =	smax.u32 s8, $0x1;
	s8 =	simm.s32 $0x2710  }
0x9: {  	v0 =	vimm.f32 $0.0e+00;
	s3 =	sadd.s32 $0x1200, s7;
	s5 =	sadd.s32 $0xB000, s7;
	s7 =	simm.s32 $0x1  }
.LBB2_1:
0xa: {  	[tilespmem:s2], [sflag:$0x1] =	stream.linear.gather [hbm4b:s3+s2], $0x2710, $0x38;
	[tilespmem:$0x7530] =	vst v63  }
0xb: {  	_ =	swait.ge [sflag:s7], $0x2710  }
0xc: {  	[sflag:s7] =	ssyncset.done $0x0  }
0xd: {  	[sflag:s7] =	ssyncadd.s32 $0xFFFFD8F0  }
0xe: {  	[tilespmem:s8], [sflag:$0x1] =	stream.linear.gather [hbm4b:s4+s2], $0x2710, $0x38;
	[tilespmem:$0x7530] =	vst v63  }
0xf: {  	_ =	swait.ge [sflag:s7], $0x2710  }
0x10: {  	[sflag:s7] =	ssyncset.done $0x0  }
0x11: {  	s11 =	simm.s32 $0x0;
	[sflag:s7] =	ssyncadd.s32 $0xFFFFD8F0  }
.LBB2_2:
0x12: {  	p0 =	sne.s32 s11, $0x9C00  }
.Ltmp0:
0x13: {  	_ = 	snop;
	(pc) =	sbr.rel @p0 .LBB2_2-.Ltmp0, $3  }
0x14: {  	_ =	sdelay $0x1  }
0x15: {  	s12 =	sshra.s32 s11, $0x2  }
0x16: {  	s11 =	sadd.s32 $0x40, s11;
	[tilespmem:s12+$0x4E20] =	vst v0  }
0x17: {  	s12 =	simm.s32 $0x0;
	s11 =	simm.s32 $0x40  }
.LBB2_4:
0x18: {  	p0 =	sne.s32 s11, $0x9C00;
	v1 =	vld [tilespmem:s12+$0x0];
	_ =	sdelay $0x2  }
0x19: {  	v2 =	vld [tilespmem:s12+$0x2710]  }
.Ltmp1:
0x1a: {  	(pc) =	sbr.rel @p0 .LBB2_4-.Ltmp1, $2  }
0x1b: {  	_ =	sdelay $0x2  }
0x1c: {  	s12 =	sshra.s32 s11, $0x2;
	s11 =	sadd.s32 $0x40, s11;
	[tilespmem:v1+s9+$0x0] =	vst.idx.add.f32.msk $0xffff, v2  }
0x1d: {  	v1 =	vld [tilespmem:s12+$0x0];
	_ =	sdelay $0x2  }
0x1e: {  	v2 =	vld [tilespmem:s12+$0x2710];
	_ =	sdelay $0x2  }
0x1f: {  	s10 =	sadd.s32 $0x1, s10  }
0x20: {  	p0 =	sne.s32 s10, s6  }
.Ltmp2:
0x21: {  	[tilespmem:v1+s9+$0x0] =	vst.idx.add.f32.msk $0xffff, v2;
	(pc) =	sbr.rel @p0 .LBB2_1-.Ltmp2, $4  }
0x22: {  	[hbm4b:s5+s2] =	stream.linear.scatter [tilespmem:s9], [sflag:$0x1], $0x2710, $0x38;
	[tilespmem:$0x7530] =	vst v63  }
0x23: {  	_ =	swait.ge [sflag:s7], $0x2710  }
0x24: {  	[sflag:s7] =	ssyncset.done $0x0  }
0x25: {  	[sflag:s7] =	ssyncadd.s32 $0xFFFFD8F0  }
0x26: {  	_ =	sfence.sel $0x180000  }
0x27: {  	[bflag:$0x0] =	sbarrier.arrive $0xFFFF  }
0x28: {  	p0 =	sne.s32 s0, $0x0;
	_ =	strace $0x90000047  }
0x29: {  	s0 =	sadd.s32 @!p0 $0x100000, s1;
	[bflag:$0x2] =	sbarrier.arrive $0xFFFF  }
0x2a: {  	[sflag:s0] =	ssyncadd.tile.s32 @!p0 $0x1;
	_ =	shalt  }
.Lfunc_end2:
_tile_overlayer_lowered:
.L_overlay_start_2:
0x2b: {  	(tag) =	ssettag $0x2  }
0x2c: {  	s0 =	rddreg [dreg:$0x0];
	s2 =	stileid.u32  }
0x2d: {  	s1 =	rddreg [dreg:$0x1];
	p0 =	sne.s32 s2, $0x0  }
0x2e: {  	s3 =	rddreg [dreg:$0x2];
	[bflag:$0x3] =	sbarrier.arrive $0xFFFF;
	s2 =	simm.s32 @!p0 $0x1C01  }
0x2f: {  	[timem:s3], [sflag:s2] =	dma.local @!p0 [hbm:s0], s1  }
0x30: {  	s0 =	simm.s32 @!p0 $0x1  }
0x31: {  	_ =	swait.ge @!p0 [sflag:s0], s1  }
0x32: {  	s1 =	ssub.s32 @!p0 $0x0, s1;
	[sflag:s0] =	ssyncset.done @!p0 $0x0  }
0x33: {  	[sflag:s0] =	ssyncadd.s32 @!p0 s1  }
0x34: {  	[bflag:$0x3] =	sbarrier.arrive $0xFFFF  }
0x35: {  	_ =	shalt  }

</sc_bundles>
